<compile_context>
chip_gen: v7x
topology: tpu7x:2x2x1
jax: 0.10.2.dev20260603
libtpu: 0.0.44.dev20260713+nightly
codegen_flags: <defaults>
</compile_context>

<pallas_src>
import functools

import numpy as np
import jax
import jax.numpy as jnp
from jax import lax
from jax.experimental import pallas as pl
from jax.experimental.pallas import tpu as pltpu
from jax.experimental.pallas import tpu_sc as plsc

B = 4
C = 768
HW = 576
D = 256
K = 32
NEG = -1e9
SCALE_INV = 1.0 / 16.0
EPS = 1e-5
ROWS = B * C

_HIGH = jax.lax.Precision.HIGHEST


def _resize_matrix(out_n: int, in_n: int) -> np.ndarray:
    R = np.zeros((out_n, in_n), np.float32)
    for i in range(out_n):
        s = (i + 0.5) * in_n / out_n - 0.5
        i0 = int(np.floor(s))
        f = s - i0
        R[i, min(max(i0, 0), in_n - 1)] += 1.0 - f
        R[i, min(max(i0 + 1, 0), in_n - 1)] += f
    return R


_R24 = _resize_matrix(24, 12)
_KRT = np.kron(_R24, _R24).T.astype(np.float32)


def _tc1_body(x1_ref, x2_ref, krt_ref, wq_ref, wk_ref, bq_ref, bk_ref,
              xf_ref, att_ref, diag_ref):
    xa = x1_ref[0]
    xb = jnp.dot(x2_ref[0], krt_ref[...],
                 preferred_element_type=jnp.float32, precision=_HIGH)
    xf = jnp.concatenate([xa, xb], axis=0)
    xf_ref[0] = xf
    q = jnp.dot(xf, wq_ref[...],
                preferred_element_type=jnp.float32) + bq_ref[...]
    k = jnp.dot(xf, wk_ref[...],
                preferred_element_type=jnp.float32) + bk_ref[...]
    att = lax.dot_general(q, k, (((1,), (1,)), ((), ())),
                          preferred_element_type=jnp.float32) * SCALE_INV
    ri = lax.broadcasted_iota(jnp.int32, (C, C), 0)
    ci = lax.broadcasted_iota(jnp.int32, (C, C), 1)
    eye = ri == ci
    diag_ref[0] = jnp.sum(jnp.where(eye, att, 0.0), axis=0, keepdims=True)
    att_ref[0] = jnp.where(eye, NEG, att)


def _tc1(nb):
    return pl.pallas_call(
        _tc1_body,
        grid=(nb,),
        in_specs=[
            pl.BlockSpec((1, 384, HW), lambda b: (b, 0, 0)),
            pl.BlockSpec((1, 384, 144), lambda b: (b, 0, 0)),
            pl.BlockSpec((144, HW), lambda b: (0, 0)),
            pl.BlockSpec((HW, D), lambda b: (0, 0)),
            pl.BlockSpec((HW, D), lambda b: (0, 0)),
            pl.BlockSpec((1, D), lambda b: (0, 0)),
            pl.BlockSpec((1, D), lambda b: (0, 0)),
        ],
        out_specs=[
            pl.BlockSpec((1, C, HW), lambda b: (b, 0, 0)),
            pl.BlockSpec((1, C, C), lambda b: (b, 0, 0)),
            pl.BlockSpec((1, 1, C), lambda b: (b, 0, 0)),
        ],
        out_shape=[
            jax.ShapeDtypeStruct((nb, C, HW), jnp.float32),
            jax.ShapeDtypeStruct((nb, C, C), jnp.float32),
            jax.ShapeDtypeStruct((nb, 1, C), jnp.float32),
        ],
    )


_NC = 2
_NS = 16
_NW = _NC * _NS
_RPW = ROWS // _NW


def _sort16(v):
    return lax.sort(v, dimension=0)


def _rev(v):
    return lax.rev(v, (0,))


def _merge_pair16(a, b):
    rb = _rev(b)
    return _sort16(jnp.minimum(a, rb)), _sort16(jnp.maximum(a, rb))


def _merge32(A, Bn):
    H0 = jnp.maximum(A[0], _rev(Bn[1]))
    H1 = jnp.maximum(A[1], _rev(Bn[0]))
    return _sort16(jnp.minimum(H0, H1)), _sort16(jnp.maximum(H0, H1))


def _row_threshold(att_v, r):
    chunks = [att_v[r, pl.ds(16 * j, 16)] for j in range(C // 16)]
    s = [_sort16(c) for c in chunks]
    nodes = [_merge_pair16(s[2 * i], s[2 * i + 1]) for i in range(len(s) // 2)]
    while len(nodes) > 2:
        new = [_merge32(nodes[2 * i], nodes[2 * i + 1])
               for i in range(len(nodes) // 2)]
        if len(nodes) % 2:
            new.append(nodes[-1])
        nodes = new
    A, Bn = nodes
    H0 = jnp.maximum(A[0], _rev(Bn[1]))
    H1 = jnp.maximum(A[1], _rev(Bn[0]))
    return jnp.min(jnp.minimum(H0, H1))


def _sc_topk(att2d):
    rows = att2d.shape[0]
    rpw = rows // _NW

    def body(att_hbm, t_hbm, att_v, t_v):
        wid = lax.axis_index("s") * _NC + lax.axis_index("c")
        base = wid * rpw
        pltpu.sync_copy(att_hbm.at[pl.ds(base, rpw), :], att_v)

        def row_body(i, carry):
            for u in range(2):
                r = i * 2 + u
                t = _row_threshold(att_v, r)
                t_v[pl.ds(r * 128, 16)] = jnp.full((16,), t, jnp.float32)
            return carry

        lax.fori_loop(0, rpw // 2, row_body, 0)
        pltpu.sync_copy(t_v, t_hbm.at[pl.ds(base * 128, rpw * 128)])

    fn = functools.partial(
        pl.kernel,
        mesh=plsc.VectorSubcoreMesh(core_axis_name="c", subcore_axis_name="s"),
        compiler_params=pltpu.CompilerParams(needs_layout_passes=False,
                                             use_tc_tiling_on_sc=True),
        out_type=jax.ShapeDtypeStruct((rows * 128,), jnp.float32),
        scratch_types=[
            pltpu.VMEM((rpw, C), jnp.float32),
            pltpu.VMEM((rpw * 128,), jnp.float32),
        ],
    )(body)
    return fn(att2d)


def _tc2_body(att_a, att_b, t_a, t_b, diag_a, diag_b, xf_a, xf_b,
              cw_ref, g_ref, be_ref, o_ref, y_scr):
    ri = lax.broadcasted_iota(jnp.int32, (C, C), 0)
    ci = lax.broadcasted_iota(jnp.int32, (C, C), 1)
    eye = ri == ci
    tot = jnp.zeros((D, 1), jnp.float32)
    tot2 = jnp.zeros((D, 1), jnp.float32)
    for b in range(B):
        att_ref, t_ref, diag_ref, xf_ref = (
            (att_a, t_a, diag_a, xf_a) if b < 2
            else (att_b, t_b, diag_b, xf_b))
        h = b % 2
        att = att_ref[h]
        tcol = t_ref[h][:, 0:1]
        xf = xf_ref[h]
        sig = jnp.where(att >= tcol, 1.0 / (1.0 + jnp.exp(-att)), 0.0)
        sigd = 1.0 / (1.0 + jnp.exp(-diag_ref[h]))
        sig = jnp.where(eye, jnp.broadcast_to(sigd, (C, C)), sig)
        attx = jnp.dot(sig, xf, preferred_element_type=jnp.float32)
        outx = attx + xf
        y = jnp.dot(cw_ref[...], outx, preferred_element_type=jnp.float32)
        y_scr[b] = y
        tot = tot + jnp.sum(y, axis=1, keepdims=True)
        tot2 = tot2 + jnp.sum(y * y, axis=1, keepdims=True)
    n_inv = 1.0 / (B * HW)
    mean = tot * n_inv
    var = tot2 * n_inv - mean * mean
    scale = g_ref[...] * lax.rsqrt(var + EPS)
    shift = be_ref[...] - mean * scale
    for b in range(B):
        o_ref[b] = jnp.maximum(y_scr[b] * scale + shift, 0.0)


def _tc2():
    return pl.pallas_call(
        _tc2_body,
        in_specs=[
            pl.BlockSpec((2, C, C), lambda: (0, 0, 0)),
            pl.BlockSpec((2, C, C), lambda: (0, 0, 0)),
            pl.BlockSpec((2, C, 128), lambda: (0, 0, 0)),
            pl.BlockSpec((2, C, 128), lambda: (0, 0, 0)),
            pl.BlockSpec((2, 1, C), lambda: (0, 0, 0)),
            pl.BlockSpec((2, 1, C), lambda: (0, 0, 0)),
            pl.BlockSpec((2, C, HW), lambda: (0, 0, 0)),
            pl.BlockSpec((2, C, HW), lambda: (0, 0, 0)),
            pl.BlockSpec((D, C), lambda: (0, 0)),
            pl.BlockSpec((D, 1), lambda: (0, 0)),
            pl.BlockSpec((D, 1), lambda: (0, 0)),
        ],
        out_specs=pl.BlockSpec((B, D, HW), lambda: (0, 0, 0)),
        out_shape=jax.ShapeDtypeStruct((B, D, HW), jnp.float32),
        scratch_shapes=[pltpu.VMEM((B, D, HW), jnp.float32)],
    )


@jax.jit
def kernel(x1, x2, Wq, bq, Wk, bk, conv_w, gamma, beta):
    krt = jnp.asarray(_KRT)
    x1f = x1.reshape(B, 384, HW)
    x2f = x2.reshape(B, 384, 144)
    wqt, wkt = Wq.T, Wk.T
    bq2, bk2 = bq.reshape(1, D), bk.reshape(1, D)
    xf_a, att_a, diag_a = _tc1(2)(x1f[:2], x2f[:2], krt, wqt, wkt, bq2, bk2)
    t_a = _sc_topk(att_a.reshape(2 * C, C))
    xf_b, att_b, diag_b = _tc1(2)(x1f[2:], x2f[2:], krt, wqt, wkt, bq2, bk2)
    t_b = _sc_topk(att_b.reshape(2 * C, C))
    out = _tc2()(att_a, att_b, t_a.reshape(2, C, 128), t_b.reshape(2, C, 128),
                 diag_a, diag_b, xf_a, xf_b, conv_w,
                 gamma.reshape(D, 1), beta.reshape(D, 1))
    return out.reshape(B, D, 24, 24)

# --- scband reference (transcript-rebuilt; emitter-appended) ---
"""Pipeline reference for scband-feature-fusion-10814727651813 (READ-ONLY COPY).

The authoritative reference and input builder live on the scoring server;
editing this copy changes nothing except your own understanding.
"""

import jax, jax.numpy as jnp
import numpy as np

B, C1, C2, H, W = 4, 384, 384, 24, 24
H2, W2 = 12, 12
HW = H * W
K = 32
SCALE = 16.0  # sqrt(256)
EPS = 1e-5


def setup_inputs(seed: int = 0) -> dict:
    key = jax.random.key(seed)
    ks = jax.random.split(key, 8)
    x1 = jax.random.normal(ks[0], (B, C1, H, W), dtype=jnp.float32)
    x2 = jax.random.normal(ks[1], (B, C2, H2, W2), dtype=jnp.float32)
    Wq = jax.random.normal(ks[2], (256, HW), dtype=jnp.float32) * 0.02
    bq = jnp.zeros((256,), dtype=jnp.float32)
    Wk = jax.random.normal(ks[3], (256, HW), dtype=jnp.float32) * 0.02
    bk = jnp.zeros((256,), dtype=jnp.float32)
    conv_w = jax.random.normal(ks[4], (256, C1 + C2), dtype=jnp.float32) * 0.02
    gamma = jnp.ones((256,), dtype=jnp.float32)
    beta = jnp.zeros((256,), dtype=jnp.float32)
    return {"x1": x1, "x2": x2, "Wq": Wq, "bq": bq, "Wk": Wk, "bk": bk,
            "conv_w": conv_w, "gamma": gamma, "beta": beta}


def reference(x1, x2, Wq, bq, Wk, bk, conv_w, gamma, beta):
    # F.interpolate(x2, x1.size()[2:], mode='bilinear', align_corners=False)
    x2r = jax.image.resize(x2, (x2.shape[0], x2.shape[1], x1.shape[2], x1.shape[3]), method='bilinear')
    x = jnp.concatenate([x1, x2r], axis=1)
    b, c, h, w = x.shape
    xf = x.reshape(b, c, h * w)
    query = jnp.matmul(xf, Wq.T) + bq
    key_ = jnp.matmul(xf, Wk.T) + bk
    att = jnp.matmul(query, jnp.swapaxes(key_, 1, 2)) / SCALE
    di = jnp.arange(c)
    diag_vals = att[:, di, di]
    att_mod = att.at[:, di, di].set(-1e9)
    _, idx = jax.lax.top_k(att_mod, K)
    topk_values = jnp.take_along_axis(att_mod, idx, axis=-1)
    bi = jnp.arange(b)[:, None, None]
    ri = jnp.arange(c)[None, :, None]
    top_att = jnp.full_like(att, -1e9).at[bi, ri, idx].set(topk_values)
    top_att = top_att.at[:, di, di].set(diag_vals)
    sig = jax.nn.sigmoid(top_att)
    attx = jnp.matmul(sig, xf)
    outx = (attx + xf).reshape(b, c, h, w)
    # proj_conv: 1x1 conv (no bias) + BatchNorm (training-mode batch stats) + ReLU
    y = jnp.einsum('oc,bchw->bohw', conv_w, outx)
    mean = y.mean(axis=(0, 2, 3), keepdims=True)
    var = y.var(axis=(0, 2, 3), keepdims=True)
    yn = (y - mean) / jnp.sqrt(var + EPS)
    yn = yn * gamma[None, :, None, None] + beta[None, :, None, None]
    return jax.nn.relu(yn)

if __name__ == "__main__":
    import jax
    _d = setup_inputs()
    print(jax.jit(kernel)(*tuple(_d.values())))

</pallas_src>

<mosaic_0001>
#map = affine_map<(d0, d1) -> (0, 0)>
#map1 = affine_map<(d0, d1) -> (0)>
module attributes {stable_mosaic.version = 14 : i64} {
  func.func @body(%arg0: i32, %arg1: i32, %arg2: memref<1536x768xf32, #tpu.memory_space<hbm>>, %arg3: memref<196608xf32, #tpu.memory_space<hbm>>, %arg4: memref<48x768xf32, #tpu.memory_space<vmem>>, %arg5: memref<6144xf32, #tpu.memory_space<vmem>>) attributes {dimension_semantics = [#tpu.dimension_semantics<core_parallel>, #tpu.dimension_semantics<subcore_parallel>], iteration_bounds = array<i64: 2, 16>, scalar_prefetch = 0 : i64, scratch_operands = 2 : i64, tpu.core_type = #tpu.core_type<sc_vector_subcore>, window_params = [{transform_indices = #map}, {transform_indices = #map1}]} {
    %mul3A = arith.constant 2 : i32
    %mul3A_0 = arith.muli %arg1, %mul3A : i32
    %add3A = arith.addi %mul3A_0, %arg0 : i32
    %mul3A_1 = arith.constant 48 : i32
    %mul3A_2 = arith.muli %add3A, %mul3A_1 : i32
    "tpu.region"() ({
      %run_scoped3A = tpu.sem_alloc : memref<!tpu.dma_semaphore, #tpu.memory_space<semaphore_mem>>
      %dma_start3A = arith.constant 0 : i32
      %dma_start3A_10 = tpu.memref_slice %arg2[%mul3A_2, %dma_start3A] : memref<1536x768xf32, #tpu.memory_space<hbm>> -> memref<48x768xf32, #tpu.memory_space<hbm>>
      %dma_start3A_11 = arith.constant 0 : i32
      %dma_start3A_12 = tpu.memref_slice %arg2[%mul3A_2, %dma_start3A_11] : memref<1536x768xf32, #tpu.memory_space<hbm>> -> memref<48x768xf32, #tpu.memory_space<hbm>>
      tpu.enqueue_dma source(%dma_start3A_12 : memref<48x768xf32, #tpu.memory_space<hbm>>) target(%arg4 : memref<48x768xf32, #tpu.memory_space<vmem>>) target_semaphore(%run_scoped3A : memref<!tpu.dma_semaphore, #tpu.memory_space<semaphore_mem>>)
      %dma_wait3A = arith.constant 0 : i32
      %dma_wait3A_13 = tpu.memref_slice %arg2[%mul3A_2, %dma_wait3A] : memref<1536x768xf32, #tpu.memory_space<hbm>> -> memref<48x768xf32, #tpu.memory_space<hbm>>
      %dma_wait3A_14 = arith.constant 0 : i32
      %dma_wait3A_15 = tpu.memref_slice %arg2[%mul3A_2, %dma_wait3A_14] : memref<1536x768xf32, #tpu.memory_space<hbm>> -> memref<48x768xf32, #tpu.memory_space<hbm>>
      tpu.wait_dma2 semaphore(%run_scoped3A : memref<!tpu.dma_semaphore, #tpu.memory_space<semaphore_mem>>) src(%dma_wait3A_15 : memref<48x768xf32, #tpu.memory_space<hbm>>) dst(%arg4 : memref<48x768xf32, #tpu.memory_space<vmem>>)
      tpu.yield
    }) : () -> ()
    %scan3A = arith.constant 0 : i32
    %scan3A_3 = arith.constant 0 : i32
    %scan3A_4 = arith.constant 24 : i32
    %scan3A_5 = arith.addi %scan3A_3, %scan3A_4 : i32
    %scan3A_6 = arith.constant 1 : i32
    scf.for %scan3A_10 = %scan3A_3 to %scan3A_5 step %scan3A_6  : i32 {
      %mul3A_11 = arith.constant 2 : i32
      %mul3A_12 = arith.muli %scan3A_10, %mul3A_11 : i32
      %add3A_13 = arith.constant 0 : i32
      %add3A_14 = arith.addi %mul3A_12, %add3A_13 : i32
      %get3A = arith.index_cast %add3A_14 : i32 to index
      %get3A_15 = arith.constant 0 : index
      %get3A_16 = tpu.vector_load %arg4[%get3A, %get3A_15] {strides = array<i32>} : memref<48x768xf32, #tpu.memory_space<vmem>>, vector<16xf32>,
      %get3A_17 = arith.index_cast %add3A_14 : i32 to index
      %get3A_18 = arith.constant 16 : index
      %get3A_19 = tpu.vector_load %arg4[%get3A_17, %get3A_18] {strides = array<i32>} : memref<48x768xf32, #tpu.memory_space<vmem>>, vector<16xf32>,
      %get3A_20 = arith.index_cast %add3A_14 : i32 to index
      %get3A_21 = arith.constant 32 : index
      %get3A_22 = tpu.vector_load %arg4[%get3A_20, %get3A_21] {strides = array<i32>} : memref<48x768xf32, #tpu.memory_space<vmem>>, vector<16xf32>,
      %get3A_23 = arith.index_cast %add3A_14 : i32 to index
      %get3A_24 = arith.constant 48 : index
      %get3A_25 = tpu.vector_load %arg4[%get3A_23, %get3A_24] {strides = array<i32>} : memref<48x768xf32, #tpu.memory_space<vmem>>, vector<16xf32>,
      %get3A_26 = arith.index_cast %add3A_14 : i32 to index
      %get3A_27 = arith.constant 64 : index
      %get3A_28 = tpu.vector_load %arg4[%get3A_26, %get3A_27] {strides = array<i32>} : memref<48x768xf32, #tpu.memory_space<vmem>>, vector<16xf32>,
      %get3A_29 = arith.index_cast %add3A_14 : i32 to index
      %get3A_30 = arith.constant 80 : index
      %get3A_31 = tpu.vector_load %arg4[%get3A_29, %get3A_30] {strides = array<i32>} : memref<48x768xf32, #tpu.memory_space<vmem>>, vector<16xf32>,
      %get3A_32 = arith.index_cast %add3A_14 : i32 to index
      %get3A_33 = arith.constant 96 : index
      %get3A_34 = tpu.vector_load %arg4[%get3A_32, %get3A_33] {strides = array<i32>} : memref<48x768xf32, #tpu.memory_space<vmem>>, vector<16xf32>,
      %get3A_35 = arith.index_cast %add3A_14 : i32 to index
      %get3A_36 = arith.constant 112 : index
      %get3A_37 = tpu.vector_load %arg4[%get3A_35, %get3A_36] {strides = array<i32>} : memref<48x768xf32, #tpu.memory_space<vmem>>, vector<16xf32>,
      %get3A_38 = arith.index_cast %add3A_14 : i32 to index
      %get3A_39 = arith.constant 128 : index
      %get3A_40 = tpu.vector_load %arg4[%get3A_38, %get3A_39] {strides = array<i32>} : memref<48x768xf32, #tpu.memory_space<vmem>>, vector<16xf32>,
      %get3A_41 = arith.index_cast %add3A_14 : i32 to index
      %get3A_42 = arith.constant 144 : index
      %get3A_43 = tpu.vector_load %arg4[%get3A_41, %get3A_42] {strides = array<i32>} : memref<48x768xf32, #tpu.memory_space<vmem>>, vector<16xf32>,
      %get3A_44 = arith.index_cast %add3A_14 : i32 to index
      %get3A_45 = arith.constant 160 : index
      %get3A_46 = tpu.vector_load %arg4[%get3A_44, %get3A_45] {strides = array<i32>} : memref<48x768xf32, #tpu.memory_space<vmem>>, vector<16xf32>,
      %get3A_47 = arith.index_cast %add3A_14 : i32 to index
      %get3A_48 = arith.constant 176 : index
      %get3A_49 = tpu.vector_load %arg4[%get3A_47, %get3A_48] {strides = array<i32>} : memref<48x768xf32, #tpu.memory_space<vmem>>, vector<16xf32>,
      %get3A_50 = arith.index_cast %add3A_14 : i32 to index
      %get3A_51 = arith.constant 192 : index
      %get3A_52 = tpu.vector_load %arg4[%get3A_50, %get3A_51] {strides = array<i32>} : memref<48x768xf32, #tpu.memory_space<vmem>>, vector<16xf32>,
      %get3A_53 = arith.index_cast %add3A_14 : i32 to index
      %get3A_54 = arith.constant 208 : index
      %get3A_55 = tpu.vector_load %arg4[%get3A_53, %get3A_54] {strides = array<i32>} : memref<48x768xf32, #tpu.memory_space<vmem>>, vector<16xf32>,
      %get3A_56 = arith.index_cast %add3A_14 : i32 to index
      %get3A_57 = arith.constant 224 : index
      %get3A_58 = tpu.vector_load %arg4[%get3A_56, %get3A_57] {strides = array<i32>} : memref<48x768xf32, #tpu.memory_space<vmem>>, vector<16xf32>,
      %get3A_59 = arith.index_cast %add3A_14 : i32 to index
      %get3A_60 = arith.constant 240 : index
      %get3A_61 = tpu.vector_load %arg4[%get3A_59, %get3A_60] {strides = array<i32>} : memref<48x768xf32, #tpu.memory_space<vmem>>, vector<16xf32>,
      %get3A_62 = arith.index_cast %add3A_14 : i32 to index
      %get3A_63 = arith.constant 256 : index
      %get3A_64 = tpu.vector_load %arg4[%get3A_62, %get3A_63] {strides = array<i32>} : memref<48x768xf32, #tpu.memory_space<vmem>>, vector<16xf32>,
      %get3A_65 = arith.index_cast %add3A_14 : i32 to index
      %get3A_66 = arith.constant 272 : index
      %get3A_67 = tpu.vector_load %arg4[%get3A_65, %get3A_66] {strides = array<i32>} : memref<48x768xf32, #tpu.memory_space<vmem>>, vector<16xf32>,
      %get3A_68 = arith.index_cast %add3A_14 : i32 to index
      %get3A_69 = arith.constant 288 : index
      %get3A_70 = tpu.vector_load %arg4[%get3A_68, %get3A_69] {strides = array<i32>} : memref<48x768xf32, #tpu.memory_space<vmem>>, vector<16xf32>,
      %get3A_71 = arith.index_cast %add3A_14 : i32 to index
      %get3A_72 = arith.constant 304 : index
      %get3A_73 = tpu.vector_load %arg4[%get3A_71, %get3A_72] {strides = array<i32>} : memref<48x768xf32, #tpu.memory_space<vmem>>, vector<16xf32>,
      %get3A_74 = arith.index_cast %add3A_14 : i32 to index
      %get3A_75 = arith.constant 320 : index
      %get3A_76 = tpu.vector_load %arg4[%get3A_74, %get3A_75] {strides = array<i32>} : memref<48x768xf32, #tpu.memory_space<vmem>>, vector<16xf32>,
      %get3A_77 = arith.index_cast %add3A_14 : i32 to index
      %get3A_78 = arith.constant 336 : index
      %get3A_79 = tpu.vector_load %arg4[%get3A_77, %get3A_78] {strides = array<i32>} : memref<48x768xf32, #tpu.memory_space<vmem>>, vector<16xf32>,
      %get3A_80 = arith.index_cast %add3A_14 : i32 to index
      %get3A_81 = arith.constant 352 : index
      %get3A_82 = tpu.vector_load %arg4[%get3A_80, %get3A_81] {strides = array<i32>} : memref<48x768xf32, #tpu.memory_space<vmem>>, vector<16xf32>,
      %get3A_83 = arith.index_cast %add3A_14 : i32 to index
      %get3A_84 = arith.constant 368 : index
      %get3A_85 = tpu.vector_load %arg4[%get3A_83, %get3A_84] {strides = array<i32>} : memref<48x768xf32, #tpu.memory_space<vmem>>, vector<16xf32>,
      %get3A_86 = arith.index_cast %add3A_14 : i32 to index
      %get3A_87 = arith.constant 384 : index
      %get3A_88 = tpu.vector_load %arg4[%get3A_86, %get3A_87] {strides = array<i32>} : memref<48x768xf32, #tpu.memory_space<vmem>>, vector<16xf32>,
      %get3A_89 = arith.index_cast %add3A_14 : i32 to index
      %get3A_90 = arith.constant 400 : index
      %get3A_91 = tpu.vector_load %arg4[%get3A_89, %get3A_90] {strides = array<i32>} : memref<48x768xf32, #tpu.memory_space<vmem>>, vector<16xf32>,
      %get3A_92 = arith.index_cast %add3A_14 : i32 to index
      %get3A_93 = arith.constant 416 : index
      %get3A_94 = tpu.vector_load %arg4[%get3A_92, %get3A_93] {strides = array<i32>} : memref<48x768xf32, #tpu.memory_space<vmem>>, vector<16xf32>,
      %get3A_95 = arith.index_cast %add3A_14 : i32 to index
      %get3A_96 = arith.constant 432 : index
      %get3A_97 = tpu.vector_load %arg4[%get3A_95, %get3A_96] {strides = array<i32>} : memref<48x768xf32, #tpu.memory_space<vmem>>, vector<16xf32>,
      %get3A_98 = arith.index_cast %add3A_14 : i32 to index
      %get3A_99 = arith.constant 448 : index
      %get3A_100 = tpu.vector_load %arg4[%get3A_98, %get3A_99] {strides = array<i32>} : memref<48x768xf32, #tpu.memory_space<vmem>>, vector<16xf32>,
      %get3A_101 = arith.index_cast %add3A_14 : i32 to index
      %get3A_102 = arith.constant 464 : index
      %get3A_103 = tpu.vector_load %arg4[%get3A_101, %get3A_102] {strides = array<i32>} : memref<48x768xf32, #tpu.memory_space<vmem>>, vector<16xf32>,
      %get3A_104 = arith.index_cast %add3A_14 : i32 to index
      %get3A_105 = arith.constant 480 : index
      %get3A_106 = tpu.vector_load %arg4[%get3A_104, %get3A_105] {strides = array<i32>} : memref<48x768xf32, #tpu.memory_space<vmem>>, vector<16xf32>,
      %get3A_107 = arith.index_cast %add3A_14 : i32 to index
      %get3A_108 = arith.constant 496 : index
      %get3A_109 = tpu.vector_load %arg4[%get3A_107, %get3A_108] {strides = array<i32>} : memref<48x768xf32, #tpu.memory_space<vmem>>, vector<16xf32>,
      %get3A_110 = arith.index_cast %add3A_14 : i32 to index
      %get3A_111 = arith.constant 512 : index
      %get3A_112 = tpu.vector_load %arg4[%get3A_110, %get3A_111] {strides = array<i32>} : memref<48x768xf32, #tpu.memory_space<vmem>>, vector<16xf32>,
      %get3A_113 = arith.index_cast %add3A_14 : i32 to index
      %get3A_114 = arith.constant 528 : index
      %get3A_115 = tpu.vector_load %arg4[%get3A_113, %get3A_114] {strides = array<i32>} : memref<48x768xf32, #tpu.memory_space<vmem>>, vector<16xf32>,
      %get3A_116 = arith.index_cast %add3A_14 : i32 to index
      %get3A_117 = arith.constant 544 : index
      %get3A_118 = tpu.vector_load %arg4[%get3A_116, %get3A_117] {strides = array<i32>} : memref<48x768xf32, #tpu.memory_space<vmem>>, vector<16xf32>,
      %get3A_119 = arith.index_cast %add3A_14 : i32 to index
      %get3A_120 = arith.constant 560 : index
      %get3A_121 = tpu.vector_load %arg4[%get3A_119, %get3A_120] {strides = array<i32>} : memref<48x768xf32, #tpu.memory_space<vmem>>, vector<16xf32>,
      %get3A_122 = arith.index_cast %add3A_14 : i32 to index
      %get3A_123 = arith.constant 576 : index
      %get3A_124 = tpu.vector_load %arg4[%get3A_122, %get3A_123] {strides = array<i32>} : memref<48x768xf32, #tpu.memory_space<vmem>>, vector<16xf32>,
      %get3A_125 = arith.index_cast %add3A_14 : i32 to index
      %get3A_126 = arith.constant 592 : index
      %get3A_127 = tpu.vector_load %arg4[%get3A_125, %get3A_126] {strides = array<i32>} : memref<48x768xf32, #tpu.memory_space<vmem>>, vector<16xf32>,
      %get3A_128 = arith.index_cast %add3A_14 : i32 to index
      %get3A_129 = arith.constant 608 : index
      %get3A_130 = tpu.vector_load %arg4[%get3A_128, %get3A_129] {strides = array<i32>} : memref<48x768xf32, #tpu.memory_space<vmem>>, vector<16xf32>,
      %get3A_131 = arith.index_cast %add3A_14 : i32 to index
      %get3A_132 = arith.constant 624 : index
      %get3A_133 = tpu.vector_load %arg4[%get3A_131, %get3A_132] {strides = array<i32>} : memref<48x768xf32, #tpu.memory_space<vmem>>, vector<16xf32>,
      %get3A_134 = arith.index_cast %add3A_14 : i32 to index
      %get3A_135 = arith.constant 640 : index
      %get3A_136 = tpu.vector_load %arg4[%get3A_134, %get3A_135] {strides = array<i32>} : memref<48x768xf32, #tpu.memory_space<vmem>>, vector<16xf32>,
      %get3A_137 = arith.index_cast %add3A_14 : i32 to index
      %get3A_138 = arith.constant 656 : index
      %get3A_139 = tpu.vector_load %arg4[%get3A_137, %get3A_138] {strides = array<i32>} : memref<48x768xf32, #tpu.memory_space<vmem>>, vector<16xf32>,
      %get3A_140 = arith.index_cast %add3A_14 : i32 to index
      %get3A_141 = arith.constant 672 : index
      %get3A_142 = tpu.vector_load %arg4[%get3A_140, %get3A_141] {strides = array<i32>} : memref<48x768xf32, #tpu.memory_space<vmem>>, vector<16xf32>,
      %get3A_143 = arith.index_cast %add3A_14 : i32 to index
      %get3A_144 = arith.constant 688 : index
      %get3A_145 = tpu.vector_load %arg4[%get3A_143, %get3A_144] {strides = array<i32>} : memref<48x768xf32, #tpu.memory_space<vmem>>, vector<16xf32>,
      %get3A_146 = arith.index_cast %add3A_14 : i32 to index
      %get3A_147 = arith.constant 704 : index
      %get3A_148 = tpu.vector_load %arg4[%get3A_146, %get3A_147] {strides = array<i32>} : memref<48x768xf32, #tpu.memory_space<vmem>>, vector<16xf32>,
      %get3A_149 = arith.index_cast %add3A_14 : i32 to index
      %get3A_150 = arith.constant 720 : index
      %get3A_151 = tpu.vector_load %arg4[%get3A_149, %get3A_150] {strides = array<i32>} : memref<48x768xf32, #tpu.memory_space<vmem>>, vector<16xf32>,
      %get3A_152 = arith.index_cast %add3A_14 : i32 to index
      %get3A_153 = arith.constant 736 : index
      %get3A_154 = tpu.vector_load %arg4[%get3A_152, %get3A_153] {strides = array<i32>} : memref<48x768xf32, #tpu.memory_space<vmem>>, vector<16xf32>,
      %get3A_155 = arith.index_cast %add3A_14 : i32 to index
      %get3A_156 = arith.constant 752 : index
      %get3A_157 = tpu.vector_load %arg4[%get3A_155, %get3A_156] {strides = array<i32>} : memref<48x768xf32, #tpu.memory_space<vmem>>, vector<16xf32>,
      %sort3A = arith.constant dense<true> : vector<16xi1>
      %sort3A_158, %sort3A_159, %sort3A_160 = tpu.sort %get3A_16, %get3A_16 masked %sort3A : (vector<16xf32>, vector<16xf32>, vector<16xi1>) -> (vector<16xi1>, vector<16xf32>, vector<16xf32>)
      %sort3A_161 = arith.constant dense<true> : vector<16xi1>
      %sort3A_162, %sort3A_163, %sort3A_164 = tpu.sort %get3A_19, %get3A_19 masked %sort3A_161 : (vector<16xf32>, vector<16xf32>, vector<16xi1>) -> (vector<16xi1>, vector<16xf32>, vector<16xf32>)
      %sort3A_165 = arith.constant dense<true> : vector<16xi1>
      %sort3A_166, %sort3A_167, %sort3A_168 = tpu.sort %get3A_22, %get3A_22 masked %sort3A_165 : (vector<16xf32>, vector<16xf32>, vector<16xi1>) -> (vector<16xi1>, vector<16xf32>, vector<16xf32>)
      %sort3A_169 = arith.constant dense<true> : vector<16xi1>
      %sort3A_170, %sort3A_171, %sort3A_172 = tpu.sort %get3A_25, %get3A_25 masked %sort3A_169 : (vector<16xf32>, vector<16xf32>, vector<16xi1>) -> (vector<16xi1>, vector<16xf32>, vector<16xf32>)
      %sort3A_173 = arith.constant dense<true> : vector<16xi1>
      %sort3A_174, %sort3A_175, %sort3A_176 = tpu.sort %get3A_28, %get3A_28 masked %sort3A_173 : (vector<16xf32>, vector<16xf32>, vector<16xi1>) -> (vector<16xi1>, vector<16xf32>, vector<16xf32>)
      %sort3A_177 = arith.constant dense<true> : vector<16xi1>
      %sort3A_178, %sort3A_179, %sort3A_180 = tpu.sort %get3A_31, %get3A_31 masked %sort3A_177 : (vector<16xf32>, vector<16xf32>, vector<16xi1>) -> (vector<16xi1>, vector<16xf32>, vector<16xf32>)
      %sort3A_181 = arith.constant dense<true> : vector<16xi1>
      %sort3A_182, %sort3A_183, %sort3A_184 = tpu.sort %get3A_34, %get3A_34 masked %sort3A_181 : (vector<16xf32>, vector<16xf32>, vector<16xi1>) -> (vector<16xi1>, vector<16xf32>, vector<16xf32>)
      %sort3A_185 = arith.constant dense<true> : vector<16xi1>
      %sort3A_186, %sort3A_187, %sort3A_188 = tpu.sort %get3A_37, %get3A_37 masked %sort3A_185 : (vector<16xf32>, vector<16xf32>, vector<16xi1>) -> (vector<16xi1>, vector<16xf32>, vector<16xf32>)
      %sort3A_189 = arith.constant dense<true> : vector<16xi1>
      %sort3A_190, %sort3A_191, %sort3A_192 = tpu.sort %get3A_40, %get3A_40 masked %sort3A_189 : (vector<16xf32>, vector<16xf32>, vector<16xi1>) -> (vector<16xi1>, vector<16xf32>, vector<16xf32>)
      %sort3A_193 = arith.constant dense<true> : vector<16xi1>
      %sort3A_194, %sort3A_195, %sort3A_196 = tpu.sort %get3A_43, %get3A_43 masked %sort3A_193 : (vector<16xf32>, vector<16xf32>, vector<16xi1>) -> (vector<16xi1>, vector<16xf32>, vector<16xf32>)
      %sort3A_197 = arith.constant dense<true> : vector<16xi1>
      %sort3A_198, %sort3A_199, %sort3A_200 = tpu.sort %get3A_46, %get3A_46 masked %sort3A_197 : (vector<16xf32>, vector<16xf32>, vector<16xi1>) -> (vector<16xi1>, vector<16xf32>, vector<16xf32>)
      %sort3A_201 = arith.constant dense<true> : vector<16xi1>
      %sort3A_202, %sort3A_203, %sort3A_204 = tpu.sort %get3A_49, %get3A_49 masked %sort3A_201 : (vector<16xf32>, vector<16xf32>, vector<16xi1>) -> (vector<16xi1>, vector<16xf32>, vector<16xf32>)
      %sort3A_205 = arith.constant dense<true> : vector<16xi1>
      %sort3A_206, %sort3A_207, %sort3A_208 = tpu.sort %get3A_52, %get3A_52 masked %sort3A_205 : (vector<16xf32>, vector<16xf32>, vector<16xi1>) -> (vector<16xi1>, vector<16xf32>, vector<16xf32>)
      %sort3A_209 = arith.constant dense<true> : vector<16xi1>
      %sort3A_210, %sort3A_211, %sort3A_212 = tpu.sort %get3A_55, %get3A_55 masked %sort3A_209 : (vector<16xf32>, vector<16xf32>, vector<16xi1>) -> (vector<16xi1>, vector<16xf32>, vector<16xf32>)
      %sort3A_213 = arith.constant dense<true> : vector<16xi1>
      %sort3A_214, %sort3A_215, %sort3A_216 = tpu.sort %get3A_58, %get3A_58 masked %sort3A_213 : (vector<16xf32>, vector<16xf32>, vector<16xi1>) -> (vector<16xi1>, vector<16xf32>, vector<16xf32>)
      %sort3A_217 = arith.constant dense<true> : vector<16xi1>
      %sort3A_218, %sort3A_219, %sort3A_220 = tpu.sort %get3A_61, %get3A_61 masked %sort3A_217 : (vector<16xf32>, vector<16xf32>, vector<16xi1>) -> (vector<16xi1>, vector<16xf32>, vector<16xf32>)
      %sort3A_221 = arith.constant dense<true> : vector<16xi1>
      %sort3A_222, %sort3A_223, %sort3A_224 = tpu.sort %get3A_64, %get3A_64 masked %sort3A_221 : (vector<16xf32>, vector<16xf32>, vector<16xi1>) -> (vector<16xi1>, vector<16xf32>, vector<16xf32>)
      %sort3A_225 = arith.constant dense<true> : vector<16xi1>
      %sort3A_226, %sort3A_227, %sort3A_228 = tpu.sort %get3A_67, %get3A_67 masked %sort3A_225 : (vector<16xf32>, vector<16xf32>, vector<16xi1>) -> (vector<16xi1>, vector<16xf32>, vector<16xf32>)
      %sort3A_229 = arith.constant dense<true> : vector<16xi1>
      %sort3A_230, %sort3A_231, %sort3A_232 = tpu.sort %get3A_70, %get3A_70 masked %sort3A_229 : (vector<16xf32>, vector<16xf32>, vector<16xi1>) -> (vector<16xi1>, vector<16xf32>, vector<16xf32>)
      %sort3A_233 = arith.constant dense<true> : vector<16xi1>
      %sort3A_234, %sort3A_235, %sort3A_236 = tpu.sort %get3A_73, %get3A_73 masked %sort3A_233 : (vector<16xf32>, vector<16xf32>, vector<16xi1>) -> (vector<16xi1>, vector<16xf32>, vector<16xf32>)
      %sort3A_237 = arith.constant dense<true> : vector<16xi1>
      %sort3A_238, %sort3A_239, %sort3A_240 = tpu.sort %get3A_76, %get3A_76 masked %sort3A_237 : (vector<16xf32>, vector<16xf32>, vector<16xi1>) -> (vector<16xi1>, vector<16xf32>, vector<16xf32>)
      %sort3A_241 = arith.constant dense<true> : vector<16xi1>
      %sort3A_242, %sort3A_243, %sort3A_244 = tpu.sort %get3A_79, %get3A_79 masked %sort3A_241 : (vector<16xf32>, vector<16xf32>, vector<16xi1>) -> (vector<16xi1>, vector<16xf32>, vector<16xf32>)
      %sort3A_245 = arith.constant dense<true> : vector<16xi1>
      %sort3A_246, %sort3A_247, %sort3A_248 = tpu.sort %get3A_82, %get3A_82 masked %sort3A_245 : (vector<16xf32>, vector<16xf32>, vector<16xi1>) -> (vector<16xi1>, vector<16xf32>, vector<16xf32>)
      %sort3A_249 = arith.constant dense<true> : vector<16xi1>
      %sort3A_250, %sort3A_251, %sort3A_252 = tpu.sort %get3A_85, %get3A_85 masked %sort3A_249 : (vector<16xf32>, vector<16xf32>, vector<16xi1>) -> (vector<16xi1>, vector<16xf32>, vector<16xf32>)
      %sort3A_253 = arith.constant dense<true> : vector<16xi1>
      %sort3A_254, %sort3A_255, %sort3A_256 = tpu.sort %get3A_88, %get3A_88 masked %sort3A_253 : (vector<16xf32>, vector<16xf32>, vector<16xi1>) -> (vector<16xi1>, vector<16xf32>, vector<16xf32>)
      %sort3A_257 = arith.constant dense<true> : vector<16xi1>
      %sort3A_258, %sort3A_259, %sort3A_260 = tpu.sort %get3A_91, %get3A_91 masked %sort3A_257 : (vector<16xf32>, vector<16xf32>, vector<16xi1>) -> (vector<16xi1>, vector<16xf32>, vector<16xf32>)
      %sort3A_261 = arith.constant dense<true> : vector<16xi1>
      %sort3A_262, %sort3A_263, %sort3A_264 = tpu.sort %get3A_94, %get3A_94 masked %sort3A_261 : (vector<16xf32>, vector<16xf32>, vector<16xi1>) -> (vector<16xi1>, vector<16xf32>, vector<16xf32>)
      %sort3A_265 = arith.constant dense<true> : vector<16xi1>
      %sort3A_266, %sort3A_267, %sort3A_268 = tpu.sort %get3A_97, %get3A_97 masked %sort3A_265 : (vector<16xf32>, vector<16xf32>, vector<16xi1>) -> (vector<16xi1>, vector<16xf32>, vector<16xf32>)
      %sort3A_269 = arith.constant dense<true> : vector<16xi1>
      %sort3A_270, %sort3A_271, %sort3A_272 = tpu.sort %get3A_100, %get3A_100 masked %sort3A_269 : (vector<16xf32>, vector<16xf32>, vector<16xi1>) -> (vector<16xi1>, vector<16xf32>, vector<16xf32>)
      %sort3A_273 = arith.constant dense<true> : vector<16xi1>
      %sort3A_274, %sort3A_275, %sort3A_276 = tpu.sort %get3A_103, %get3A_103 masked %sort3A_273 : (vector<16xf32>, vector<16xf32>, vector<16xi1>) -> (vector<16xi1>, vector<16xf32>, vector<16xf32>)
      %sort3A_277 = arith.constant dense<true> : vector<16xi1>
      %sort3A_278, %sort3A_279, %sort3A_280 = tpu.sort %get3A_106, %get3A_106 masked %sort3A_277 : (vector<16xf32>, vector<16xf32>, vector<16xi1>) -> (vector<16xi1>, vector<16xf32>, vector<16xf32>)
      %sort3A_281 = arith.constant dense<true> : vector<16xi1>
      %sort3A_282, %sort3A_283, %sort3A_284 = tpu.sort %get3A_109, %get3A_109 masked %sort3A_281 : (vector<16xf32>, vector<16xf32>, vector<16xi1>) -> (vector<16xi1>, vector<16xf32>, vector<16xf32>)
      %sort3A_285 = arith.constant dense<true> : vector<16xi1>
      %sort3A_286, %sort3A_287, %sort3A_288 = tpu.sort %get3A_112, %get3A_112 masked %sort3A_285 : (vector<16xf32>, vector<16xf32>, vector<16xi1>) -> (vector<16xi1>, vector<16xf32>, vector<16xf32>)
      %sort3A_289 = arith.constant dense<true> : vector<16xi1>
      %sort3A_290, %sort3A_291, %sort3A_292 = tpu.sort %get3A_115, %get3A_115 masked %sort3A_289 : (vector<16xf32>, vector<16xf32>, vector<16xi1>) -> (vector<16xi1>, vector<16xf32>, vector<16xf32>)
      %sort3A_293 = arith.constant dense<true> : vector<16xi1>
      %sort3A_294, %sort3A_295, %sort3A_296 = tpu.sort %get3A_118, %get3A_118 masked %sort3A_293 : (vector<16xf32>, vector<16xf32>, vector<16xi1>) -> (vector<16xi1>, vector<16xf32>, vector<16xf32>)
      %sort3A_297 = arith.constant dense<true> : vector<16xi1>
      %sort3A_298, %sort3A_299, %sort3A_300 = tpu.sort %get3A_121, %get3A_121 masked %sort3A_297 : (vector<16xf32>, vector<16xf32>, vector<16xi1>) -> (vector<16xi1>, vector<16xf32>, vector<16xf32>)
      %sort3A_301 = arith.constant dense<true> : vector<16xi1>
      %sort3A_302, %sort3A_303, %sort3A_304 = tpu.sort %get3A_124, %get3A_124 masked %sort3A_301 : (vector<16xf32>, vector<16xf32>, vector<16xi1>) -> (vector<16xi1>, vector<16xf32>, vector<16xf32>)
      %sort3A_305 = arith.constant dense<true> : vector<16xi1>
      %sort3A_306, %sort3A_307, %sort3A_308 = tpu.sort %get3A_127, %get3A_127 masked %sort3A_305 : (vector<16xf32>, vector<16xf32>, vector<16xi1>) -> (vector<16xi1>, vector<16xf32>, vector<16xf32>)
      %sort3A_309 = arith.constant dense<true> : vector<16xi1>
      %sort3A_310, %sort3A_311, %sort3A_312 = tpu.sort %get3A_130, %get3A_130 masked %sort3A_309 : (vector<16xf32>, vector<16xf32>, vector<16xi1>) -> (vector<16xi1>, vector<16xf32>, vector<16xf32>)
      %sort3A_313 = arith.constant dense<true> : vector<16xi1>
      %sort3A_314, %sort3A_315, %sort3A_316 = tpu.sort %get3A_133, %get3A_133 masked %sort3A_313 : (vector<16xf32>, vector<16xf32>, vector<16xi1>) -> (vector<16xi1>, vector<16xf32>, vector<16xf32>)
      %sort3A_317 = arith.constant dense<true> : vector<16xi1>
      %sort3A_318, %sort3A_319, %sort3A_320 = tpu.sort %get3A_136, %get3A_136 masked %sort3A_317 : (vector<16xf32>, vector<16xf32>, vector<16xi1>) -> (vector<16xi1>, vector<16xf32>, vector<16xf32>)
      %sort3A_321 = arith.constant dense<true> : vector<16xi1>
      %sort3A_322, %sort3A_323, %sort3A_324 = tpu.sort %get3A_139, %get3A_139 masked %sort3A_321 : (vector<16xf32>, vector<16xf32>, vector<16xi1>) -> (vector<16xi1>, vector<16xf32>, vector<16xf32>)
      %sort3A_325 = arith.constant dense<true> : vector<16xi1>
      %sort3A_326, %sort3A_327, %sort3A_328 = tpu.sort %get3A_142, %get3A_142 masked %sort3A_325 : (vector<16xf32>, vector<16xf32>, vector<16xi1>) -> (vector<16xi1>, vector<16xf32>, vector<16xf32>)
      %sort3A_329 = arith.constant dense<true> : vector<16xi1>
      %sort3A_330, %sort3A_331, %sort3A_332 = tpu.sort %get3A_145, %get3A_145 masked %sort3A_329 : (vector<16xf32>, vector<16xf32>, vector<16xi1>) -> (vector<16xi1>, vector<16xf32>, vector<16xf32>)
      %sort3A_333 = arith.constant dense<true> : vector<16xi1>
      %sort3A_334, %sort3A_335, %sort3A_336 = tpu.sort %get3A_148, %get3A_148 masked %sort3A_333 : (vector<16xf32>, vector<16xf32>, vector<16xi1>) -> (vector<16xi1>, vector<16xf32>, vector<16xf32>)
      %sort3A_337 = arith.constant dense<true> : vector<16xi1>
      %sort3A_338, %sort3A_339, %sort3A_340 = tpu.sort %get3A_151, %get3A_151 masked %sort3A_337 : (vector<16xf32>, vector<16xf32>, vector<16xi1>) -> (vector<16xi1>, vector<16xf32>, vector<16xf32>)
      %sort3A_341 = arith.constant dense<true> : vector<16xi1>
      %sort3A_342, %sort3A_343, %sort3A_344 = tpu.sort %get3A_154, %get3A_154 masked %sort3A_341 : (vector<16xf32>, vector<16xf32>, vector<16xi1>) -> (vector<16xi1>, vector<16xf32>, vector<16xf32>)
      %sort3A_345 = arith.constant dense<true> : vector<16xi1>
      %sort3A_346, %sort3A_347, %sort3A_348 = tpu.sort %get3A_157, %get3A_157 masked %sort3A_345 : (vector<16xf32>, vector<16xf32>, vector<16xi1>) -> (vector<16xi1>, vector<16xf32>, vector<16xf32>)
      %rev3A = arith.constant 15 : i32
      %rev3A_349 = vector.broadcast %rev3A : i32 to vector<16xi32>
      %rev3A_350 = tpu.iota {dimensions = array<i32: 0>} : vector<16xi32>
      %rev3A_351 = arith.subi %rev3A_349, %rev3A_350 : vector<16xi32>
      %rev3A_352 = tpu.dynamic_gather %sort3A_163[%rev3A_351] in [0] : vector<16xf32>, vector<16xi32> -> vector<16xf32>
      %min3A = arith.minimumf %sort3A_159, %rev3A_352 : vector<16xf32>
      %sort3A_353 = arith.constant dense<true> : vector<16xi1>
      %sort3A_354, %sort3A_355, %sort3A_356 = tpu.sort %min3A, %min3A masked %sort3A_353 : (vector<16xf32>, vector<16xf32>, vector<16xi1>) -> (vector<16xi1>, vector<16xf32>, vector<16xf32>)
      %max3A = arith.maximumf %sort3A_159, %rev3A_352 : vector<16xf32>
      %sort3A_357 = arith.constant dense<true> : vector<16xi1>
      %sort3A_358, %sort3A_359, %sort3A_360 = tpu.sort %max3A, %max3A masked %sort3A_357 : (vector<16xf32>, vector<16xf32>, vector<16xi1>) -> (vector<16xi1>, vector<16xf32>, vector<16xf32>)
      %rev3A_361 = arith.constant 15 : i32
      %rev3A_362 = vector.broadcast %rev3A_361 : i32 to vector<16xi32>
      %rev3A_363 = tpu.iota {dimensions = array<i32: 0>} : vector<16xi32>
      %rev3A_364 = arith.subi %rev3A_362, %rev3A_363 : vector<16xi32>
      %rev3A_365 = tpu.dynamic_gather %sort3A_171[%rev3A_364] in [0] : vector<16xf32>, vector<16xi32> -> vector<16xf32>
      %min3A_366 = arith.minimumf %sort3A_167, %rev3A_365 : vector<16xf32>
      %sort3A_367 = arith.constant dense<true> : vector<16xi1>
      %sort3A_368, %sort3A_369, %sort3A_370 = tpu.sort %min3A_366, %min3A_366 masked %sort3A_367 : (vector<16xf32>, vector<16xf32>, vector<16xi1>) -> (vector<16xi1>, vector<16xf32>, vector<16xf32>)
      %max3A_371 = arith.maximumf %sort3A_167, %rev3A_365 : vector<16xf32>
      %sort3A_372 = arith.constant dense<true> : vector<16xi1>
      %sort3A_373, %sort3A_374, %sort3A_375 = tpu.sort %max3A_371, %max3A_371 masked %sort3A_372 : (vector<16xf32>, vector<16xf32>, vector<16xi1>) -> (vector<16xi1>, vector<16xf32>, vector<16xf32>)
      %rev3A_376 = arith.constant 15 : i32
      %rev3A_377 = vector.broadcast %rev3A_376 : i32 to vector<16xi32>
      %rev3A_378 = tpu.iota {dimensions = array<i32: 0>} : vector<16xi32>
      %rev3A_379 = arith.subi %rev3A_377, %rev3A_378 : vector<16xi32>
      %rev3A_380 = tpu.dynamic_gather %sort3A_179[%rev3A_379] in [0] : vector<16xf32>, vector<16xi32> -> vector<16xf32>
      %min3A_381 = arith.minimumf %sort3A_175, %rev3A_380 : vector<16xf32>
      %sort3A_382 = arith.constant dense<true> : vector<16xi1>
      %sort3A_383, %sort3A_384, %sort3A_385 = tpu.sort %min3A_381, %min3A_381 masked %sort3A_382 : (vector<16xf32>, vector<16xf32>, vector<16xi1>) -> (vector<16xi1>, vector<16xf32>, vector<16xf32>)
      %max3A_386 = arith.maximumf %sort3A_175, %rev3A_380 : vector<16xf32>
      %sort3A_387 = arith.constant dense<true> : vector<16xi1>
      %sort3A_388, %sort3A_389, %sort3A_390 = tpu.sort %max3A_386, %max3A_386 masked %sort3A_387 : (vector<16xf32>, vector<16xf32>, vector<16xi1>) -> (vector<16xi1>, vector<16xf32>, vector<16xf32>)
      %rev3A_391 = arith.constant 15 : i32
      %rev3A_392 = vector.broadcast %rev3A_391 : i32 to vector<16xi32>
      %rev3A_393 = tpu.iota {dimensions = array<i32: 0>} : vector<16xi32>
      %rev3A_394 = arith.subi %rev3A_392, %rev3A_393 : vector<16xi32>
      %rev3A_395 = tpu.dynamic_gather %sort3A_187[%rev3A_394] in [0] : vector<16xf32>, vector<16xi32> -> vector<16xf32>
      %min3A_396 = arith.minimumf %sort3A_183, %rev3A_395 : vector<16xf32>
      %sort3A_397 = arith.constant dense<true> : vector<16xi1>
      %sort3A_398, %sort3A_399, %sort3A_400 = tpu.sort %min3A_396, %min3A_396 masked %sort3A_397 : (vector<16xf32>, vector<16xf32>, vector<16xi1>) -> (vector<16xi1>, vector<16xf32>, vector<16xf32>)
      %max3A_401 = arith.maximumf %sort3A_183, %rev3A_395 : vector<16xf32>
      %sort3A_402 = arith.constant dense<true> : vector<16xi1>
      %sort3A_403, %sort3A_404, %sort3A_405 = tpu.sort %max3A_401, %max3A_401 masked %sort3A_402 : (vector<16xf32>, vector<16xf32>, vector<16xi1>) -> (vector<16xi1>, vector<16xf32>, vector<16xf32>)
      %rev3A_406 = arith.constant 15 : i32
      %rev3A_407 = vector.broadcast %rev3A_406 : i32 to vector<16xi32>
      %rev3A_408 = tpu.iota {dimensions = array<i32: 0>} : vector<16xi32>
      %rev3A_409 = arith.subi %rev3A_407, %rev3A_408 : vector<16xi32>
      %rev3A_410 = tpu.dynamic_gather %sort3A_195[%rev3A_409] in [0] : vector<16xf32>, vector<16xi32> -> vector<16xf32>
      %min3A_411 = arith.minimumf %sort3A_191, %rev3A_410 : vector<16xf32>
      %sort3A_412 = arith.constant dense<true> : vector<16xi1>
      %sort3A_413, %sort3A_414, %sort3A_415 = tpu.sort %min3A_411, %min3A_411 masked %sort3A_412 : (vector<16xf32>, vector<16xf32>, vector<16xi1>) -> (vector<16xi1>, vector<16xf32>, vector<16xf32>)
      %max3A_416 = arith.maximumf %sort3A_191, %rev3A_410 : vector<16xf32>
      %sort3A_417 = arith.constant dense<true> : vector<16xi1>
      %sort3A_418, %sort3A_419, %sort3A_420 = tpu.sort %max3A_416, %max3A_416 masked %sort3A_417 : (vector<16xf32>, vector<16xf32>, vector<16xi1>) -> (vector<16xi1>, vector<16xf32>, vector<16xf32>)
      %rev3A_421 = arith.constant 15 : i32
      %rev3A_422 = vector.broadcast %rev3A_421 : i32 to vector<16xi32>
      %rev3A_423 = tpu.iota {dimensions = array<i32: 0>} : vector<16xi32>
      %rev3A_424 = arith.subi %rev3A_422, %rev3A_423 : vector<16xi32>
      %rev3A_425 = tpu.dynamic_gather %sort3A_203[%rev3A_424] in [0] : vector<16xf32>, vector<16xi32> -> vector<16xf32>
      %min3A_426 = arith.minimumf %sort3A_199, %rev3A_425 : vector<16xf32>
      %sort3A_427 = arith.constant dense<true> : vector<16xi1>
      %sort3A_428, %sort3A_429, %sort3A_430 = tpu.sort %min3A_426, %min3A_426 masked %sort3A_427 : (vector<16xf32>, vector<16xf32>, vector<16xi1>) -> (vector<16xi1>, vector<16xf32>, vector<16xf32>)
      %max3A_431 = arith.maximumf %sort3A_199, %rev3A_425 : vector<16xf32>
      %sort3A_432 = arith.constant dense<true> : vector<16xi1>
      %sort3A_433, %sort3A_434, %sort3A_435 = tpu.sort %max3A_431, %max3A_431 masked %sort3A_432 : (vector<16xf32>, vector<16xf32>, vector<16xi1>) -> (vector<16xi1>, vector<16xf32>, vector<16xf32>)
      %rev3A_436 = arith.constant 15 : i32
      %rev3A_437 = vector.broadcast %rev3A_436 : i32 to vector<16xi32>
      %rev3A_438 = tpu.iota {dimensions = array<i32: 0>} : vector<16xi32>
      %rev3A_439 = arith.subi %rev3A_437, %rev3A_438 : vector<16xi32>
      %rev3A_440 = tpu.dynamic_gather %sort3A_211[%rev3A_439] in [0] : vector<16xf32>, vector<16xi32> -> vector<16xf32>
      %min3A_441 = arith.minimumf %sort3A_207, %rev3A_440 : vector<16xf32>
      %sort3A_442 = arith.constant dense<true> : vector<16xi1>
      %sort3A_443, %sort3A_444, %sort3A_445 = tpu.sort %min3A_441, %min3A_441 masked %sort3A_442 : (vector<16xf32>, vector<16xf32>, vector<16xi1>) -> (vector<16xi1>, vector<16xf32>, vector<16xf32>)
      %max3A_446 = arith.maximumf %sort3A_207, %rev3A_440 : vector<16xf32>
      %sort3A_447 = arith.constant dense<true> : vector<16xi1>
      %sort3A_448, %sort3A_449, %sort3A_450 = tpu.sort %max3A_446, %max3A_446 masked %sort3A_447 : (vector<16xf32>, vector<16xf32>, vector<16xi1>) -> (vector<16xi1>, vector<16xf32>, vector<16xf32>)
      %rev3A_451 = arith.constant 15 : i32
      %rev3A_452 = vector.broadcast %rev3A_451 : i32 to vector<16xi32>
      %rev3A_453 = tpu.iota {dimensions = array<i32: 0>} : vector<16xi32>
      %rev3A_454 = arith.subi %rev3A_452, %rev3A_453 : vector<16xi32>
      %rev3A_455 = tpu.dynamic_gather %sort3A_219[%rev3A_454] in [0] : vector<16xf32>, vector<16xi32> -> vector<16xf32>
      %min3A_456 = arith.minimumf %sort3A_215, %rev3A_455 : vector<16xf32>
      %sort3A_457 = arith.constant dense<true> : vector<16xi1>
      %sort3A_458, %sort3A_459, %sort3A_460 = tpu.sort %min3A_456, %min3A_456 masked %sort3A_457 : (vector<16xf32>, vector<16xf32>, vector<16xi1>) -> (vector<16xi1>, vector<16xf32>, vector<16xf32>)
      %max3A_461 = arith.maximumf %sort3A_215, %rev3A_455 : vector<16xf32>
      %sort3A_462 = arith.constant dense<true> : vector<16xi1>
      %sort3A_463, %sort3A_464, %sort3A_465 = tpu.sort %max3A_461, %max3A_461 masked %sort3A_462 : (vector<16xf32>, vector<16xf32>, vector<16xi1>) -> (vector<16xi1>, vector<16xf32>, vector<16xf32>)
      %rev3A_466 = arith.constant 15 : i32
      %rev3A_467 = vector.broadcast %rev3A_466 : i32 to vector<16xi32>
      %rev3A_468 = tpu.iota {dimensions = array<i32: 0>} : vector<16xi32>
      %rev3A_469 = arith.subi %rev3A_467, %rev3A_468 : vector<16xi32>
      %rev3A_470 = tpu.dynamic_gather %sort3A_227[%rev3A_469] in [0] : vector<16xf32>, vector<16xi32> -> vector<16xf32>
      %min3A_471 = arith.minimumf %sort3A_223, %rev3A_470 : vector<16xf32>
      %sort3A_472 = arith.constant dense<true> : vector<16xi1>
      %sort3A_473, %sort3A_474, %sort3A_475 = tpu.sort %min3A_471, %min3A_471 masked %sort3A_472 : (vector<16xf32>, vector<16xf32>, vector<16xi1>) -> (vector<16xi1>, vector<16xf32>, vector<16xf32>)
      %max3A_476 = arith.maximumf %sort3A_223, %rev3A_470 : vector<16xf32>
      %sort3A_477 = arith.constant dense<true> : vector<16xi1>
      %sort3A_478, %sort3A_479, %sort3A_480 = tpu.sort %max3A_476, %max3A_476 masked %sort3A_477 : (vector<16xf32>, vector<16xf32>, vector<16xi1>) -> (vector<16xi1>, vector<16xf32>, vector<16xf32>)
      %rev3A_481 = arith.constant 15 : i32
      %rev3A_482 = vector.broadcast %rev3A_481 : i32 to vector<16xi32>
      %rev3A_483 = tpu.iota {dimensions = array<i32: 0>} : vector<16xi32>
      %rev3A_484 = arith.subi %rev3A_482, %rev3A_483 : vector<16xi32>
      %rev3A_485 = tpu.dynamic_gather %sort3A_235[%rev3A_484] in [0] : vector<16xf32>, vector<16xi32> -> vector<16xf32>
      %min3A_486 = arith.minimumf %sort3A_231, %rev3A_485 : vector<16xf32>
      %sort3A_487 = arith.constant dense<true> : vector<16xi1>
      %sort3A_488, %sort3A_489, %sort3A_490 = tpu.sort %min3A_486, %min3A_486 masked %sort3A_487 : (vector<16xf32>, vector<16xf32>, vector<16xi1>) -> (vector<16xi1>, vector<16xf32>, vector<16xf32>)
      %max3A_491 = arith.maximumf %sort3A_231, %rev3A_485 : vector<16xf32>
      %sort3A_492 = arith.constant dense<true> : vector<16xi1>
      %sort3A_493, %sort3A_494, %sort3A_495 = tpu.sort %max3A_491, %max3A_491 masked %sort3A_492 : (vector<16xf32>, vector<16xf32>, vector<16xi1>) -> (vector<16xi1>, vector<16xf32>, vector<16xf32>)
      %rev3A_496 = arith.constant 15 : i32
      %rev3A_497 = vector.broadcast %rev3A_496 : i32 to vector<16xi32>
      %rev3A_498 = tpu.iota {dimensions = array<i32: 0>} : vector<16xi32>
      %rev3A_499 = arith.subi %rev3A_497, %rev3A_498 : vector<16xi32>
      %rev3A_500 = tpu.dynamic_gather %sort3A_243[%rev3A_499] in [0] : vector<16xf32>, vector<16xi32> -> vector<16xf32>
      %min3A_501 = arith.minimumf %sort3A_239, %rev3A_500 : vector<16xf32>
      %sort3A_502 = arith.constant dense<true> : vector<16xi1>
      %sort3A_503, %sort3A_504, %sort3A_505 = tpu.sort %min3A_501, %min3A_501 masked %sort3A_502 : (vector<16xf32>, vector<16xf32>, vector<16xi1>) -> (vector<16xi1>, vector<16xf32>, vector<16xf32>)
      %max3A_506 = arith.maximumf %sort3A_239, %rev3A_500 : vector<16xf32>
      %sort3A_507 = arith.constant dense<true> : vector<16xi1>
      %sort3A_508, %sort3A_509, %sort3A_510 = tpu.sort %max3A_506, %max3A_506 masked %sort3A_507 : (vector<16xf32>, vector<16xf32>, vector<16xi1>) -> (vector<16xi1>, vector<16xf32>, vector<16xf32>)
      %rev3A_511 = arith.constant 15 : i32
      %rev3A_512 = vector.broadcast %rev3A_511 : i32 to vector<16xi32>
      %rev3A_513 = tpu.iota {dimensions = array<i32: 0>} : vector<16xi32>
      %rev3A_514 = arith.subi %rev3A_512, %rev3A_513 : vector<16xi32>
      %rev3A_515 = tpu.dynamic_gather %sort3A_251[%rev3A_514] in [0] : vector<16xf32>, vector<16xi32> -> vector<16xf32>
      %min3A_516 = arith.minimumf %sort3A_247, %rev3A_515 : vector<16xf32>
      %sort3A_517 = arith.constant dense<true> : vector<16xi1>
      %sort3A_518, %sort3A_519, %sort3A_520 = tpu.sort %min3A_516, %min3A_516 masked %sort3A_517 : (vector<16xf32>, vector<16xf32>, vector<16xi1>) -> (vector<16xi1>, vector<16xf32>, vector<16xf32>)
      %max3A_521 = arith.maximumf %sort3A_247, %rev3A_515 : vector<16xf32>
      %sort3A_522 = arith.constant dense<true> : vector<16xi1>
      %sort3A_523, %sort3A_524, %sort3A_525 = tpu.sort %max3A_521, %max3A_521 masked %sort3A_522 : (vector<16xf32>, vector<16xf32>, vector<16xi1>) -> (vector<16xi1>, vector<16xf32>, vector<16xf32>)
      %rev3A_526 = arith.constant 15 : i32
      %rev3A_527 = vector.broadcast %rev3A_526 : i32 to vector<16xi32>
      %rev3A_528 = tpu.iota {dimensions = array<i32: 0>} : vector<16xi32>
      %rev3A_529 = arith.subi %rev3A_527, %rev3A_528 : vector<16xi32>
      %rev3A_530 = tpu.dynamic_gather %sort3A_259[%rev3A_529] in [0] : vector<16xf32>, vector<16xi32> -> vector<16xf32>
      %min3A_531 = arith.minimumf %sort3A_255, %rev3A_530 : vector<16xf32>
      %sort3A_532 = arith.constant dense<true> : vector<16xi1>
      %sort3A_533, %sort3A_534, %sort3A_535 = tpu.sort %min3A_531, %min3A_531 masked %sort3A_532 : (vector<16xf32>, vector<16xf32>, vector<16xi1>) -> (vector<16xi1>, vector<16xf32>, vector<16xf32>)
      %max3A_536 = arith.maximumf %sort3A_255, %rev3A_530 : vector<16xf32>
      %sort3A_537 = arith.constant dense<true> : vector<16xi1>
      %sort3A_538, %sort3A_539, %sort3A_540 = tpu.sort %max3A_536, %max3A_536 masked %sort3A_537 : (vector<16xf32>, vector<16xf32>, vector<16xi1>) -> (vector<16xi1>, vector<16xf32>, vector<16xf32>)
      %rev3A_541 = arith.constant 15 : i32
      %rev3A_542 = vector.broadcast %rev3A_541 : i32 to vector<16xi32>
      %rev3A_543 = tpu.iota {dimensions = array<i32: 0>} : vector<16xi32>
      %rev3A_544 = arith.subi %rev3A_542, %rev3A_543 : vector<16xi32>
      %rev3A_545 = tpu.dynamic_gather %sort3A_267[%rev3A_544] in [0] : vector<16xf32>, vector<16xi32> -> vector<16xf32>
      %min3A_546 = arith.minimumf %sort3A_263, %rev3A_545 : vector<16xf32>
      %sort3A_547 = arith.constant dense<true> : vector<16xi1>
      %sort3A_548, %sort3A_549, %sort3A_550 = tpu.sort %min3A_546, %min3A_546 masked %sort3A_547 : (vector<16xf32>, vector<16xf32>, vector<16xi1>) -> (vector<16xi1>, vector<16xf32>, vector<16xf32>)
      %max3A_551 = arith.maximumf %sort3A_263, %rev3A_545 : vector<16xf32>
      %sort3A_552 = arith.constant dense<true> : vector<16xi1>
      %sort3A_553, %sort3A_554, %sort3A_555 = tpu.sort %max3A_551, %max3A_551 masked %sort3A_552 : (vector<16xf32>, vector<16xf32>, vector<16xi1>) -> (vector<16xi1>, vector<16xf32>, vector<16xf32>)
      %rev3A_556 = arith.constant 15 : i32
      %rev3A_557 = vector.broadcast %rev3A_556 : i32 to vector<16xi32>
      %rev3A_558 = tpu.iota {dimensions = array<i32: 0>} : vector<16xi32>
      %rev3A_559 = arith.subi %rev3A_557, %rev3A_558 : vector<16xi32>
      %rev3A_560 = tpu.dynamic_gather %sort3A_275[%rev3A_559] in [0] : vector<16xf32>, vector<16xi32> -> vector<16xf32>
      %min3A_561 = arith.minimumf %sort3A_271, %rev3A_560 : vector<16xf32>
      %sort3A_562 = arith.constant dense<true> : vector<16xi1>
      %sort3A_563, %sort3A_564, %sort3A_565 = tpu.sort %min3A_561, %min3A_561 masked %sort3A_562 : (vector<16xf32>, vector<16xf32>, vector<16xi1>) -> (vector<16xi1>, vector<16xf32>, vector<16xf32>)
      %max3A_566 = arith.maximumf %sort3A_271, %rev3A_560 : vector<16xf32>
      %sort3A_567 = arith.constant dense<true> : vector<16xi1>
      %sort3A_568, %sort3A_569, %sort3A_570 = tpu.sort %max3A_566, %max3A_566 masked %sort3A_567 : (vector<16xf32>, vector<16xf32>, vector<16xi1>) -> (vector<16xi1>, vector<16xf32>, vector<16xf32>)
      %rev3A_571 = arith.constant 15 : i32
      %rev3A_572 = vector.broadcast %rev3A_571 : i32 to vector<16xi32>
      %rev3A_573 = tpu.iota {dimensions = array<i32: 0>} : vector<16xi32>
      %rev3A_574 = arith.subi %rev3A_572, %rev3A_573 : vector<16xi32>
      %rev3A_575 = tpu.dynamic_gather %sort3A_283[%rev3A_574] in [0] : vector<16xf32>, vector<16xi32> -> vector<16xf32>
      %min3A_576 = arith.minimumf %sort3A_279, %rev3A_575 : vector<16xf32>
      %sort3A_577 = arith.constant dense<true> : vector<16xi1>
      %sort3A_578, %sort3A_579, %sort3A_580 = tpu.sort %min3A_576, %min3A_576 masked %sort3A_577 : (vector<16xf32>, vector<16xf32>, vector<16xi1>) -> (vector<16xi1>, vector<16xf32>, vector<16xf32>)
      %max3A_581 = arith.maximumf %sort3A_279, %rev3A_575 : vector<16xf32>
      %sort3A_582 = arith.constant dense<true> : vector<16xi1>
      %sort3A_583, %sort3A_584, %sort3A_585 = tpu.sort %max3A_581, %max3A_581 masked %sort3A_582 : (vector<16xf32>, vector<16xf32>, vector<16xi1>) -> (vector<16xi1>, vector<16xf32>, vector<16xf32>)
      %rev3A_586 = arith.constant 15 : i32
      %rev3A_587 = vector.broadcast %rev3A_586 : i32 to vector<16xi32>
      %rev3A_588 = tpu.iota {dimensions = array<i32: 0>} : vector<16xi32>
      %rev3A_589 = arith.subi %rev3A_587, %rev3A_588 : vector<16xi32>
      %rev3A_590 = tpu.dynamic_gather %sort3A_291[%rev3A_589] in [0] : vector<16xf32>, vector<16xi32> -> vector<16xf32>
      %min3A_591 = arith.minimumf %sort3A_287, %rev3A_590 : vector<16xf32>
      %sort3A_592 = arith.constant dense<true> : vector<16xi1>
      %sort3A_593, %sort3A_594, %sort3A_595 = tpu.sort %min3A_591, %min3A_591 masked %sort3A_592 : (vector<16xf32>, vector<16xf32>, vector<16xi1>) -> (vector<16xi1>, vector<16xf32>, vector<16xf32>)
      %max3A_596 = arith.maximumf %sort3A_287, %rev3A_590 : vector<16xf32>
      %sort3A_597 = arith.constant dense<true> : vector<16xi1>
      %sort3A_598, %sort3A_599, %sort3A_600 = tpu.sort %max3A_596, %max3A_596 masked %sort3A_597 : (vector<16xf32>, vector<16xf32>, vector<16xi1>) -> (vector<16xi1>, vector<16xf32>, vector<16xf32>)
      %rev3A_601 = arith.constant 15 : i32
      %rev3A_602 = vector.broadcast %rev3A_601 : i32 to vector<16xi32>
      %rev3A_603 = tpu.iota {dimensions = array<i32: 0>} : vector<16xi32>
      %rev3A_604 = arith.subi %rev3A_602, %rev3A_603 : vector<16xi32>
      %rev3A_605 = tpu.dynamic_gather %sort3A_299[%rev3A_604] in [0] : vector<16xf32>, vector<16xi32> -> vector<16xf32>
      %min3A_606 = arith.minimumf %sort3A_295, %rev3A_605 : vector<16xf32>
      %sort3A_607 = arith.constant dense<true> : vector<16xi1>
      %sort3A_608, %sort3A_609, %sort3A_610 = tpu.sort %min3A_606, %min3A_606 masked %sort3A_607 : (vector<16xf32>, vector<16xf32>, vector<16xi1>) -> (vector<16xi1>, vector<16xf32>, vector<16xf32>)
      %max3A_611 = arith.maximumf %sort3A_295, %rev3A_605 : vector<16xf32>
      %sort3A_612 = arith.constant dense<true> : vector<16xi1>
      %sort3A_613, %sort3A_614, %sort3A_615 = tpu.sort %max3A_611, %max3A_611 masked %sort3A_612 : (vector<16xf32>, vector<16xf32>, vector<16xi1>) -> (vector<16xi1>, vector<16xf32>, vector<16xf32>)
      %rev3A_616 = arith.constant 15 : i32
      %rev3A_617 = vector.broadcast %rev3A_616 : i32 to vector<16xi32>
      %rev3A_618 = tpu.iota {dimensions = array<i32: 0>} : vector<16xi32>
      %rev3A_619 = arith.subi %rev3A_617, %rev3A_618 : vector<16xi32>
      %rev3A_620 = tpu.dynamic_gather %sort3A_307[%rev3A_619] in [0] : vector<16xf32>, vector<16xi32> -> vector<16xf32>
      %min3A_621 = arith.minimumf %sort3A_303, %rev3A_620 : vector<16xf32>
      %sort3A_622 = arith.constant dense<true> : vector<16xi1>
      %sort3A_623, %sort3A_624, %sort3A_625 = tpu.sort %min3A_621, %min3A_621 masked %sort3A_622 : (vector<16xf32>, vector<16xf32>, vector<16xi1>) -> (vector<16xi1>, vector<16xf32>, vector<16xf32>)
      %max3A_626 = arith.maximumf %sort3A_303, %rev3A_620 : vector<16xf32>
      %sort3A_627 = arith.constant dense<true> : vector<16xi1>
      %sort3A_628, %sort3A_629, %sort3A_630 = tpu.sort %max3A_626, %max3A_626 masked %sort3A_627 : (vector<16xf32>, vector<16xf32>, vector<16xi1>) -> (vector<16xi1>, vector<16xf32>, vector<16xf32>)
      %rev3A_631 = arith.constant 15 : i32
      %rev3A_632 = vector.broadcast %rev3A_631 : i32 to vector<16xi32>
      %rev3A_633 = tpu.iota {dimensions = array<i32: 0>} : vector<16xi32>
      %rev3A_634 = arith.subi %rev3A_632, %rev3A_633 : vector<16xi32>
      %rev3A_635 = tpu.dynamic_gather %sort3A_315[%rev3A_634] in [0] : vector<16xf32>, vector<16xi32> -> vector<16xf32>
      %min3A_636 = arith.minimumf %sort3A_311, %rev3A_635 : vector<16xf32>
      %sort3A_637 = arith.constant dense<true> : vector<16xi1>
      %sort3A_638, %sort3A_639, %sort3A_640 = tpu.sort %min3A_636, %min3A_636 masked %sort3A_637 : (vector<16xf32>, vector<16xf32>, vector<16xi1>) -> (vector<16xi1>, vector<16xf32>, vector<16xf32>)
      %max3A_641 = arith.maximumf %sort3A_311, %rev3A_635 : vector<16xf32>
      %sort3A_642 = arith.constant dense<true> : vector<16xi1>
      %sort3A_643, %sort3A_644, %sort3A_645 = tpu.sort %max3A_641, %max3A_641 masked %sort3A_642 : (vector<16xf32>, vector<16xf32>, vector<16xi1>) -> (vector<16xi1>, vector<16xf32>, vector<16xf32>)
      %rev3A_646 = arith.constant 15 : i32
      %rev3A_647 = vector.broadcast %rev3A_646 : i32 to vector<16xi32>
      %rev3A_648 = tpu.iota {dimensions = array<i32: 0>} : vector<16xi32>
      %rev3A_649 = arith.subi %rev3A_647, %rev3A_648 : vector<16xi32>
      %rev3A_650 = tpu.dynamic_gather %sort3A_323[%rev3A_649] in [0] : vector<16xf32>, vector<16xi32> -> vector<16xf32>
      %min3A_651 = arith.minimumf %sort3A_319, %rev3A_650 : vector<16xf32>
      %sort3A_652 = arith.constant dense<true> : vector<16xi1>
      %sort3A_653, %sort3A_654, %sort3A_655 = tpu.sort %min3A_651, %min3A_651 masked %sort3A_652 : (vector<16xf32>, vector<16xf32>, vector<16xi1>) -> (vector<16xi1>, vector<16xf32>, vector<16xf32>)
      %max3A_656 = arith.maximumf %sort3A_319, %rev3A_650 : vector<16xf32>
      %sort3A_657 = arith.constant dense<true> : vector<16xi1>
      %sort3A_658, %sort3A_659, %sort3A_660 = tpu.sort %max3A_656, %max3A_656 masked %sort3A_657 : (vector<16xf32>, vector<16xf32>, vector<16xi1>) -> (vector<16xi1>, vector<16xf32>, vector<16xf32>)
      %rev3A_661 = arith.constant 15 : i32
      %rev3A_662 = vector.broadcast %rev3A_661 : i32 to vector<16xi32>
      %rev3A_663 = tpu.iota {dimensions = array<i32: 0>} : vector<16xi32>
      %rev3A_664 = arith.subi %rev3A_662, %rev3A_663 : vector<16xi32>
      %rev3A_665 = tpu.dynamic_gather %sort3A_331[%rev3A_664] in [0] : vector<16xf32>, vector<16xi32> -> vector<16xf32>
      %min3A_666 = arith.minimumf %sort3A_327, %rev3A_665 : vector<16xf32>
      %sort3A_667 = arith.constant dense<true> : vector<16xi1>
      %sort3A_668, %sort3A_669, %sort3A_670 = tpu.sort %min3A_666, %min3A_666 masked %sort3A_667 : (vector<16xf32>, vector<16xf32>, vector<16xi1>) -> (vector<16xi1>, vector<16xf32>, vector<16xf32>)
      %max3A_671 = arith.maximumf %sort3A_327, %rev3A_665 : vector<16xf32>
      %sort3A_672 = arith.constant dense<true> : vector<16xi1>
      %sort3A_673, %sort3A_674, %sort3A_675 = tpu.sort %max3A_671, %max3A_671 masked %sort3A_672 : (vector<16xf32>, vector<16xf32>, vector<16xi1>) -> (vector<16xi1>, vector<16xf32>, vector<16xf32>)
      %rev3A_676 = arith.constant 15 : i32
      %rev3A_677 = vector.broadcast %rev3A_676 : i32 to vector<16xi32>
      %rev3A_678 = tpu.iota {dimensions = array<i32: 0>} : vector<16xi32>
      %rev3A_679 = arith.subi %rev3A_677, %rev3A_678 : vector<16xi32>
      %rev3A_680 = tpu.dynamic_gather %sort3A_339[%rev3A_679] in [0] : vector<16xf32>, vector<16xi32> -> vector<16xf32>
      %min3A_681 = arith.minimumf %sort3A_335, %rev3A_680 : vector<16xf32>
      %sort3A_682 = arith.constant dense<true> : vector<16xi1>
      %sort3A_683, %sort3A_684, %sort3A_685 = tpu.sort %min3A_681, %min3A_681 masked %sort3A_682 : (vector<16xf32>, vector<16xf32>, vector<16xi1>) -> (vector<16xi1>, vector<16xf32>, vector<16xf32>)
      %max3A_686 = arith.maximumf %sort3A_335, %rev3A_680 : vector<16xf32>
      %sort3A_687 = arith.constant dense<true> : vector<16xi1>
      %sort3A_688, %sort3A_689, %sort3A_690 = tpu.sort %max3A_686, %max3A_686 masked %sort3A_687 : (vector<16xf32>, vector<16xf32>, vector<16xi1>) -> (vector<16xi1>, vector<16xf32>, vector<16xf32>)
      %rev3A_691 = arith.constant 15 : i32
      %rev3A_692 = vector.broadcast %rev3A_691 : i32 to vector<16xi32>
      %rev3A_693 = tpu.iota {dimensions = array<i32: 0>} : vector<16xi32>
      %rev3A_694 = arith.subi %rev3A_692, %rev3A_693 : vector<16xi32>
      %rev3A_695 = tpu.dynamic_gather %sort3A_347[%rev3A_694] in [0] : vector<16xf32>, vector<16xi32> -> vector<16xf32>
      %min3A_696 = arith.minimumf %sort3A_343, %rev3A_695 : vector<16xf32>
      %sort3A_697 = arith.constant dense<true> : vector<16xi1>
      %sort3A_698, %sort3A_699, %sort3A_700 = tpu.sort %min3A_696, %min3A_696 masked %sort3A_697 : (vector<16xf32>, vector<16xf32>, vector<16xi1>) -> (vector<16xi1>, vector<16xf32>, vector<16xf32>)
      %max3A_701 = arith.maximumf %sort3A_343, %rev3A_695 : vector<16xf32>
      %sort3A_702 = arith.constant dense<true> : vector<16xi1>
      %sort3A_703, %sort3A_704, %sort3A_705 = tpu.sort %max3A_701, %max3A_701 masked %sort3A_702 : (vector<16xf32>, vector<16xf32>, vector<16xi1>) -> (vector<16xi1>, vector<16xf32>, vector<16xf32>)
      %rev3A_706 = arith.constant 15 : i32
      %rev3A_707 = vector.broadcast %rev3A_706 : i32 to vector<16xi32>
      %rev3A_708 = tpu.iota {dimensions = array<i32: 0>} : vector<16xi32>
      %rev3A_709 = arith.subi %rev3A_707, %rev3A_708 : vector<16xi32>
      %rev3A_710 = tpu.dynamic_gather %sort3A_374[%rev3A_709] in [0] : vector<16xf32>, vector<16xi32> -> vector<16xf32>
      %max3A_711 = arith.maximumf %sort3A_355, %rev3A_710 : vector<16xf32>
      %rev3A_712 = arith.constant 15 : i32
      %rev3A_713 = vector.broadcast %rev3A_712 : i32 to vector<16xi32>
      %rev3A_714 = tpu.iota {dimensions = array<i32: 0>} : vector<16xi32>
      %rev3A_715 = arith.subi %rev3A_713, %rev3A_714 : vector<16xi32>
      %rev3A_716 = tpu.dynamic_gather %sort3A_369[%rev3A_715] in [0] : vector<16xf32>, vector<16xi32> -> vector<16xf32>
      %max3A_717 = arith.maximumf %sort3A_359, %rev3A_716 : vector<16xf32>
      %min3A_718 = arith.minimumf %max3A_711, %max3A_717 : vector<16xf32>
      %sort3A_719 = arith.constant dense<true> : vector<16xi1>
      %sort3A_720, %sort3A_721, %sort3A_722 = tpu.sort %min3A_718, %min3A_718 masked %sort3A_719 : (vector<16xf32>, vector<16xf32>, vector<16xi1>) -> (vector<16xi1>, vector<16xf32>, vector<16xf32>)
      %max3A_723 = arith.maximumf %max3A_711, %max3A_717 : vector<16xf32>
      %sort3A_724 = arith.constant dense<true> : vector<16xi1>
      %sort3A_725, %sort3A_726, %sort3A_727 = tpu.sort %max3A_723, %max3A_723 masked %sort3A_724 : (vector<16xf32>, vector<16xf32>, vector<16xi1>) -> (vector<16xi1>, vector<16xf32>, vector<16xf32>)
      %rev3A_728 = arith.constant 15 : i32
      %rev3A_729 = vector.broadcast %rev3A_728 : i32 to vector<16xi32>
      %rev3A_730 = tpu.iota {dimensions = array<i32: 0>} : vector<16xi32>
      %rev3A_731 = arith.subi %rev3A_729, %rev3A_730 : vector<16xi32>
      %rev3A_732 = tpu.dynamic_gather %sort3A_404[%rev3A_731] in [0] : vector<16xf32>, vector<16xi32> -> vector<16xf32>
      %max3A_733 = arith.maximumf %sort3A_384, %rev3A_732 : vector<16xf32>
      %rev3A_734 = arith.constant 15 : i32
      %rev3A_735 = vector.broadcast %rev3A_734 : i32 to vector<16xi32>
      %rev3A_736 = tpu.iota {dimensions = array<i32: 0>} : vector<16xi32>
      %rev3A_737 = arith.subi %rev3A_735, %rev3A_736 : vector<16xi32>
      %rev3A_738 = tpu.dynamic_gather %sort3A_399[%rev3A_737] in [0] : vector<16xf32>, vector<16xi32> -> vector<16xf32>
      %max3A_739 = arith.maximumf %sort3A_389, %rev3A_738 : vector<16xf32>
      %min3A_740 = arith.minimumf %max3A_733, %max3A_739 : vector<16xf32>
      %sort3A_741 = arith.constant dense<true> : vector<16xi1>
      %sort3A_742, %sort3A_743, %sort3A_744 = tpu.sort %min3A_740, %min3A_740 masked %sort3A_741 : (vector<16xf32>, vector<16xf32>, vector<16xi1>) -> (vector<16xi1>, vector<16xf32>, vector<16xf32>)
      %max3A_745 = arith.maximumf %max3A_733, %max3A_739 : vector<16xf32>
      %sort3A_746 = arith.constant dense<true> : vector<16xi1>
      %sort3A_747, %sort3A_748, %sort3A_749 = tpu.sort %max3A_745, %max3A_745 masked %sort3A_746 : (vector<16xf32>, vector<16xf32>, vector<16xi1>) -> (vector<16xi1>, vector<16xf32>, vector<16xf32>)
      %rev3A_750 = arith.constant 15 : i32
      %rev3A_751 = vector.broadcast %rev3A_750 : i32 to vector<16xi32>
      %rev3A_752 = tpu.iota {dimensions = array<i32: 0>} : vector<16xi32>
      %rev3A_753 = arith.subi %rev3A_751, %rev3A_752 : vector<16xi32>
      %rev3A_754 = tpu.dynamic_gather %sort3A_434[%rev3A_753] in [0] : vector<16xf32>, vector<16xi32> -> vector<16xf32>
      %max3A_755 = arith.maximumf %sort3A_414, %rev3A_754 : vector<16xf32>
      %rev3A_756 = arith.constant 15 : i32
      %rev3A_757 = vector.broadcast %rev3A_756 : i32 to vector<16xi32>
      %rev3A_758 = tpu.iota {dimensions = array<i32: 0>} : vector<16xi32>
      %rev3A_759 = arith.subi %rev3A_757, %rev3A_758 : vector<16xi32>
      %rev3A_760 = tpu.dynamic_gather %sort3A_429[%rev3A_759] in [0] : vector<16xf32>, vector<16xi32> -> vector<16xf32>
      %max3A_761 = arith.maximumf %sort3A_419, %rev3A_760 : vector<16xf32>
      %min3A_762 = arith.minimumf %max3A_755, %max3A_761 : vector<16xf32>
      %sort3A_763 = arith.constant dense<true> : vector<16xi1>
      %sort3A_764, %sort3A_765, %sort3A_766 = tpu.sort %min3A_762, %min3A_762 masked %sort3A_763 : (vector<16xf32>, vector<16xf32>, vector<16xi1>) -> (vector<16xi1>, vector<16xf32>, vector<16xf32>)
      %max3A_767 = arith.maximumf %max3A_755, %max3A_761 : vector<16xf32>
      %sort3A_768 = arith.constant dense<true> : vector<16xi1>
      %sort3A_769, %sort3A_770, %sort3A_771 = tpu.sort %max3A_767, %max3A_767 masked %sort3A_768 : (vector<16xf32>, vector<16xf32>, vector<16xi1>) -> (vector<16xi1>, vector<16xf32>, vector<16xf32>)
      %rev3A_772 = arith.constant 15 : i32
      %rev3A_773 = vector.broadcast %rev3A_772 : i32 to vector<16xi32>
      %rev3A_774 = tpu.iota {dimensions = array<i32: 0>} : vector<16xi32>
      %rev3A_775 = arith.subi %rev3A_773, %rev3A_774 : vector<16xi32>
      %rev3A_776 = tpu.dynamic_gather %sort3A_464[%rev3A_775] in [0] : vector<16xf32>, vector<16xi32> -> vector<16xf32>
      %max3A_777 = arith.maximumf %sort3A_444, %rev3A_776 : vector<16xf32>
      %rev3A_778 = arith.constant 15 : i32
      %rev3A_779 = vector.broadcast %rev3A_778 : i32 to vector<16xi32>
      %rev3A_780 = tpu.iota {dimensions = array<i32: 0>} : vector<16xi32>
      %rev3A_781 = arith.subi %rev3A_779, %rev3A_780 : vector<16xi32>
      %rev3A_782 = tpu.dynamic_gather %sort3A_459[%rev3A_781] in [0] : vector<16xf32>, vector<16xi32> -> vector<16xf32>
      %max3A_783 = arith.maximumf %sort3A_449, %rev3A_782 : vector<16xf32>
      %min3A_784 = arith.minimumf %max3A_777, %max3A_783 : vector<16xf32>
      %sort3A_785 = arith.constant dense<true> : vector<16xi1>
      %sort3A_786, %sort3A_787, %sort3A_788 = tpu.sort %min3A_784, %min3A_784 masked %sort3A_785 : (vector<16xf32>, vector<16xf32>, vector<16xi1>) -> (vector<16xi1>, vector<16xf32>, vector<16xf32>)
      %max3A_789 = arith.maximumf %max3A_777, %max3A_783 : vector<16xf32>
      %sort3A_790 = arith.constant dense<true> : vector<16xi1>
      %sort3A_791, %sort3A_792, %sort3A_793 = tpu.sort %max3A_789, %max3A_789 masked %sort3A_790 : (vector<16xf32>, vector<16xf32>, vector<16xi1>) -> (vector<16xi1>, vector<16xf32>, vector<16xf32>)
      %rev3A_794 = arith.constant 15 : i32
      %rev3A_795 = vector.broadcast %rev3A_794 : i32 to vector<16xi32>
      %rev3A_796 = tpu.iota {dimensions = array<i32: 0>} : vector<16xi32>
      %rev3A_797 = arith.subi %rev3A_795, %rev3A_796 : vector<16xi32>
      %rev3A_798 = tpu.dynamic_gather %sort3A_494[%rev3A_797] in [0] : vector<16xf32>, vector<16xi32> -> vector<16xf32>
      %max3A_799 = arith.maximumf %sort3A_474, %rev3A_798 : vector<16xf32>
      %rev3A_800 = arith.constant 15 : i32
      %rev3A_801 = vector.broadcast %rev3A_800 : i32 to vector<16xi32>
      %rev3A_802 = tpu.iota {dimensions = array<i32: 0>} : vector<16xi32>
      %rev3A_803 = arith.subi %rev3A_801, %rev3A_802 : vector<16xi32>
      %rev3A_804 = tpu.dynamic_gather %sort3A_489[%rev3A_803] in [0] : vector<16xf32>, vector<16xi32> -> vector<16xf32>
      %max3A_805 = arith.maximumf %sort3A_479, %rev3A_804 : vector<16xf32>
      %min3A_806 = arith.minimumf %max3A_799, %max3A_805 : vector<16xf32>
      %sort3A_807 = arith.constant dense<true> : vector<16xi1>
      %sort3A_808, %sort3A_809, %sort3A_810 = tpu.sort %min3A_806, %min3A_806 masked %sort3A_807 : (vector<16xf32>, vector<16xf32>, vector<16xi1>) -> (vector<16xi1>, vector<16xf32>, vector<16xf32>)
      %max3A_811 = arith.maximumf %max3A_799, %max3A_805 : vector<16xf32>
      %sort3A_812 = arith.constant dense<true> : vector<16xi1>
      %sort3A_813, %sort3A_814, %sort3A_815 = tpu.sort %max3A_811, %max3A_811 masked %sort3A_812 : (vector<16xf32>, vector<16xf32>, vector<16xi1>) -> (vector<16xi1>, vector<16xf32>, vector<16xf32>)
      %rev3A_816 = arith.constant 15 : i32
      %rev3A_817 = vector.broadcast %rev3A_816 : i32 to vector<16xi32>
      %rev3A_818 = tpu.iota {dimensions = array<i32: 0>} : vector<16xi32>
      %rev3A_819 = arith.subi %rev3A_817, %rev3A_818 : vector<16xi32>
      %rev3A_820 = tpu.dynamic_gather %sort3A_524[%rev3A_819] in [0] : vector<16xf32>, vector<16xi32> -> vector<16xf32>
      %max3A_821 = arith.maximumf %sort3A_504, %rev3A_820 : vector<16xf32>
      %rev3A_822 = arith.constant 15 : i32
      %rev3A_823 = vector.broadcast %rev3A_822 : i32 to vector<16xi32>
      %rev3A_824 = tpu.iota {dimensions = array<i32: 0>} : vector<16xi32>
      %rev3A_825 = arith.subi %rev3A_823, %rev3A_824 : vector<16xi32>
      %rev3A_826 = tpu.dynamic_gather %sort3A_519[%rev3A_825] in [0] : vector<16xf32>, vector<16xi32> -> vector<16xf32>
      %max3A_827 = arith.maximumf %sort3A_509, %rev3A_826 : vector<16xf32>
      %min3A_828 = arith.minimumf %max3A_821, %max3A_827 : vector<16xf32>
      %sort3A_829 = arith.constant dense<true> : vector<16xi1>
      %sort3A_830, %sort3A_831, %sort3A_832 = tpu.sort %min3A_828, %min3A_828 masked %sort3A_829 : (vector<16xf32>, vector<16xf32>, vector<16xi1>) -> (vector<16xi1>, vector<16xf32>, vector<16xf32>)
      %max3A_833 = arith.maximumf %max3A_821, %max3A_827 : vector<16xf32>
      %sort3A_834 = arith.constant dense<true> : vector<16xi1>
      %sort3A_835, %sort3A_836, %sort3A_837 = tpu.sort %max3A_833, %max3A_833 masked %sort3A_834 : (vector<16xf32>, vector<16xf32>, vector<16xi1>) -> (vector<16xi1>, vector<16xf32>, vector<16xf32>)
      %rev3A_838 = arith.constant 15 : i32
      %rev3A_839 = vector.broadcast %rev3A_838 : i32 to vector<16xi32>
      %rev3A_840 = tpu.iota {dimensions = array<i32: 0>} : vector<16xi32>
      %rev3A_841 = arith.subi %rev3A_839, %rev3A_840 : vector<16xi32>
      %rev3A_842 = tpu.dynamic_gather %sort3A_554[%rev3A_841] in [0] : vector<16xf32>, vector<16xi32> -> vector<16xf32>
      %max3A_843 = arith.maximumf %sort3A_534, %rev3A_842 : vector<16xf32>
      %rev3A_844 = arith.constant 15 : i32
      %rev3A_845 = vector.broadcast %rev3A_844 : i32 to vector<16xi32>
      %rev3A_846 = tpu.iota {dimensions = array<i32: 0>} : vector<16xi32>
      %rev3A_847 = arith.subi %rev3A_845, %rev3A_846 : vector<16xi32>
      %rev3A_848 = tpu.dynamic_gather %sort3A_549[%rev3A_847] in [0] : vector<16xf32>, vector<16xi32> -> vector<16xf32>
      %max3A_849 = arith.maximumf %sort3A_539, %rev3A_848 : vector<16xf32>
      %min3A_850 = arith.minimumf %max3A_843, %max3A_849 : vector<16xf32>
      %sort3A_851 = arith.constant dense<true> : vector<16xi1>
      %sort3A_852, %sort3A_853, %sort3A_854 = tpu.sort %min3A_850, %min3A_850 masked %sort3A_851 : (vector<16xf32>, vector<16xf32>, vector<16xi1>) -> (vector<16xi1>, vector<16xf32>, vector<16xf32>)
      %max3A_855 = arith.maximumf %max3A_843, %max3A_849 : vector<16xf32>
      %sort3A_856 = arith.constant dense<true> : vector<16xi1>
      %sort3A_857, %sort3A_858, %sort3A_859 = tpu.sort %max3A_855, %max3A_855 masked %sort3A_856 : (vector<16xf32>, vector<16xf32>, vector<16xi1>) -> (vector<16xi1>, vector<16xf32>, vector<16xf32>)
      %rev3A_860 = arith.constant 15 : i32
      %rev3A_861 = vector.broadcast %rev3A_860 : i32 to vector<16xi32>
      %rev3A_862 = tpu.iota {dimensions = array<i32: 0>} : vector<16xi32>
      %rev3A_863 = arith.subi %rev3A_861, %rev3A_862 : vector<16xi32>
      %rev3A_864 = tpu.dynamic_gather %sort3A_584[%rev3A_863] in [0] : vector<16xf32>, vector<16xi32> -> vector<16xf32>
      %max3A_865 = arith.maximumf %sort3A_564, %rev3A_864 : vector<16xf32>
      %rev3A_866 = arith.constant 15 : i32
      %rev3A_867 = vector.broadcast %rev3A_866 : i32 to vector<16xi32>
      %rev3A_868 = tpu.iota {dimensions = array<i32: 0>} : vector<16xi32>
      %rev3A_869 = arith.subi %rev3A_867, %rev3A_868 : vector<16xi32>
      %rev3A_870 = tpu.dynamic_gather %sort3A_579[%rev3A_869] in [0] : vector<16xf32>, vector<16xi32> -> vector<16xf32>
      %max3A_871 = arith.maximumf %sort3A_569, %rev3A_870 : vector<16xf32>
      %min3A_872 = arith.minimumf %max3A_865, %max3A_871 : vector<16xf32>
      %sort3A_873 = arith.constant dense<true> : vector<16xi1>
      %sort3A_874, %sort3A_875, %sort3A_876 = tpu.sort %min3A_872, %min3A_872 masked %sort3A_873 : (vector<16xf32>, vector<16xf32>, vector<16xi1>) -> (vector<16xi1>, vector<16xf32>, vector<16xf32>)
      %max3A_877 = arith.maximumf %max3A_865, %max3A_871 : vector<16xf32>
      %sort3A_878 = arith.constant dense<true> : vector<16xi1>
      %sort3A_879, %sort3A_880, %sort3A_881 = tpu.sort %max3A_877, %max3A_877 masked %sort3A_878 : (vector<16xf32>, vector<16xf32>, vector<16xi1>) -> (vector<16xi1>, vector<16xf32>, vector<16xf32>)
      %rev3A_882 = arith.constant 15 : i32
      %rev3A_883 = vector.broadcast %rev3A_882 : i32 to vector<16xi32>
      %rev3A_884 = tpu.iota {dimensions = array<i32: 0>} : vector<16xi32>
      %rev3A_885 = arith.subi %rev3A_883, %rev3A_884 : vector<16xi32>
      %rev3A_886 = tpu.dynamic_gather %sort3A_614[%rev3A_885] in [0] : vector<16xf32>, vector<16xi32> -> vector<16xf32>
      %max3A_887 = arith.maximumf %sort3A_594, %rev3A_886 : vector<16xf32>
      %rev3A_888 = arith.constant 15 : i32
      %rev3A_889 = vector.broadcast %rev3A_888 : i32 to vector<16xi32>
      %rev3A_890 = tpu.iota {dimensions = array<i32: 0>} : vector<16xi32>
      %rev3A_891 = arith.subi %rev3A_889, %rev3A_890 : vector<16xi32>
      %rev3A_892 = tpu.dynamic_gather %sort3A_609[%rev3A_891] in [0] : vector<16xf32>, vector<16xi32> -> vector<16xf32>
      %max3A_893 = arith.maximumf %sort3A_599, %rev3A_892 : vector<16xf32>
      %min3A_894 = arith.minimumf %max3A_887, %max3A_893 : vector<16xf32>
      %sort3A_895 = arith.constant dense<true> : vector<16xi1>
      %sort3A_896, %sort3A_897, %sort3A_898 = tpu.sort %min3A_894, %min3A_894 masked %sort3A_895 : (vector<16xf32>, vector<16xf32>, vector<16xi1>) -> (vector<16xi1>, vector<16xf32>, vector<16xf32>)
      %max3A_899 = arith.maximumf %max3A_887, %max3A_893 : vector<16xf32>
      %sort3A_900 = arith.constant dense<true> : vector<16xi1>
      %sort3A_901, %sort3A_902, %sort3A_903 = tpu.sort %max3A_899, %max3A_899 masked %sort3A_900 : (vector<16xf32>, vector<16xf32>, vector<16xi1>) -> (vector<16xi1>, vector<16xf32>, vector<16xf32>)
      %rev3A_904 = arith.constant 15 : i32
      %rev3A_905 = vector.broadcast %rev3A_904 : i32 to vector<16xi32>
      %rev3A_906 = tpu.iota {dimensions = array<i32: 0>} : vector<16xi32>
      %rev3A_907 = arith.subi %rev3A_905, %rev3A_906 : vector<16xi32>
      %rev3A_908 = tpu.dynamic_gather %sort3A_644[%rev3A_907] in [0] : vector<16xf32>, vector<16xi32> -> vector<16xf32>
      %max3A_909 = arith.maximumf %sort3A_624, %rev3A_908 : vector<16xf32>
      %rev3A_910 = arith.constant 15 : i32
      %rev3A_911 = vector.broadcast %rev3A_910 : i32 to vector<16xi32>
      %rev3A_912 = tpu.iota {dimensions = array<i32: 0>} : vector<16xi32>
      %rev3A_913 = arith.subi %rev3A_911, %rev3A_912 : vector<16xi32>
      %rev3A_914 = tpu.dynamic_gather %sort3A_639[%rev3A_913] in [0] : vector<16xf32>, vector<16xi32> -> vector<16xf32>
      %max3A_915 = arith.maximumf %sort3A_629, %rev3A_914 : vector<16xf32>
      %min3A_916 = arith.minimumf %max3A_909, %max3A_915 : vector<16xf32>
      %sort3A_917 = arith.constant dense<true> : vector<16xi1>
      %sort3A_918, %sort3A_919, %sort3A_920 = tpu.sort %min3A_916, %min3A_916 masked %sort3A_917 : (vector<16xf32>, vector<16xf32>, vector<16xi1>) -> (vector<16xi1>, vector<16xf32>, vector<16xf32>)
      %max3A_921 = arith.maximumf %max3A_909, %max3A_915 : vector<16xf32>
      %sort3A_922 = arith.constant dense<true> : vector<16xi1>
      %sort3A_923, %sort3A_924, %sort3A_925 = tpu.sort %max3A_921, %max3A_921 masked %sort3A_922 : (vector<16xf32>, vector<16xf32>, vector<16xi1>) -> (vector<16xi1>, vector<16xf32>, vector<16xf32>)
      %rev3A_926 = arith.constant 15 : i32
      %rev3A_927 = vector.broadcast %rev3A_926 : i32 to vector<16xi32>
      %rev3A_928 = tpu.iota {dimensions = array<i32: 0>} : vector<16xi32>
      %rev3A_929 = arith.subi %rev3A_927, %rev3A_928 : vector<16xi32>
      %rev3A_930 = tpu.dynamic_gather %sort3A_674[%rev3A_929] in [0] : vector<16xf32>, vector<16xi32> -> vector<16xf32>
      %max3A_931 = arith.maximumf %sort3A_654, %rev3A_930 : vector<16xf32>
      %rev3A_932 = arith.constant 15 : i32
      %rev3A_933 = vector.broadcast %rev3A_932 : i32 to vector<16xi32>
      %rev3A_934 = tpu.iota {dimensions = array<i32: 0>} : vector<16xi32>
      %rev3A_935 = arith.subi %rev3A_933, %rev3A_934 : vector<16xi32>
      %rev3A_936 = tpu.dynamic_gather %sort3A_669[%rev3A_935] in [0] : vector<16xf32>, vector<16xi32> -> vector<16xf32>
      %max3A_937 = arith.maximumf %sort3A_659, %rev3A_936 : vector<16xf32>
      %min3A_938 = arith.minimumf %max3A_931, %max3A_937 : vector<16xf32>
      %sort3A_939 = arith.constant dense<true> : vector<16xi1>
      %sort3A_940, %sort3A_941, %sort3A_942 = tpu.sort %min3A_938, %min3A_938 masked %sort3A_939 : (vector<16xf32>, vector<16xf32>, vector<16xi1>) -> (vector<16xi1>, vector<16xf32>, vector<16xf32>)
      %max3A_943 = arith.maximumf %max3A_931, %max3A_937 : vector<16xf32>
      %sort3A_944 = arith.constant dense<true> : vector<16xi1>
      %sort3A_945, %sort3A_946, %sort3A_947 = tpu.sort %max3A_943, %max3A_943 masked %sort3A_944 : (vector<16xf32>, vector<16xf32>, vector<16xi1>) -> (vector<16xi1>, vector<16xf32>, vector<16xf32>)
      %rev3A_948 = arith.constant 15 : i32
      %rev3A_949 = vector.broadcast %rev3A_948 : i32 to vector<16xi32>
      %rev3A_950 = tpu.iota {dimensions = array<i32: 0>} : vector<16xi32>
      %rev3A_951 = arith.subi %rev3A_949, %rev3A_950 : vector<16xi32>
      %rev3A_952 = tpu.dynamic_gather %sort3A_704[%rev3A_951] in [0] : vector<16xf32>, vector<16xi32> -> vector<16xf32>
      %max3A_953 = arith.maximumf %sort3A_684, %rev3A_952 : vector<16xf32>
      %rev3A_954 = arith.constant 15 : i32
      %rev3A_955 = vector.broadcast %rev3A_954 : i32 to vector<16xi32>
      %rev3A_956 = tpu.iota {dimensions = array<i32: 0>} : vector<16xi32>
      %rev3A_957 = arith.subi %rev3A_955, %rev3A_956 : vector<16xi32>
      %rev3A_958 = tpu.dynamic_gather %sort3A_699[%rev3A_957] in [0] : vector<16xf32>, vector<16xi32> -> vector<16xf32>
      %max3A_959 = arith.maximumf %sort3A_689, %rev3A_958 : vector<16xf32>
      %min3A_960 = arith.minimumf %max3A_953, %max3A_959 : vector<16xf32>
      %sort3A_961 = arith.constant dense<true> : vector<16xi1>
      %sort3A_962, %sort3A_963, %sort3A_964 = tpu.sort %min3A_960, %min3A_960 masked %sort3A_961 : (vector<16xf32>, vector<16xf32>, vector<16xi1>) -> (vector<16xi1>, vector<16xf32>, vector<16xf32>)
      %max3A_965 = arith.maximumf %max3A_953, %max3A_959 : vector<16xf32>
      %sort3A_966 = arith.constant dense<true> : vector<16xi1>
      %sort3A_967, %sort3A_968, %sort3A_969 = tpu.sort %max3A_965, %max3A_965 masked %sort3A_966 : (vector<16xf32>, vector<16xf32>, vector<16xi1>) -> (vector<16xi1>, vector<16xf32>, vector<16xf32>)
      %rev3A_970 = arith.constant 15 : i32
      %rev3A_971 = vector.broadcast %rev3A_970 : i32 to vector<16xi32>
      %rev3A_972 = tpu.iota {dimensions = array<i32: 0>} : vector<16xi32>
      %rev3A_973 = arith.subi %rev3A_971, %rev3A_972 : vector<16xi32>
      %rev3A_974 = tpu.dynamic_gather %sort3A_748[%rev3A_973] in [0] : vector<16xf32>, vector<16xi32> -> vector<16xf32>
      %max3A_975 = arith.maximumf %sort3A_721, %rev3A_974 : vector<16xf32>
      %rev3A_976 = arith.constant 15 : i32
      %rev3A_977 = vector.broadcast %rev3A_976 : i32 to vector<16xi32>
      %rev3A_978 = tpu.iota {dimensions = array<i32: 0>} : vector<16xi32>
      %rev3A_979 = arith.subi %rev3A_977, %rev3A_978 : vector<16xi32>
      %rev3A_980 = tpu.dynamic_gather %sort3A_743[%rev3A_979] in [0] : vector<16xf32>, vector<16xi32> -> vector<16xf32>
      %max3A_981 = arith.maximumf %sort3A_726, %rev3A_980 : vector<16xf32>
      %min3A_982 = arith.minimumf %max3A_975, %max3A_981 : vector<16xf32>
      %sort3A_983 = arith.constant dense<true> : vector<16xi1>
      %sort3A_984, %sort3A_985, %sort3A_986 = tpu.sort %min3A_982, %min3A_982 masked %sort3A_983 : (vector<16xf32>, vector<16xf32>, vector<16xi1>) -> (vector<16xi1>, vector<16xf32>, vector<16xf32>)
      %max3A_987 = arith.maximumf %max3A_975, %max3A_981 : vector<16xf32>
      %sort3A_988 = arith.constant dense<true> : vector<16xi1>
      %sort3A_989, %sort3A_990, %sort3A_991 = tpu.sort %max3A_987, %max3A_987 masked %sort3A_988 : (vector<16xf32>, vector<16xf32>, vector<16xi1>) -> (vector<16xi1>, vector<16xf32>, vector<16xf32>)
      %rev3A_992 = arith.constant 15 : i32
      %rev3A_993 = vector.broadcast %rev3A_992 : i32 to vector<16xi32>
      %rev3A_994 = tpu.iota {dimensions = array<i32: 0>} : vector<16xi32>
      %rev3A_995 = arith.subi %rev3A_993, %rev3A_994 : vector<16xi32>
      %rev3A_996 = tpu.dynamic_gather %sort3A_792[%rev3A_995] in [0] : vector<16xf32>, vector<16xi32> -> vector<16xf32>
      %max3A_997 = arith.maximumf %sort3A_765, %rev3A_996 : vector<16xf32>
      %rev3A_998 = arith.constant 15 : i32
      %rev3A_999 = vector.broadcast %rev3A_998 : i32 to vector<16xi32>
      %rev3A_1000 = tpu.iota {dimensions = array<i32: 0>} : vector<16xi32>
      %rev3A_1001 = arith.subi %rev3A_999, %rev3A_1000 : vector<16xi32>
      %rev3A_1002 = tpu.dynamic_gather %sort3A_787[%rev3A_1001] in [0] : vector<16xf32>, vector<16xi32> -> vector<16xf32>
      %max3A_1003 = arith.maximumf %sort3A_770, %rev3A_1002 : vector<16xf32>
      %min3A_1004 = arith.minimumf %max3A_997, %max3A_1003 : vector<16xf32>
      %sort3A_1005 = arith.constant dense<true> : vector<16xi1>
      %sort3A_1006, %sort3A_1007, %sort3A_1008 = tpu.sort %min3A_1004, %min3A_1004 masked %sort3A_1005 : (vector<16xf32>, vector<16xf32>, vector<16xi1>) -> (vector<16xi1>, vector<16xf32>, vector<16xf32>)
      %max3A_1009 = arith.maximumf %max3A_997, %max3A_1003 : vector<16xf32>
      %sort3A_1010 = arith.constant dense<true> : vector<16xi1>
      %sort3A_1011, %sort3A_1012, %sort3A_1013 = tpu.sort %max3A_1009, %max3A_1009 masked %sort3A_1010 : (vector<16xf32>, vector<16xf32>, vector<16xi1>) -> (vector<16xi1>, vector<16xf32>, vector<16xf32>)
      %rev3A_1014 = arith.constant 15 : i32
      %rev3A_1015 = vector.broadcast %rev3A_1014 : i32 to vector<16xi32>
      %rev3A_1016 = tpu.iota {dimensions = array<i32: 0>} : vector<16xi32>
      %rev3A_1017 = arith.subi %rev3A_1015, %rev3A_1016 : vector<16xi32>
      %rev3A_1018 = tpu.dynamic_gather %sort3A_836[%rev3A_1017] in [0] : vector<16xf32>, vector<16xi32> -> vector<16xf32>
      %max3A_1019 = arith.maximumf %sort3A_809, %rev3A_1018 : vector<16xf32>
      %rev3A_1020 = arith.constant 15 : i32
      %rev3A_1021 = vector.broadcast %rev3A_1020 : i32 to vector<16xi32>
      %rev3A_1022 = tpu.iota {dimensions = array<i32: 0>} : vector<16xi32>
      %rev3A_1023 = arith.subi %rev3A_1021, %rev3A_1022 : vector<16xi32>
      %rev3A_1024 = tpu.dynamic_gather %sort3A_831[%rev3A_1023] in [0] : vector<16xf32>, vector<16xi32> -> vector<16xf32>
      %max3A_1025 = arith.maximumf %sort3A_814, %rev3A_1024 : vector<16xf32>
      %min3A_1026 = arith.minimumf %max3A_1019, %max3A_1025 : vector<16xf32>
      %sort3A_1027 = arith.constant dense<true> : vector<16xi1>
      %sort3A_1028, %sort3A_1029, %sort3A_1030 = tpu.sort %min3A_1026, %min3A_1026 masked %sort3A_1027 : (vector<16xf32>, vector<16xf32>, vector<16xi1>) -> (vector<16xi1>, vector<16xf32>, vector<16xf32>)
      %max3A_1031 = arith.maximumf %max3A_1019, %max3A_1025 : vector<16xf32>
      %sort3A_1032 = arith.constant dense<true> : vector<16xi1>
      %sort3A_1033, %sort3A_1034, %sort3A_1035 = tpu.sort %max3A_1031, %max3A_1031 masked %sort3A_1032 : (vector<16xf32>, vector<16xf32>, vector<16xi1>) -> (vector<16xi1>, vector<16xf32>, vector<16xf32>)
      %rev3A_1036 = arith.constant 15 : i32
      %rev3A_1037 = vector.broadcast %rev3A_1036 : i32 to vector<16xi32>
      %rev3A_1038 = tpu.iota {dimensions = array<i32: 0>} : vector<16xi32>
      %rev3A_1039 = arith.subi %rev3A_1037, %rev3A_1038 : vector<16xi32>
      %rev3A_1040 = tpu.dynamic_gather %sort3A_880[%rev3A_1039] in [0] : vector<16xf32>, vector<16xi32> -> vector<16xf32>
      %max3A_1041 = arith.maximumf %sort3A_853, %rev3A_1040 : vector<16xf32>
      %rev3A_1042 = arith.constant 15 : i32
      %rev3A_1043 = vector.broadcast %rev3A_1042 : i32 to vector<16xi32>
      %rev3A_1044 = tpu.iota {dimensions = array<i32: 0>} : vector<16xi32>
      %rev3A_1045 = arith.subi %rev3A_1043, %rev3A_1044 : vector<16xi32>
      %rev3A_1046 = tpu.dynamic_gather %sort3A_875[%rev3A_1045] in [0] : vector<16xf32>, vector<16xi32> -> vector<16xf32>
      %max3A_1047 = arith.maximumf %sort3A_858, %rev3A_1046 : vector<16xf32>
      %min3A_1048 = arith.minimumf %max3A_1041, %max3A_1047 : vector<16xf32>
      %sort3A_1049 = arith.constant dense<true> : vector<16xi1>
      %sort3A_1050, %sort3A_1051, %sort3A_1052 = tpu.sort %min3A_1048, %min3A_1048 masked %sort3A_1049 : (vector<16xf32>, vector<16xf32>, vector<16xi1>) -> (vector<16xi1>, vector<16xf32>, vector<16xf32>)
      %max3A_1053 = arith.maximumf %max3A_1041, %max3A_1047 : vector<16xf32>
      %sort3A_1054 = arith.constant dense<true> : vector<16xi1>
      %sort3A_1055, %sort3A_1056, %sort3A_1057 = tpu.sort %max3A_1053, %max3A_1053 masked %sort3A_1054 : (vector<16xf32>, vector<16xf32>, vector<16xi1>) -> (vector<16xi1>, vector<16xf32>, vector<16xf32>)
      %rev3A_1058 = arith.constant 15 : i32
      %rev3A_1059 = vector.broadcast %rev3A_1058 : i32 to vector<16xi32>
      %rev3A_1060 = tpu.iota {dimensions = array<i32: 0>} : vector<16xi32>
      %rev3A_1061 = arith.subi %rev3A_1059, %rev3A_1060 : vector<16xi32>
      %rev3A_1062 = tpu.dynamic_gather %sort3A_924[%rev3A_1061] in [0] : vector<16xf32>, vector<16xi32> -> vector<16xf32>
      %max3A_1063 = arith.maximumf %sort3A_897, %rev3A_1062 : vector<16xf32>
      %rev3A_1064 = arith.constant 15 : i32
      %rev3A_1065 = vector.broadcast %rev3A_1064 : i32 to vector<16xi32>
      %rev3A_1066 = tpu.iota {dimensions = array<i32: 0>} : vector<16xi32>
      %rev3A_1067 = arith.subi %rev3A_1065, %rev3A_1066 : vector<16xi32>
      %rev3A_1068 = tpu.dynamic_gather %sort3A_919[%rev3A_1067] in [0] : vector<16xf32>, vector<16xi32> -> vector<16xf32>
      %max3A_1069 = arith.maximumf %sort3A_902, %rev3A_1068 : vector<16xf32>
      %min3A_1070 = arith.minimumf %max3A_1063, %max3A_1069 : vector<16xf32>
      %sort3A_1071 = arith.constant dense<true> : vector<16xi1>
      %sort3A_1072, %sort3A_1073, %sort3A_1074 = tpu.sort %min3A_1070, %min3A_1070 masked %sort3A_1071 : (vector<16xf32>, vector<16xf32>, vector<16xi1>) -> (vector<16xi1>, vector<16xf32>, vector<16xf32>)
      %max3A_1075 = arith.maximumf %max3A_1063, %max3A_1069 : vector<16xf32>
      %sort3A_1076 = arith.constant dense<true> : vector<16xi1>
      %sort3A_1077, %sort3A_1078, %sort3A_1079 = tpu.sort %max3A_1075, %max3A_1075 masked %sort3A_1076 : (vector<16xf32>, vector<16xf32>, vector<16xi1>) -> (vector<16xi1>, vector<16xf32>, vector<16xf32>)
      %rev3A_1080 = arith.constant 15 : i32
      %rev3A_1081 = vector.broadcast %rev3A_1080 : i32 to vector<16xi32>
      %rev3A_1082 = tpu.iota {dimensions = array<i32: 0>} : vector<16xi32>
      %rev3A_1083 = arith.subi %rev3A_1081, %rev3A_1082 : vector<16xi32>
      %rev3A_1084 = tpu.dynamic_gather %sort3A_968[%rev3A_1083] in [0] : vector<16xf32>, vector<16xi32> -> vector<16xf32>
      %max3A_1085 = arith.maximumf %sort3A_941, %rev3A_1084 : vector<16xf32>
      %rev3A_1086 = arith.constant 15 : i32
      %rev3A_1087 = vector.broadcast %rev3A_1086 : i32 to vector<16xi32>
      %rev3A_1088 = tpu.iota {dimensions = array<i32: 0>} : vector<16xi32>
      %rev3A_1089 = arith.subi %rev3A_1087, %rev3A_1088 : vector<16xi32>
      %rev3A_1090 = tpu.dynamic_gather %sort3A_963[%rev3A_1089] in [0] : vector<16xf32>, vector<16xi32> -> vector<16xf32>
      %max3A_1091 = arith.maximumf %sort3A_946, %rev3A_1090 : vector<16xf32>
      %min3A_1092 = arith.minimumf %max3A_1085, %max3A_1091 : vector<16xf32>
      %sort3A_1093 = arith.constant dense<true> : vector<16xi1>
      %sort3A_1094, %sort3A_1095, %sort3A_1096 = tpu.sort %min3A_1092, %min3A_1092 masked %sort3A_1093 : (vector<16xf32>, vector<16xf32>, vector<16xi1>) -> (vector<16xi1>, vector<16xf32>, vector<16xf32>)
      %max3A_1097 = arith.maximumf %max3A_1085, %max3A_1091 : vector<16xf32>
      %sort3A_1098 = arith.constant dense<true> : vector<16xi1>
      %sort3A_1099, %sort3A_1100, %sort3A_1101 = tpu.sort %max3A_1097, %max3A_1097 masked %sort3A_1098 : (vector<16xf32>, vector<16xf32>, vector<16xi1>) -> (vector<16xi1>, vector<16xf32>, vector<16xf32>)
      %rev3A_1102 = arith.constant 15 : i32
      %rev3A_1103 = vector.broadcast %rev3A_1102 : i32 to vector<16xi32>
      %rev3A_1104 = tpu.iota {dimensions = array<i32: 0>} : vector<16xi32>
      %rev3A_1105 = arith.subi %rev3A_1103, %rev3A_1104 : vector<16xi32>
      %rev3A_1106 = tpu.dynamic_gather %sort3A_1012[%rev3A_1105] in [0] : vector<16xf32>, vector<16xi32> -> vector<16xf32>
      %max3A_1107 = arith.maximumf %sort3A_985, %rev3A_1106 : vector<16xf32>
      %rev3A_1108 = arith.constant 15 : i32
      %rev3A_1109 = vector.broadcast %rev3A_1108 : i32 to vector<16xi32>
      %rev3A_1110 = tpu.iota {dimensions = array<i32: 0>} : vector<16xi32>
      %rev3A_1111 = arith.subi %rev3A_1109, %rev3A_1110 : vector<16xi32>
      %rev3A_1112 = tpu.dynamic_gather %sort3A_1007[%rev3A_1111] in [0] : vector<16xf32>, vector<16xi32> -> vector<16xf32>
      %max3A_1113 = arith.maximumf %sort3A_990, %rev3A_1112 : vector<16xf32>
      %min3A_1114 = arith.minimumf %max3A_1107, %max3A_1113 : vector<16xf32>
      %sort3A_1115 = arith.constant dense<true> : vector<16xi1>
      %sort3A_1116, %sort3A_1117, %sort3A_1118 = tpu.sort %min3A_1114, %min3A_1114 masked %sort3A_1115 : (vector<16xf32>, vector<16xf32>, vector<16xi1>) -> (vector<16xi1>, vector<16xf32>, vector<16xf32>)
      %max3A_1119 = arith.maximumf %max3A_1107, %max3A_1113 : vector<16xf32>
      %sort3A_1120 = arith.constant dense<true> : vector<16xi1>
      %sort3A_1121, %sort3A_1122, %sort3A_1123 = tpu.sort %max3A_1119, %max3A_1119 masked %sort3A_1120 : (vector<16xf32>, vector<16xf32>, vector<16xi1>) -> (vector<16xi1>, vector<16xf32>, vector<16xf32>)
      %rev3A_1124 = arith.constant 15 : i32
      %rev3A_1125 = vector.broadcast %rev3A_1124 : i32 to vector<16xi32>
      %rev3A_1126 = tpu.iota {dimensions = array<i32: 0>} : vector<16xi32>
      %rev3A_1127 = arith.subi %rev3A_1125, %rev3A_1126 : vector<16xi32>
      %rev3A_1128 = tpu.dynamic_gather %sort3A_1056[%rev3A_1127] in [0] : vector<16xf32>, vector<16xi32> -> vector<16xf32>
      %max3A_1129 = arith.maximumf %sort3A_1029, %rev3A_1128 : vector<16xf32>
      %rev3A_1130 = arith.constant 15 : i32
      %rev3A_1131 = vector.broadcast %rev3A_1130 : i32 to vector<16xi32>
      %rev3A_1132 = tpu.iota {dimensions = array<i32: 0>} : vector<16xi32>
      %rev3A_1133 = arith.subi %rev3A_1131, %rev3A_1132 : vector<16xi32>
      %rev3A_1134 = tpu.dynamic_gather %sort3A_1051[%rev3A_1133] in [0] : vector<16xf32>, vector<16xi32> -> vector<16xf32>
      %max3A_1135 = arith.maximumf %sort3A_1034, %rev3A_1134 : vector<16xf32>
      %min3A_1136 = arith.minimumf %max3A_1129, %max3A_1135 : vector<16xf32>
      %sort3A_1137 = arith.constant dense<true> : vector<16xi1>
      %sort3A_1138, %sort3A_1139, %sort3A_1140 = tpu.sort %min3A_1136, %min3A_1136 masked %sort3A_1137 : (vector<16xf32>, vector<16xf32>, vector<16xi1>) -> (vector<16xi1>, vector<16xf32>, vector<16xf32>)
      %max3A_1141 = arith.maximumf %max3A_1129, %max3A_1135 : vector<16xf32>
      %sort3A_1142 = arith.constant dense<true> : vector<16xi1>
      %sort3A_1143, %sort3A_1144, %sort3A_1145 = tpu.sort %max3A_1141, %max3A_1141 masked %sort3A_1142 : (vector<16xf32>, vector<16xf32>, vector<16xi1>) -> (vector<16xi1>, vector<16xf32>, vector<16xf32>)
      %rev3A_1146 = arith.constant 15 : i32
      %rev3A_1147 = vector.broadcast %rev3A_1146 : i32 to vector<16xi32>
      %rev3A_1148 = tpu.iota {dimensions = array<i32: 0>} : vector<16xi32>
      %rev3A_1149 = arith.subi %rev3A_1147, %rev3A_1148 : vector<16xi32>
      %rev3A_1150 = tpu.dynamic_gather %sort3A_1100[%rev3A_1149] in [0] : vector<16xf32>, vector<16xi32> -> vector<16xf32>
      %max3A_1151 = arith.maximumf %sort3A_1073, %rev3A_1150 : vector<16xf32>
      %rev3A_1152 = arith.constant 15 : i32
      %rev3A_1153 = vector.broadcast %rev3A_1152 : i32 to vector<16xi32>
      %rev3A_1154 = tpu.iota {dimensions = array<i32: 0>} : vector<16xi32>
      %rev3A_1155 = arith.subi %rev3A_1153, %rev3A_1154 : vector<16xi32>
      %rev3A_1156 = tpu.dynamic_gather %sort3A_1095[%rev3A_1155] in [0] : vector<16xf32>, vector<16xi32> -> vector<16xf32>
      %max3A_1157 = arith.maximumf %sort3A_1078, %rev3A_1156 : vector<16xf32>
      %min3A_1158 = arith.minimumf %max3A_1151, %max3A_1157 : vector<16xf32>
      %sort3A_1159 = arith.constant dense<true> : vector<16xi1>
      %sort3A_1160, %sort3A_1161, %sort3A_1162 = tpu.sort %min3A_1158, %min3A_1158 masked %sort3A_1159 : (vector<16xf32>, vector<16xf32>, vector<16xi1>) -> (vector<16xi1>, vector<16xf32>, vector<16xf32>)
      %max3A_1163 = arith.maximumf %max3A_1151, %max3A_1157 : vector<16xf32>
      %sort3A_1164 = arith.constant dense<true> : vector<16xi1>
      %sort3A_1165, %sort3A_1166, %sort3A_1167 = tpu.sort %max3A_1163, %max3A_1163 masked %sort3A_1164 : (vector<16xf32>, vector<16xf32>, vector<16xi1>) -> (vector<16xi1>, vector<16xf32>, vector<16xf32>)
      %rev3A_1168 = arith.constant 15 : i32
      %rev3A_1169 = vector.broadcast %rev3A_1168 : i32 to vector<16xi32>
      %rev3A_1170 = tpu.iota {dimensions = array<i32: 0>} : vector<16xi32>
      %rev3A_1171 = arith.subi %rev3A_1169, %rev3A_1170 : vector<16xi32>
      %rev3A_1172 = tpu.dynamic_gather %sort3A_1144[%rev3A_1171] in [0] : vector<16xf32>, vector<16xi32> -> vector<16xf32>
      %max3A_1173 = arith.maximumf %sort3A_1117, %rev3A_1172 : vector<16xf32>
      %rev3A_1174 = arith.constant 15 : i32
      %rev3A_1175 = vector.broadcast %rev3A_1174 : i32 to vector<16xi32>
      %rev3A_1176 = tpu.iota {dimensions = array<i32: 0>} : vector<16xi32>
      %rev3A_1177 = arith.subi %rev3A_1175, %rev3A_1176 : vector<16xi32>
      %rev3A_1178 = tpu.dynamic_gather %sort3A_1139[%rev3A_1177] in [0] : vector<16xf32>, vector<16xi32> -> vector<16xf32>
      %max3A_1179 = arith.maximumf %sort3A_1122, %rev3A_1178 : vector<16xf32>
      %min3A_1180 = arith.minimumf %max3A_1173, %max3A_1179 : vector<16xf32>
      %sort3A_1181 = arith.constant dense<true> : vector<16xi1>
      %sort3A_1182, %sort3A_1183, %sort3A_1184 = tpu.sort %min3A_1180, %min3A_1180 masked %sort3A_1181 : (vector<16xf32>, vector<16xf32>, vector<16xi1>) -> (vector<16xi1>, vector<16xf32>, vector<16xf32>)
      %max3A_1185 = arith.maximumf %max3A_1173, %max3A_1179 : vector<16xf32>
      %sort3A_1186 = arith.constant dense<true> : vector<16xi1>
      %sort3A_1187, %sort3A_1188, %sort3A_1189 = tpu.sort %max3A_1185, %max3A_1185 masked %sort3A_1186 : (vector<16xf32>, vector<16xf32>, vector<16xi1>) -> (vector<16xi1>, vector<16xf32>, vector<16xf32>)
      %rev3A_1190 = arith.constant 15 : i32
      %rev3A_1191 = vector.broadcast %rev3A_1190 : i32 to vector<16xi32>
      %rev3A_1192 = tpu.iota {dimensions = array<i32: 0>} : vector<16xi32>
      %rev3A_1193 = arith.subi %rev3A_1191, %rev3A_1192 : vector<16xi32>
      %rev3A_1194 = tpu.dynamic_gather %sort3A_1166[%rev3A_1193] in [0] : vector<16xf32>, vector<16xi32> -> vector<16xf32>
      %max3A_1195 = arith.maximumf %sort3A_1183, %rev3A_1194 : vector<16xf32>
      %rev3A_1196 = arith.constant 15 : i32
      %rev3A_1197 = vector.broadcast %rev3A_1196 : i32 to vector<16xi32>
      %rev3A_1198 = tpu.iota {dimensions = array<i32: 0>} : vector<16xi32>
      %rev3A_1199 = arith.subi %rev3A_1197, %rev3A_1198 : vector<16xi32>
      %rev3A_1200 = tpu.dynamic_gather %sort3A_1161[%rev3A_1199] in [0] : vector<16xf32>, vector<16xi32> -> vector<16xf32>
      %max3A_1201 = arith.maximumf %sort3A_1188, %rev3A_1200 : vector<16xf32>
      %min3A_1202 = arith.minimumf %max3A_1195, %max3A_1201 : vector<16xf32>
      %reduce_min3A = arith.constant true
      %reduce_min3A_1203 = vector.broadcast %reduce_min3A : i1 to vector<16xi1>
      %reduce_min3A_1204 = tpu.scan <min>, %min3A_1202 masked %reduce_min3A_1203 : vector<16xf32>, vector<16xi1> -> vector<16xf32>
      %reduce_min3A_1205 = vector.extract %reduce_min3A_1204[15] : f32 from vector<16xf32>
      %broadcast_in_dim3A = vector.broadcast %reduce_min3A_1205 : f32 to vector<16xf32>
      %mul3A_1206 = arith.constant 128 : i32
      %mul3A_1207 = arith.muli %add3A_14, %mul3A_1206 : i32
      %swap3A = arith.index_cast %mul3A_1207 : i32 to index
      %swap3A_1208 = tpu.vector_load %arg5[%swap3A] {strides = array<i32>} : memref<6144xf32, #tpu.memory_space<vmem>>, vector<16xf32>,
      tpu.vector_store %arg5[%swap3A], %broadcast_in_dim3A {strides = array<i32>} : memref<6144xf32, #tpu.memory_space<vmem>>, vector<16xf32>,
      %mul3A_1209 = arith.constant 2 : i32
      %mul3A_1210 = arith.muli %scan3A_10, %mul3A_1209 : i32
      %add3A_1211 = arith.constant 1 : i32
      %add3A_1212 = arith.addi %mul3A_1210, %add3A_1211 : i32
      %get3A_1213 = arith.index_cast %add3A_1212 : i32 to index
      %get3A_1214 = arith.constant 0 : index
      %get3A_1215 = tpu.vector_load %arg4[%get3A_1213, %get3A_1214] {strides = array<i32>} : memref<48x768xf32, #tpu.memory_space<vmem>>, vector<16xf32>,
      %get3A_1216 = arith.index_cast %add3A_1212 : i32 to index
      %get3A_1217 = arith.constant 16 : index
      %get3A_1218 = tpu.vector_load %arg4[%get3A_1216, %get3A_1217] {strides = array<i32>} : memref<48x768xf32, #tpu.memory_space<vmem>>, vector<16xf32>,
      %get3A_1219 = arith.index_cast %add3A_1212 : i32 to index
      %get3A_1220 = arith.constant 32 : index
      %get3A_1221 = tpu.vector_load %arg4[%get3A_1219, %get3A_1220] {strides = array<i32>} : memref<48x768xf32, #tpu.memory_space<vmem>>, vector<16xf32>,
      %get3A_1222 = arith.index_cast %add3A_1212 : i32 to index
      %get3A_1223 = arith.constant 48 : index
      %get3A_1224 = tpu.vector_load %arg4[%get3A_1222, %get3A_1223] {strides = array<i32>} : memref<48x768xf32, #tpu.memory_space<vmem>>, vector<16xf32>,
      %get3A_1225 = arith.index_cast %add3A_1212 : i32 to index
      %get3A_1226 = arith.constant 64 : index
      %get3A_1227 = tpu.vector_load %arg4[%get3A_1225, %get3A_1226] {strides = array<i32>} : memref<48x768xf32, #tpu.memory_space<vmem>>, vector<16xf32>,
      %get3A_1228 = arith.index_cast %add3A_1212 : i32 to index
      %get3A_1229 = arith.constant 80 : index
      %get3A_1230 = tpu.vector_load %arg4[%get3A_1228, %get3A_1229] {strides = array<i32>} : memref<48x768xf32, #tpu.memory_space<vmem>>, vector<16xf32>,
      %get3A_1231 = arith.index_cast %add3A_1212 : i32 to index
      %get3A_1232 = arith.constant 96 : index
      %get3A_1233 = tpu.vector_load %arg4[%get3A_1231, %get3A_1232] {strides = array<i32>} : memref<48x768xf32, #tpu.memory_space<vmem>>, vector<16xf32>,
      %get3A_1234 = arith.index_cast %add3A_1212 : i32 to index
      %get3A_1235 = arith.constant 112 : index
      %get3A_1236 = tpu.vector_load %arg4[%get3A_1234, %get3A_1235] {strides = array<i32>} : memref<48x768xf32, #tpu.memory_space<vmem>>, vector<16xf32>,
      %get3A_1237 = arith.index_cast %add3A_1212 : i32 to index
      %get3A_1238 = arith.constant 128 : index
      %get3A_1239 = tpu.vector_load %arg4[%get3A_1237, %get3A_1238] {strides = array<i32>} : memref<48x768xf32, #tpu.memory_space<vmem>>, vector<16xf32>,
      %get3A_1240 = arith.index_cast %add3A_1212 : i32 to index
      %get3A_1241 = arith.constant 144 : index
      %get3A_1242 = tpu.vector_load %arg4[%get3A_1240, %get3A_1241] {strides = array<i32>} : memref<48x768xf32, #tpu.memory_space<vmem>>, vector<16xf32>,
      %get3A_1243 = arith.index_cast %add3A_1212 : i32 to index
      %get3A_1244 = arith.constant 160 : index
      %get3A_1245 = tpu.vector_load %arg4[%get3A_1243, %get3A_1244] {strides = array<i32>} : memref<48x768xf32, #tpu.memory_space<vmem>>, vector<16xf32>,
      %get3A_1246 = arith.index_cast %add3A_1212 : i32 to index
      %get3A_1247 = arith.constant 176 : index
      %get3A_1248 = tpu.vector_load %arg4[%get3A_1246, %get3A_1247] {strides = array<i32>} : memref<48x768xf32, #tpu.memory_space<vmem>>, vector<16xf32>,
      %get3A_1249 = arith.index_cast %add3A_1212 : i32 to index
      %get3A_1250 = arith.constant 192 : index
      %get3A_1251 = tpu.vector_load %arg4[%get3A_1249, %get3A_1250] {strides = array<i32>} : memref<48x768xf32, #tpu.memory_space<vmem>>, vector<16xf32>,
      %get3A_1252 = arith.index_cast %add3A_1212 : i32 to index
      %get3A_1253 = arith.constant 208 : index
      %get3A_1254 = tpu.vector_load %arg4[%get3A_1252, %get3A_1253] {strides = array<i32>} : memref<48x768xf32, #tpu.memory_space<vmem>>, vector<16xf32>,
      %get3A_1255 = arith.index_cast %add3A_1212 : i32 to index
      %get3A_1256 = arith.constant 224 : index
      %get3A_1257 = tpu.vector_load %arg4[%get3A_1255, %get3A_1256] {strides = array<i32>} : memref<48x768xf32, #tpu.memory_space<vmem>>, vector<16xf32>,
      %get3A_1258 = arith.index_cast %add3A_1212 : i32 to index
      %get3A_1259 = arith.constant 240 : index
      %get3A_1260 = tpu.vector_load %arg4[%get3A_1258, %get3A_1259] {strides = array<i32>} : memref<48x768xf32, #tpu.memory_space<vmem>>, vector<16xf32>,
      %get3A_1261 = arith.index_cast %add3A_1212 : i32 to index
      %get3A_1262 = arith.constant 256 : index
      %get3A_1263 = tpu.vector_load %arg4[%get3A_1261, %get3A_1262] {strides = array<i32>} : memref<48x768xf32, #tpu.memory_space<vmem>>, vector<16xf32>,
      %get3A_1264 = arith.index_cast %add3A_1212 : i32 to index
      %get3A_1265 = arith.constant 272 : index
      %get3A_1266 = tpu.vector_load %arg4[%get3A_1264, %get3A_1265] {strides = array<i32>} : memref<48x768xf32, #tpu.memory_space<vmem>>, vector<16xf32>,
      %get3A_1267 = arith.index_cast %add3A_1212 : i32 to index
      %get3A_1268 = arith.constant 288 : index
      %get3A_1269 = tpu.vector_load %arg4[%get3A_1267, %get3A_1268] {strides = array<i32>} : memref<48x768xf32, #tpu.memory_space<vmem>>, vector<16xf32>,
      %get3A_1270 = arith.index_cast %add3A_1212 : i32 to index
      %get3A_1271 = arith.constant 304 : index
      %get3A_1272 = tpu.vector_load %arg4[%get3A_1270, %get3A_1271] {strides = array<i32>} : memref<48x768xf32, #tpu.memory_space<vmem>>, vector<16xf32>,
      %get3A_1273 = arith.index_cast %add3A_1212 : i32 to index
      %get3A_1274 = arith.constant 320 : index
      %get3A_1275 = tpu.vector_load %arg4[%get3A_1273, %get3A_1274] {strides = array<i32>} : memref<48x768xf32, #tpu.memory_space<vmem>>, vector<16xf32>,
      %get3A_1276 = arith.index_cast %add3A_1212 : i32 to index
      %get3A_1277 = arith.constant 336 : index
      %get3A_1278 = tpu.vector_load %arg4[%get3A_1276, %get3A_1277] {strides = array<i32>} : memref<48x768xf32, #tpu.memory_space<vmem>>, vector<16xf32>,
      %get3A_1279 = arith.index_cast %add3A_1212 : i32 to index
      %get3A_1280 = arith.constant 352 : index
      %get3A_1281 = tpu.vector_load %arg4[%get3A_1279, %get3A_1280] {strides = array<i32>} : memref<48x768xf32, #tpu.memory_space<vmem>>, vector<16xf32>,
      %get3A_1282 = arith.index_cast %add3A_1212 : i32 to index
      %get3A_1283 = arith.constant 368 : index
      %get3A_1284 = tpu.vector_load %arg4[%get3A_1282, %get3A_1283] {strides = array<i32>} : memref<48x768xf32, #tpu.memory_space<vmem>>, vector<16xf32>,
      %get3A_1285 = arith.index_cast %add3A_1212 : i32 to index
      %get3A_1286 = arith.constant 384 : index
      %get3A_1287 = tpu.vector_load %arg4[%get3A_1285, %get3A_1286] {strides = array<i32>} : memref<48x768xf32, #tpu.memory_space<vmem>>, vector<16xf32>,
      %get3A_1288 = arith.index_cast %add3A_1212 : i32 to index
      %get3A_1289 = arith.constant 400 : index
      %get3A_1290 = tpu.vector_load %arg4[%get3A_1288, %get3A_1289] {strides = array<i32>} : memref<48x768xf32, #tpu.memory_space<vmem>>, vector<16xf32>,
      %get3A_1291 = arith.index_cast %add3A_1212 : i32 to index
      %get3A_1292 = arith.constant 416 : index
      %get3A_1293 = tpu.vector_load %arg4[%get3A_1291, %get3A_1292] {strides = array<i32>} : memref<48x768xf32, #tpu.memory_space<vmem>>, vector<16xf32>,
      %get3A_1294 = arith.index_cast %add3A_1212 : i32 to index
      %get3A_1295 = arith.constant 432 : index
      %get3A_1296 = tpu.vector_load %arg4[%get3A_1294, %get3A_1295] {strides = array<i32>} : memref<48x768xf32, #tpu.memory_space<vmem>>, vector<16xf32>,
      %get3A_1297 = arith.index_cast %add3A_1212 : i32 to index
      %get3A_1298 = arith.constant 448 : index
      %get3A_1299 = tpu.vector_load %arg4[%get3A_1297, %get3A_1298] {strides = array<i32>} : memref<48x768xf32, #tpu.memory_space<vmem>>, vector<16xf32>,
      %get3A_1300 = arith.index_cast %add3A_1212 : i32 to index
      %get3A_1301 = arith.constant 464 : index
      %get3A_1302 = tpu.vector_load %arg4[%get3A_1300, %get3A_1301] {strides = array<i32>} : memref<48x768xf32, #tpu.memory_space<vmem>>, vector<16xf32>,
      %get3A_1303 = arith.index_cast %add3A_1212 : i32 to index
      %get3A_1304 = arith.constant 480 : index
      %get3A_1305 = tpu.vector_load %arg4[%get3A_1303, %get3A_1304] {strides = array<i32>} : memref<48x768xf32, #tpu.memory_space<vmem>>, vector<16xf32>,
      %get3A_1306 = arith.index_cast %add3A_1212 : i32 to index
      %get3A_1307 = arith.constant 496 : index
      %get3A_1308 = tpu.vector_load %arg4[%get3A_1306, %get3A_1307] {strides = array<i32>} : memref<48x768xf32, #tpu.memory_space<vmem>>, vector<16xf32>,
      %get3A_1309 = arith.index_cast %add3A_1212 : i32 to index
      %get3A_1310 = arith.constant 512 : index
      %get3A_1311 = tpu.vector_load %arg4[%get3A_1309, %get3A_1310] {strides = array<i32>} : memref<48x768xf32, #tpu.memory_space<vmem>>, vector<16xf32>,
      %get3A_1312 = arith.index_cast %add3A_1212 : i32 to index
      %get3A_1313 = arith.constant 528 : index
      %get3A_1314 = tpu.vector_load %arg4[%get3A_1312, %get3A_1313] {strides = array<i32>} : memref<48x768xf32, #tpu.memory_space<vmem>>, vector<16xf32>,
      %get3A_1315 = arith.index_cast %add3A_1212 : i32 to index
      %get3A_1316 = arith.constant 544 : index
      %get3A_1317 = tpu.vector_load %arg4[%get3A_1315, %get3A_1316] {strides = array<i32>} : memref<48x768xf32, #tpu.memory_space<vmem>>, vector<16xf32>,
      %get3A_1318 = arith.index_cast %add3A_1212 : i32 to index
      %get3A_1319 = arith.constant 560 : index
      %get3A_1320 = tpu.vector_load %arg4[%get3A_1318, %get3A_1319] {strides = array<i32>} : memref<48x768xf32, #tpu.memory_space<vmem>>, vector<16xf32>,
      %get3A_1321 = arith.index_cast %add3A_1212 : i32 to index
      %get3A_1322 = arith.constant 576 : index
      %get3A_1323 = tpu.vector_load %arg4[%get3A_1321, %get3A_1322] {strides = array<i32>} : memref<48x768xf32, #tpu.memory_space<vmem>>, vector<16xf32>,
      %get3A_1324 = arith.index_cast %add3A_1212 : i32 to index
      %get3A_1325 = arith.constant 592 : index
      %get3A_1326 = tpu.vector_load %arg4[%get3A_1324, %get3A_1325] {strides = array<i32>} : memref<48x768xf32, #tpu.memory_space<vmem>>, vector<16xf32>,
      %get3A_1327 = arith.index_cast %add3A_1212 : i32 to index
      %get3A_1328 = arith.constant 608 : index
      %get3A_1329 = tpu.vector_load %arg4[%get3A_1327, %get3A_1328] {strides = array<i32>} : memref<48x768xf32, #tpu.memory_space<vmem>>, vector<16xf32>,
      %get3A_1330 = arith.index_cast %add3A_1212 : i32 to index
      %get3A_1331 = arith.constant 624 : index
      %get3A_1332 = tpu.vector_load %arg4[%get3A_1330, %get3A_1331] {strides = array<i32>} : memref<48x768xf32, #tpu.memory_space<vmem>>, vector<16xf32>,
      %get3A_1333 = arith.index_cast %add3A_1212 : i32 to index
      %get3A_1334 = arith.constant 640 : index
      %get3A_1335 = tpu.vector_load %arg4[%get3A_1333, %get3A_1334] {strides = array<i32>} : memref<48x768xf32, #tpu.memory_space<vmem>>, vector<16xf32>,
      %get3A_1336 = arith.index_cast %add3A_1212 : i32 to index
      %get3A_1337 = arith.constant 656 : index
      %get3A_1338 = tpu.vector_load %arg4[%get3A_1336, %get3A_1337] {strides = array<i32>} : memref<48x768xf32, #tpu.memory_space<vmem>>, vector<16xf32>,
      %get3A_1339 = arith.index_cast %add3A_1212 : i32 to index
      %get3A_1340 = arith.constant 672 : index
      %get3A_1341 = tpu.vector_load %arg4[%get3A_1339, %get3A_1340] {strides = array<i32>} : memref<48x768xf32, #tpu.memory_space<vmem>>, vector<16xf32>,
      %get3A_1342 = arith.index_cast %add3A_1212 : i32 to index
      %get3A_1343 = arith.constant 688 : index
      %get3A_1344 = tpu.vector_load %arg4[%get3A_1342, %get3A_1343] {strides = array<i32>} : memref<48x768xf32, #tpu.memory_space<vmem>>, vector<16xf32>,
      %get3A_1345 = arith.index_cast %add3A_1212 : i32 to index
      %get3A_1346 = arith.constant 704 : index
      %get3A_1347 = tpu.vector_load %arg4[%get3A_1345, %get3A_1346] {strides = array<i32>} : memref<48x768xf32, #tpu.memory_space<vmem>>, vector<16xf32>,
      %get3A_1348 = arith.index_cast %add3A_1212 : i32 to index
      %get3A_1349 = arith.constant 720 : index
      %get3A_1350 = tpu.vector_load %arg4[%get3A_1348, %get3A_1349] {strides = array<i32>} : memref<48x768xf32, #tpu.memory_space<vmem>>, vector<16xf32>,
      %get3A_1351 = arith.index_cast %add3A_1212 : i32 to index
      %get3A_1352 = arith.constant 736 : index
      %get3A_1353 = tpu.vector_load %arg4[%get3A_1351, %get3A_1352] {strides = array<i32>} : memref<48x768xf32, #tpu.memory_space<vmem>>, vector<16xf32>,
      %get3A_1354 = arith.index_cast %add3A_1212 : i32 to index
      %get3A_1355 = arith.constant 752 : index
      %get3A_1356 = tpu.vector_load %arg4[%get3A_1354, %get3A_1355] {strides = array<i32>} : memref<48x768xf32, #tpu.memory_space<vmem>>, vector<16xf32>,
      %sort3A_1357 = arith.constant dense<true> : vector<16xi1>
      %sort3A_1358, %sort3A_1359, %sort3A_1360 = tpu.sort %get3A_1215, %get3A_1215 masked %sort3A_1357 : (vector<16xf32>, vector<16xf32>, vector<16xi1>) -> (vector<16xi1>, vector<16xf32>, vector<16xf32>)
      %sort3A_1361 = arith.constant dense<true> : vector<16xi1>
      %sort3A_1362, %sort3A_1363, %sort3A_1364 = tpu.sort %get3A_1218, %get3A_1218 masked %sort3A_1361 : (vector<16xf32>, vector<16xf32>, vector<16xi1>) -> (vector<16xi1>, vector<16xf32>, vector<16xf32>)
      %sort3A_1365 = arith.constant dense<true> : vector<16xi1>
      %sort3A_1366, %sort3A_1367, %sort3A_1368 = tpu.sort %get3A_1221, %get3A_1221 masked %sort3A_1365 : (vector<16xf32>, vector<16xf32>, vector<16xi1>) -> (vector<16xi1>, vector<16xf32>, vector<16xf32>)
      %sort3A_1369 = arith.constant dense<true> : vector<16xi1>
      %sort3A_1370, %sort3A_1371, %sort3A_1372 = tpu.sort %get3A_1224, %get3A_1224 masked %sort3A_1369 : (vector<16xf32>, vector<16xf32>, vector<16xi1>) -> (vector<16xi1>, vector<16xf32>, vector<16xf32>)
      %sort3A_1373 = arith.constant dense<true> : vector<16xi1>
      %sort3A_1374, %sort3A_1375, %sort3A_1376 = tpu.sort %get3A_1227, %get3A_1227 masked %sort3A_1373 : (vector<16xf32>, vector<16xf32>, vector<16xi1>) -> (vector<16xi1>, vector<16xf32>, vector<16xf32>)
      %sort3A_1377 = arith.constant dense<true> : vector<16xi1>
      %sort3A_1378, %sort3A_1379, %sort3A_1380 = tpu.sort %get3A_1230, %get3A_1230 masked %sort3A_1377 : (vector<16xf32>, vector<16xf32>, vector<16xi1>) -> (vector<16xi1>, vector<16xf32>, vector<16xf32>)
      %sort3A_1381 = arith.constant dense<true> : vector<16xi1>
      %sort3A_1382, %sort3A_1383, %sort3A_1384 = tpu.sort %get3A_1233, %get3A_1233 masked %sort3A_1381 : (vector<16xf32>, vector<16xf32>, vector<16xi1>) -> (vector<16xi1>, vector<16xf32>, vector<16xf32>)
      %sort3A_1385 = arith.constant dense<true> : vector<16xi1>
      %sort3A_1386, %sort3A_1387, %sort3A_1388 = tpu.sort %get3A_1236, %get3A_1236 masked %sort3A_1385 : (vector<16xf32>, vector<16xf32>, vector<16xi1>) -> (vector<16xi1>, vector<16xf32>, vector<16xf32>)
      %sort3A_1389 = arith.constant dense<true> : vector<16xi1>
      %sort3A_1390, %sort3A_1391, %sort3A_1392 = tpu.sort %get3A_1239, %get3A_1239 masked %sort3A_1389 : (vector<16xf32>, vector<16xf32>, vector<16xi1>) -> (vector<16xi1>, vector<16xf32>, vector<16xf32>)
      %sort3A_1393 = arith.constant dense<true> : vector<16xi1>
      %sort3A_1394, %sort3A_1395, %sort3A_1396 = tpu.sort %get3A_1242, %get3A_1242 masked %sort3A_1393 : (vector<16xf32>, vector<16xf32>, vector<16xi1>) -> (vector<16xi1>, vector<16xf32>, vector<16xf32>)
      %sort3A_1397 = arith.constant dense<true> : vector<16xi1>
      %sort3A_1398, %sort3A_1399, %sort3A_1400 = tpu.sort %get3A_1245, %get3A_1245 masked %sort3A_1397 : (vector<16xf32>, vector<16xf32>, vector<16xi1>) -> (vector<16xi1>, vector<16xf32>, vector<16xf32>)
      %sort3A_1401 = arith.constant dense<true> : vector<16xi1>
      %sort3A_1402, %sort3A_1403, %sort3A_1404 = tpu.sort %get3A_1248, %get3A_1248 masked %sort3A_1401 : (vector<16xf32>, vector<16xf32>, vector<16xi1>) -> (vector<16xi1>, vector<16xf32>, vector<16xf32>)
      %sort3A_1405 = arith.constant dense<true> : vector<16xi1>
      %sort3A_1406, %sort3A_1407, %sort3A_1408 = tpu.sort %get3A_1251, %get3A_1251 masked %sort3A_1405 : (vector<16xf32>, vector<16xf32>, vector<16xi1>) -> (vector<16xi1>, vector<16xf32>, vector<16xf32>)
      %sort3A_1409 = arith.constant dense<true> : vector<16xi1>
      %sort3A_1410, %sort3A_1411, %sort3A_1412 = tpu.sort %get3A_1254, %get3A_1254 masked %sort3A_1409 : (vector<16xf32>, vector<16xf32>, vector<16xi1>) -> (vector<16xi1>, vector<16xf32>, vector<16xf32>)
      %sort3A_1413 = arith.constant dense<true> : vector<16xi1>
      %sort3A_1414, %sort3A_1415, %sort3A_1416 = tpu.sort %get3A_1257, %get3A_1257 masked %sort3A_1413 : (vector<16xf32>, vector<16xf32>, vector<16xi1>) -> (vector<16xi1>, vector<16xf32>, vector<16xf32>)
      %sort3A_1417 = arith.constant dense<true> : vector<16xi1>
      %sort3A_1418, %sort3A_1419, %sort3A_1420 = tpu.sort %get3A_1260, %get3A_1260 masked %sort3A_1417 : (vector<16xf32>, vector<16xf32>, vector<16xi1>) -> (vector<16xi1>, vector<16xf32>, vector<16xf32>)
      %sort3A_1421 = arith.constant dense<true> : vector<16xi1>
      %sort3A_1422, %sort3A_1423, %sort3A_1424 = tpu.sort %get3A_1263, %get3A_1263 masked %sort3A_1421 : (vector<16xf32>, vector<16xf32>, vector<16xi1>) -> (vector<16xi1>, vector<16xf32>, vector<16xf32>)
      %sort3A_1425 = arith.constant dense<true> : vector<16xi1>
      %sort3A_1426, %sort3A_1427, %sort3A_1428 = tpu.sort %get3A_1266, %get3A_1266 masked %sort3A_1425 : (vector<16xf32>, vector<16xf32>, vector<16xi1>) -> (vector<16xi1>, vector<16xf32>, vector<16xf32>)
      %sort3A_1429 = arith.constant dense<true> : vector<16xi1>
      %sort3A_1430, %sort3A_1431, %sort3A_1432 = tpu.sort %get3A_1269, %get3A_1269 masked %sort3A_1429 : (vector<16xf32>, vector<16xf32>, vector<16xi1>) -> (vector<16xi1>, vector<16xf32>, vector<16xf32>)
      %sort3A_1433 = arith.constant dense<true> : vector<16xi1>
      %sort3A_1434, %sort3A_1435, %sort3A_1436 = tpu.sort %get3A_1272, %get3A_1272 masked %sort3A_1433 : (vector<16xf32>, vector<16xf32>, vector<16xi1>) -> (vector<16xi1>, vector<16xf32>, vector<16xf32>)
      %sort3A_1437 = arith.constant dense<true> : vector<16xi1>
      %sort3A_1438, %sort3A_1439, %sort3A_1440 = tpu.sort %get3A_1275, %get3A_1275 masked %sort3A_1437 : (vector<16xf32>, vector<16xf32>, vector<16xi1>) -> (vector<16xi1>, vector<16xf32>, vector<16xf32>)
      %sort3A_1441 = arith.constant dense<true> : vector<16xi1>
      %sort3A_1442, %sort3A_1443, %sort3A_1444 = tpu.sort %get3A_1278, %get3A_1278 masked %sort3A_1441 : (vector<16xf32>, vector<16xf32>, vector<16xi1>) -> (vector<16xi1>, vector<16xf32>, vector<16xf32>)
      %sort3A_1445 = arith.constant dense<true> : vector<16xi1>
      %sort3A_1446, %sort3A_1447, %sort3A_1448 = tpu.sort %get3A_1281, %get3A_1281 masked %sort3A_1445 : (vector<16xf32>, vector<16xf32>, vector<16xi1>) -> (vector<16xi1>, vector<16xf32>, vector<16xf32>)
      %sort3A_1449 = arith.constant dense<true> : vector<16xi1>
      %sort3A_1450, %sort3A_1451, %sort3A_1452 = tpu.sort %get3A_1284, %get3A_1284 masked %sort3A_1449 : (vector<16xf32>, vector<16xf32>, vector<16xi1>) -> (vector<16xi1>, vector<16xf32>, vector<16xf32>)
      %sort3A_1453 = arith.constant dense<true> : vector<16xi1>
      %sort3A_1454, %sort3A_1455, %sort3A_1456 = tpu.sort %get3A_1287, %get3A_1287 masked %sort3A_1453 : (vector<16xf32>, vector<16xf32>, vector<16xi1>) -> (vector<16xi1>, vector<16xf32>, vector<16xf32>)
      %sort3A_1457 = arith.constant dense<true> : vector<16xi1>
      %sort3A_1458, %sort3A_1459, %sort3A_1460 = tpu.sort %get3A_1290, %get3A_1290 masked %sort3A_1457 : (vector<16xf32>, vector<16xf32>, vector<16xi1>) -> (vector<16xi1>, vector<16xf32>, vector<16xf32>)
      %sort3A_1461 = arith.constant dense<true> : vector<16xi1>
      %sort3A_1462, %sort3A_1463, %sort3A_1464 = tpu.sort %get3A_1293, %get3A_1293 masked %sort3A_1461 : (vector<16xf32>, vector<16xf32>, vector<16xi1>) -> (vector<16xi1>, vector<16xf32>, vector<16xf32>)
      %sort3A_1465 = arith.constant dense<true> : vector<16xi1>
      %sort3A_1466, %sort3A_1467, %sort3A_1468 = tpu.sort %get3A_1296, %get3A_1296 masked %sort3A_1465 : (vector<16xf32>, vector<16xf32>, vector<16xi1>) -> (vector<16xi1>, vector<16xf32>, vector<16xf32>)
      %sort3A_1469 = arith.constant dense<true> : vector<16xi1>
      %sort3A_1470, %sort3A_1471, %sort3A_1472 = tpu.sort %get3A_1299, %get3A_1299 masked %sort3A_1469 : (vector<16xf32>, vector<16xf32>, vector<16xi1>) -> (vector<16xi1>, vector<16xf32>, vector<16xf32>)
      %sort3A_1473 = arith.constant dense<true> : vector<16xi1>
      %sort3A_1474, %sort3A_1475, %sort3A_1476 = tpu.sort %get3A_1302, %get3A_1302 masked %sort3A_1473 : (vector<16xf32>, vector<16xf32>, vector<16xi1>) -> (vector<16xi1>, vector<16xf32>, vector<16xf32>)
      %sort3A_1477 = arith.constant dense<true> : vector<16xi1>
      %sort3A_1478, %sort3A_1479, %sort3A_1480 = tpu.sort %get3A_1305, %get3A_1305 masked %sort3A_1477 : (vector<16xf32>, vector<16xf32>, vector<16xi1>) -> (vector<16xi1>, vector<16xf32>, vector<16xf32>)
      %sort3A_1481 = arith.constant dense<true> : vector<16xi1>
      %sort3A_1482, %sort3A_1483, %sort3A_1484 = tpu.sort %get3A_1308, %get3A_1308 masked %sort3A_1481 : (vector<16xf32>, vector<16xf32>, vector<16xi1>) -> (vector<16xi1>, vector<16xf32>, vector<16xf32>)
      %sort3A_1485 = arith.constant dense<true> : vector<16xi1>
      %sort3A_1486, %sort3A_1487, %sort3A_1488 = tpu.sort %get3A_1311, %get3A_1311 masked %sort3A_1485 : (vector<16xf32>, vector<16xf32>, vector<16xi1>) -> (vector<16xi1>, vector<16xf32>, vector<16xf32>)
      %sort3A_1489 = arith.constant dense<true> : vector<16xi1>
      %sort3A_1490, %sort3A_1491, %sort3A_1492 = tpu.sort %get3A_1314, %get3A_1314 masked %sort3A_1489 : (vector<16xf32>, vector<16xf32>, vector<16xi1>) -> (vector<16xi1>, vector<16xf32>, vector<16xf32>)
      %sort3A_1493 = arith.constant dense<true> : vector<16xi1>
      %sort3A_1494, %sort3A_1495, %sort3A_1496 = tpu.sort %get3A_1317, %get3A_1317 masked %sort3A_1493 : (vector<16xf32>, vector<16xf32>, vector<16xi1>) -> (vector<16xi1>, vector<16xf32>, vector<16xf32>)
      %sort3A_1497 = arith.constant dense<true> : vector<16xi1>
      %sort3A_1498, %sort3A_1499, %sort3A_1500 = tpu.sort %get3A_1320, %get3A_1320 masked %sort3A_1497 : (vector<16xf32>, vector<16xf32>, vector<16xi1>) -> (vector<16xi1>, vector<16xf32>, vector<16xf32>)
      %sort3A_1501 = arith.constant dense<true> : vector<16xi1>
      %sort3A_1502, %sort3A_1503, %sort3A_1504 = tpu.sort %get3A_1323, %get3A_1323 masked %sort3A_1501 : (vector<16xf32>, vector<16xf32>, vector<16xi1>) -> (vector<16xi1>, vector<16xf32>, vector<16xf32>)
      %sort3A_1505 = arith.constant dense<true> : vector<16xi1>
      %sort3A_1506, %sort3A_1507, %sort3A_1508 = tpu.sort %get3A_1326, %get3A_1326 masked %sort3A_1505 : (vector<16xf32>, vector<16xf32>, vector<16xi1>) -> (vector<16xi1>, vector<16xf32>, vector<16xf32>)
      %sort3A_1509 = arith.constant dense<true> : vector<16xi1>
      %sort3A_1510, %sort3A_1511, %sort3A_1512 = tpu.sort %get3A_1329, %get3A_1329 masked %sort3A_1509 : (vector<16xf32>, vector<16xf32>, vector<16xi1>) -> (vector<16xi1>, vector<16xf32>, vector<16xf32>)
      %sort3A_1513 = arith.constant dense<true> : vector<16xi1>
      %sort3A_1514, %sort3A_1515, %sort3A_1516 = tpu.sort %get3A_1332, %get3A_1332 masked %sort3A_1513 : (vector<16xf32>, vector<16xf32>, vector<16xi1>) -> (vector<16xi1>, vector<16xf32>, vector<16xf32>)
      %sort3A_1517 = arith.constant dense<true> : vector<16xi1>
      %sort3A_1518, %sort3A_1519, %sort3A_1520 = tpu.sort %get3A_1335, %get3A_1335 masked %sort3A_1517 : (vector<16xf32>, vector<16xf32>, vector<16xi1>) -> (vector<16xi1>, vector<16xf32>, vector<16xf32>)
      %sort3A_1521 = arith.constant dense<true> : vector<16xi1>
      %sort3A_1522, %sort3A_1523, %sort3A_1524 = tpu.sort %get3A_1338, %get3A_1338 masked %sort3A_1521 : (vector<16xf32>, vector<16xf32>, vector<16xi1>) -> (vector<16xi1>, vector<16xf32>, vector<16xf32>)
      %sort3A_1525 = arith.constant dense<true> : vector<16xi1>
      %sort3A_1526, %sort3A_1527, %sort3A_1528 = tpu.sort %get3A_1341, %get3A_1341 masked %sort3A_1525 : (vector<16xf32>, vector<16xf32>, vector<16xi1>) -> (vector<16xi1>, vector<16xf32>, vector<16xf32>)
      %sort3A_1529 = arith.constant dense<true> : vector<16xi1>
      %sort3A_1530, %sort3A_1531, %sort3A_1532 = tpu.sort %get3A_1344, %get3A_1344 masked %sort3A_1529 : (vector<16xf32>, vector<16xf32>, vector<16xi1>) -> (vector<16xi1>, vector<16xf32>, vector<16xf32>)
      %sort3A_1533 = arith.constant dense<true> : vector<16xi1>
      %sort3A_1534, %sort3A_1535, %sort3A_1536 = tpu.sort %get3A_1347, %get3A_1347 masked %sort3A_1533 : (vector<16xf32>, vector<16xf32>, vector<16xi1>) -> (vector<16xi1>, vector<16xf32>, vector<16xf32>)
      %sort3A_1537 = arith.constant dense<true> : vector<16xi1>
      %sort3A_1538, %sort3A_1539, %sort3A_1540 = tpu.sort %get3A_1350, %get3A_1350 masked %sort3A_1537 : (vector<16xf32>, vector<16xf32>, vector<16xi1>) -> (vector<16xi1>, vector<16xf32>, vector<16xf32>)
      %sort3A_1541 = arith.constant dense<true> : vector<16xi1>
      %sort3A_1542, %sort3A_1543, %sort3A_1544 = tpu.sort %get3A_1353, %get3A_1353 masked %sort3A_1541 : (vector<16xf32>, vector<16xf32>, vector<16xi1>) -> (vector<16xi1>, vector<16xf32>, vector<16xf32>)
      %sort3A_1545 = arith.constant dense<true> : vector<16xi1>
      %sort3A_1546, %sort3A_1547, %sort3A_1548 = tpu.sort %get3A_1356, %get3A_1356 masked %sort3A_1545 : (vector<16xf32>, vector<16xf32>, vector<16xi1>) -> (vector<16xi1>, vector<16xf32>, vector<16xf32>)
      %rev3A_1549 = arith.constant 15 : i32
      %rev3A_1550 = vector.broadcast %rev3A_1549 : i32 to vector<16xi32>
      %rev3A_1551 = tpu.iota {dimensions = array<i32: 0>} : vector<16xi32>
      %rev3A_1552 = arith.subi %rev3A_1550, %rev3A_1551 : vector<16xi32>
      %rev3A_1553 = tpu.dynamic_gather %sort3A_1363[%rev3A_1552] in [0] : vector<16xf32>, vector<16xi32> -> vector<16xf32>
      %min3A_1554 = arith.minimumf %sort3A_1359, %rev3A_1553 : vector<16xf32>
      %sort3A_1555 = arith.constant dense<true> : vector<16xi1>
      %sort3A_1556, %sort3A_1557, %sort3A_1558 = tpu.sort %min3A_1554, %min3A_1554 masked %sort3A_1555 : (vector<16xf32>, vector<16xf32>, vector<16xi1>) -> (vector<16xi1>, vector<16xf32>, vector<16xf32>)
      %max3A_1559 = arith.maximumf %sort3A_1359, %rev3A_1553 : vector<16xf32>
      %sort3A_1560 = arith.constant dense<true> : vector<16xi1>
      %sort3A_1561, %sort3A_1562, %sort3A_1563 = tpu.sort %max3A_1559, %max3A_1559 masked %sort3A_1560 : (vector<16xf32>, vector<16xf32>, vector<16xi1>) -> (vector<16xi1>, vector<16xf32>, vector<16xf32>)
      %rev3A_1564 = arith.constant 15 : i32
      %rev3A_1565 = vector.broadcast %rev3A_1564 : i32 to vector<16xi32>
      %rev3A_1566 = tpu.iota {dimensions = array<i32: 0>} : vector<16xi32>
      %rev3A_1567 = arith.subi %rev3A_1565, %rev3A_1566 : vector<16xi32>
      %rev3A_1568 = tpu.dynamic_gather %sort3A_1371[%rev3A_1567] in [0] : vector<16xf32>, vector<16xi32> -> vector<16xf32>
      %min3A_1569 = arith.minimumf %sort3A_1367, %rev3A_1568 : vector<16xf32>
      %sort3A_1570 = arith.constant dense<true> : vector<16xi1>
      %sort3A_1571, %sort3A_1572, %sort3A_1573 = tpu.sort %min3A_1569, %min3A_1569 masked %sort3A_1570 : (vector<16xf32>, vector<16xf32>, vector<16xi1>) -> (vector<16xi1>, vector<16xf32>, vector<16xf32>)
      %max3A_1574 = arith.maximumf %sort3A_1367, %rev3A_1568 : vector<16xf32>
      %sort3A_1575 = arith.constant dense<true> : vector<16xi1>
      %sort3A_1576, %sort3A_1577, %sort3A_1578 = tpu.sort %max3A_1574, %max3A_1574 masked %sort3A_1575 : (vector<16xf32>, vector<16xf32>, vector<16xi1>) -> (vector<16xi1>, vector<16xf32>, vector<16xf32>)
      %rev3A_1579 = arith.constant 15 : i32
      %rev3A_1580 = vector.broadcast %rev3A_1579 : i32 to vector<16xi32>
      %rev3A_1581 = tpu.iota {dimensions = array<i32: 0>} : vector<16xi32>
      %rev3A_1582 = arith.subi %rev3A_1580, %rev3A_1581 : vector<16xi32>
      %rev3A_1583 = tpu.dynamic_gather %sort3A_1379[%rev3A_1582] in [0] : vector<16xf32>, vector<16xi32> -> vector<16xf32>
      %min3A_1584 = arith.minimumf %sort3A_1375, %rev3A_1583 : vector<16xf32>
      %sort3A_1585 = arith.constant dense<true> : vector<16xi1>
      %sort3A_1586, %sort3A_1587, %sort3A_1588 = tpu.sort %min3A_1584, %min3A_1584 masked %sort3A_1585 : (vector<16xf32>, vector<16xf32>, vector<16xi1>) -> (vector<16xi1>, vector<16xf32>, vector<16xf32>)
      %max3A_1589 = arith.maximumf %sort3A_1375, %rev3A_1583 : vector<16xf32>
      %sort3A_1590 = arith.constant dense<true> : vector<16xi1>
      %sort3A_1591, %sort3A_1592, %sort3A_1593 = tpu.sort %max3A_1589, %max3A_1589 masked %sort3A_1590 : (vector<16xf32>, vector<16xf32>, vector<16xi1>) -> (vector<16xi1>, vector<16xf32>, vector<16xf32>)
      %rev3A_1594 = arith.constant 15 : i32
      %rev3A_1595 = vector.broadcast %rev3A_1594 : i32 to vector<16xi32>
      %rev3A_1596 = tpu.iota {dimensions = array<i32: 0>} : vector<16xi32>
      %rev3A_1597 = arith.subi %rev3A_1595, %rev3A_1596 : vector<16xi32>
      %rev3A_1598 = tpu.dynamic_gather %sort3A_1387[%rev3A_1597] in [0] : vector<16xf32>, vector<16xi32> -> vector<16xf32>
      %min3A_1599 = arith.minimumf %sort3A_1383, %rev3A_1598 : vector<16xf32>
      %sort3A_1600 = arith.constant dense<true> : vector<16xi1>
      %sort3A_1601, %sort3A_1602, %sort3A_1603 = tpu.sort %min3A_1599, %min3A_1599 masked %sort3A_1600 : (vector<16xf32>, vector<16xf32>, vector<16xi1>) -> (vector<16xi1>, vector<16xf32>, vector<16xf32>)
      %max3A_1604 = arith.maximumf %sort3A_1383, %rev3A_1598 : vector<16xf32>
      %sort3A_1605 = arith.constant dense<true> : vector<16xi1>
      %sort3A_1606, %sort3A_1607, %sort3A_1608 = tpu.sort %max3A_1604, %max3A_1604 masked %sort3A_1605 : (vector<16xf32>, vector<16xf32>, vector<16xi1>) -> (vector<16xi1>, vector<16xf32>, vector<16xf32>)
      %rev3A_1609 = arith.constant 15 : i32
      %rev3A_1610 = vector.broadcast %rev3A_1609 : i32 to vector<16xi32>
      %rev3A_1611 = tpu.iota {dimensions = array<i32: 0>} : vector<16xi32>
      %rev3A_1612 = arith.subi %rev3A_1610, %rev3A_1611 : vector<16xi32>
      %rev3A_1613 = tpu.dynamic_gather %sort3A_1395[%rev3A_1612] in [0] : vector<16xf32>, vector<16xi32> -> vector<16xf32>
      %min3A_1614 = arith.minimumf %sort3A_1391, %rev3A_1613 : vector<16xf32>
      %sort3A_1615 = arith.constant dense<true> : vector<16xi1>
      %sort3A_1616, %sort3A_1617, %sort3A_1618 = tpu.sort %min3A_1614, %min3A_1614 masked %sort3A_1615 : (vector<16xf32>, vector<16xf32>, vector<16xi1>) -> (vector<16xi1>, vector<16xf32>, vector<16xf32>)
      %max3A_1619 = arith.maximumf %sort3A_1391, %rev3A_1613 : vector<16xf32>
      %sort3A_1620 = arith.constant dense<true> : vector<16xi1>
      %sort3A_1621, %sort3A_1622, %sort3A_1623 = tpu.sort %max3A_1619, %max3A_1619 masked %sort3A_1620 : (vector<16xf32>, vector<16xf32>, vector<16xi1>) -> (vector<16xi1>, vector<16xf32>, vector<16xf32>)
      %rev3A_1624 = arith.constant 15 : i32
      %rev3A_1625 = vector.broadcast %rev3A_1624 : i32 to vector<16xi32>
      %rev3A_1626 = tpu.iota {dimensions = array<i32: 0>} : vector<16xi32>
      %rev3A_1627 = arith.subi %rev3A_1625, %rev3A_1626 : vector<16xi32>
      %rev3A_1628 = tpu.dynamic_gather %sort3A_1403[%rev3A_1627] in [0] : vector<16xf32>, vector<16xi32> -> vector<16xf32>
      %min3A_1629 = arith.minimumf %sort3A_1399, %rev3A_1628 : vector<16xf32>
      %sort3A_1630 = arith.constant dense<true> : vector<16xi1>
      %sort3A_1631, %sort3A_1632, %sort3A_1633 = tpu.sort %min3A_1629, %min3A_1629 masked %sort3A_1630 : (vector<16xf32>, vector<16xf32>, vector<16xi1>) -> (vector<16xi1>, vector<16xf32>, vector<16xf32>)
      %max3A_1634 = arith.maximumf %sort3A_1399, %rev3A_1628 : vector<16xf32>
      %sort3A_1635 = arith.constant dense<true> : vector<16xi1>
      %sort3A_1636, %sort3A_1637, %sort3A_1638 = tpu.sort %max3A_1634, %max3A_1634 masked %sort3A_1635 : (vector<16xf32>, vector<16xf32>, vector<16xi1>) -> (vector<16xi1>, vector<16xf32>, vector<16xf32>)
      %rev3A_1639 = arith.constant 15 : i32
      %rev3A_1640 = vector.broadcast %rev3A_1639 : i32 to vector<16xi32>
      %rev3A_1641 = tpu.iota {dimensions = array<i32: 0>} : vector<16xi32>
      %rev3A_1642 = arith.subi %rev3A_1640, %rev3A_1641 : vector<16xi32>
      %rev3A_1643 = tpu.dynamic_gather %sort3A_1411[%rev3A_1642] in [0] : vector<16xf32>, vector<16xi32> -> vector<16xf32>
      %min3A_1644 = arith.minimumf %sort3A_1407, %rev3A_1643 : vector<16xf32>
      %sort3A_1645 = arith.constant dense<true> : vector<16xi1>
      %sort3A_1646, %sort3A_1647, %sort3A_1648 = tpu.sort %min3A_1644, %min3A_1644 masked %sort3A_1645 : (vector<16xf32>, vector<16xf32>, vector<16xi1>) -> (vector<16xi1>, vector<16xf32>, vector<16xf32>)
      %max3A_1649 = arith.maximumf %sort3A_1407, %rev3A_1643 : vector<16xf32>
      %sort3A_1650 = arith.constant dense<true> : vector<16xi1>
      %sort3A_1651, %sort3A_1652, %sort3A_1653 = tpu.sort %max3A_1649, %max3A_1649 masked %sort3A_1650 : (vector<16xf32>, vector<16xf32>, vector<16xi1>) -> (vector<16xi1>, vector<16xf32>, vector<16xf32>)
      %rev3A_1654 = arith.constant 15 : i32
      %rev3A_1655 = vector.broadcast %rev3A_1654 : i32 to vector<16xi32>
      %rev3A_1656 = tpu.iota {dimensions = array<i32: 0>} : vector<16xi32>
      %rev3A_1657 = arith.subi %rev3A_1655, %rev3A_1656 : vector<16xi32>
      %rev3A_1658 = tpu.dynamic_gather %sort3A_1419[%rev3A_1657] in [0] : vector<16xf32>, vector<16xi32> -> vector<16xf32>
      %min3A_1659 = arith.minimumf %sort3A_1415, %rev3A_1658 : vector<16xf32>
      %sort3A_1660 = arith.constant dense<true> : vector<16xi1>
      %sort3A_1661, %sort3A_1662, %sort3A_1663 = tpu.sort %min3A_1659, %min3A_1659 masked %sort3A_1660 : (vector<16xf32>, vector<16xf32>, vector<16xi1>) -> (vector<16xi1>, vector<16xf32>, vector<16xf32>)
      %max3A_1664 = arith.maximumf %sort3A_1415, %rev3A_1658 : vector<16xf32>
      %sort3A_1665 = arith.constant dense<true> : vector<16xi1>
      %sort3A_1666, %sort3A_1667, %sort3A_1668 = tpu.sort %max3A_1664, %max3A_1664 masked %sort3A_1665 : (vector<16xf32>, vector<16xf32>, vector<16xi1>) -> (vector<16xi1>, vector<16xf32>, vector<16xf32>)
      %rev3A_1669 = arith.constant 15 : i32
      %rev3A_1670 = vector.broadcast %rev3A_1669 : i32 to vector<16xi32>
      %rev3A_1671 = tpu.iota {dimensions = array<i32: 0>} : vector<16xi32>
      %rev3A_1672 = arith.subi %rev3A_1670, %rev3A_1671 : vector<16xi32>
      %rev3A_1673 = tpu.dynamic_gather %sort3A_1427[%rev3A_1672] in [0] : vector<16xf32>, vector<16xi32> -> vector<16xf32>
      %min3A_1674 = arith.minimumf %sort3A_1423, %rev3A_1673 : vector<16xf32>
      %sort3A_1675 = arith.constant dense<true> : vector<16xi1>
      %sort3A_1676, %sort3A_1677, %sort3A_1678 = tpu.sort %min3A_1674, %min3A_1674 masked %sort3A_1675 : (vector<16xf32>, vector<16xf32>, vector<16xi1>) -> (vector<16xi1>, vector<16xf32>, vector<16xf32>)
      %max3A_1679 = arith.maximumf %sort3A_1423, %rev3A_1673 : vector<16xf32>
      %sort3A_1680 = arith.constant dense<true> : vector<16xi1>
      %sort3A_1681, %sort3A_1682, %sort3A_1683 = tpu.sort %max3A_1679, %max3A_1679 masked %sort3A_1680 : (vector<16xf32>, vector<16xf32>, vector<16xi1>) -> (vector<16xi1>, vector<16xf32>, vector<16xf32>)
      %rev3A_1684 = arith.constant 15 : i32
      %rev3A_1685 = vector.broadcast %rev3A_1684 : i32 to vector<16xi32>
      %rev3A_1686 = tpu.iota {dimensions = array<i32: 0>} : vector<16xi32>
      %rev3A_1687 = arith.subi %rev3A_1685, %rev3A_1686 : vector<16xi32>
      %rev3A_1688 = tpu.dynamic_gather %sort3A_1435[%rev3A_1687] in [0] : vector<16xf32>, vector<16xi32> -> vector<16xf32>
      %min3A_1689 = arith.minimumf %sort3A_1431, %rev3A_1688 : vector<16xf32>
      %sort3A_1690 = arith.constant dense<true> : vector<16xi1>
      %sort3A_1691, %sort3A_1692, %sort3A_1693 = tpu.sort %min3A_1689, %min3A_1689 masked %sort3A_1690 : (vector<16xf32>, vector<16xf32>, vector<16xi1>) -> (vector<16xi1>, vector<16xf32>, vector<16xf32>)
      %max3A_1694 = arith.maximumf %sort3A_1431, %rev3A_1688 : vector<16xf32>
      %sort3A_1695 = arith.constant dense<true> : vector<16xi1>
      %sort3A_1696, %sort3A_1697, %sort3A_1698 = tpu.sort %max3A_1694, %max3A_1694 masked %sort3A_1695 : (vector<16xf32>, vector<16xf32>, vector<16xi1>) -> (vector<16xi1>, vector<16xf32>, vector<16xf32>)
      %rev3A_1699 = arith.constant 15 : i32
      %rev3A_1700 = vector.broadcast %rev3A_1699 : i32 to vector<16xi32>
      %rev3A_1701 = tpu.iota {dimensions = array<i32: 0>} : vector<16xi32>
      %rev3A_1702 = arith.subi %rev3A_1700, %rev3A_1701 : vector<16xi32>
      %rev3A_1703 = tpu.dynamic_gather %sort3A_1443[%rev3A_1702] in [0] : vector<16xf32>, vector<16xi32> -> vector<16xf32>
      %min3A_1704 = arith.minimumf %sort3A_1439, %rev3A_1703 : vector<16xf32>
      %sort3A_1705 = arith.constant dense<true> : vector<16xi1>
      %sort3A_1706, %sort3A_1707, %sort3A_1708 = tpu.sort %min3A_1704, %min3A_1704 masked %sort3A_1705 : (vector<16xf32>, vector<16xf32>, vector<16xi1>) -> (vector<16xi1>, vector<16xf32>, vector<16xf32>)
      %max3A_1709 = arith.maximumf %sort3A_1439, %rev3A_1703 : vector<16xf32>
      %sort3A_1710 = arith.constant dense<true> : vector<16xi1>
      %sort3A_1711, %sort3A_1712, %sort3A_1713 = tpu.sort %max3A_1709, %max3A_1709 masked %sort3A_1710 : (vector<16xf32>, vector<16xf32>, vector<16xi1>) -> (vector<16xi1>, vector<16xf32>, vector<16xf32>)
      %rev3A_1714 = arith.constant 15 : i32
      %rev3A_1715 = vector.broadcast %rev3A_1714 : i32 to vector<16xi32>
      %rev3A_1716 = tpu.iota {dimensions = array<i32: 0>} : vector<16xi32>
      %rev3A_1717 = arith.subi %rev3A_1715, %rev3A_1716 : vector<16xi32>
      %rev3A_1718 = tpu.dynamic_gather %sort3A_1451[%rev3A_1717] in [0] : vector<16xf32>, vector<16xi32> -> vector<16xf32>
      %min3A_1719 = arith.minimumf %sort3A_1447, %rev3A_1718 : vector<16xf32>
      %sort3A_1720 = arith.constant dense<true> : vector<16xi1>
      %sort3A_1721, %sort3A_1722, %sort3A_1723 = tpu.sort %min3A_1719, %min3A_1719 masked %sort3A_1720 : (vector<16xf32>, vector<16xf32>, vector<16xi1>) -> (vector<16xi1>, vector<16xf32>, vector<16xf32>)
      %max3A_1724 = arith.maximumf %sort3A_1447, %rev3A_1718 : vector<16xf32>
      %sort3A_1725 = arith.constant dense<true> : vector<16xi1>
      %sort3A_1726, %sort3A_1727, %sort3A_1728 = tpu.sort %max3A_1724, %max3A_1724 masked %sort3A_1725 : (vector<16xf32>, vector<16xf32>, vector<16xi1>) -> (vector<16xi1>, vector<16xf32>, vector<16xf32>)
      %rev3A_1729 = arith.constant 15 : i32
      %rev3A_1730 = vector.broadcast %rev3A_1729 : i32 to vector<16xi32>
      %rev3A_1731 = tpu.iota {dimensions = array<i32: 0>} : vector<16xi32>
      %rev3A_1732 = arith.subi %rev3A_1730, %rev3A_1731 : vector<16xi32>
      %rev3A_1733 = tpu.dynamic_gather %sort3A_1459[%rev3A_1732] in [0] : vector<16xf32>, vector<16xi32> -> vector<16xf32>
      %min3A_1734 = arith.minimumf %sort3A_1455, %rev3A_1733 : vector<16xf32>
      %sort3A_1735 = arith.constant dense<true> : vector<16xi1>
      %sort3A_1736, %sort3A_1737, %sort3A_1738 = tpu.sort %min3A_1734, %min3A_1734 masked %sort3A_1735 : (vector<16xf32>, vector<16xf32>, vector<16xi1>) -> (vector<16xi1>, vector<16xf32>, vector<16xf32>)
      %max3A_1739 = arith.maximumf %sort3A_1455, %rev3A_1733 : vector<16xf32>
      %sort3A_1740 = arith.constant dense<true> : vector<16xi1>
      %sort3A_1741, %sort3A_1742, %sort3A_1743 = tpu.sort %max3A_1739, %max3A_1739 masked %sort3A_1740 : (vector<16xf32>, vector<16xf32>, vector<16xi1>) -> (vector<16xi1>, vector<16xf32>, vector<16xf32>)
      %rev3A_1744 = arith.constant 15 : i32
      %rev3A_1745 = vector.broadcast %rev3A_1744 : i32 to vector<16xi32>
      %rev3A_1746 = tpu.iota {dimensions = array<i32: 0>} : vector<16xi32>
      %rev3A_1747 = arith.subi %rev3A_1745, %rev3A_1746 : vector<16xi32>
      %rev3A_1748 = tpu.dynamic_gather %sort3A_1467[%rev3A_1747] in [0] : vector<16xf32>, vector<16xi32> -> vector<16xf32>
      %min3A_1749 = arith.minimumf %sort3A_1463, %rev3A_1748 : vector<16xf32>
      %sort3A_1750 = arith.constant dense<true> : vector<16xi1>
      %sort3A_1751, %sort3A_1752, %sort3A_1753 = tpu.sort %min3A_1749, %min3A_1749 masked %sort3A_1750 : (vector<16xf32>, vector<16xf32>, vector<16xi1>) -> (vector<16xi1>, vector<16xf32>, vector<16xf32>)
      %max3A_1754 = arith.maximumf %sort3A_1463, %rev3A_1748 : vector<16xf32>
      %sort3A_1755 = arith.constant dense<true> : vector<16xi1>
      %sort3A_1756, %sort3A_1757, %sort3A_1758 = tpu.sort %max3A_1754, %max3A_1754 masked %sort3A_1755 : (vector<16xf32>, vector<16xf32>, vector<16xi1>) -> (vector<16xi1>, vector<16xf32>, vector<16xf32>)
      %rev3A_1759 = arith.constant 15 : i32
      %rev3A_1760 = vector.broadcast %rev3A_1759 : i32 to vector<16xi32>
      %rev3A_1761 = tpu.iota {dimensions = array<i32: 0>} : vector<16xi32>
      %rev3A_1762 = arith.subi %rev3A_1760, %rev3A_1761 : vector<16xi32>
      %rev3A_1763 = tpu.dynamic_gather %sort3A_1475[%rev3A_1762] in [0] : vector<16xf32>, vector<16xi32> -> vector<16xf32>
      %min3A_1764 = arith.minimumf %sort3A_1471, %rev3A_1763 : vector<16xf32>
      %sort3A_1765 = arith.constant dense<true> : vector<16xi1>
      %sort3A_1766, %sort3A_1767, %sort3A_1768 = tpu.sort %min3A_1764, %min3A_1764 masked %sort3A_1765 : (vector<16xf32>, vector<16xf32>, vector<16xi1>) -> (vector<16xi1>, vector<16xf32>, vector<16xf32>)
      %max3A_1769 = arith.maximumf %sort3A_1471, %rev3A_1763 : vector<16xf32>
      %sort3A_1770 = arith.constant dense<true> : vector<16xi1>
      %sort3A_1771, %sort3A_1772, %sort3A_1773 = tpu.sort %max3A_1769, %max3A_1769 masked %sort3A_1770 : (vector<16xf32>, vector<16xf32>, vector<16xi1>) -> (vector<16xi1>, vector<16xf32>, vector<16xf32>)
      %rev3A_1774 = arith.constant 15 : i32
      %rev3A_1775 = vector.broadcast %rev3A_1774 : i32 to vector<16xi32>
      %rev3A_1776 = tpu.iota {dimensions = array<i32: 0>} : vector<16xi32>
      %rev3A_1777 = arith.subi %rev3A_1775, %rev3A_1776 : vector<16xi32>
      %rev3A_1778 = tpu.dynamic_gather %sort3A_1483[%rev3A_1777] in [0] : vector<16xf32>, vector<16xi32> -> vector<16xf32>
      %min3A_1779 = arith.minimumf %sort3A_1479, %rev3A_1778 : vector<16xf32>
      %sort3A_1780 = arith.constant dense<true> : vector<16xi1>
      %sort3A_1781, %sort3A_1782, %sort3A_1783 = tpu.sort %min3A_1779, %min3A_1779 masked %sort3A_1780 : (vector<16xf32>, vector<16xf32>, vector<16xi1>) -> (vector<16xi1>, vector<16xf32>, vector<16xf32>)
      %max3A_1784 = arith.maximumf %sort3A_1479, %rev3A_1778 : vector<16xf32>
      %sort3A_1785 = arith.constant dense<true> : vector<16xi1>
      %sort3A_1786, %sort3A_1787, %sort3A_1788 = tpu.sort %max3A_1784, %max3A_1784 masked %sort3A_1785 : (vector<16xf32>, vector<16xf32>, vector<16xi1>) -> (vector<16xi1>, vector<16xf32>, vector<16xf32>)
      %rev3A_1789 = arith.constant 15 : i32
      %rev3A_1790 = vector.broadcast %rev3A_1789 : i32 to vector<16xi32>
      %rev3A_1791 = tpu.iota {dimensions = array<i32: 0>} : vector<16xi32>
      %rev3A_1792 = arith.subi %rev3A_1790, %rev3A_1791 : vector<16xi32>
      %rev3A_1793 = tpu.dynamic_gather %sort3A_1491[%rev3A_1792] in [0] : vector<16xf32>, vector<16xi32> -> vector<16xf32>
      %min3A_1794 = arith.minimumf %sort3A_1487, %rev3A_1793 : vector<16xf32>
      %sort3A_1795 = arith.constant dense<true> : vector<16xi1>
      %sort3A_1796, %sort3A_1797, %sort3A_1798 = tpu.sort %min3A_1794, %min3A_1794 masked %sort3A_1795 : (vector<16xf32>, vector<16xf32>, vector<16xi1>) -> (vector<16xi1>, vector<16xf32>, vector<16xf32>)
      %max3A_1799 = arith.maximumf %sort3A_1487, %rev3A_1793 : vector<16xf32>
      %sort3A_1800 = arith.constant dense<true> : vector<16xi1>
      %sort3A_1801, %sort3A_1802, %sort3A_1803 = tpu.sort %max3A_1799, %max3A_1799 masked %sort3A_1800 : (vector<16xf32>, vector<16xf32>, vector<16xi1>) -> (vector<16xi1>, vector<16xf32>, vector<16xf32>)
      %rev3A_1804 = arith.constant 15 : i32
      %rev3A_1805 = vector.broadcast %rev3A_1804 : i32 to vector<16xi32>
      %rev3A_1806 = tpu.iota {dimensions = array<i32: 0>} : vector<16xi32>
      %rev3A_1807 = arith.subi %rev3A_1805, %rev3A_1806 : vector<16xi32>
      %rev3A_1808 = tpu.dynamic_gather %sort3A_1499[%rev3A_1807] in [0] : vector<16xf32>, vector<16xi32> -> vector<16xf32>
      %min3A_1809 = arith.minimumf %sort3A_1495, %rev3A_1808 : vector<16xf32>
      %sort3A_1810 = arith.constant dense<true> : vector<16xi1>
      %sort3A_1811, %sort3A_1812, %sort3A_1813 = tpu.sort %min3A_1809, %min3A_1809 masked %sort3A_1810 : (vector<16xf32>, vector<16xf32>, vector<16xi1>) -> (vector<16xi1>, vector<16xf32>, vector<16xf32>)
      %max3A_1814 = arith.maximumf %sort3A_1495, %rev3A_1808 : vector<16xf32>
      %sort3A_1815 = arith.constant dense<true> : vector<16xi1>
      %sort3A_1816, %sort3A_1817, %sort3A_1818 = tpu.sort %max3A_1814, %max3A_1814 masked %sort3A_1815 : (vector<16xf32>, vector<16xf32>, vector<16xi1>) -> (vector<16xi1>, vector<16xf32>, vector<16xf32>)
      %rev3A_1819 = arith.constant 15 : i32
      %rev3A_1820 = vector.broadcast %rev3A_1819 : i32 to vector<16xi32>
      %rev3A_1821 = tpu.iota {dimensions = array<i32: 0>} : vector<16xi32>
      %rev3A_1822 = arith.subi %rev3A_1820, %rev3A_1821 : vector<16xi32>
      %rev3A_1823 = tpu.dynamic_gather %sort3A_1507[%rev3A_1822] in [0] : vector<16xf32>, vector<16xi32> -> vector<16xf32>
      %min3A_1824 = arith.minimumf %sort3A_1503, %rev3A_1823 : vector<16xf32>
      %sort3A_1825 = arith.constant dense<true> : vector<16xi1>
      %sort3A_1826, %sort3A_1827, %sort3A_1828 = tpu.sort %min3A_1824, %min3A_1824 masked %sort3A_1825 : (vector<16xf32>, vector<16xf32>, vector<16xi1>) -> (vector<16xi1>, vector<16xf32>, vector<16xf32>)
      %max3A_1829 = arith.maximumf %sort3A_1503, %rev3A_1823 : vector<16xf32>
      %sort3A_1830 = arith.constant dense<true> : vector<16xi1>
      %sort3A_1831, %sort3A_1832, %sort3A_1833 = tpu.sort %max3A_1829, %max3A_1829 masked %sort3A_1830 : (vector<16xf32>, vector<16xf32>, vector<16xi1>) -> (vector<16xi1>, vector<16xf32>, vector<16xf32>)
      %rev3A_1834 = arith.constant 15 : i32
      %rev3A_1835 = vector.broadcast %rev3A_1834 : i32 to vector<16xi32>
      %rev3A_1836 = tpu.iota {dimensions = array<i32: 0>} : vector<16xi32>
      %rev3A_1837 = arith.subi %rev3A_1835, %rev3A_1836 : vector<16xi32>
      %rev3A_1838 = tpu.dynamic_gather %sort3A_1515[%rev3A_1837] in [0] : vector<16xf32>, vector<16xi32> -> vector<16xf32>
      %min3A_1839 = arith.minimumf %sort3A_1511, %rev3A_1838 : vector<16xf32>
      %sort3A_1840 = arith.constant dense<true> : vector<16xi1>
      %sort3A_1841, %sort3A_1842, %sort3A_1843 = tpu.sort %min3A_1839, %min3A_1839 masked %sort3A_1840 : (vector<16xf32>, vector<16xf32>, vector<16xi1>) -> (vector<16xi1>, vector<16xf32>, vector<16xf32>)
      %max3A_1844 = arith.maximumf %sort3A_1511, %rev3A_1838 : vector<16xf32>
      %sort3A_1845 = arith.constant dense<true> : vector<16xi1>
      %sort3A_1846, %sort3A_1847, %sort3A_1848 = tpu.sort %max3A_1844, %max3A_1844 masked %sort3A_1845 : (vector<16xf32>, vector<16xf32>, vector<16xi1>) -> (vector<16xi1>, vector<16xf32>, vector<16xf32>)
      %rev3A_1849 = arith.constant 15 : i32
      %rev3A_1850 = vector.broadcast %rev3A_1849 : i32 to vector<16xi32>
      %rev3A_1851 = tpu.iota {dimensions = array<i32: 0>} : vector<16xi32>
      %rev3A_1852 = arith.subi %rev3A_1850, %rev3A_1851 : vector<16xi32>
      %rev3A_1853 = tpu.dynamic_gather %sort3A_1523[%rev3A_1852] in [0] : vector<16xf32>, vector<16xi32> -> vector<16xf32>
      %min3A_1854 = arith.minimumf %sort3A_1519, %rev3A_1853 : vector<16xf32>
      %sort3A_1855 = arith.constant dense<true> : vector<16xi1>
      %sort3A_1856, %sort3A_1857, %sort3A_1858 = tpu.sort %min3A_1854, %min3A_1854 masked %sort3A_1855 : (vector<16xf32>, vector<16xf32>, vector<16xi1>) -> (vector<16xi1>, vector<16xf32>, vector<16xf32>)
      %max3A_1859 = arith.maximumf %sort3A_1519, %rev3A_1853 : vector<16xf32>
      %sort3A_1860 = arith.constant dense<true> : vector<16xi1>
      %sort3A_1861, %sort3A_1862, %sort3A_1863 = tpu.sort %max3A_1859, %max3A_1859 masked %sort3A_1860 : (vector<16xf32>, vector<16xf32>, vector<16xi1>) -> (vector<16xi1>, vector<16xf32>, vector<16xf32>)
      %rev3A_1864 = arith.constant 15 : i32
      %rev3A_1865 = vector.broadcast %rev3A_1864 : i32 to vector<16xi32>
      %rev3A_1866 = tpu.iota {dimensions = array<i32: 0>} : vector<16xi32>
      %rev3A_1867 = arith.subi %rev3A_1865, %rev3A_1866 : vector<16xi32>
      %rev3A_1868 = tpu.dynamic_gather %sort3A_1531[%rev3A_1867] in [0] : vector<16xf32>, vector<16xi32> -> vector<16xf32>
      %min3A_1869 = arith.minimumf %sort3A_1527, %rev3A_1868 : vector<16xf32>
      %sort3A_1870 = arith.constant dense<true> : vector<16xi1>
      %sort3A_1871, %sort3A_1872, %sort3A_1873 = tpu.sort %min3A_1869, %min3A_1869 masked %sort3A_1870 : (vector<16xf32>, vector<16xf32>, vector<16xi1>) -> (vector<16xi1>, vector<16xf32>, vector<16xf32>)
      %max3A_1874 = arith.maximumf %sort3A_1527, %rev3A_1868 : vector<16xf32>
      %sort3A_1875 = arith.constant dense<true> : vector<16xi1>
      %sort3A_1876, %sort3A_1877, %sort3A_1878 = tpu.sort %max3A_1874, %max3A_1874 masked %sort3A_1875 : (vector<16xf32>, vector<16xf32>, vector<16xi1>) -> (vector<16xi1>, vector<16xf32>, vector<16xf32>)
      %rev3A_1879 = arith.constant 15 : i32
      %rev3A_1880 = vector.broadcast %rev3A_1879 : i32 to vector<16xi32>
      %rev3A_1881 = tpu.iota {dimensions = array<i32: 0>} : vector<16xi32>
      %rev3A_1882 = arith.subi %rev3A_1880, %rev3A_1881 : vector<16xi32>
      %rev3A_1883 = tpu.dynamic_gather %sort3A_1539[%rev3A_1882] in [0] : vector<16xf32>, vector<16xi32> -> vector<16xf32>
      %min3A_1884 = arith.minimumf %sort3A_1535, %rev3A_1883 : vector<16xf32>
      %sort3A_1885 = arith.constant dense<true> : vector<16xi1>
      %sort3A_1886, %sort3A_1887, %sort3A_1888 = tpu.sort %min3A_1884, %min3A_1884 masked %sort3A_1885 : (vector<16xf32>, vector<16xf32>, vector<16xi1>) -> (vector<16xi1>, vector<16xf32>, vector<16xf32>)
      %max3A_1889 = arith.maximumf %sort3A_1535, %rev3A_1883 : vector<16xf32>
      %sort3A_1890 = arith.constant dense<true> : vector<16xi1>
      %sort3A_1891, %sort3A_1892, %sort3A_1893 = tpu.sort %max3A_1889, %max3A_1889 masked %sort3A_1890 : (vector<16xf32>, vector<16xf32>, vector<16xi1>) -> (vector<16xi1>, vector<16xf32>, vector<16xf32>)
      %rev3A_1894 = arith.constant 15 : i32
      %rev3A_1895 = vector.broadcast %rev3A_1894 : i32 to vector<16xi32>
      %rev3A_1896 = tpu.iota {dimensions = array<i32: 0>} : vector<16xi32>
      %rev3A_1897 = arith.subi %rev3A_1895, %rev3A_1896 : vector<16xi32>
      %rev3A_1898 = tpu.dynamic_gather %sort3A_1547[%rev3A_1897] in [0] : vector<16xf32>, vector<16xi32> -> vector<16xf32>
      %min3A_1899 = arith.minimumf %sort3A_1543, %rev3A_1898 : vector<16xf32>
      %sort3A_1900 = arith.constant dense<true> : vector<16xi1>
      %sort3A_1901, %sort3A_1902, %sort3A_1903 = tpu.sort %min3A_1899, %min3A_1899 masked %sort3A_1900 : (vector<16xf32>, vector<16xf32>, vector<16xi1>) -> (vector<16xi1>, vector<16xf32>, vector<16xf32>)
      %max3A_1904 = arith.maximumf %sort3A_1543, %rev3A_1898 : vector<16xf32>
      %sort3A_1905 = arith.constant dense<true> : vector<16xi1>
      %sort3A_1906, %sort3A_1907, %sort3A_1908 = tpu.sort %max3A_1904, %max3A_1904 masked %sort3A_1905 : (vector<16xf32>, vector<16xf32>, vector<16xi1>) -> (vector<16xi1>, vector<16xf32>, vector<16xf32>)
      %rev3A_1909 = arith.constant 15 : i32
      %rev3A_1910 = vector.broadcast %rev3A_1909 : i32 to vector<16xi32>
      %rev3A_1911 = tpu.iota {dimensions = array<i32: 0>} : vector<16xi32>
      %rev3A_1912 = arith.subi %rev3A_1910, %rev3A_1911 : vector<16xi32>
      %rev3A_1913 = tpu.dynamic_gather %sort3A_1577[%rev3A_1912] in [0] : vector<16xf32>, vector<16xi32> -> vector<16xf32>
      %max3A_1914 = arith.maximumf %sort3A_1557, %rev3A_1913 : vector<16xf32>
      %rev3A_1915 = arith.constant 15 : i32
      %rev3A_1916 = vector.broadcast %rev3A_1915 : i32 to vector<16xi32>
      %rev3A_1917 = tpu.iota {dimensions = array<i32: 0>} : vector<16xi32>
      %rev3A_1918 = arith.subi %rev3A_1916, %rev3A_1917 : vector<16xi32>
      %rev3A_1919 = tpu.dynamic_gather %sort3A_1572[%rev3A_1918] in [0] : vector<16xf32>, vector<16xi32> -> vector<16xf32>
      %max3A_1920 = arith.maximumf %sort3A_1562, %rev3A_1919 : vector<16xf32>
      %min3A_1921 = arith.minimumf %max3A_1914, %max3A_1920 : vector<16xf32>
      %sort3A_1922 = arith.constant dense<true> : vector<16xi1>
      %sort3A_1923, %sort3A_1924, %sort3A_1925 = tpu.sort %min3A_1921, %min3A_1921 masked %sort3A_1922 : (vector<16xf32>, vector<16xf32>, vector<16xi1>) -> (vector<16xi1>, vector<16xf32>, vector<16xf32>)
      %max3A_1926 = arith.maximumf %max3A_1914, %max3A_1920 : vector<16xf32>
      %sort3A_1927 = arith.constant dense<true> : vector<16xi1>
      %sort3A_1928, %sort3A_1929, %sort3A_1930 = tpu.sort %max3A_1926, %max3A_1926 masked %sort3A_1927 : (vector<16xf32>, vector<16xf32>, vector<16xi1>) -> (vector<16xi1>, vector<16xf32>, vector<16xf32>)
      %rev3A_1931 = arith.constant 15 : i32
      %rev3A_1932 = vector.broadcast %rev3A_1931 : i32 to vector<16xi32>
      %rev3A_1933 = tpu.iota {dimensions = array<i32: 0>} : vector<16xi32>
      %rev3A_1934 = arith.subi %rev3A_1932, %rev3A_1933 : vector<16xi32>
      %rev3A_1935 = tpu.dynamic_gather %sort3A_1607[%rev3A_1934] in [0] : vector<16xf32>, vector<16xi32> -> vector<16xf32>
      %max3A_1936 = arith.maximumf %sort3A_1587, %rev3A_1935 : vector<16xf32>
      %rev3A_1937 = arith.constant 15 : i32
      %rev3A_1938 = vector.broadcast %rev3A_1937 : i32 to vector<16xi32>
      %rev3A_1939 = tpu.iota {dimensions = array<i32: 0>} : vector<16xi32>
      %rev3A_1940 = arith.subi %rev3A_1938, %rev3A_1939 : vector<16xi32>
      %rev3A_1941 = tpu.dynamic_gather %sort3A_1602[%rev3A_1940] in [0] : vector<16xf32>, vector<16xi32> -> vector<16xf32>
      %max3A_1942 = arith.maximumf %sort3A_1592, %rev3A_1941 : vector<16xf32>
      %min3A_1943 = arith.minimumf %max3A_1936, %max3A_1942 : vector<16xf32>
      %sort3A_1944 = arith.constant dense<true> : vector<16xi1>
      %sort3A_1945, %sort3A_1946, %sort3A_1947 = tpu.sort %min3A_1943, %min3A_1943 masked %sort3A_1944 : (vector<16xf32>, vector<16xf32>, vector<16xi1>) -> (vector<16xi1>, vector<16xf32>, vector<16xf32>)
      %max3A_1948 = arith.maximumf %max3A_1936, %max3A_1942 : vector<16xf32>
      %sort3A_1949 = arith.constant dense<true> : vector<16xi1>
      %sort3A_1950, %sort3A_1951, %sort3A_1952 = tpu.sort %max3A_1948, %max3A_1948 masked %sort3A_1949 : (vector<16xf32>, vector<16xf32>, vector<16xi1>) -> (vector<16xi1>, vector<16xf32>, vector<16xf32>)
      %rev3A_1953 = arith.constant 15 : i32
      %rev3A_1954 = vector.broadcast %rev3A_1953 : i32 to vector<16xi32>
      %rev3A_1955 = tpu.iota {dimensions = array<i32: 0>} : vector<16xi32>
      %rev3A_1956 = arith.subi %rev3A_1954, %rev3A_1955 : vector<16xi32>
      %rev3A_1957 = tpu.dynamic_gather %sort3A_1637[%rev3A_1956] in [0] : vector<16xf32>, vector<16xi32> -> vector<16xf32>
      %max3A_1958 = arith.maximumf %sort3A_1617, %rev3A_1957 : vector<16xf32>
      %rev3A_1959 = arith.constant 15 : i32
      %rev3A_1960 = vector.broadcast %rev3A_1959 : i32 to vector<16xi32>
      %rev3A_1961 = tpu.iota {dimensions = array<i32: 0>} : vector<16xi32>
      %rev3A_1962 = arith.subi %rev3A_1960, %rev3A_1961 : vector<16xi32>
      %rev3A_1963 = tpu.dynamic_gather %sort3A_1632[%rev3A_1962] in [0] : vector<16xf32>, vector<16xi32> -> vector<16xf32>
      %max3A_1964 = arith.maximumf %sort3A_1622, %rev3A_1963 : vector<16xf32>
      %min3A_1965 = arith.minimumf %max3A_1958, %max3A_1964 : vector<16xf32>
      %sort3A_1966 = arith.constant dense<true> : vector<16xi1>
      %sort3A_1967, %sort3A_1968, %sort3A_1969 = tpu.sort %min3A_1965, %min3A_1965 masked %sort3A_1966 : (vector<16xf32>, vector<16xf32>, vector<16xi1>) -> (vector<16xi1>, vector<16xf32>, vector<16xf32>)
      %max3A_1970 = arith.maximumf %max3A_1958, %max3A_1964 : vector<16xf32>
      %sort3A_1971 = arith.constant dense<true> : vector<16xi1>
      %sort3A_1972, %sort3A_1973, %sort3A_1974 = tpu.sort %max3A_1970, %max3A_1970 masked %sort3A_1971 : (vector<16xf32>, vector<16xf32>, vector<16xi1>) -> (vector<16xi1>, vector<16xf32>, vector<16xf32>)
      %rev3A_1975 = arith.constant 15 : i32
      %rev3A_1976 = vector.broadcast %rev3A_1975 : i32 to vector<16xi32>
      %rev3A_1977 = tpu.iota {dimensions = array<i32: 0>} : vector<16xi32>
      %rev3A_1978 = arith.subi %rev3A_1976, %rev3A_1977 : vector<16xi32>
      %rev3A_1979 = tpu.dynamic_gather %sort3A_1667[%rev3A_1978] in [0] : vector<16xf32>, vector<16xi32> -> vector<16xf32>
      %max3A_1980 = arith.maximumf %sort3A_1647, %rev3A_1979 : vector<16xf32>
      %rev3A_1981 = arith.constant 15 : i32
      %rev3A_1982 = vector.broadcast %rev3A_1981 : i32 to vector<16xi32>
      %rev3A_1983 = tpu.iota {dimensions = array<i32: 0>} : vector<16xi32>
      %rev3A_1984 = arith.subi %rev3A_1982, %rev3A_1983 : vector<16xi32>
      %rev3A_1985 = tpu.dynamic_gather %sort3A_1662[%rev3A_1984] in [0] : vector<16xf32>, vector<16xi32> -> vector<16xf32>
      %max3A_1986 = arith.maximumf %sort3A_1652, %rev3A_1985 : vector<16xf32>
      %min3A_1987 = arith.minimumf %max3A_1980, %max3A_1986 : vector<16xf32>
      %sort3A_1988 = arith.constant dense<true> : vector<16xi1>
      %sort3A_1989, %sort3A_1990, %sort3A_1991 = tpu.sort %min3A_1987, %min3A_1987 masked %sort3A_1988 : (vector<16xf32>, vector<16xf32>, vector<16xi1>) -> (vector<16xi1>, vector<16xf32>, vector<16xf32>)
      %max3A_1992 = arith.maximumf %max3A_1980, %max3A_1986 : vector<16xf32>
      %sort3A_1993 = arith.constant dense<true> : vector<16xi1>
      %sort3A_1994, %sort3A_1995, %sort3A_1996 = tpu.sort %max3A_1992, %max3A_1992 masked %sort3A_1993 : (vector<16xf32>, vector<16xf32>, vector<16xi1>) -> (vector<16xi1>, vector<16xf32>, vector<16xf32>)
      %rev3A_1997 = arith.constant 15 : i32
      %rev3A_1998 = vector.broadcast %rev3A_1997 : i32 to vector<16xi32>
      %rev3A_1999 = tpu.iota {dimensions = array<i32: 0>} : vector<16xi32>
      %rev3A_2000 = arith.subi %rev3A_1998, %rev3A_1999 : vector<16xi32>
      %rev3A_2001 = tpu.dynamic_gather %sort3A_1697[%rev3A_2000] in [0] : vector<16xf32>, vector<16xi32> -> vector<16xf32>
      %max3A_2002 = arith.maximumf %sort3A_1677, %rev3A_2001 : vector<16xf32>
      %rev3A_2003 = arith.constant 15 : i32
      %rev3A_2004 = vector.broadcast %rev3A_2003 : i32 to vector<16xi32>
      %rev3A_2005 = tpu.iota {dimensions = array<i32: 0>} : vector<16xi32>
      %rev3A_2006 = arith.subi %rev3A_2004, %rev3A_2005 : vector<16xi32>
      %rev3A_2007 = tpu.dynamic_gather %sort3A_1692[%rev3A_2006] in [0] : vector<16xf32>, vector<16xi32> -> vector<16xf32>
      %max3A_2008 = arith.maximumf %sort3A_1682, %rev3A_2007 : vector<16xf32>
      %min3A_2009 = arith.minimumf %max3A_2002, %max3A_2008 : vector<16xf32>
      %sort3A_2010 = arith.constant dense<true> : vector<16xi1>
      %sort3A_2011, %sort3A_2012, %sort3A_2013 = tpu.sort %min3A_2009, %min3A_2009 masked %sort3A_2010 : (vector<16xf32>, vector<16xf32>, vector<16xi1>) -> (vector<16xi1>, vector<16xf32>, vector<16xf32>)
      %max3A_2014 = arith.maximumf %max3A_2002, %max3A_2008 : vector<16xf32>
      %sort3A_2015 = arith.constant dense<true> : vector<16xi1>
      %sort3A_2016, %sort3A_2017, %sort3A_2018 = tpu.sort %max3A_2014, %max3A_2014 masked %sort3A_2015 : (vector<16xf32>, vector<16xf32>, vector<16xi1>) -> (vector<16xi1>, vector<16xf32>, vector<16xf32>)
      %rev3A_2019 = arith.constant 15 : i32
      %rev3A_2020 = vector.broadcast %rev3A_2019 : i32 to vector<16xi32>
      %rev3A_2021 = tpu.iota {dimensions = array<i32: 0>} : vector<16xi32>
      %rev3A_2022 = arith.subi %rev3A_2020, %rev3A_2021 : vector<16xi32>
      %rev3A_2023 = tpu.dynamic_gather %sort3A_1727[%rev3A_2022] in [0] : vector<16xf32>, vector<16xi32> -> vector<16xf32>
      %max3A_2024 = arith.maximumf %sort3A_1707, %rev3A_2023 : vector<16xf32>
      %rev3A_2025 = arith.constant 15 : i32
      %rev3A_2026 = vector.broadcast %rev3A_2025 : i32 to vector<16xi32>
      %rev3A_2027 = tpu.iota {dimensions = array<i32: 0>} : vector<16xi32>
      %rev3A_2028 = arith.subi %rev3A_2026, %rev3A_2027 : vector<16xi32>
      %rev3A_2029 = tpu.dynamic_gather %sort3A_1722[%rev3A_2028] in [0] : vector<16xf32>, vector<16xi32> -> vector<16xf32>
      %max3A_2030 = arith.maximumf %sort3A_1712, %rev3A_2029 : vector<16xf32>
      %min3A_2031 = arith.minimumf %max3A_2024, %max3A_2030 : vector<16xf32>
      %sort3A_2032 = arith.constant dense<true> : vector<16xi1>
      %sort3A_2033, %sort3A_2034, %sort3A_2035 = tpu.sort %min3A_2031, %min3A_2031 masked %sort3A_2032 : (vector<16xf32>, vector<16xf32>, vector<16xi1>) -> (vector<16xi1>, vector<16xf32>, vector<16xf32>)
      %max3A_2036 = arith.maximumf %max3A_2024, %max3A_2030 : vector<16xf32>
      %sort3A_2037 = arith.constant dense<true> : vector<16xi1>
      %sort3A_2038, %sort3A_2039, %sort3A_2040 = tpu.sort %max3A_2036, %max3A_2036 masked %sort3A_2037 : (vector<16xf32>, vector<16xf32>, vector<16xi1>) -> (vector<16xi1>, vector<16xf32>, vector<16xf32>)
      %rev3A_2041 = arith.constant 15 : i32
      %rev3A_2042 = vector.broadcast %rev3A_2041 : i32 to vector<16xi32>
      %rev3A_2043 = tpu.iota {dimensions = array<i32: 0>} : vector<16xi32>
      %rev3A_2044 = arith.subi %rev3A_2042, %rev3A_2043 : vector<16xi32>
      %rev3A_2045 = tpu.dynamic_gather %sort3A_1757[%rev3A_2044] in [0] : vector<16xf32>, vector<16xi32> -> vector<16xf32>
      %max3A_2046 = arith.maximumf %sort3A_1737, %rev3A_2045 : vector<16xf32>
      %rev3A_2047 = arith.constant 15 : i32
      %rev3A_2048 = vector.broadcast %rev3A_2047 : i32 to vector<16xi32>
      %rev3A_2049 = tpu.iota {dimensions = array<i32: 0>} : vector<16xi32>
      %rev3A_2050 = arith.subi %rev3A_2048, %rev3A_2049 : vector<16xi32>
      %rev3A_2051 = tpu.dynamic_gather %sort3A_1752[%rev3A_2050] in [0] : vector<16xf32>, vector<16xi32> -> vector<16xf32>
      %max3A_2052 = arith.maximumf %sort3A_1742, %rev3A_2051 : vector<16xf32>
      %min3A_2053 = arith.minimumf %max3A_2046, %max3A_2052 : vector<16xf32>
      %sort3A_2054 = arith.constant dense<true> : vector<16xi1>
      %sort3A_2055, %sort3A_2056, %sort3A_2057 = tpu.sort %min3A_2053, %min3A_2053 masked %sort3A_2054 : (vector<16xf32>, vector<16xf32>, vector<16xi1>) -> (vector<16xi1>, vector<16xf32>, vector<16xf32>)
      %max3A_2058 = arith.maximumf %max3A_2046, %max3A_2052 : vector<16xf32>
      %sort3A_2059 = arith.constant dense<true> : vector<16xi1>
      %sort3A_2060, %sort3A_2061, %sort3A_2062 = tpu.sort %max3A_2058, %max3A_2058 masked %sort3A_2059 : (vector<16xf32>, vector<16xf32>, vector<16xi1>) -> (vector<16xi1>, vector<16xf32>, vector<16xf32>)
      %rev3A_2063 = arith.constant 15 : i32
      %rev3A_2064 = vector.broadcast %rev3A_2063 : i32 to vector<16xi32>
      %rev3A_2065 = tpu.iota {dimensions = array<i32: 0>} : vector<16xi32>
      %rev3A_2066 = arith.subi %rev3A_2064, %rev3A_2065 : vector<16xi32>
      %rev3A_2067 = tpu.dynamic_gather %sort3A_1787[%rev3A_2066] in [0] : vector<16xf32>, vector<16xi32> -> vector<16xf32>
      %max3A_2068 = arith.maximumf %sort3A_1767, %rev3A_2067 : vector<16xf32>
      %rev3A_2069 = arith.constant 15 : i32
      %rev3A_2070 = vector.broadcast %rev3A_2069 : i32 to vector<16xi32>
      %rev3A_2071 = tpu.iota {dimensions = array<i32: 0>} : vector<16xi32>
      %rev3A_2072 = arith.subi %rev3A_2070, %rev3A_2071 : vector<16xi32>
      %rev3A_2073 = tpu.dynamic_gather %sort3A_1782[%rev3A_2072] in [0] : vector<16xf32>, vector<16xi32> -> vector<16xf32>
      %max3A_2074 = arith.maximumf %sort3A_1772, %rev3A_2073 : vector<16xf32>
      %min3A_2075 = arith.minimumf %max3A_2068, %max3A_2074 : vector<16xf32>
      %sort3A_2076 = arith.constant dense<true> : vector<16xi1>
      %sort3A_2077, %sort3A_2078, %sort3A_2079 = tpu.sort %min3A_2075, %min3A_2075 masked %sort3A_2076 : (vector<16xf32>, vector<16xf32>, vector<16xi1>) -> (vector<16xi1>, vector<16xf32>, vector<16xf32>)
      %max3A_2080 = arith.maximumf %max3A_2068, %max3A_2074 : vector<16xf32>
      %sort3A_2081 = arith.constant dense<true> : vector<16xi1>
      %sort3A_2082, %sort3A_2083, %sort3A_2084 = tpu.sort %max3A_2080, %max3A_2080 masked %sort3A_2081 : (vector<16xf32>, vector<16xf32>, vector<16xi1>) -> (vector<16xi1>, vector<16xf32>, vector<16xf32>)
      %rev3A_2085 = arith.constant 15 : i32
      %rev3A_2086 = vector.broadcast %rev3A_2085 : i32 to vector<16xi32>
      %rev3A_2087 = tpu.iota {dimensions = array<i32: 0>} : vector<16xi32>
      %rev3A_2088 = arith.subi %rev3A_2086, %rev3A_2087 : vector<16xi32>
      %rev3A_2089 = tpu.dynamic_gather %sort3A_1817[%rev3A_2088] in [0] : vector<16xf32>, vector<16xi32> -> vector<16xf32>
      %max3A_2090 = arith.maximumf %sort3A_1797, %rev3A_2089 : vector<16xf32>
      %rev3A_2091 = arith.constant 15 : i32
      %rev3A_2092 = vector.broadcast %rev3A_2091 : i32 to vector<16xi32>
      %rev3A_2093 = tpu.iota {dimensions = array<i32: 0>} : vector<16xi32>
      %rev3A_2094 = arith.subi %rev3A_2092, %rev3A_2093 : vector<16xi32>
      %rev3A_2095 = tpu.dynamic_gather %sort3A_1812[%rev3A_2094] in [0] : vector<16xf32>, vector<16xi32> -> vector<16xf32>
      %max3A_2096 = arith.maximumf %sort3A_1802, %rev3A_2095 : vector<16xf32>
      %min3A_2097 = arith.minimumf %max3A_2090, %max3A_2096 : vector<16xf32>
      %sort3A_2098 = arith.constant dense<true> : vector<16xi1>
      %sort3A_2099, %sort3A_2100, %sort3A_2101 = tpu.sort %min3A_2097, %min3A_2097 masked %sort3A_2098 : (vector<16xf32>, vector<16xf32>, vector<16xi1>) -> (vector<16xi1>, vector<16xf32>, vector<16xf32>)
      %max3A_2102 = arith.maximumf %max3A_2090, %max3A_2096 : vector<16xf32>
      %sort3A_2103 = arith.constant dense<true> : vector<16xi1>
      %sort3A_2104, %sort3A_2105, %sort3A_2106 = tpu.sort %max3A_2102, %max3A_2102 masked %sort3A_2103 : (vector<16xf32>, vector<16xf32>, vector<16xi1>) -> (vector<16xi1>, vector<16xf32>, vector<16xf32>)
      %rev3A_2107 = arith.constant 15 : i32
      %rev3A_2108 = vector.broadcast %rev3A_2107 : i32 to vector<16xi32>
      %rev3A_2109 = tpu.iota {dimensions = array<i32: 0>} : vector<16xi32>
      %rev3A_2110 = arith.subi %rev3A_2108, %rev3A_2109 : vector<16xi32>
      %rev3A_2111 = tpu.dynamic_gather %sort3A_1847[%rev3A_2110] in [0] : vector<16xf32>, vector<16xi32> -> vector<16xf32>
      %max3A_2112 = arith.maximumf %sort3A_1827, %rev3A_2111 : vector<16xf32>
      %rev3A_2113 = arith.constant 15 : i32
      %rev3A_2114 = vector.broadcast %rev3A_2113 : i32 to vector<16xi32>
      %rev3A_2115 = tpu.iota {dimensions = array<i32: 0>} : vector<16xi32>
      %rev3A_2116 = arith.subi %rev3A_2114, %rev3A_2115 : vector<16xi32>
      %rev3A_2117 = tpu.dynamic_gather %sort3A_1842[%rev3A_2116] in [0] : vector<16xf32>, vector<16xi32> -> vector<16xf32>
      %max3A_2118 = arith.maximumf %sort3A_1832, %rev3A_2117 : vector<16xf32>
      %min3A_2119 = arith.minimumf %max3A_2112, %max3A_2118 : vector<16xf32>
      %sort3A_2120 = arith.constant dense<true> : vector<16xi1>
      %sort3A_2121, %sort3A_2122, %sort3A_2123 = tpu.sort %min3A_2119, %min3A_2119 masked %sort3A_2120 : (vector<16xf32>, vector<16xf32>, vector<16xi1>) -> (vector<16xi1>, vector<16xf32>, vector<16xf32>)
      %max3A_2124 = arith.maximumf %max3A_2112, %max3A_2118 : vector<16xf32>
      %sort3A_2125 = arith.constant dense<true> : vector<16xi1>
      %sort3A_2126, %sort3A_2127, %sort3A_2128 = tpu.sort %max3A_2124, %max3A_2124 masked %sort3A_2125 : (vector<16xf32>, vector<16xf32>, vector<16xi1>) -> (vector<16xi1>, vector<16xf32>, vector<16xf32>)
      %rev3A_2129 = arith.constant 15 : i32
      %rev3A_2130 = vector.broadcast %rev3A_2129 : i32 to vector<16xi32>
      %rev3A_2131 = tpu.iota {dimensions = array<i32: 0>} : vector<16xi32>
      %rev3A_2132 = arith.subi %rev3A_2130, %rev3A_2131 : vector<16xi32>
      %rev3A_2133 = tpu.dynamic_gather %sort3A_1877[%rev3A_2132] in [0] : vector<16xf32>, vector<16xi32> -> vector<16xf32>
      %max3A_2134 = arith.maximumf %sort3A_1857, %rev3A_2133 : vector<16xf32>
      %rev3A_2135 = arith.constant 15 : i32
      %rev3A_2136 = vector.broadcast %rev3A_2135 : i32 to vector<16xi32>
      %rev3A_2137 = tpu.iota {dimensions = array<i32: 0>} : vector<16xi32>
      %rev3A_2138 = arith.subi %rev3A_2136, %rev3A_2137 : vector<16xi32>
      %rev3A_2139 = tpu.dynamic_gather %sort3A_1872[%rev3A_2138] in [0] : vector<16xf32>, vector<16xi32> -> vector<16xf32>
      %max3A_2140 = arith.maximumf %sort3A_1862, %rev3A_2139 : vector<16xf32>
      %min3A_2141 = arith.minimumf %max3A_2134, %max3A_2140 : vector<16xf32>
      %sort3A_2142 = arith.constant dense<true> : vector<16xi1>
      %sort3A_2143, %sort3A_2144, %sort3A_2145 = tpu.sort %min3A_2141, %min3A_2141 masked %sort3A_2142 : (vector<16xf32>, vector<16xf32>, vector<16xi1>) -> (vector<16xi1>, vector<16xf32>, vector<16xf32>)
      %max3A_2146 = arith.maximumf %max3A_2134, %max3A_2140 : vector<16xf32>
      %sort3A_2147 = arith.constant dense<true> : vector<16xi1>
      %sort3A_2148, %sort3A_2149, %sort3A_2150 = tpu.sort %max3A_2146, %max3A_2146 masked %sort3A_2147 : (vector<16xf32>, vector<16xf32>, vector<16xi1>) -> (vector<16xi1>, vector<16xf32>, vector<16xf32>)
      %rev3A_2151 = arith.constant 15 : i32
      %rev3A_2152 = vector.broadcast %rev3A_2151 : i32 to vector<16xi32>
      %rev3A_2153 = tpu.iota {dimensions = array<i32: 0>} : vector<16xi32>
      %rev3A_2154 = arith.subi %rev3A_2152, %rev3A_2153 : vector<16xi32>
      %rev3A_2155 = tpu.dynamic_gather %sort3A_1907[%rev3A_2154] in [0] : vector<16xf32>, vector<16xi32> -> vector<16xf32>
      %max3A_2156 = arith.maximumf %sort3A_1887, %rev3A_2155 : vector<16xf32>
      %rev3A_2157 = arith.constant 15 : i32
      %rev3A_2158 = vector.broadcast %rev3A_2157 : i32 to vector<16xi32>
      %rev3A_2159 = tpu.iota {dimensions = array<i32: 0>} : vector<16xi32>
      %rev3A_2160 = arith.subi %rev3A_2158, %rev3A_2159 : vector<16xi32>
      %rev3A_2161 = tpu.dynamic_gather %sort3A_1902[%rev3A_2160] in [0] : vector<16xf32>, vector<16xi32> -> vector<16xf32>
      %max3A_2162 = arith.maximumf %sort3A_1892, %rev3A_2161 : vector<16xf32>
      %min3A_2163 = arith.minimumf %max3A_2156, %max3A_2162 : vector<16xf32>
      %sort3A_2164 = arith.constant dense<true> : vector<16xi1>
      %sort3A_2165, %sort3A_2166, %sort3A_2167 = tpu.sort %min3A_2163, %min3A_2163 masked %sort3A_2164 : (vector<16xf32>, vector<16xf32>, vector<16xi1>) -> (vector<16xi1>, vector<16xf32>, vector<16xf32>)
      %max3A_2168 = arith.maximumf %max3A_2156, %max3A_2162 : vector<16xf32>
      %sort3A_2169 = arith.constant dense<true> : vector<16xi1>
      %sort3A_2170, %sort3A_2171, %sort3A_2172 = tpu.sort %max3A_2168, %max3A_2168 masked %sort3A_2169 : (vector<16xf32>, vector<16xf32>, vector<16xi1>) -> (vector<16xi1>, vector<16xf32>, vector<16xf32>)
      %rev3A_2173 = arith.constant 15 : i32
      %rev3A_2174 = vector.broadcast %rev3A_2173 : i32 to vector<16xi32>
      %rev3A_2175 = tpu.iota {dimensions = array<i32: 0>} : vector<16xi32>
      %rev3A_2176 = arith.subi %rev3A_2174, %rev3A_2175 : vector<16xi32>
      %rev3A_2177 = tpu.dynamic_gather %sort3A_1951[%rev3A_2176] in [0] : vector<16xf32>, vector<16xi32> -> vector<16xf32>
      %max3A_2178 = arith.maximumf %sort3A_1924, %rev3A_2177 : vector<16xf32>
      %rev3A_2179 = arith.constant 15 : i32
      %rev3A_2180 = vector.broadcast %rev3A_2179 : i32 to vector<16xi32>
      %rev3A_2181 = tpu.iota {dimensions = array<i32: 0>} : vector<16xi32>
      %rev3A_2182 = arith.subi %rev3A_2180, %rev3A_2181 : vector<16xi32>
      %rev3A_2183 = tpu.dynamic_gather %sort3A_1946[%rev3A_2182] in [0] : vector<16xf32>, vector<16xi32> -> vector<16xf32>
      %max3A_2184 = arith.maximumf %sort3A_1929, %rev3A_2183 : vector<16xf32>
      %min3A_2185 = arith.minimumf %max3A_2178, %max3A_2184 : vector<16xf32>
      %sort3A_2186 = arith.constant dense<true> : vector<16xi1>
      %sort3A_2187, %sort3A_2188, %sort3A_2189 = tpu.sort %min3A_2185, %min3A_2185 masked %sort3A_2186 : (vector<16xf32>, vector<16xf32>, vector<16xi1>) -> (vector<16xi1>, vector<16xf32>, vector<16xf32>)
      %max3A_2190 = arith.maximumf %max3A_2178, %max3A_2184 : vector<16xf32>
      %sort3A_2191 = arith.constant dense<true> : vector<16xi1>
      %sort3A_2192, %sort3A_2193, %sort3A_2194 = tpu.sort %max3A_2190, %max3A_2190 masked %sort3A_2191 : (vector<16xf32>, vector<16xf32>, vector<16xi1>) -> (vector<16xi1>, vector<16xf32>, vector<16xf32>)
      %rev3A_2195 = arith.constant 15 : i32
      %rev3A_2196 = vector.broadcast %rev3A_2195 : i32 to vector<16xi32>
      %rev3A_2197 = tpu.iota {dimensions = array<i32: 0>} : vector<16xi32>
      %rev3A_2198 = arith.subi %rev3A_2196, %rev3A_2197 : vector<16xi32>
      %rev3A_2199 = tpu.dynamic_gather %sort3A_1995[%rev3A_2198] in [0] : vector<16xf32>, vector<16xi32> -> vector<16xf32>
      %max3A_2200 = arith.maximumf %sort3A_1968, %rev3A_2199 : vector<16xf32>
      %rev3A_2201 = arith.constant 15 : i32
      %rev3A_2202 = vector.broadcast %rev3A_2201 : i32 to vector<16xi32>
      %rev3A_2203 = tpu.iota {dimensions = array<i32: 0>} : vector<16xi32>
      %rev3A_2204 = arith.subi %rev3A_2202, %rev3A_2203 : vector<16xi32>
      %rev3A_2205 = tpu.dynamic_gather %sort3A_1990[%rev3A_2204] in [0] : vector<16xf32>, vector<16xi32> -> vector<16xf32>
      %max3A_2206 = arith.maximumf %sort3A_1973, %rev3A_2205 : vector<16xf32>
      %min3A_2207 = arith.minimumf %max3A_2200, %max3A_2206 : vector<16xf32>
      %sort3A_2208 = arith.constant dense<true> : vector<16xi1>
      %sort3A_2209, %sort3A_2210, %sort3A_2211 = tpu.sort %min3A_2207, %min3A_2207 masked %sort3A_2208 : (vector<16xf32>, vector<16xf32>, vector<16xi1>) -> (vector<16xi1>, vector<16xf32>, vector<16xf32>)
      %max3A_2212 = arith.maximumf %max3A_2200, %max3A_2206 : vector<16xf32>
      %sort3A_2213 = arith.constant dense<true> : vector<16xi1>
      %sort3A_2214, %sort3A_2215, %sort3A_2216 = tpu.sort %max3A_2212, %max3A_2212 masked %sort3A_2213 : (vector<16xf32>, vector<16xf32>, vector<16xi1>) -> (vector<16xi1>, vector<16xf32>, vector<16xf32>)
      %rev3A_2217 = arith.constant 15 : i32
      %rev3A_2218 = vector.broadcast %rev3A_2217 : i32 to vector<16xi32>
      %rev3A_2219 = tpu.iota {dimensions = array<i32: 0>} : vector<16xi32>
      %rev3A_2220 = arith.subi %rev3A_2218, %rev3A_2219 : vector<16xi32>
      %rev3A_2221 = tpu.dynamic_gather %sort3A_2039[%rev3A_2220] in [0] : vector<16xf32>, vector<16xi32> -> vector<16xf32>
      %max3A_2222 = arith.maximumf %sort3A_2012, %rev3A_2221 : vector<16xf32>
      %rev3A_2223 = arith.constant 15 : i32
      %rev3A_2224 = vector.broadcast %rev3A_2223 : i32 to vector<16xi32>
      %rev3A_2225 = tpu.iota {dimensions = array<i32: 0>} : vector<16xi32>
      %rev3A_2226 = arith.subi %rev3A_2224, %rev3A_2225 : vector<16xi32>
      %rev3A_2227 = tpu.dynamic_gather %sort3A_2034[%rev3A_2226] in [0] : vector<16xf32>, vector<16xi32> -> vector<16xf32>
      %max3A_2228 = arith.maximumf %sort3A_2017, %rev3A_2227 : vector<16xf32>
      %min3A_2229 = arith.minimumf %max3A_2222, %max3A_2228 : vector<16xf32>
      %sort3A_2230 = arith.constant dense<true> : vector<16xi1>
      %sort3A_2231, %sort3A_2232, %sort3A_2233 = tpu.sort %min3A_2229, %min3A_2229 masked %sort3A_2230 : (vector<16xf32>, vector<16xf32>, vector<16xi1>) -> (vector<16xi1>, vector<16xf32>, vector<16xf32>)
      %max3A_2234 = arith.maximumf %max3A_2222, %max3A_2228 : vector<16xf32>
      %sort3A_2235 = arith.constant dense<true> : vector<16xi1>
      %sort3A_2236, %sort3A_2237, %sort3A_2238 = tpu.sort %max3A_2234, %max3A_2234 masked %sort3A_2235 : (vector<16xf32>, vector<16xf32>, vector<16xi1>) -> (vector<16xi1>, vector<16xf32>, vector<16xf32>)
      %rev3A_2239 = arith.constant 15 : i32
      %rev3A_2240 = vector.broadcast %rev3A_2239 : i32 to vector<16xi32>
      %rev3A_2241 = tpu.iota {dimensions = array<i32: 0>} : vector<16xi32>
      %rev3A_2242 = arith.subi %rev3A_2240, %rev3A_2241 : vector<16xi32>
      %rev3A_2243 = tpu.dynamic_gather %sort3A_2083[%rev3A_2242] in [0] : vector<16xf32>, vector<16xi32> -> vector<16xf32>
      %max3A_2244 = arith.maximumf %sort3A_2056, %rev3A_2243 : vector<16xf32>
      %rev3A_2245 = arith.constant 15 : i32
      %rev3A_2246 = vector.broadcast %rev3A_2245 : i32 to vector<16xi32>
      %rev3A_2247 = tpu.iota {dimensions = array<i32: 0>} : vector<16xi32>
      %rev3A_2248 = arith.subi %rev3A_2246, %rev3A_2247 : vector<16xi32>
      %rev3A_2249 = tpu.dynamic_gather %sort3A_2078[%rev3A_2248] in [0] : vector<16xf32>, vector<16xi32> -> vector<16xf32>
      %max3A_2250 = arith.maximumf %sort3A_2061, %rev3A_2249 : vector<16xf32>
      %min3A_2251 = arith.minimumf %max3A_2244, %max3A_2250 : vector<16xf32>
      %sort3A_2252 = arith.constant dense<true> : vector<16xi1>
      %sort3A_2253, %sort3A_2254, %sort3A_2255 = tpu.sort %min3A_2251, %min3A_2251 masked %sort3A_2252 : (vector<16xf32>, vector<16xf32>, vector<16xi1>) -> (vector<16xi1>, vector<16xf32>, vector<16xf32>)
      %max3A_2256 = arith.maximumf %max3A_2244, %max3A_2250 : vector<16xf32>
      %sort3A_2257 = arith.constant dense<true> : vector<16xi1>
      %sort3A_2258, %sort3A_2259, %sort3A_2260 = tpu.sort %max3A_2256, %max3A_2256 masked %sort3A_2257 : (vector<16xf32>, vector<16xf32>, vector<16xi1>) -> (vector<16xi1>, vector<16xf32>, vector<16xf32>)
      %rev3A_2261 = arith.constant 15 : i32
      %rev3A_2262 = vector.broadcast %rev3A_2261 : i32 to vector<16xi32>
      %rev3A_2263 = tpu.iota {dimensions = array<i32: 0>} : vector<16xi32>
      %rev3A_2264 = arith.subi %rev3A_2262, %rev3A_2263 : vector<16xi32>
      %rev3A_2265 = tpu.dynamic_gather %sort3A_2127[%rev3A_2264] in [0] : vector<16xf32>, vector<16xi32> -> vector<16xf32>
      %max3A_2266 = arith.maximumf %sort3A_2100, %rev3A_2265 : vector<16xf32>
      %rev3A_2267 = arith.constant 15 : i32
      %rev3A_2268 = vector.broadcast %rev3A_2267 : i32 to vector<16xi32>
      %rev3A_2269 = tpu.iota {dimensions = array<i32: 0>} : vector<16xi32>
      %rev3A_2270 = arith.subi %rev3A_2268, %rev3A_2269 : vector<16xi32>
      %rev3A_2271 = tpu.dynamic_gather %sort3A_2122[%rev3A_2270] in [0] : vector<16xf32>, vector<16xi32> -> vector<16xf32>
      %max3A_2272 = arith.maximumf %sort3A_2105, %rev3A_2271 : vector<16xf32>
      %min3A_2273 = arith.minimumf %max3A_2266, %max3A_2272 : vector<16xf32>
      %sort3A_2274 = arith.constant dense<true> : vector<16xi1>
      %sort3A_2275, %sort3A_2276, %sort3A_2277 = tpu.sort %min3A_2273, %min3A_2273 masked %sort3A_2274 : (vector<16xf32>, vector<16xf32>, vector<16xi1>) -> (vector<16xi1>, vector<16xf32>, vector<16xf32>)
      %max3A_2278 = arith.maximumf %max3A_2266, %max3A_2272 : vector<16xf32>
      %sort3A_2279 = arith.constant dense<true> : vector<16xi1>
      %sort3A_2280, %sort3A_2281, %sort3A_2282 = tpu.sort %max3A_2278, %max3A_2278 masked %sort3A_2279 : (vector<16xf32>, vector<16xf32>, vector<16xi1>) -> (vector<16xi1>, vector<16xf32>, vector<16xf32>)
      %rev3A_2283 = arith.constant 15 : i32
      %rev3A_2284 = vector.broadcast %rev3A_2283 : i32 to vector<16xi32>
      %rev3A_2285 = tpu.iota {dimensions = array<i32: 0>} : vector<16xi32>
      %rev3A_2286 = arith.subi %rev3A_2284, %rev3A_2285 : vector<16xi32>
      %rev3A_2287 = tpu.dynamic_gather %sort3A_2171[%rev3A_2286] in [0] : vector<16xf32>, vector<16xi32> -> vector<16xf32>
      %max3A_2288 = arith.maximumf %sort3A_2144, %rev3A_2287 : vector<16xf32>
      %rev3A_2289 = arith.constant 15 : i32
      %rev3A_2290 = vector.broadcast %rev3A_2289 : i32 to vector<16xi32>
      %rev3A_2291 = tpu.iota {dimensions = array<i32: 0>} : vector<16xi32>
      %rev3A_2292 = arith.subi %rev3A_2290, %rev3A_2291 : vector<16xi32>
      %rev3A_2293 = tpu.dynamic_gather %sort3A_2166[%rev3A_2292] in [0] : vector<16xf32>, vector<16xi32> -> vector<16xf32>
      %max3A_2294 = arith.maximumf %sort3A_2149, %rev3A_2293 : vector<16xf32>
      %min3A_2295 = arith.minimumf %max3A_2288, %max3A_2294 : vector<16xf32>
      %sort3A_2296 = arith.constant dense<true> : vector<16xi1>
      %sort3A_2297, %sort3A_2298, %sort3A_2299 = tpu.sort %min3A_2295, %min3A_2295 masked %sort3A_2296 : (vector<16xf32>, vector<16xf32>, vector<16xi1>) -> (vector<16xi1>, vector<16xf32>, vector<16xf32>)
      %max3A_2300 = arith.maximumf %max3A_2288, %max3A_2294 : vector<16xf32>
      %sort3A_2301 = arith.constant dense<true> : vector<16xi1>
      %sort3A_2302, %sort3A_2303, %sort3A_2304 = tpu.sort %max3A_2300, %max3A_2300 masked %sort3A_2301 : (vector<16xf32>, vector<16xf32>, vector<16xi1>) -> (vector<16xi1>, vector<16xf32>, vector<16xf32>)
      %rev3A_2305 = arith.constant 15 : i32
      %rev3A_2306 = vector.broadcast %rev3A_2305 : i32 to vector<16xi32>
      %rev3A_2307 = tpu.iota {dimensions = array<i32: 0>} : vector<16xi32>
      %rev3A_2308 = arith.subi %rev3A_2306, %rev3A_2307 : vector<16xi32>
      %rev3A_2309 = tpu.dynamic_gather %sort3A_2215[%rev3A_2308] in [0] : vector<16xf32>, vector<16xi32> -> vector<16xf32>
      %max3A_2310 = arith.maximumf %sort3A_2188, %rev3A_2309 : vector<16xf32>
      %rev3A_2311 = arith.constant 15 : i32
      %rev3A_2312 = vector.broadcast %rev3A_2311 : i32 to vector<16xi32>
      %rev3A_2313 = tpu.iota {dimensions = array<i32: 0>} : vector<16xi32>
      %rev3A_2314 = arith.subi %rev3A_2312, %rev3A_2313 : vector<16xi32>
      %rev3A_2315 = tpu.dynamic_gather %sort3A_2210[%rev3A_2314] in [0] : vector<16xf32>, vector<16xi32> -> vector<16xf32>
      %max3A_2316 = arith.maximumf %sort3A_2193, %rev3A_2315 : vector<16xf32>
      %min3A_2317 = arith.minimumf %max3A_2310, %max3A_2316 : vector<16xf32>
      %sort3A_2318 = arith.constant dense<true> : vector<16xi1>
      %sort3A_2319, %sort3A_2320, %sort3A_2321 = tpu.sort %min3A_2317, %min3A_2317 masked %sort3A_2318 : (vector<16xf32>, vector<16xf32>, vector<16xi1>) -> (vector<16xi1>, vector<16xf32>, vector<16xf32>)
      %max3A_2322 = arith.maximumf %max3A_2310, %max3A_2316 : vector<16xf32>
      %sort3A_2323 = arith.constant dense<true> : vector<16xi1>
      %sort3A_2324, %sort3A_2325, %sort3A_2326 = tpu.sort %max3A_2322, %max3A_2322 masked %sort3A_2323 : (vector<16xf32>, vector<16xf32>, vector<16xi1>) -> (vector<16xi1>, vector<16xf32>, vector<16xf32>)
      %rev3A_2327 = arith.constant 15 : i32
      %rev3A_2328 = vector.broadcast %rev3A_2327 : i32 to vector<16xi32>
      %rev3A_2329 = tpu.iota {dimensions = array<i32: 0>} : vector<16xi32>
      %rev3A_2330 = arith.subi %rev3A_2328, %rev3A_2329 : vector<16xi32>
      %rev3A_2331 = tpu.dynamic_gather %sort3A_2259[%rev3A_2330] in [0] : vector<16xf32>, vector<16xi32> -> vector<16xf32>
      %max3A_2332 = arith.maximumf %sort3A_2232, %rev3A_2331 : vector<16xf32>
      %rev3A_2333 = arith.constant 15 : i32
      %rev3A_2334 = vector.broadcast %rev3A_2333 : i32 to vector<16xi32>
      %rev3A_2335 = tpu.iota {dimensions = array<i32: 0>} : vector<16xi32>
      %rev3A_2336 = arith.subi %rev3A_2334, %rev3A_2335 : vector<16xi32>
      %rev3A_2337 = tpu.dynamic_gather %sort3A_2254[%rev3A_2336] in [0] : vector<16xf32>, vector<16xi32> -> vector<16xf32>
      %max3A_2338 = arith.maximumf %sort3A_2237, %rev3A_2337 : vector<16xf32>
      %min3A_2339 = arith.minimumf %max3A_2332, %max3A_2338 : vector<16xf32>
      %sort3A_2340 = arith.constant dense<true> : vector<16xi1>
      %sort3A_2341, %sort3A_2342, %sort3A_2343 = tpu.sort %min3A_2339, %min3A_2339 masked %sort3A_2340 : (vector<16xf32>, vector<16xf32>, vector<16xi1>) -> (vector<16xi1>, vector<16xf32>, vector<16xf32>)
      %max3A_2344 = arith.maximumf %max3A_2332, %max3A_2338 : vector<16xf32>
      %sort3A_2345 = arith.constant dense<true> : vector<16xi1>
      %sort3A_2346, %sort3A_2347, %sort3A_2348 = tpu.sort %max3A_2344, %max3A_2344 masked %sort3A_2345 : (vector<16xf32>, vector<16xf32>, vector<16xi1>) -> (vector<16xi1>, vector<16xf32>, vector<16xf32>)
      %rev3A_2349 = arith.constant 15 : i32
      %rev3A_2350 = vector.broadcast %rev3A_2349 : i32 to vector<16xi32>
      %rev3A_2351 = tpu.iota {dimensions = array<i32: 0>} : vector<16xi32>
      %rev3A_2352 = arith.subi %rev3A_2350, %rev3A_2351 : vector<16xi32>
      %rev3A_2353 = tpu.dynamic_gather %sort3A_2303[%rev3A_2352] in [0] : vector<16xf32>, vector<16xi32> -> vector<16xf32>
      %max3A_2354 = arith.maximumf %sort3A_2276, %rev3A_2353 : vector<16xf32>
      %rev3A_2355 = arith.constant 15 : i32
      %rev3A_2356 = vector.broadcast %rev3A_2355 : i32 to vector<16xi32>
      %rev3A_2357 = tpu.iota {dimensions = array<i32: 0>} : vector<16xi32>
      %rev3A_2358 = arith.subi %rev3A_2356, %rev3A_2357 : vector<16xi32>
      %rev3A_2359 = tpu.dynamic_gather %sort3A_2298[%rev3A_2358] in [0] : vector<16xf32>, vector<16xi32> -> vector<16xf32>
      %max3A_2360 = arith.maximumf %sort3A_2281, %rev3A_2359 : vector<16xf32>
      %min3A_2361 = arith.minimumf %max3A_2354, %max3A_2360 : vector<16xf32>
      %sort3A_2362 = arith.constant dense<true> : vector<16xi1>
      %sort3A_2363, %sort3A_2364, %sort3A_2365 = tpu.sort %min3A_2361, %min3A_2361 masked %sort3A_2362 : (vector<16xf32>, vector<16xf32>, vector<16xi1>) -> (vector<16xi1>, vector<16xf32>, vector<16xf32>)
      %max3A_2366 = arith.maximumf %max3A_2354, %max3A_2360 : vector<16xf32>
      %sort3A_2367 = arith.constant dense<true> : vector<16xi1>
      %sort3A_2368, %sort3A_2369, %sort3A_2370 = tpu.sort %max3A_2366, %max3A_2366 masked %sort3A_2367 : (vector<16xf32>, vector<16xf32>, vector<16xi1>) -> (vector<16xi1>, vector<16xf32>, vector<16xf32>)
      %rev3A_2371 = arith.constant 15 : i32
      %rev3A_2372 = vector.broadcast %rev3A_2371 : i32 to vector<16xi32>
      %rev3A_2373 = tpu.iota {dimensions = array<i32: 0>} : vector<16xi32>
      %rev3A_2374 = arith.subi %rev3A_2372, %rev3A_2373 : vector<16xi32>
      %rev3A_2375 = tpu.dynamic_gather %sort3A_2347[%rev3A_2374] in [0] : vector<16xf32>, vector<16xi32> -> vector<16xf32>
      %max3A_2376 = arith.maximumf %sort3A_2320, %rev3A_2375 : vector<16xf32>
      %rev3A_2377 = arith.constant 15 : i32
      %rev3A_2378 = vector.broadcast %rev3A_2377 : i32 to vector<16xi32>
      %rev3A_2379 = tpu.iota {dimensions = array<i32: 0>} : vector<16xi32>
      %rev3A_2380 = arith.subi %rev3A_2378, %rev3A_2379 : vector<16xi32>
      %rev3A_2381 = tpu.dynamic_gather %sort3A_2342[%rev3A_2380] in [0] : vector<16xf32>, vector<16xi32> -> vector<16xf32>
      %max3A_2382 = arith.maximumf %sort3A_2325, %rev3A_2381 : vector<16xf32>
      %min3A_2383 = arith.minimumf %max3A_2376, %max3A_2382 : vector<16xf32>
      %sort3A_2384 = arith.constant dense<true> : vector<16xi1>
      %sort3A_2385, %sort3A_2386, %sort3A_2387 = tpu.sort %min3A_2383, %min3A_2383 masked %sort3A_2384 : (vector<16xf32>, vector<16xf32>, vector<16xi1>) -> (vector<16xi1>, vector<16xf32>, vector<16xf32>)
      %max3A_2388 = arith.maximumf %max3A_2376, %max3A_2382 : vector<16xf32>
      %sort3A_2389 = arith.constant dense<true> : vector<16xi1>
      %sort3A_2390, %sort3A_2391, %sort3A_2392 = tpu.sort %max3A_2388, %max3A_2388 masked %sort3A_2389 : (vector<16xf32>, vector<16xf32>, vector<16xi1>) -> (vector<16xi1>, vector<16xf32>, vector<16xf32>)
      %rev3A_2393 = arith.constant 15 : i32
      %rev3A_2394 = vector.broadcast %rev3A_2393 : i32 to vector<16xi32>
      %rev3A_2395 = tpu.iota {dimensions = array<i32: 0>} : vector<16xi32>
      %rev3A_2396 = arith.subi %rev3A_2394, %rev3A_2395 : vector<16xi32>
      %rev3A_2397 = tpu.dynamic_gather %sort3A_2369[%rev3A_2396] in [0] : vector<16xf32>, vector<16xi32> -> vector<16xf32>
      %max3A_2398 = arith.maximumf %sort3A_2386, %rev3A_2397 : vector<16xf32>
      %rev3A_2399 = arith.constant 15 : i32
      %rev3A_2400 = vector.broadcast %rev3A_2399 : i32 to vector<16xi32>
      %rev3A_2401 = tpu.iota {dimensions = array<i32: 0>} : vector<16xi32>
      %rev3A_2402 = arith.subi %rev3A_2400, %rev3A_2401 : vector<16xi32>
      %rev3A_2403 = tpu.dynamic_gather %sort3A_2364[%rev3A_2402] in [0] : vector<16xf32>, vector<16xi32> -> vector<16xf32>
      %max3A_2404 = arith.maximumf %sort3A_2391, %rev3A_2403 : vector<16xf32>
      %min3A_2405 = arith.minimumf %max3A_2398, %max3A_2404 : vector<16xf32>
      %reduce_min3A_2406 = arith.constant true
      %reduce_min3A_2407 = vector.broadcast %reduce_min3A_2406 : i1 to vector<16xi1>
      %reduce_min3A_2408 = tpu.scan <min>, %min3A_2405 masked %reduce_min3A_2407 : vector<16xf32>, vector<16xi1> -> vector<16xf32>
      %reduce_min3A_2409 = vector.extract %reduce_min3A_2408[15] : f32 from vector<16xf32>
      %broadcast_in_dim3A_2410 = vector.broadcast %reduce_min3A_2409 : f32 to vector<16xf32>
      %mul3A_2411 = arith.constant 128 : i32
      %mul3A_2412 = arith.muli %add3A_1212, %mul3A_2411 : i32
      %swap3A_2413 = arith.index_cast %mul3A_2412 : i32 to index
      %swap3A_2414 = tpu.vector_load %arg5[%swap3A_2413] {strides = array<i32>} : memref<6144xf32, #tpu.memory_space<vmem>>, vector<16xf32>,
      tpu.vector_store %arg5[%swap3A_2413], %broadcast_in_dim3A_2410 {strides = array<i32>} : memref<6144xf32, #tpu.memory_space<vmem>>, vector<16xf32>,
    }
    %scan3A_7 = arith.constant 24 : i32
    %mul3A_8 = arith.constant 128 : i32
    %mul3A_9 = arith.muli %mul3A_2, %mul3A_8 : i32
    "tpu.region"() ({
      %run_scoped3A = tpu.sem_alloc : memref<!tpu.dma_semaphore, #tpu.memory_space<semaphore_mem>>
      %dma_start3A = tpu.memref_slice %arg3[%mul3A_9] : memref<196608xf32, #tpu.memory_space<hbm>> -> memref<6144xf32, #tpu.memory_space<hbm>>
      %dma_start3A_10 = tpu.memref_slice %arg3[%mul3A_9] : memref<196608xf32, #tpu.memory_space<hbm>> -> memref<6144xf32, #tpu.memory_space<hbm>>
      tpu.enqueue_dma source(%arg5 : memref<6144xf32, #tpu.memory_space<vmem>>) target(%dma_start3A_10 : memref<6144xf32, #tpu.memory_space<hbm>>) target_semaphore(%run_scoped3A : memref<!tpu.dma_semaphore, #tpu.memory_space<semaphore_mem>>)
      %dma_wait3A = tpu.memref_slice %arg3[%mul3A_9] : memref<196608xf32, #tpu.memory_space<hbm>> -> memref<6144xf32, #tpu.memory_space<hbm>>
      %dma_wait3A_11 = tpu.memref_slice %arg3[%mul3A_9] : memref<196608xf32, #tpu.memory_space<hbm>> -> memref<6144xf32, #tpu.memory_space<hbm>>
      tpu.wait_dma2 semaphore(%run_scoped3A : memref<!tpu.dma_semaphore, #tpu.memory_space<semaphore_mem>>) src(%arg5 : memref<6144xf32, #tpu.memory_space<vmem>>) dst(%dma_wait3A_11 : memref<6144xf32, #tpu.memory_space<hbm>>)
      tpu.yield
    }) : () -> ()
    return
  }
}

#map = affine_map<(d0, d1) -> (0, 0)>
#map1 = affine_map<(d0, d1) -> (0)>
module attributes {stable_mosaic.version = 14 : i64} {
  func.func @body(%arg0: i32, %arg1: i32, %arg2: memref<1536x768xf32, #tpu.memory_space<hbm>>, %arg3: memref<196608xf32, #tpu.memory_space<hbm>>, %arg4: memref<48x768xf32, #tpu.memory_space<vmem>>, %arg5: memref<6144xf32, #tpu.memory_space<vmem>>) attributes {dimension_semantics = [#tpu.dimension_semantics<core_parallel>, #tpu.dimension_semantics<subcore_parallel>], iteration_bounds = array<i64: 2, 16>, scalar_prefetch = 0 : i64, scratch_operands = 2 : i64, tpu.core_type = #tpu.core_type<sc_vector_subcore>, window_params = [{transform_indices = #map}, {transform_indices = #map1}]} {
    %mul3A = arith.constant 2 : i32
    %mul3A_0 = arith.muli %arg1, %mul3A : i32
    %add3A = arith.addi %mul3A_0, %arg0 : i32
    %mul3A_1 = arith.constant 48 : i32
    %mul3A_2 = arith.muli %add3A, %mul3A_1 : i32
    "tpu.region"() ({
      %run_scoped3A = tpu.sem_alloc : memref<!tpu.dma_semaphore, #tpu.memory_space<semaphore_mem>>
      %dma_start3A = arith.constant 0 : i32
      %dma_start3A_10 = tpu.memref_slice %arg2[%mul3A_2, %dma_start3A] : memref<1536x768xf32, #tpu.memory_space<hbm>> -> memref<48x768xf32, #tpu.memory_space<hbm>>
      %dma_start3A_11 = arith.constant 0 : i32
      %dma_start3A_12 = tpu.memref_slice %arg2[%mul3A_2, %dma_start3A_11] : memref<1536x768xf32, #tpu.memory_space<hbm>> -> memref<48x768xf32, #tpu.memory_space<hbm>>
      tpu.enqueue_dma source(%dma_start3A_12 : memref<48x768xf32, #tpu.memory_space<hbm>>) target(%arg4 : memref<48x768xf32, #tpu.memory_space<vmem>>) target_semaphore(%run_scoped3A : memref<!tpu.dma_semaphore, #tpu.memory_space<semaphore_mem>>)
      %dma_wait3A = arith.constant 0 : i32
      %dma_wait3A_13 = tpu.memref_slice %arg2[%mul3A_2, %dma_wait3A] : memref<1536x768xf32, #tpu.memory_space<hbm>> -> memref<48x768xf32, #tpu.memory_space<hbm>>
      %dma_wait3A_14 = arith.constant 0 : i32
      %dma_wait3A_15 = tpu.memref_slice %arg2[%mul3A_2, %dma_wait3A_14] : memref<1536x768xf32, #tpu.memory_space<hbm>> -> memref<48x768xf32, #tpu.memory_space<hbm>>
      tpu.wait_dma2 semaphore(%run_scoped3A : memref<!tpu.dma_semaphore, #tpu.memory_space<semaphore_mem>>) src(%dma_wait3A_15 : memref<48x768xf32, #tpu.memory_space<hbm>>) dst(%arg4 : memref<48x768xf32, #tpu.memory_space<vmem>>)
      tpu.yield
    }) : () -> ()
    %scan3A = arith.constant 0 : i32
    %scan3A_3 = arith.constant 0 : i32
    %scan3A_4 = arith.constant 24 : i32
    %scan3A_5 = arith.addi %scan3A_3, %scan3A_4 : i32
    %scan3A_6 = arith.constant 1 : i32
    scf.for %scan3A_10 = %scan3A_3 to %scan3A_5 step %scan3A_6  : i32 {
      %mul3A_11 = arith.constant 2 : i32
      %mul3A_12 = arith.muli %scan3A_10, %mul3A_11 : i32
      %add3A_13 = arith.constant 0 : i32
      %add3A_14 = arith.addi %mul3A_12, %add3A_13 : i32
      %get3A = arith.index_cast %add3A_14 : i32 to index
      %get3A_15 = arith.constant 0 : index
      %get3A_16 = tpu.vector_load %arg4[%get3A, %get3A_15] {strides = array<i32>} : memref<48x768xf32, #tpu.memory_space<vmem>>, vector<16xf32>,
      %get3A_17 = arith.index_cast %add3A_14 : i32 to index
      %get3A_18 = arith.constant 16 : index
      %get3A_19 = tpu.vector_load %arg4[%get3A_17, %get3A_18] {strides = array<i32>} : memref<48x768xf32, #tpu.memory_space<vmem>>, vector<16xf32>,
      %get3A_20 = arith.index_cast %add3A_14 : i32 to index
      %get3A_21 = arith.constant 32 : index
      %get3A_22 = tpu.vector_load %arg4[%get3A_20, %get3A_21] {strides = array<i32>} : memref<48x768xf32, #tpu.memory_space<vmem>>, vector<16xf32>,
      %get3A_23 = arith.index_cast %add3A_14 : i32 to index
      %get3A_24 = arith.constant 48 : index
      %get3A_25 = tpu.vector_load %arg4[%get3A_23, %get3A_24] {strides = array<i32>} : memref<48x768xf32, #tpu.memory_space<vmem>>, vector<16xf32>,
      %get3A_26 = arith.index_cast %add3A_14 : i32 to index
      %get3A_27 = arith.constant 64 : index
      %get3A_28 = tpu.vector_load %arg4[%get3A_26, %get3A_27] {strides = array<i32>} : memref<48x768xf32, #tpu.memory_space<vmem>>, vector<16xf32>,
      %get3A_29 = arith.index_cast %add3A_14 : i32 to index
      %get3A_30 = arith.constant 80 : index
      %get3A_31 = tpu.vector_load %arg4[%get3A_29, %get3A_30] {strides = array<i32>} : memref<48x768xf32, #tpu.memory_space<vmem>>, vector<16xf32>,
      %get3A_32 = arith.index_cast %add3A_14 : i32 to index
      %get3A_33 = arith.constant 96 : index
      %get3A_34 = tpu.vector_load %arg4[%get3A_32, %get3A_33] {strides = array<i32>} : memref<48x768xf32, #tpu.memory_space<vmem>>, vector<16xf32>,
      %get3A_35 = arith.index_cast %add3A_14 : i32 to index
      %get3A_36 = arith.constant 112 : index
      %get3A_37 = tpu.vector_load %arg4[%get3A_35, %get3A_36] {strides = array<i32>} : memref<48x768xf32, #tpu.memory_space<vmem>>, vector<16xf32>,
      %get3A_38 = arith.index_cast %add3A_14 : i32 to index
      %get3A_39 = arith.constant 128 : index
      %get3A_40 = tpu.vector_load %arg4[%get3A_38, %get3A_39] {strides = array<i32>} : memref<48x768xf32, #tpu.memory_space<vmem>>, vector<16xf32>,
      %get3A_41 = arith.index_cast %add3A_14 : i32 to index
      %get3A_42 = arith.constant 144 : index
      %get3A_43 = tpu.vector_load %arg4[%get3A_41, %get3A_42] {strides = array<i32>} : memref<48x768xf32, #tpu.memory_space<vmem>>, vector<16xf32>,
      %get3A_44 = arith.index_cast %add3A_14 : i32 to index
      %get3A_45 = arith.constant 160 : index
      %get3A_46 = tpu.vector_load %arg4[%get3A_44, %get3A_45] {strides = array<i32>} : memref<48x768xf32, #tpu.memory_space<vmem>>, vector<16xf32>,
      %get3A_47 = arith.index_cast %add3A_14 : i32 to index
      %get3A_48 = arith.constant 176 : index
      %get3A_49 = tpu.vector_load %arg4[%get3A_47, %get3A_48] {strides = array<i32>} : memref<48x768xf32, #tpu.memory_space<vmem>>, vector<16xf32>,
      %get3A_50 = arith.index_cast %add3A_14 : i32 to index
      %get3A_51 = arith.constant 192 : index
      %get3A_52 = tpu.vector_load %arg4[%get3A_50, %get3A_51] {strides = array<i32>} : memref<48x768xf32, #tpu.memory_space<vmem>>, vector<16xf32>,
      %get3A_53 = arith.index_cast %add3A_14 : i32 to index
      %get3A_54 = arith.constant 208 : index
      %get3A_55 = tpu.vector_load %arg4[%get3A_53, %get3A_54] {strides = array<i32>} : memref<48x768xf32, #tpu.memory_space<vmem>>, vector<16xf32>,
      %get3A_56 = arith.index_cast %add3A_14 : i32 to index
      %get3A_57 = arith.constant 224 : index
      %get3A_58 = tpu.vector_load %arg4[%get3A_56, %get3A_57] {strides = array<i32>} : memref<48x768xf32, #tpu.memory_space<vmem>>, vector<16xf32>,
      %get3A_59 = arith.index_cast %add3A_14 : i32 to index
      %get3A_60 = arith.constant 240 : index
      %get3A_61 = tpu.vector_load %arg4[%get3A_59, %get3A_60] {strides = array<i32>} : memref<48x768xf32, #tpu.memory_space<vmem>>, vector<16xf32>,
      %get3A_62 = arith.index_cast %add3A_14 : i32 to index
      %get3A_63 = arith.constant 256 : index
      %get3A_64 = tpu.vector_load %arg4[%get3A_62, %get3A_63] {strides = array<i32>} : memref<48x768xf32, #tpu.memory_space<vmem>>, vector<16xf32>,
      %get3A_65 = arith.index_cast %add3A_14 : i32 to index
      %get3A_66 = arith.constant 272 : index
      %get3A_67 = tpu.vector_load %arg4[%get3A_65, %get3A_66] {strides = array<i32>} : memref<48x768xf32, #tpu.memory_space<vmem>>, vector<16xf32>,
      %get3A_68 = arith.index_cast %add3A_14 : i32 to index
      %get3A_69 = arith.constant 288 : index
      %get3A_70 = tpu.vector_load %arg4[%get3A_68, %get3A_69] {strides = array<i32>} : memref<48x768xf32, #tpu.memory_space<vmem>>, vector<16xf32>,
      %get3A_71 = arith.index_cast %add3A_14 : i32 to index
      %get3A_72 = arith.constant 304 : index
      %get3A_73 = tpu.vector_load %arg4[%get3A_71, %get3A_72] {strides = array<i32>} : memref<48x768xf32, #tpu.memory_space<vmem>>, vector<16xf32>,
      %get3A_74 = arith.index_cast %add3A_14 : i32 to index
      %get3A_75 = arith.constant 320 : index
      %get3A_76 = tpu.vector_load %arg4[%get3A_74, %get3A_75] {strides = array<i32>} : memref<48x768xf32, #tpu.memory_space<vmem>>, vector<16xf32>,
      %get3A_77 = arith.index_cast %add3A_14 : i32 to index
      %get3A_78 = arith.constant 336 : index
      %get3A_79 = tpu.vector_load %arg4[%get3A_77, %get3A_78] {strides = array<i32>} : memref<48x768xf32, #tpu.memory_space<vmem>>, vector<16xf32>,
      %get3A_80 = arith.index_cast %add3A_14 : i32 to index
      %get3A_81 = arith.constant 352 : index
      %get3A_82 = tpu.vector_load %arg4[%get3A_80, %get3A_81] {strides = array<i32>} : memref<48x768xf32, #tpu.memory_space<vmem>>, vector<16xf32>,
      %get3A_83 = arith.index_cast %add3A_14 : i32 to index
      %get3A_84 = arith.constant 368 : index
      %get3A_85 = tpu.vector_load %arg4[%get3A_83, %get3A_84] {strides = array<i32>} : memref<48x768xf32, #tpu.memory_space<vmem>>, vector<16xf32>,
      %get3A_86 = arith.index_cast %add3A_14 : i32 to index
      %get3A_87 = arith.constant 384 : index
      %get3A_88 = tpu.vector_load %arg4[%get3A_86, %get3A_87] {strides = array<i32>} : memref<48x768xf32, #tpu.memory_space<vmem>>, vector<16xf32>,
      %get3A_89 = arith.index_cast %add3A_14 : i32 to index
      %get3A_90 = arith.constant 400 : index
      %get3A_91 = tpu.vector_load %arg4[%get3A_89, %get3A_90] {strides = array<i32>} : memref<48x768xf32, #tpu.memory_space<vmem>>, vector<16xf32>,
      %get3A_92 = arith.index_cast %add3A_14 : i32 to index
      %get3A_93 = arith.constant 416 : index
      %get3A_94 = tpu.vector_load %arg4[%get3A_92, %get3A_93] {strides = array<i32>} : memref<48x768xf32, #tpu.memory_space<vmem>>, vector<16xf32>,
      %get3A_95 = arith.index_cast %add3A_14 : i32 to index
      %get3A_96 = arith.constant 432 : index
      %get3A_97 = tpu.vector_load %arg4[%get3A_95, %get3A_96] {strides = array<i32>} : memref<48x768xf32, #tpu.memory_space<vmem>>, vector<16xf32>,
      %get3A_98 = arith.index_cast %add3A_14 : i32 to index
      %get3A_99 = arith.constant 448 : index
      %get3A_100 = tpu.vector_load %arg4[%get3A_98, %get3A_99] {strides = array<i32>} : memref<48x768xf32, #tpu.memory_space<vmem>>, vector<16xf32>,
      %get3A_101 = arith.index_cast %add3A_14 : i32 to index
      %get3A_102 = arith.constant 464 : index
      %get3A_103 = tpu.vector_load %arg4[%get3A_101, %get3A_102] {strides = array<i32>} : memref<48x768xf32, #tpu.memory_space<vmem>>, vector<16xf32>,
      %get3A_104 = arith.index_cast %add3A_14 : i32 to index
      %get3A_105 = arith.constant 480 : index
      %get3A_106 = tpu.vector_load %arg4[%get3A_104, %get3A_105] {strides = array<i32>} : memref<48x768xf32, #tpu.memory_space<vmem>>, vector<16xf32>,
      %get3A_107 = arith.index_cast %add3A_14 : i32 to index
      %get3A_108 = arith.constant 496 : index
      %get3A_109 = tpu.vector_load %arg4[%get3A_107, %get3A_108] {strides = array<i32>} : memref<48x768xf32, #tpu.memory_space<vmem>>, vector<16xf32>,
      %get3A_110 = arith.index_cast %add3A_14 : i32 to index
      %get3A_111 = arith.constant 512 : index
      %get3A_112 = tpu.vector_load %arg4[%get3A_110, %get3A_111] {strides = array<i32>} : memref<48x768xf32, #tpu.memory_space<vmem>>, vector<16xf32>,
      %get3A_113 = arith.index_cast %add3A_14 : i32 to index
      %get3A_114 = arith.constant 528 : index
      %get3A_115 = tpu.vector_load %arg4[%get3A_113, %get3A_114] {strides = array<i32>} : memref<48x768xf32, #tpu.memory_space<vmem>>, vector<16xf32>,
      %get3A_116 = arith.index_cast %add3A_14 : i32 to index
      %get3A_117 = arith.constant 544 : index
      %get3A_118 = tpu.vector_load %arg4[%get3A_116, %get3A_117] {strides = array<i32>} : memref<48x768xf32, #tpu.memory_space<vmem>>, vector<16xf32>,
      %get3A_119 = arith.index_cast %add3A_14 : i32 to index
      %get3A_120 = arith.constant 560 : index
      %get3A_121 = tpu.vector_load %arg4[%get3A_119, %get3A_120] {strides = array<i32>} : memref<48x768xf32, #tpu.memory_space<vmem>>, vector<16xf32>,
      %get3A_122 = arith.index_cast %add3A_14 : i32 to index
      %get3A_123 = arith.constant 576 : index
      %get3A_124 = tpu.vector_load %arg4[%get3A_122, %get3A_123] {strides = array<i32>} : memref<48x768xf32, #tpu.memory_space<vmem>>, vector<16xf32>,
      %get3A_125 = arith.index_cast %add3A_14 : i32 to index
      %get3A_126 = arith.constant 592 : index
      %get3A_127 = tpu.vector_load %arg4[%get3A_125, %get3A_126] {strides = array<i32>} : memref<48x768xf32, #tpu.memory_space<vmem>>, vector<16xf32>,
      %get3A_128 = arith.index_cast %add3A_14 : i32 to index
      %get3A_129 = arith.constant 608 : index
      %get3A_130 = tpu.vector_load %arg4[%get3A_128, %get3A_129] {strides = array<i32>} : memref<48x768xf32, #tpu.memory_space<vmem>>, vector<16xf32>,
      %get3A_131 = arith.index_cast %add3A_14 : i32 to index
      %get3A_132 = arith.constant 624 : index
      %get3A_133 = tpu.vector_load %arg4[%get3A_131, %get3A_132] {strides = array<i32>} : memref<48x768xf32, #tpu.memory_space<vmem>>, vector<16xf32>,
      %get3A_134 = arith.index_cast %add3A_14 : i32 to index
      %get3A_135 = arith.constant 640 : index
      %get3A_136 = tpu.vector_load %arg4[%get3A_134, %get3A_135] {strides = array<i32>} : memref<48x768xf32, #tpu.memory_space<vmem>>, vector<16xf32>,
      %get3A_137 = arith.index_cast %add3A_14 : i32 to index
      %get3A_138 = arith.constant 656 : index
      %get3A_139 = tpu.vector_load %arg4[%get3A_137, %get3A_138] {strides = array<i32>} : memref<48x768xf32, #tpu.memory_space<vmem>>, vector<16xf32>,
      %get3A_140 = arith.index_cast %add3A_14 : i32 to index
      %get3A_141 = arith.constant 672 : index
      %get3A_142 = tpu.vector_load %arg4[%get3A_140, %get3A_141] {strides = array<i32>} : memref<48x768xf32, #tpu.memory_space<vmem>>, vector<16xf32>,
      %get3A_143 = arith.index_cast %add3A_14 : i32 to index
      %get3A_144 = arith.constant 688 : index
      %get3A_145 = tpu.vector_load %arg4[%get3A_143, %get3A_144] {strides = array<i32>} : memref<48x768xf32, #tpu.memory_space<vmem>>, vector<16xf32>,
      %get3A_146 = arith.index_cast %add3A_14 : i32 to index
      %get3A_147 = arith.constant 704 : index
      %get3A_148 = tpu.vector_load %arg4[%get3A_146, %get3A_147] {strides = array<i32>} : memref<48x768xf32, #tpu.memory_space<vmem>>, vector<16xf32>,
      %get3A_149 = arith.index_cast %add3A_14 : i32 to index
      %get3A_150 = arith.constant 720 : index
      %get3A_151 = tpu.vector_load %arg4[%get3A_149, %get3A_150] {strides = array<i32>} : memref<48x768xf32, #tpu.memory_space<vmem>>, vector<16xf32>,
      %get3A_152 = arith.index_cast %add3A_14 : i32 to index
      %get3A_153 = arith.constant 736 : index
      %get3A_154 = tpu.vector_load %arg4[%get3A_152, %get3A_153] {strides = array<i32>} : memref<48x768xf32, #tpu.memory_space<vmem>>, vector<16xf32>,
      %get3A_155 = arith.index_cast %add3A_14 : i32 to index
      %get3A_156 = arith.constant 752 : index
      %get3A_157 = tpu.vector_load %arg4[%get3A_155, %get3A_156] {strides = array<i32>} : memref<48x768xf32, #tpu.memory_space<vmem>>, vector<16xf32>,
      %sort3A = arith.constant dense<true> : vector<16xi1>
      %sort3A_158, %sort3A_159, %sort3A_160 = tpu.sort %get3A_16, %get3A_16 masked %sort3A : (vector<16xf32>, vector<16xf32>, vector<16xi1>) -> (vector<16xi1>, vector<16xf32>, vector<16xf32>)
      %sort3A_161 = arith.constant dense<true> : vector<16xi1>
      %sort3A_162, %sort3A_163, %sort3A_164 = tpu.sort %get3A_19, %get3A_19 masked %sort3A_161 : (vector<16xf32>, vector<16xf32>, vector<16xi1>) -> (vector<16xi1>, vector<16xf32>, vector<16xf32>)
      %sort3A_165 = arith.constant dense<true> : vector<16xi1>
      %sort3A_166, %sort3A_167, %sort3A_168 = tpu.sort %get3A_22, %get3A_22 masked %sort3A_165 : (vector<16xf32>, vector<16xf32>, vector<16xi1>) -> (vector<16xi1>, vector<16xf32>, vector<16xf32>)
      %sort3A_169 = arith.constant dense<true> : vector<16xi1>
      %sort3A_170, %sort3A_171, %sort3A_172 = tpu.sort %get3A_25, %get3A_25 masked %sort3A_169 : (vector<16xf32>, vector<16xf32>, vector<16xi1>) -> (vector<16xi1>, vector<16xf32>, vector<16xf32>)
      %sort3A_173 = arith.constant dense<true> : vector<16xi1>
      %sort3A_174, %sort3A_175, %sort3A_176 = tpu.sort %get3A_28, %get3A_28 masked %sort3A_173 : (vector<16xf32>, vector<16xf32>, vector<16xi1>) -> (vector<16xi1>, vector<16xf32>, vector<16xf32>)
      %sort3A_177 = arith.constant dense<true> : vector<16xi1>
      %sort3A_178, %sort3A_179, %sort3A_180 = tpu.sort %get3A_31, %get3A_31 masked %sort3A_177 : (vector<16xf32>, vector<16xf32>, vector<16xi1>) -> (vector<16xi1>, vector<16xf32>, vector<16xf32>)
      %sort3A_181 = arith.constant dense<true> : vector<16xi1>
      %sort3A_182, %sort3A_183, %sort3A_184 = tpu.sort %get3A_34, %get3A_34 masked %sort3A_181 : (vector<16xf32>, vector<16xf32>, vector<16xi1>) -> (vector<16xi1>, vector<16xf32>, vector<16xf32>)
      %sort3A_185 = arith.constant dense<true> : vector<16xi1>
      %sort3A_186, %sort3A_187, %sort3A_188 = tpu.sort %get3A_37, %get3A_37 masked %sort3A_185 : (vector<16xf32>, vector<16xf32>, vector<16xi1>) -> (vector<16xi1>, vector<16xf32>, vector<16xf32>)
      %sort3A_189 = arith.constant dense<true> : vector<16xi1>
      %sort3A_190, %sort3A_191, %sort3A_192 = tpu.sort %get3A_40, %get3A_40 masked %sort3A_189 : (vector<16xf32>, vector<16xf32>, vector<16xi1>) -> (vector<16xi1>, vector<16xf32>, vector<16xf32>)
      %sort3A_193 = arith.constant dense<true> : vector<16xi1>
      %sort3A_194, %sort3A_195, %sort3A_196 = tpu.sort %get3A_43, %get3A_43 masked %sort3A_193 : (vector<16xf32>, vector<16xf32>, vector<16xi1>) -> (vector<16xi1>, vector<16xf32>, vector<16xf32>)
      %sort3A_197 = arith.constant dense<true> : vector<16xi1>
      %sort3A_198, %sort3A_199, %sort3A_200 = tpu.sort %get3A_46, %get3A_46 masked %sort3A_197 : (vector<16xf32>, vector<16xf32>, vector<16xi1>) -> (vector<16xi1>, vector<16xf32>, vector<16xf32>)
      %sort3A_201 = arith.constant dense<true> : vector<16xi1>
      %sort3A_202, %sort3A_203, %sort3A_204 = tpu.sort %get3A_49, %get3A_49 masked %sort3A_201 : (vector<16xf32>, vector<16xf32>, vector<16xi1>) -> (vector<16xi1>, vector<16xf32>, vector<16xf32>)
      %sort3A_205 = arith.constant dense<true> : vector<16xi1>
      %sort3A_206, %sort3A_207, %sort3A_208 = tpu.sort %get3A_52, %get3A_52 masked %sort3A_205 : (vector<16xf32>, vector<16xf32>, vector<16xi1>) -> (vector<16xi1>, vector<16xf32>, vector<16xf32>)
      %sort3A_209 = arith.constant dense<true> : vector<16xi1>
      %sort3A_210, %sort3A_211, %sort3A_212 = tpu.sort %get3A_55, %get3A_55 masked %sort3A_209 : (vector<16xf32>, vector<16xf32>, vector<16xi1>) -> (vector<16xi1>, vector<16xf32>, vector<16xf32>)
      %sort3A_213 = arith.constant dense<true> : vector<16xi1>
      %sort3A_214, %sort3A_215, %sort3A_216 = tpu.sort %get3A_58, %get3A_58 masked %sort3A_213 : (vector<16xf32>, vector<16xf32>, vector<16xi1>) -> (vector<16xi1>, vector<16xf32>, vector<16xf32>)
      %sort3A_217 = arith.constant dense<true> : vector<16xi1>
      %sort3A_218, %sort3A_219, %sort3A_220 = tpu.sort %get3A_61, %get3A_61 masked %sort3A_217 : (vector<16xf32>, vector<16xf32>, vector<16xi1>) -> (vector<16xi1>, vector<16xf32>, vector<16xf32>)
      %sort3A_221 = arith.constant dense<true> : vector<16xi1>
      %sort3A_222, %sort3A_223, %sort3A_224 = tpu.sort %get3A_64, %get3A_64 masked %sort3A_221 : (vector<16xf32>, vector<16xf32>, vector<16xi1>) -> (vector<16xi1>, vector<16xf32>, vector<16xf32>)
      %sort3A_225 = arith.constant dense<true> : vector<16xi1>
      %sort3A_226, %sort3A_227, %sort3A_228 = tpu.sort %get3A_67, %get3A_67 masked %sort3A_225 : (vector<16xf32>, vector<16xf32>, vector<16xi1>) -> (vector<16xi1>, vector<16xf32>, vector<16xf32>)
      %sort3A_229 = arith.constant dense<true> : vector<16xi1>
      %sort3A_230, %sort3A_231, %sort3A_232 = tpu.sort %get3A_70, %get3A_70 masked %sort3A_229 : (vector<16xf32>, vector<16xf32>, vector<16xi1>) -> (vector<16xi1>, vector<16xf32>, vector<16xf32>)
      %sort3A_233 = arith.constant dense<true> : vector<16xi1>
      %sort3A_234, %sort3A_235, %sort3A_236 = tpu.sort %get3A_73, %get3A_73 masked %sort3A_233 : (vector<16xf32>, vector<16xf32>, vector<16xi1>) -> (vector<16xi1>, vector<16xf32>, vector<16xf32>)
      %sort3A_237 = arith.constant dense<true> : vector<16xi1>
      %sort3A_238, %sort3A_239, %sort3A_240 = tpu.sort %get3A_76, %get3A_76 masked %sort3A_237 : (vector<16xf32>, vector<16xf32>, vector<16xi1>) -> (vector<16xi1>, vector<16xf32>, vector<16xf32>)
      %sort3A_241 = arith.constant dense<true> : vector<16xi1>
      %sort3A_242, %sort3A_243, %sort3A_244 = tpu.sort %get3A_79, %get3A_79 masked %sort3A_241 : (vector<16xf32>, vector<16xf32>, vector<16xi1>) -> (vector<16xi1>, vector<16xf32>, vector<16xf32>)
      %sort3A_245 = arith.constant dense<true> : vector<16xi1>
      %sort3A_246, %sort3A_247, %sort3A_248 = tpu.sort %get3A_82, %get3A_82 masked %sort3A_245 : (vector<16xf32>, vector<16xf32>, vector<16xi1>) -> (vector<16xi1>, vector<16xf32>, vector<16xf32>)
      %sort3A_249 = arith.constant dense<true> : vector<16xi1>
      %sort3A_250, %sort3A_251, %sort3A_252 = tpu.sort %get3A_85, %get3A_85 masked %sort3A_249 : (vector<16xf32>, vector<16xf32>, vector<16xi1>) -> (vector<16xi1>, vector<16xf32>, vector<16xf32>)
      %sort3A_253 = arith.constant dense<true> : vector<16xi1>
      %sort3A_254, %sort3A_255, %sort3A_256 = tpu.sort %get3A_88, %get3A_88 masked %sort3A_253 : (vector<16xf32>, vector<16xf32>, vector<16xi1>) -> (vector<16xi1>, vector<16xf32>, vector<16xf32>)
      %sort3A_257 = arith.constant dense<true> : vector<16xi1>
      %sort3A_258, %sort3A_259, %sort3A_260 = tpu.sort %get3A_91, %get3A_91 masked %sort3A_257 : (vector<16xf32>, vector<16xf32>, vector<16xi1>) -> (vector<16xi1>, vector<16xf32>, vector<16xf32>)
      %sort3A_261 = arith.constant dense<true> : vector<16xi1>
      %sort3A_262, %sort3A_263, %sort3A_264 = tpu.sort %get3A_94, %get3A_94 masked %sort3A_261 : (vector<16xf32>, vector<16xf32>, vector<16xi1>) -> (vector<16xi1>, vector<16xf32>, vector<16xf32>)
      %sort3A_265 = arith.constant dense<true> : vector<16xi1>
      %sort3A_266, %sort3A_267, %sort3A_268 = tpu.sort %get3A_97, %get3A_97 masked %sort3A_265 : (vector<16xf32>, vector<16xf32>, vector<16xi1>) -> (vector<16xi1>, vector<16xf32>, vector<16xf32>)
      %sort3A_269 = arith.constant dense<true> : vector<16xi1>
      %sort3A_270, %sort3A_271, %sort3A_272 = tpu.sort %get3A_100, %get3A_100 masked %sort3A_269 : (vector<16xf32>, vector<16xf32>, vector<16xi1>) -> (vector<16xi1>, vector<16xf32>, vector<16xf32>)
      %sort3A_273 = arith.constant dense<true> : vector<16xi1>
      %sort3A_274, %sort3A_275, %sort3A_276 = tpu.sort %get3A_103, %get3A_103 masked %sort3A_273 : (vector<16xf32>, vector<16xf32>, vector<16xi1>) -> (vector<16xi1>, vector<16xf32>, vector<16xf32>)
      %sort3A_277 = arith.constant dense<true> : vector<16xi1>
      %sort3A_278, %sort3A_279, %sort3A_280 = tpu.sort %get3A_106, %get3A_106 masked %sort3A_277 : (vector<16xf32>, vector<16xf32>, vector<16xi1>) -> (vector<16xi1>, vector<16xf32>, vector<16xf32>)
      %sort3A_281 = arith.constant dense<true> : vector<16xi1>
      %sort3A_282, %sort3A_283, %sort3A_284 = tpu.sort %get3A_109, %get3A_109 masked %sort3A_281 : (vector<16xf32>, vector<16xf32>, vector<16xi1>) -> (vector<16xi1>, vector<16xf32>, vector<16xf32>)
      %sort3A_285 = arith.constant dense<true> : vector<16xi1>
      %sort3A_286, %sort3A_287, %sort3A_288 = tpu.sort %get3A_112, %get3A_112 masked %sort3A_285 : (vector<16xf32>, vector<16xf32>, vector<16xi1>) -> (vector<16xi1>, vector<16xf32>, vector<16xf32>)
      %sort3A_289 = arith.constant dense<true> : vector<16xi1>
      %sort3A_290, %sort3A_291, %sort3A_292 = tpu.sort %get3A_115, %get3A_115 masked %sort3A_289 : (vector<16xf32>, vector<16xf32>, vector<16xi1>) -> (vector<16xi1>, vector<16xf32>, vector<16xf32>)
      %sort3A_293 = arith.constant dense<true> : vector<16xi1>
      %sort3A_294, %sort3A_295, %sort3A_296 = tpu.sort %get3A_118, %get3A_118 masked %sort3A_293 : (vector<16xf32>, vector<16xf32>, vector<16xi1>) -> (vector<16xi1>, vector<16xf32>, vector<16xf32>)
      %sort3A_297 = arith.constant dense<true> : vector<16xi1>
      %sort3A_298, %sort3A_299, %sort3A_300 = tpu.sort %get3A_121, %get3A_121 masked %sort3A_297 : (vector<16xf32>, vector<16xf32>, vector<16xi1>) -> (vector<16xi1>, vector<16xf32>, vector<16xf32>)
      %sort3A_301 = arith.constant dense<true> : vector<16xi1>
      %sort3A_302, %sort3A_303, %sort3A_304 = tpu.sort %get3A_124, %get3A_124 masked %sort3A_301 : (vector<16xf32>, vector<16xf32>, vector<16xi1>) -> (vector<16xi1>, vector<16xf32>, vector<16xf32>)
      %sort3A_305 = arith.constant dense<true> : vector<16xi1>
      %sort3A_306, %sort3A_307, %sort3A_308 = tpu.sort %get3A_127, %get3A_127 masked %sort3A_305 : (vector<16xf32>, vector<16xf32>, vector<16xi1>) -> (vector<16xi1>, vector<16xf32>, vector<16xf32>)
      %sort3A_309 = arith.constant dense<true> : vector<16xi1>
      %sort3A_310, %sort3A_311, %sort3A_312 = tpu.sort %get3A_130, %get3A_130 masked %sort3A_309 : (vector<16xf32>, vector<16xf32>, vector<16xi1>) -> (vector<16xi1>, vector<16xf32>, vector<16xf32>)
      %sort3A_313 = arith.constant dense<true> : vector<16xi1>
      %sort3A_314, %sort3A_315, %sort3A_316 = tpu.sort %get3A_133, %get3A_133 masked %sort3A_313 : (vector<16xf32>, vector<16xf32>, vector<16xi1>) -> (vector<16xi1>, vector<16xf32>, vector<16xf32>)
      %sort3A_317 = arith.constant dense<true> : vector<16xi1>
      %sort3A_318, %sort3A_319, %sort3A_320 = tpu.sort %get3A_136, %get3A_136 masked %sort3A_317 : (vector<16xf32>, vector<16xf32>, vector<16xi1>) -> (vector<16xi1>, vector<16xf32>, vector<16xf32>)
      %sort3A_321 = arith.constant dense<true> : vector<16xi1>
      %sort3A_322, %sort3A_323, %sort3A_324 = tpu.sort %get3A_139, %get3A_139 masked %sort3A_321 : (vector<16xf32>, vector<16xf32>, vector<16xi1>) -> (vector<16xi1>, vector<16xf32>, vector<16xf32>)
      %sort3A_325 = arith.constant dense<true> : vector<16xi1>
      %sort3A_326, %sort3A_327, %sort3A_328 = tpu.sort %get3A_142, %get3A_142 masked %sort3A_325 : (vector<16xf32>, vector<16xf32>, vector<16xi1>) -> (vector<16xi1>, vector<16xf32>, vector<16xf32>)
      %sort3A_329 = arith.constant dense<true> : vector<16xi1>
      %sort3A_330, %sort3A_331, %sort3A_332 = tpu.sort %get3A_145, %get3A_145 masked %sort3A_329 : (vector<16xf32>, vector<16xf32>, vector<16xi1>) -> (vector<16xi1>, vector<16xf32>, vector<16xf32>)
      %sort3A_333 = arith.constant dense<true> : vector<16xi1>
      %sort3A_334, %sort3A_335, %sort3A_336 = tpu.sort %get3A_148, %get3A_148 masked %sort3A_333 : (vector<16xf32>, vector<16xf32>, vector<16xi1>) -> (vector<16xi1>, vector<16xf32>, vector<16xf32>)
      %sort3A_337 = arith.constant dense<true> : vector<16xi1>
      %sort3A_338, %sort3A_339, %sort3A_340 = tpu.sort %get3A_151, %get3A_151 masked %sort3A_337 : (vector<16xf32>, vector<16xf32>, vector<16xi1>) -> (vector<16xi1>, vector<16xf32>, vector<16xf32>)
      %sort3A_341 = arith.constant dense<true> : vector<16xi1>
      %sort3A_342, %sort3A_343, %sort3A_344 = tpu.sort %get3A_154, %get3A_154 masked %sort3A_341 : (vector<16xf32>, vector<16xf32>, vector<16xi1>) -> (vector<16xi1>, vector<16xf32>, vector<16xf32>)
      %sort3A_345 = arith.constant dense<true> : vector<16xi1>
      %sort3A_346, %sort3A_347, %sort3A_348 = tpu.sort %get3A_157, %get3A_157 masked %sort3A_345 : (vector<16xf32>, vector<16xf32>, vector<16xi1>) -> (vector<16xi1>, vector<16xf32>, vector<16xf32>)
      %rev3A = arith.constant 15 : i32
      %rev3A_349 = vector.broadcast %rev3A : i32 to vector<16xi32>
      %rev3A_350 = tpu.iota {dimensions = array<i32: 0>} : vector<16xi32>
      %rev3A_351 = arith.subi %rev3A_349, %rev3A_350 : vector<16xi32>
      %rev3A_352 = tpu.dynamic_gather %sort3A_163[%rev3A_351] in [0] : vector<16xf32>, vector<16xi32> -> vector<16xf32>
      %min3A = arith.minimumf %sort3A_159, %rev3A_352 : vector<16xf32>
      %sort3A_353 = arith.constant dense<true> : vector<16xi1>
      %sort3A_354, %sort3A_355, %sort3A_356 = tpu.sort %min3A, %min3A masked %sort3A_353 : (vector<16xf32>, vector<16xf32>, vector<16xi1>) -> (vector<16xi1>, vector<16xf32>, vector<16xf32>)
      %max3A = arith.maximumf %sort3A_159, %rev3A_352 : vector<16xf32>
      %sort3A_357 = arith.constant dense<true> : vector<16xi1>
      %sort3A_358, %sort3A_359, %sort3A_360 = tpu.sort %max3A, %max3A masked %sort3A_357 : (vector<16xf32>, vector<16xf32>, vector<16xi1>) -> (vector<16xi1>, vector<16xf32>, vector<16xf32>)
      %rev3A_361 = arith.constant 15 : i32
      %rev3A_362 = vector.broadcast %rev3A_361 : i32 to vector<16xi32>
      %rev3A_363 = tpu.iota {dimensions = array<i32: 0>} : vector<16xi32>
      %rev3A_364 = arith.subi %rev3A_362, %rev3A_363 : vector<16xi32>
      %rev3A_365 = tpu.dynamic_gather %sort3A_171[%rev3A_364] in [0] : vector<16xf32>, vector<16xi32> -> vector<16xf32>
      %min3A_366 = arith.minimumf %sort3A_167, %rev3A_365 : vector<16xf32>
      %sort3A_367 = arith.constant dense<true> : vector<16xi1>
      %sort3A_368, %sort3A_369, %sort3A_370 = tpu.sort %min3A_366, %min3A_366 masked %sort3A_367 : (vector<16xf32>, vector<16xf32>, vector<16xi1>) -> (vector<16xi1>, vector<16xf32>, vector<16xf32>)
      %max3A_371 = arith.maximumf %sort3A_167, %rev3A_365 : vector<16xf32>
      %sort3A_372 = arith.constant dense<true> : vector<16xi1>
      %sort3A_373, %sort3A_374, %sort3A_375 = tpu.sort %max3A_371, %max3A_371 masked %sort3A_372 : (vector<16xf32>, vector<16xf32>, vector<16xi1>) -> (vector<16xi1>, vector<16xf32>, vector<16xf32>)
      %rev3A_376 = arith.constant 15 : i32
      %rev3A_377 = vector.broadcast %rev3A_376 : i32 to vector<16xi32>
      %rev3A_378 = tpu.iota {dimensions = array<i32: 0>} : vector<16xi32>
      %rev3A_379 = arith.subi %rev3A_377, %rev3A_378 : vector<16xi32>
      %rev3A_380 = tpu.dynamic_gather %sort3A_179[%rev3A_379] in [0] : vector<16xf32>, vector<16xi32> -> vector<16xf32>
      %min3A_381 = arith.minimumf %sort3A_175, %rev3A_380 : vector<16xf32>
      %sort3A_382 = arith.constant dense<true> : vector<16xi1>
      %sort3A_383, %sort3A_384, %sort3A_385 = tpu.sort %min3A_381, %min3A_381 masked %sort3A_382 : (vector<16xf32>, vector<16xf32>, vector<16xi1>) -> (vector<16xi1>, vector<16xf32>, vector<16xf32>)
      %max3A_386 = arith.maximumf %sort3A_175, %rev3A_380 : vector<16xf32>
      %sort3A_387 = arith.constant dense<true> : vector<16xi1>
      %sort3A_388, %sort3A_389, %sort3A_390 = tpu.sort %max3A_386, %max3A_386 masked %sort3A_387 : (vector<16xf32>, vector<16xf32>, vector<16xi1>) -> (vector<16xi1>, vector<16xf32>, vector<16xf32>)
      %rev3A_391 = arith.constant 15 : i32
      %rev3A_392 = vector.broadcast %rev3A_391 : i32 to vector<16xi32>
      %rev3A_393 = tpu.iota {dimensions = array<i32: 0>} : vector<16xi32>
      %rev3A_394 = arith.subi %rev3A_392, %rev3A_393 : vector<16xi32>
      %rev3A_395 = tpu.dynamic_gather %sort3A_187[%rev3A_394] in [0] : vector<16xf32>, vector<16xi32> -> vector<16xf32>
      %min3A_396 = arith.minimumf %sort3A_183, %rev3A_395 : vector<16xf32>
      %sort3A_397 = arith.constant dense<true> : vector<16xi1>
      %sort3A_398, %sort3A_399, %sort3A_400 = tpu.sort %min3A_396, %min3A_396 masked %sort3A_397 : (vector<16xf32>, vector<16xf32>, vector<16xi1>) -> (vector<16xi1>, vector<16xf32>, vector<16xf32>)
      %max3A_401 = arith.maximumf %sort3A_183, %rev3A_395 : vector<16xf32>
      %sort3A_402 = arith.constant dense<true> : vector<16xi1>
      %sort3A_403, %sort3A_404, %sort3A_405 = tpu.sort %max3A_401, %max3A_401 masked %sort3A_402 : (vector<16xf32>, vector<16xf32>, vector<16xi1>) -> (vector<16xi1>, vector<16xf32>, vector<16xf32>)
      %rev3A_406 = arith.constant 15 : i32
      %rev3A_407 = vector.broadcast %rev3A_406 : i32 to vector<16xi32>
      %rev3A_408 = tpu.iota {dimensions = array<i32: 0>} : vector<16xi32>
      %rev3A_409 = arith.subi %rev3A_407, %rev3A_408 : vector<16xi32>
      %rev3A_410 = tpu.dynamic_gather %sort3A_195[%rev3A_409] in [0] : vector<16xf32>, vector<16xi32> -> vector<16xf32>
      %min3A_411 = arith.minimumf %sort3A_191, %rev3A_410 : vector<16xf32>
      %sort3A_412 = arith.constant dense<true> : vector<16xi1>
      %sort3A_413, %sort3A_414, %sort3A_415 = tpu.sort %min3A_411, %min3A_411 masked %sort3A_412 : (vector<16xf32>, vector<16xf32>, vector<16xi1>) -> (vector<16xi1>, vector<16xf32>, vector<16xf32>)
      %max3A_416 = arith.maximumf %sort3A_191, %rev3A_410 : vector<16xf32>
      %sort3A_417 = arith.constant dense<true> : vector<16xi1>
      %sort3A_418, %sort3A_419, %sort3A_420 = tpu.sort %max3A_416, %max3A_416 masked %sort3A_417 : (vector<16xf32>, vector<16xf32>, vector<16xi1>) -> (vector<16xi1>, vector<16xf32>, vector<16xf32>)
      %rev3A_421 = arith.constant 15 : i32
      %rev3A_422 = vector.broadcast %rev3A_421 : i32 to vector<16xi32>
      %rev3A_423 = tpu.iota {dimensions = array<i32: 0>} : vector<16xi32>
      %rev3A_424 = arith.subi %rev3A_422, %rev3A_423 : vector<16xi32>
      %rev3A_425 = tpu.dynamic_gather %sort3A_203[%rev3A_424] in [0] : vector<16xf32>, vector<16xi32> -> vector<16xf32>
      %min3A_426 = arith.minimumf %sort3A_199, %rev3A_425 : vector<16xf32>
      %sort3A_427 = arith.constant dense<true> : vector<16xi1>
      %sort3A_428, %sort3A_429, %sort3A_430 = tpu.sort %min3A_426, %min3A_426 masked %sort3A_427 : (vector<16xf32>, vector<16xf32>, vector<16xi1>) -> (vector<16xi1>, vector<16xf32>, vector<16xf32>)
      %max3A_431 = arith.maximumf %sort3A_199, %rev3A_425 : vector<16xf32>
      %sort3A_432 = arith.constant dense<true> : vector<16xi1>
      %sort3A_433, %sort3A_434, %sort3A_435 = tpu.sort %max3A_431, %max3A_431 masked %sort3A_432 : (vector<16xf32>, vector<16xf32>, vector<16xi1>) -> (vector<16xi1>, vector<16xf32>, vector<16xf32>)
      %rev3A_436 = arith.constant 15 : i32
      %rev3A_437 = vector.broadcast %rev3A_436 : i32 to vector<16xi32>
      %rev3A_438 = tpu.iota {dimensions = array<i32: 0>} : vector<16xi32>
      %rev3A_439 = arith.subi %rev3A_437, %rev3A_438 : vector<16xi32>
      %rev3A_440 = tpu.dynamic_gather %sort3A_211[%rev3A_439] in [0] : vector<16xf32>, vector<16xi32> -> vector<16xf32>
      %min3A_441 = arith.minimumf %sort3A_207, %rev3A_440 : vector<16xf32>
      %sort3A_442 = arith.constant dense<true> : vector<16xi1>
      %sort3A_443, %sort3A_444, %sort3A_445 = tpu.sort %min3A_441, %min3A_441 masked %sort3A_442 : (vector<16xf32>, vector<16xf32>, vector<16xi1>) -> (vector<16xi1>, vector<16xf32>, vector<16xf32>)
      %max3A_446 = arith.maximumf %sort3A_207, %rev3A_440 : vector<16xf32>
      %sort3A_447 = arith.constant dense<true> : vector<16xi1>
      %sort3A_448, %sort3A_449, %sort3A_450 = tpu.sort %max3A_446, %max3A_446 masked %sort3A_447 : (vector<16xf32>, vector<16xf32>, vector<16xi1>) -> (vector<16xi1>, vector<16xf32>, vector<16xf32>)
      %rev3A_451 = arith.constant 15 : i32
      %rev3A_452 = vector.broadcast %rev3A_451 : i32 to vector<16xi32>
      %rev3A_453 = tpu.iota {dimensions = array<i32: 0>} : vector<16xi32>
      %rev3A_454 = arith.subi %rev3A_452, %rev3A_453 : vector<16xi32>
      %rev3A_455 = tpu.dynamic_gather %sort3A_219[%rev3A_454] in [0] : vector<16xf32>, vector<16xi32> -> vector<16xf32>
      %min3A_456 = arith.minimumf %sort3A_215, %rev3A_455 : vector<16xf32>
      %sort3A_457 = arith.constant dense<true> : vector<16xi1>
      %sort3A_458, %sort3A_459, %sort3A_460 = tpu.sort %min3A_456, %min3A_456 masked %sort3A_457 : (vector<16xf32>, vector<16xf32>, vector<16xi1>) -> (vector<16xi1>, vector<16xf32>, vector<16xf32>)
      %max3A_461 = arith.maximumf %sort3A_215, %rev3A_455 : vector<16xf32>
      %sort3A_462 = arith.constant dense<true> : vector<16xi1>
      %sort3A_463, %sort3A_464, %sort3A_465 = tpu.sort %max3A_461, %max3A_461 masked %sort3A_462 : (vector<16xf32>, vector<16xf32>, vector<16xi1>) -> (vector<16xi1>, vector<16xf32>, vector<16xf32>)
      %rev3A_466 = arith.constant 15 : i32
      %rev3A_467 = vector.broadcast %rev3A_466 : i32 to vector<16xi32>
      %rev3A_468 = tpu.iota {dimensions = array<i32: 0>} : vector<16xi32>
      %rev3A_469 = arith.subi %rev3A_467, %rev3A_468 : vector<16xi32>
      %rev3A_470 = tpu.dynamic_gather %sort3A_227[%rev3A_469] in [0] : vector<16xf32>, vector<16xi32> -> vector<16xf32>
      %min3A_471 = arith.minimumf %sort3A_223, %rev3A_470 : vector<16xf32>
      %sort3A_472 = arith.constant dense<true> : vector<16xi1>
      %sort3A_473, %sort3A_474, %sort3A_475 = tpu.sort %min3A_471, %min3A_471 masked %sort3A_472 : (vector<16xf32>, vector<16xf32>, vector<16xi1>) -> (vector<16xi1>, vector<16xf32>, vector<16xf32>)
      %max3A_476 = arith.maximumf %sort3A_223, %rev3A_470 : vector<16xf32>
      %sort3A_477 = arith.constant dense<true> : vector<16xi1>
      %sort3A_478, %sort3A_479, %sort3A_480 = tpu.sort %max3A_476, %max3A_476 masked %sort3A_477 : (vector<16xf32>, vector<16xf32>, vector<16xi1>) -> (vector<16xi1>, vector<16xf32>, vector<16xf32>)
      %rev3A_481 = arith.constant 15 : i32
      %rev3A_482 = vector.broadcast %rev3A_481 : i32 to vector<16xi32>
      %rev3A_483 = tpu.iota {dimensions = array<i32: 0>} : vector<16xi32>
      %rev3A_484 = arith.subi %rev3A_482, %rev3A_483 : vector<16xi32>
      %rev3A_485 = tpu.dynamic_gather %sort3A_235[%rev3A_484] in [0] : vector<16xf32>, vector<16xi32> -> vector<16xf32>
      %min3A_486 = arith.minimumf %sort3A_231, %rev3A_485 : vector<16xf32>
      %sort3A_487 = arith.constant dense<true> : vector<16xi1>
      %sort3A_488, %sort3A_489, %sort3A_490 = tpu.sort %min3A_486, %min3A_486 masked %sort3A_487 : (vector<16xf32>, vector<16xf32>, vector<16xi1>) -> (vector<16xi1>, vector<16xf32>, vector<16xf32>)
      %max3A_491 = arith.maximumf %sort3A_231, %rev3A_485 : vector<16xf32>
      %sort3A_492 = arith.constant dense<true> : vector<16xi1>
      %sort3A_493, %sort3A_494, %sort3A_495 = tpu.sort %max3A_491, %max3A_491 masked %sort3A_492 : (vector<16xf32>, vector<16xf32>, vector<16xi1>) -> (vector<16xi1>, vector<16xf32>, vector<16xf32>)
      %rev3A_496 = arith.constant 15 : i32
      %rev3A_497 = vector.broadcast %rev3A_496 : i32 to vector<16xi32>
      %rev3A_498 = tpu.iota {dimensions = array<i32: 0>} : vector<16xi32>
      %rev3A_499 = arith.subi %rev3A_497, %rev3A_498 : vector<16xi32>
      %rev3A_500 = tpu.dynamic_gather %sort3A_243[%rev3A_499] in [0] : vector<16xf32>, vector<16xi32> -> vector<16xf32>
      %min3A_501 = arith.minimumf %sort3A_239, %rev3A_500 : vector<16xf32>
      %sort3A_502 = arith.constant dense<true> : vector<16xi1>
      %sort3A_503, %sort3A_504, %sort3A_505 = tpu.sort %min3A_501, %min3A_501 masked %sort3A_502 : (vector<16xf32>, vector<16xf32>, vector<16xi1>) -> (vector<16xi1>, vector<16xf32>, vector<16xf32>)
      %max3A_506 = arith.maximumf %sort3A_239, %rev3A_500 : vector<16xf32>
      %sort3A_507 = arith.constant dense<true> : vector<16xi1>
      %sort3A_508, %sort3A_509, %sort3A_510 = tpu.sort %max3A_506, %max3A_506 masked %sort3A_507 : (vector<16xf32>, vector<16xf32>, vector<16xi1>) -> (vector<16xi1>, vector<16xf32>, vector<16xf32>)
      %rev3A_511 = arith.constant 15 : i32
      %rev3A_512 = vector.broadcast %rev3A_511 : i32 to vector<16xi32>
      %rev3A_513 = tpu.iota {dimensions = array<i32: 0>} : vector<16xi32>
      %rev3A_514 = arith.subi %rev3A_512, %rev3A_513 : vector<16xi32>
      %rev3A_515 = tpu.dynamic_gather %sort3A_251[%rev3A_514] in [0] : vector<16xf32>, vector<16xi32> -> vector<16xf32>
      %min3A_516 = arith.minimumf %sort3A_247, %rev3A_515 : vector<16xf32>
      %sort3A_517 = arith.constant dense<true> : vector<16xi1>
      %sort3A_518, %sort3A_519, %sort3A_520 = tpu.sort %min3A_516, %min3A_516 masked %sort3A_517 : (vector<16xf32>, vector<16xf32>, vector<16xi1>) -> (vector<16xi1>, vector<16xf32>, vector<16xf32>)
      %max3A_521 = arith.maximumf %sort3A_247, %rev3A_515 : vector<16xf32>
      %sort3A_522 = arith.constant dense<true> : vector<16xi1>
      %sort3A_523, %sort3A_524, %sort3A_525 = tpu.sort %max3A_521, %max3A_521 masked %sort3A_522 : (vector<16xf32>, vector<16xf32>, vector<16xi1>) -> (vector<16xi1>, vector<16xf32>, vector<16xf32>)
      %rev3A_526 = arith.constant 15 : i32
      %rev3A_527 = vector.broadcast %rev3A_526 : i32 to vector<16xi32>
      %rev3A_528 = tpu.iota {dimensions = array<i32: 0>} : vector<16xi32>
      %rev3A_529 = arith.subi %rev3A_527, %rev3A_528 : vector<16xi32>
      %rev3A_530 = tpu.dynamic_gather %sort3A_259[%rev3A_529] in [0] : vector<16xf32>, vector<16xi32> -> vector<16xf32>
      %min3A_531 = arith.minimumf %sort3A_255, %rev3A_530 : vector<16xf32>
      %sort3A_532 = arith.constant dense<true> : vector<16xi1>
      %sort3A_533, %sort3A_534, %sort3A_535 = tpu.sort %min3A_531, %min3A_531 masked %sort3A_532 : (vector<16xf32>, vector<16xf32>, vector<16xi1>) -> (vector<16xi1>, vector<16xf32>, vector<16xf32>)
      %max3A_536 = arith.maximumf %sort3A_255, %rev3A_530 : vector<16xf32>
      %sort3A_537 = arith.constant dense<true> : vector<16xi1>
      %sort3A_538, %sort3A_539, %sort3A_540 = tpu.sort %max3A_536, %max3A_536 masked %sort3A_537 : (vector<16xf32>, vector<16xf32>, vector<16xi1>) -> (vector<16xi1>, vector<16xf32>, vector<16xf32>)
      %rev3A_541 = arith.constant 15 : i32
      %rev3A_542 = vector.broadcast %rev3A_541 : i32 to vector<16xi32>
      %rev3A_543 = tpu.iota {dimensions = array<i32: 0>} : vector<16xi32>
      %rev3A_544 = arith.subi %rev3A_542, %rev3A_543 : vector<16xi32>
      %rev3A_545 = tpu.dynamic_gather %sort3A_267[%rev3A_544] in [0] : vector<16xf32>, vector<16xi32> -> vector<16xf32>
      %min3A_546 = arith.minimumf %sort3A_263, %rev3A_545 : vector<16xf32>
      %sort3A_547 = arith.constant dense<true> : vector<16xi1>
      %sort3A_548, %sort3A_549, %sort3A_550 = tpu.sort %min3A_546, %min3A_546 masked %sort3A_547 : (vector<16xf32>, vector<16xf32>, vector<16xi1>) -> (vector<16xi1>, vector<16xf32>, vector<16xf32>)
      %max3A_551 = arith.maximumf %sort3A_263, %rev3A_545 : vector<16xf32>
      %sort3A_552 = arith.constant dense<true> : vector<16xi1>
      %sort3A_553, %sort3A_554, %sort3A_555 = tpu.sort %max3A_551, %max3A_551 masked %sort3A_552 : (vector<16xf32>, vector<16xf32>, vector<16xi1>) -> (vector<16xi1>, vector<16xf32>, vector<16xf32>)
      %rev3A_556 = arith.constant 15 : i32
      %rev3A_557 = vector.broadcast %rev3A_556 : i32 to vector<16xi32>
      %rev3A_558 = tpu.iota {dimensions = array<i32: 0>} : vector<16xi32>
      %rev3A_559 = arith.subi %rev3A_557, %rev3A_558 : vector<16xi32>
      %rev3A_560 = tpu.dynamic_gather %sort3A_275[%rev3A_559] in [0] : vector<16xf32>, vector<16xi32> -> vector<16xf32>
      %min3A_561 = arith.minimumf %sort3A_271, %rev3A_560 : vector<16xf32>
      %sort3A_562 = arith.constant dense<true> : vector<16xi1>
      %sort3A_563, %sort3A_564, %sort3A_565 = tpu.sort %min3A_561, %min3A_561 masked %sort3A_562 : (vector<16xf32>, vector<16xf32>, vector<16xi1>) -> (vector<16xi1>, vector<16xf32>, vector<16xf32>)
      %max3A_566 = arith.maximumf %sort3A_271, %rev3A_560 : vector<16xf32>
      %sort3A_567 = arith.constant dense<true> : vector<16xi1>
      %sort3A_568, %sort3A_569, %sort3A_570 = tpu.sort %max3A_566, %max3A_566 masked %sort3A_567 : (vector<16xf32>, vector<16xf32>, vector<16xi1>) -> (vector<16xi1>, vector<16xf32>, vector<16xf32>)
      %rev3A_571 = arith.constant 15 : i32
      %rev3A_572 = vector.broadcast %rev3A_571 : i32 to vector<16xi32>
      %rev3A_573 = tpu.iota {dimensions = array<i32: 0>} : vector<16xi32>
      %rev3A_574 = arith.subi %rev3A_572, %rev3A_573 : vector<16xi32>
      %rev3A_575 = tpu.dynamic_gather %sort3A_283[%rev3A_574] in [0] : vector<16xf32>, vector<16xi32> -> vector<16xf32>
      %min3A_576 = arith.minimumf %sort3A_279, %rev3A_575 : vector<16xf32>
      %sort3A_577 = arith.constant dense<true> : vector<16xi1>
      %sort3A_578, %sort3A_579, %sort3A_580 = tpu.sort %min3A_576, %min3A_576 masked %sort3A_577 : (vector<16xf32>, vector<16xf32>, vector<16xi1>) -> (vector<16xi1>, vector<16xf32>, vector<16xf32>)
      %max3A_581 = arith.maximumf %sort3A_279, %rev3A_575 : vector<16xf32>
      %sort3A_582 = arith.constant dense<true> : vector<16xi1>
      %sort3A_583, %sort3A_584, %sort3A_585 = tpu.sort %max3A_581, %max3A_581 masked %sort3A_582 : (vector<16xf32>, vector<16xf32>, vector<16xi1>) -> (vector<16xi1>, vector<16xf32>, vector<16xf32>)
      %rev3A_586 = arith.constant 15 : i32
      %rev3A_587 = vector.broadcast %rev3A_586 : i32 to vector<16xi32>
      %rev3A_588 = tpu.iota {dimensions = array<i32: 0>} : vector<16xi32>
      %rev3A_589 = arith.subi %rev3A_587, %rev3A_588 : vector<16xi32>
      %rev3A_590 = tpu.dynamic_gather %sort3A_291[%rev3A_589] in [0] : vector<16xf32>, vector<16xi32> -> vector<16xf32>
      %min3A_591 = arith.minimumf %sort3A_287, %rev3A_590 : vector<16xf32>
      %sort3A_592 = arith.constant dense<true> : vector<16xi1>
      %sort3A_593, %sort3A_594, %sort3A_595 = tpu.sort %min3A_591, %min3A_591 masked %sort3A_592 : (vector<16xf32>, vector<16xf32>, vector<16xi1>) -> (vector<16xi1>, vector<16xf32>, vector<16xf32>)
      %max3A_596 = arith.maximumf %sort3A_287, %rev3A_590 : vector<16xf32>
      %sort3A_597 = arith.constant dense<true> : vector<16xi1>
      %sort3A_598, %sort3A_599, %sort3A_600 = tpu.sort %max3A_596, %max3A_596 masked %sort3A_597 : (vector<16xf32>, vector<16xf32>, vector<16xi1>) -> (vector<16xi1>, vector<16xf32>, vector<16xf32>)
      %rev3A_601 = arith.constant 15 : i32
      %rev3A_602 = vector.broadcast %rev3A_601 : i32 to vector<16xi32>
      %rev3A_603 = tpu.iota {dimensions = array<i32: 0>} : vector<16xi32>
      %rev3A_604 = arith.subi %rev3A_602, %rev3A_603 : vector<16xi32>
      %rev3A_605 = tpu.dynamic_gather %sort3A_299[%rev3A_604] in [0] : vector<16xf32>, vector<16xi32> -> vector<16xf32>
      %min3A_606 = arith.minimumf %sort3A_295, %rev3A_605 : vector<16xf32>
      %sort3A_607 = arith.constant dense<true> : vector<16xi1>
      %sort3A_608, %sort3A_609, %sort3A_610 = tpu.sort %min3A_606, %min3A_606 masked %sort3A_607 : (vector<16xf32>, vector<16xf32>, vector<16xi1>) -> (vector<16xi1>, vector<16xf32>, vector<16xf32>)
      %max3A_611 = arith.maximumf %sort3A_295, %rev3A_605 : vector<16xf32>
      %sort3A_612 = arith.constant dense<true> : vector<16xi1>
      %sort3A_613, %sort3A_614, %sort3A_615 = tpu.sort %max3A_611, %max3A_611 masked %sort3A_612 : (vector<16xf32>, vector<16xf32>, vector<16xi1>) -> (vector<16xi1>, vector<16xf32>, vector<16xf32>)
      %rev3A_616 = arith.constant 15 : i32
      %rev3A_617 = vector.broadcast %rev3A_616 : i32 to vector<16xi32>
      %rev3A_618 = tpu.iota {dimensions = array<i32: 0>} : vector<16xi32>
      %rev3A_619 = arith.subi %rev3A_617, %rev3A_618 : vector<16xi32>
      %rev3A_620 = tpu.dynamic_gather %sort3A_307[%rev3A_619] in [0] : vector<16xf32>, vector<16xi32> -> vector<16xf32>
      %min3A_621 = arith.minimumf %sort3A_303, %rev3A_620 : vector<16xf32>
      %sort3A_622 = arith.constant dense<true> : vector<16xi1>
      %sort3A_623, %sort3A_624, %sort3A_625 = tpu.sort %min3A_621, %min3A_621 masked %sort3A_622 : (vector<16xf32>, vector<16xf32>, vector<16xi1>) -> (vector<16xi1>, vector<16xf32>, vector<16xf32>)
      %max3A_626 = arith.maximumf %sort3A_303, %rev3A_620 : vector<16xf32>
      %sort3A_627 = arith.constant dense<true> : vector<16xi1>
      %sort3A_628, %sort3A_629, %sort3A_630 = tpu.sort %max3A_626, %max3A_626 masked %sort3A_627 : (vector<16xf32>, vector<16xf32>, vector<16xi1>) -> (vector<16xi1>, vector<16xf32>, vector<16xf32>)
      %rev3A_631 = arith.constant 15 : i32
      %rev3A_632 = vector.broadcast %rev3A_631 : i32 to vector<16xi32>
      %rev3A_633 = tpu.iota {dimensions = array<i32: 0>} : vector<16xi32>
      %rev3A_634 = arith.subi %rev3A_632, %rev3A_633 : vector<16xi32>
      %rev3A_635 = tpu.dynamic_gather %sort3A_315[%rev3A_634] in [0] : vector<16xf32>, vector<16xi32> -> vector<16xf32>
      %min3A_636 = arith.minimumf %sort3A_311, %rev3A_635 : vector<16xf32>
      %sort3A_637 = arith.constant dense<true> : vector<16xi1>
      %sort3A_638, %sort3A_639, %sort3A_640 = tpu.sort %min3A_636, %min3A_636 masked %sort3A_637 : (vector<16xf32>, vector<16xf32>, vector<16xi1>) -> (vector<16xi1>, vector<16xf32>, vector<16xf32>)
      %max3A_641 = arith.maximumf %sort3A_311, %rev3A_635 : vector<16xf32>
      %sort3A_642 = arith.constant dense<true> : vector<16xi1>
      %sort3A_643, %sort3A_644, %sort3A_645 = tpu.sort %max3A_641, %max3A_641 masked %sort3A_642 : (vector<16xf32>, vector<16xf32>, vector<16xi1>) -> (vector<16xi1>, vector<16xf32>, vector<16xf32>)
      %rev3A_646 = arith.constant 15 : i32
      %rev3A_647 = vector.broadcast %rev3A_646 : i32 to vector<16xi32>
      %rev3A_648 = tpu.iota {dimensions = array<i32: 0>} : vector<16xi32>
      %rev3A_649 = arith.subi %rev3A_647, %rev3A_648 : vector<16xi32>
      %rev3A_650 = tpu.dynamic_gather %sort3A_323[%rev3A_649] in [0] : vector<16xf32>, vector<16xi32> -> vector<16xf32>
      %min3A_651 = arith.minimumf %sort3A_319, %rev3A_650 : vector<16xf32>
      %sort3A_652 = arith.constant dense<true> : vector<16xi1>
      %sort3A_653, %sort3A_654, %sort3A_655 = tpu.sort %min3A_651, %min3A_651 masked %sort3A_652 : (vector<16xf32>, vector<16xf32>, vector<16xi1>) -> (vector<16xi1>, vector<16xf32>, vector<16xf32>)
      %max3A_656 = arith.maximumf %sort3A_319, %rev3A_650 : vector<16xf32>
      %sort3A_657 = arith.constant dense<true> : vector<16xi1>
      %sort3A_658, %sort3A_659, %sort3A_660 = tpu.sort %max3A_656, %max3A_656 masked %sort3A_657 : (vector<16xf32>, vector<16xf32>, vector<16xi1>) -> (vector<16xi1>, vector<16xf32>, vector<16xf32>)
      %rev3A_661 = arith.constant 15 : i32
      %rev3A_662 = vector.broadcast %rev3A_661 : i32 to vector<16xi32>
      %rev3A_663 = tpu.iota {dimensions = array<i32: 0>} : vector<16xi32>
      %rev3A_664 = arith.subi %rev3A_662, %rev3A_663 : vector<16xi32>
      %rev3A_665 = tpu.dynamic_gather %sort3A_331[%rev3A_664] in [0] : vector<16xf32>, vector<16xi32> -> vector<16xf32>
      %min3A_666 = arith.minimumf %sort3A_327, %rev3A_665 : vector<16xf32>
      %sort3A_667 = arith.constant dense<true> : vector<16xi1>
      %sort3A_668, %sort3A_669, %sort3A_670 = tpu.sort %min3A_666, %min3A_666 masked %sort3A_667 : (vector<16xf32>, vector<16xf32>, vector<16xi1>) -> (vector<16xi1>, vector<16xf32>, vector<16xf32>)
      %max3A_671 = arith.maximumf %sort3A_327, %rev3A_665 : vector<16xf32>
      %sort3A_672 = arith.constant dense<true> : vector<16xi1>
      %sort3A_673, %sort3A_674, %sort3A_675 = tpu.sort %max3A_671, %max3A_671 masked %sort3A_672 : (vector<16xf32>, vector<16xf32>, vector<16xi1>) -> (vector<16xi1>, vector<16xf32>, vector<16xf32>)
      %rev3A_676 = arith.constant 15 : i32
      %rev3A_677 = vector.broadcast %rev3A_676 : i32 to vector<16xi32>
      %rev3A_678 = tpu.iota {dimensions = array<i32: 0>} : vector<16xi32>
      %rev3A_679 = arith.subi %rev3A_677, %rev3A_678 : vector<16xi32>
      %rev3A_680 = tpu.dynamic_gather %sort3A_339[%rev3A_679] in [0] : vector<16xf32>, vector<16xi32> -> vector<16xf32>
      %min3A_681 = arith.minimumf %sort3A_335, %rev3A_680 : vector<16xf32>
      %sort3A_682 = arith.constant dense<true> : vector<16xi1>
      %sort3A_683, %sort3A_684, %sort3A_685 = tpu.sort %min3A_681, %min3A_681 masked %sort3A_682 : (vector<16xf32>, vector<16xf32>, vector<16xi1>) -> (vector<16xi1>, vector<16xf32>, vector<16xf32>)
      %max3A_686 = arith.maximumf %sort3A_335, %rev3A_680 : vector<16xf32>
      %sort3A_687 = arith.constant dense<true> : vector<16xi1>
      %sort3A_688, %sort3A_689, %sort3A_690 = tpu.sort %max3A_686, %max3A_686 masked %sort3A_687 : (vector<16xf32>, vector<16xf32>, vector<16xi1>) -> (vector<16xi1>, vector<16xf32>, vector<16xf32>)
      %rev3A_691 = arith.constant 15 : i32
      %rev3A_692 = vector.broadcast %rev3A_691 : i32 to vector<16xi32>
      %rev3A_693 = tpu.iota {dimensions = array<i32: 0>} : vector<16xi32>
      %rev3A_694 = arith.subi %rev3A_692, %rev3A_693 : vector<16xi32>
      %rev3A_695 = tpu.dynamic_gather %sort3A_347[%rev3A_694] in [0] : vector<16xf32>, vector<16xi32> -> vector<16xf32>
      %min3A_696 = arith.minimumf %sort3A_343, %rev3A_695 : vector<16xf32>
      %sort3A_697 = arith.constant dense<true> : vector<16xi1>
      %sort3A_698, %sort3A_699, %sort3A_700 = tpu.sort %min3A_696, %min3A_696 masked %sort3A_697 : (vector<16xf32>, vector<16xf32>, vector<16xi1>) -> (vector<16xi1>, vector<16xf32>, vector<16xf32>)
      %max3A_701 = arith.maximumf %sort3A_343, %rev3A_695 : vector<16xf32>
      %sort3A_702 = arith.constant dense<true> : vector<16xi1>
      %sort3A_703, %sort3A_704, %sort3A_705 = tpu.sort %max3A_701, %max3A_701 masked %sort3A_702 : (vector<16xf32>, vector<16xf32>, vector<16xi1>) -> (vector<16xi1>, vector<16xf32>, vector<16xf32>)
      %rev3A_706 = arith.constant 15 : i32
      %rev3A_707 = vector.broadcast %rev3A_706 : i32 to vector<16xi32>
      %rev3A_708 = tpu.iota {dimensions = array<i32: 0>} : vector<16xi32>
      %rev3A_709 = arith.subi %rev3A_707, %rev3A_708 : vector<16xi32>
      %rev3A_710 = tpu.dynamic_gather %sort3A_374[%rev3A_709] in [0] : vector<16xf32>, vector<16xi32> -> vector<16xf32>
      %max3A_711 = arith.maximumf %sort3A_355, %rev3A_710 : vector<16xf32>
      %rev3A_712 = arith.constant 15 : i32
      %rev3A_713 = vector.broadcast %rev3A_712 : i32 to vector<16xi32>
      %rev3A_714 = tpu.iota {dimensions = array<i32: 0>} : vector<16xi32>
      %rev3A_715 = arith.subi %rev3A_713, %rev3A_714 : vector<16xi32>
      %rev3A_716 = tpu.dynamic_gather %sort3A_369[%rev3A_715] in [0] : vector<16xf32>, vector<16xi32> -> vector<16xf32>
      %max3A_717 = arith.maximumf %sort3A_359, %rev3A_716 : vector<16xf32>
      %min3A_718 = arith.minimumf %max3A_711, %max3A_717 : vector<16xf32>
      %sort3A_719 = arith.constant dense<true> : vector<16xi1>
      %sort3A_720, %sort3A_721, %sort3A_722 = tpu.sort %min3A_718, %min3A_718 masked %sort3A_719 : (vector<16xf32>, vector<16xf32>, vector<16xi1>) -> (vector<16xi1>, vector<16xf32>, vector<16xf32>)
      %max3A_723 = arith.maximumf %max3A_711, %max3A_717 : vector<16xf32>
      %sort3A_724 = arith.constant dense<true> : vector<16xi1>
      %sort3A_725, %sort3A_726, %sort3A_727 = tpu.sort %max3A_723, %max3A_723 masked %sort3A_724 : (vector<16xf32>, vector<16xf32>, vector<16xi1>) -> (vector<16xi1>, vector<16xf32>, vector<16xf32>)
      %rev3A_728 = arith.constant 15 : i32
      %rev3A_729 = vector.broadcast %rev3A_728 : i32 to vector<16xi32>
      %rev3A_730 = tpu.iota {dimensions = array<i32: 0>} : vector<16xi32>
      %rev3A_731 = arith.subi %rev3A_729, %rev3A_730 : vector<16xi32>
      %rev3A_732 = tpu.dynamic_gather %sort3A_404[%rev3A_731] in [0] : vector<16xf32>, vector<16xi32> -> vector<16xf32>
      %max3A_733 = arith.maximumf %sort3A_384, %rev3A_732 : vector<16xf32>
      %rev3A_734 = arith.constant 15 : i32
      %rev3A_735 = vector.broadcast %rev3A_734 : i32 to vector<16xi32>
      %rev3A_736 = tpu.iota {dimensions = array<i32: 0>} : vector<16xi32>
      %rev3A_737 = arith.subi %rev3A_735, %rev3A_736 : vector<16xi32>
      %rev3A_738 = tpu.dynamic_gather %sort3A_399[%rev3A_737] in [0] : vector<16xf32>, vector<16xi32> -> vector<16xf32>
      %max3A_739 = arith.maximumf %sort3A_389, %rev3A_738 : vector<16xf32>
      %min3A_740 = arith.minimumf %max3A_733, %max3A_739 : vector<16xf32>
      %sort3A_741 = arith.constant dense<true> : vector<16xi1>
      %sort3A_742, %sort3A_743, %sort3A_744 = tpu.sort %min3A_740, %min3A_740 masked %sort3A_741 : (vector<16xf32>, vector<16xf32>, vector<16xi1>) -> (vector<16xi1>, vector<16xf32>, vector<16xf32>)
      %max3A_745 = arith.maximumf %max3A_733, %max3A_739 : vector<16xf32>
      %sort3A_746 = arith.constant dense<true> : vector<16xi1>
      %sort3A_747, %sort3A_748, %sort3A_749 = tpu.sort %max3A_745, %max3A_745 masked %sort3A_746 : (vector<16xf32>, vector<16xf32>, vector<16xi1>) -> (vector<16xi1>, vector<16xf32>, vector<16xf32>)
      %rev3A_750 = arith.constant 15 : i32
      %rev3A_751 = vector.broadcast %rev3A_750 : i32 to vector<16xi32>
      %rev3A_752 = tpu.iota {dimensions = array<i32: 0>} : vector<16xi32>
      %rev3A_753 = arith.subi %rev3A_751, %rev3A_752 : vector<16xi32>
      %rev3A_754 = tpu.dynamic_gather %sort3A_434[%rev3A_753] in [0] : vector<16xf32>, vector<16xi32> -> vector<16xf32>
      %max3A_755 = arith.maximumf %sort3A_414, %rev3A_754 : vector<16xf32>
      %rev3A_756 = arith.constant 15 : i32
      %rev3A_757 = vector.broadcast %rev3A_756 : i32 to vector<16xi32>
      %rev3A_758 = tpu.iota {dimensions = array<i32: 0>} : vector<16xi32>
      %rev3A_759 = arith.subi %rev3A_757, %rev3A_758 : vector<16xi32>
      %rev3A_760 = tpu.dynamic_gather %sort3A_429[%rev3A_759] in [0] : vector<16xf32>, vector<16xi32> -> vector<16xf32>
      %max3A_761 = arith.maximumf %sort3A_419, %rev3A_760 : vector<16xf32>
      %min3A_762 = arith.minimumf %max3A_755, %max3A_761 : vector<16xf32>
      %sort3A_763 = arith.constant dense<true> : vector<16xi1>
      %sort3A_764, %sort3A_765, %sort3A_766 = tpu.sort %min3A_762, %min3A_762 masked %sort3A_763 : (vector<16xf32>, vector<16xf32>, vector<16xi1>) -> (vector<16xi1>, vector<16xf32>, vector<16xf32>)
      %max3A_767 = arith.maximumf %max3A_755, %max3A_761 : vector<16xf32>
      %sort3A_768 = arith.constant dense<true> : vector<16xi1>
      %sort3A_769, %sort3A_770, %sort3A_771 = tpu.sort %max3A_767, %max3A_767 masked %sort3A_768 : (vector<16xf32>, vector<16xf32>, vector<16xi1>) -> (vector<16xi1>, vector<16xf32>, vector<16xf32>)
      %rev3A_772 = arith.constant 15 : i32
      %rev3A_773 = vector.broadcast %rev3A_772 : i32 to vector<16xi32>
      %rev3A_774 = tpu.iota {dimensions = array<i32: 0>} : vector<16xi32>
      %rev3A_775 = arith.subi %rev3A_773, %rev3A_774 : vector<16xi32>
      %rev3A_776 = tpu.dynamic_gather %sort3A_464[%rev3A_775] in [0] : vector<16xf32>, vector<16xi32> -> vector<16xf32>
      %max3A_777 = arith.maximumf %sort3A_444, %rev3A_776 : vector<16xf32>
      %rev3A_778 = arith.constant 15 : i32
      %rev3A_779 = vector.broadcast %rev3A_778 : i32 to vector<16xi32>
      %rev3A_780 = tpu.iota {dimensions = array<i32: 0>} : vector<16xi32>
      %rev3A_781 = arith.subi %rev3A_779, %rev3A_780 : vector<16xi32>
      %rev3A_782 = tpu.dynamic_gather %sort3A_459[%rev3A_781] in [0] : vector<16xf32>, vector<16xi32> -> vector<16xf32>
      %max3A_783 = arith.maximumf %sort3A_449, %rev3A_782 : vector<16xf32>
      %min3A_784 = arith.minimumf %max3A_777, %max3A_783 : vector<16xf32>
      %sort3A_785 = arith.constant dense<true> : vector<16xi1>
      %sort3A_786, %sort3A_787, %sort3A_788 = tpu.sort %min3A_784, %min3A_784 masked %sort3A_785 : (vector<16xf32>, vector<16xf32>, vector<16xi1>) -> (vector<16xi1>, vector<16xf32>, vector<16xf32>)
      %max3A_789 = arith.maximumf %max3A_777, %max3A_783 : vector<16xf32>
      %sort3A_790 = arith.constant dense<true> : vector<16xi1>
      %sort3A_791, %sort3A_792, %sort3A_793 = tpu.sort %max3A_789, %max3A_789 masked %sort3A_790 : (vector<16xf32>, vector<16xf32>, vector<16xi1>) -> (vector<16xi1>, vector<16xf32>, vector<16xf32>)
      %rev3A_794 = arith.constant 15 : i32
      %rev3A_795 = vector.broadcast %rev3A_794 : i32 to vector<16xi32>
      %rev3A_796 = tpu.iota {dimensions = array<i32: 0>} : vector<16xi32>
      %rev3A_797 = arith.subi %rev3A_795, %rev3A_796 : vector<16xi32>
      %rev3A_798 = tpu.dynamic_gather %sort3A_494[%rev3A_797] in [0] : vector<16xf32>, vector<16xi32> -> vector<16xf32>
      %max3A_799 = arith.maximumf %sort3A_474, %rev3A_798 : vector<16xf32>
      %rev3A_800 = arith.constant 15 : i32
      %rev3A_801 = vector.broadcast %rev3A_800 : i32 to vector<16xi32>
      %rev3A_802 = tpu.iota {dimensions = array<i32: 0>} : vector<16xi32>
      %rev3A_803 = arith.subi %rev3A_801, %rev3A_802 : vector<16xi32>
      %rev3A_804 = tpu.dynamic_gather %sort3A_489[%rev3A_803] in [0] : vector<16xf32>, vector<16xi32> -> vector<16xf32>
      %max3A_805 = arith.maximumf %sort3A_479, %rev3A_804 : vector<16xf32>
      %min3A_806 = arith.minimumf %max3A_799, %max3A_805 : vector<16xf32>
      %sort3A_807 = arith.constant dense<true> : vector<16xi1>
      %sort3A_808, %sort3A_809, %sort3A_810 = tpu.sort %min3A_806, %min3A_806 masked %sort3A_807 : (vector<16xf32>, vector<16xf32>, vector<16xi1>) -> (vector<16xi1>, vector<16xf32>, vector<16xf32>)
      %max3A_811 = arith.maximumf %max3A_799, %max3A_805 : vector<16xf32>
      %sort3A_812 = arith.constant dense<true> : vector<16xi1>
      %sort3A_813, %sort3A_814, %sort3A_815 = tpu.sort %max3A_811, %max3A_811 masked %sort3A_812 : (vector<16xf32>, vector<16xf32>, vector<16xi1>) -> (vector<16xi1>, vector<16xf32>, vector<16xf32>)
      %rev3A_816 = arith.constant 15 : i32
      %rev3A_817 = vector.broadcast %rev3A_816 : i32 to vector<16xi32>
      %rev3A_818 = tpu.iota {dimensions = array<i32: 0>} : vector<16xi32>
      %rev3A_819 = arith.subi %rev3A_817, %rev3A_818 : vector<16xi32>
      %rev3A_820 = tpu.dynamic_gather %sort3A_524[%rev3A_819] in [0] : vector<16xf32>, vector<16xi32> -> vector<16xf32>
      %max3A_821 = arith.maximumf %sort3A_504, %rev3A_820 : vector<16xf32>
      %rev3A_822 = arith.constant 15 : i32
      %rev3A_823 = vector.broadcast %rev3A_822 : i32 to vector<16xi32>
      %rev3A_824 = tpu.iota {dimensions = array<i32: 0>} : vector<16xi32>
      %rev3A_825 = arith.subi %rev3A_823, %rev3A_824 : vector<16xi32>
      %rev3A_826 = tpu.dynamic_gather %sort3A_519[%rev3A_825] in [0] : vector<16xf32>, vector<16xi32> -> vector<16xf32>
      %max3A_827 = arith.maximumf %sort3A_509, %rev3A_826 : vector<16xf32>
      %min3A_828 = arith.minimumf %max3A_821, %max3A_827 : vector<16xf32>
      %sort3A_829 = arith.constant dense<true> : vector<16xi1>
      %sort3A_830, %sort3A_831, %sort3A_832 = tpu.sort %min3A_828, %min3A_828 masked %sort3A_829 : (vector<16xf32>, vector<16xf32>, vector<16xi1>) -> (vector<16xi1>, vector<16xf32>, vector<16xf32>)
      %max3A_833 = arith.maximumf %max3A_821, %max3A_827 : vector<16xf32>
      %sort3A_834 = arith.constant dense<true> : vector<16xi1>
      %sort3A_835, %sort3A_836, %sort3A_837 = tpu.sort %max3A_833, %max3A_833 masked %sort3A_834 : (vector<16xf32>, vector<16xf32>, vector<16xi1>) -> (vector<16xi1>, vector<16xf32>, vector<16xf32>)
      %rev3A_838 = arith.constant 15 : i32
      %rev3A_839 = vector.broadcast %rev3A_838 : i32 to vector<16xi32>
      %rev3A_840 = tpu.iota {dimensions = array<i32: 0>} : vector<16xi32>
      %rev3A_841 = arith.subi %rev3A_839, %rev3A_840 : vector<16xi32>
      %rev3A_842 = tpu.dynamic_gather %sort3A_554[%rev3A_841] in [0] : vector<16xf32>, vector<16xi32> -> vector<16xf32>
      %max3A_843 = arith.maximumf %sort3A_534, %rev3A_842 : vector<16xf32>
      %rev3A_844 = arith.constant 15 : i32
      %rev3A_845 = vector.broadcast %rev3A_844 : i32 to vector<16xi32>
      %rev3A_846 = tpu.iota {dimensions = array<i32: 0>} : vector<16xi32>
      %rev3A_847 = arith.subi %rev3A_845, %rev3A_846 : vector<16xi32>
      %rev3A_848 = tpu.dynamic_gather %sort3A_549[%rev3A_847] in [0] : vector<16xf32>, vector<16xi32> -> vector<16xf32>
      %max3A_849 = arith.maximumf %sort3A_539, %rev3A_848 : vector<16xf32>
      %min3A_850 = arith.minimumf %max3A_843, %max3A_849 : vector<16xf32>
      %sort3A_851 = arith.constant dense<true> : vector<16xi1>
      %sort3A_852, %sort3A_853, %sort3A_854 = tpu.sort %min3A_850, %min3A_850 masked %sort3A_851 : (vector<16xf32>, vector<16xf32>, vector<16xi1>) -> (vector<16xi1>, vector<16xf32>, vector<16xf32>)
      %max3A_855 = arith.maximumf %max3A_843, %max3A_849 : vector<16xf32>
      %sort3A_856 = arith.constant dense<true> : vector<16xi1>
      %sort3A_857, %sort3A_858, %sort3A_859 = tpu.sort %max3A_855, %max3A_855 masked %sort3A_856 : (vector<16xf32>, vector<16xf32>, vector<16xi1>) -> (vector<16xi1>, vector<16xf32>, vector<16xf32>)
      %rev3A_860 = arith.constant 15 : i32
      %rev3A_861 = vector.broadcast %rev3A_860 : i32 to vector<16xi32>
      %rev3A_862 = tpu.iota {dimensions = array<i32: 0>} : vector<16xi32>
      %rev3A_863 = arith.subi %rev3A_861, %rev3A_862 : vector<16xi32>
      %rev3A_864 = tpu.dynamic_gather %sort3A_584[%rev3A_863] in [0] : vector<16xf32>, vector<16xi32> -> vector<16xf32>
      %max3A_865 = arith.maximumf %sort3A_564, %rev3A_864 : vector<16xf32>
      %rev3A_866 = arith.constant 15 : i32
      %rev3A_867 = vector.broadcast %rev3A_866 : i32 to vector<16xi32>
      %rev3A_868 = tpu.iota {dimensions = array<i32: 0>} : vector<16xi32>
      %rev3A_869 = arith.subi %rev3A_867, %rev3A_868 : vector<16xi32>
      %rev3A_870 = tpu.dynamic_gather %sort3A_579[%rev3A_869] in [0] : vector<16xf32>, vector<16xi32> -> vector<16xf32>
      %max3A_871 = arith.maximumf %sort3A_569, %rev3A_870 : vector<16xf32>
      %min3A_872 = arith.minimumf %max3A_865, %max3A_871 : vector<16xf32>
      %sort3A_873 = arith.constant dense<true> : vector<16xi1>
      %sort3A_874, %sort3A_875, %sort3A_876 = tpu.sort %min3A_872, %min3A_872 masked %sort3A_873 : (vector<16xf32>, vector<16xf32>, vector<16xi1>) -> (vector<16xi1>, vector<16xf32>, vector<16xf32>)
      %max3A_877 = arith.maximumf %max3A_865, %max3A_871 : vector<16xf32>
      %sort3A_878 = arith.constant dense<true> : vector<16xi1>
      %sort3A_879, %sort3A_880, %sort3A_881 = tpu.sort %max3A_877, %max3A_877 masked %sort3A_878 : (vector<16xf32>, vector<16xf32>, vector<16xi1>) -> (vector<16xi1>, vector<16xf32>, vector<16xf32>)
      %rev3A_882 = arith.constant 15 : i32
      %rev3A_883 = vector.broadcast %rev3A_882 : i32 to vector<16xi32>
      %rev3A_884 = tpu.iota {dimensions = array<i32: 0>} : vector<16xi32>
      %rev3A_885 = arith.subi %rev3A_883, %rev3A_884 : vector<16xi32>
      %rev3A_886 = tpu.dynamic_gather %sort3A_614[%rev3A_885] in [0] : vector<16xf32>, vector<16xi32> -> vector<16xf32>
      %max3A_887 = arith.maximumf %sort3A_594, %rev3A_886 : vector<16xf32>
      %rev3A_888 = arith.constant 15 : i32
      %rev3A_889 = vector.broadcast %rev3A_888 : i32 to vector<16xi32>
      %rev3A_890 = tpu.iota {dimensions = array<i32: 0>} : vector<16xi32>
      %rev3A_891 = arith.subi %rev3A_889, %rev3A_890 : vector<16xi32>
      %rev3A_892 = tpu.dynamic_gather %sort3A_609[%rev3A_891] in [0] : vector<16xf32>, vector<16xi32> -> vector<16xf32>
      %max3A_893 = arith.maximumf %sort3A_599, %rev3A_892 : vector<16xf32>
      %min3A_894 = arith.minimumf %max3A_887, %max3A_893 : vector<16xf32>
      %sort3A_895 = arith.constant dense<true> : vector<16xi1>
      %sort3A_896, %sort3A_897, %sort3A_898 = tpu.sort %min3A_894, %min3A_894 masked %sort3A_895 : (vector<16xf32>, vector<16xf32>, vector<16xi1>) -> (vector<16xi1>, vector<16xf32>, vector<16xf32>)
      %max3A_899 = arith.maximumf %max3A_887, %max3A_893 : vector<16xf32>
      %sort3A_900 = arith.constant dense<true> : vector<16xi1>
      %sort3A_901, %sort3A_902, %sort3A_903 = tpu.sort %max3A_899, %max3A_899 masked %sort3A_900 : (vector<16xf32>, vector<16xf32>, vector<16xi1>) -> (vector<16xi1>, vector<16xf32>, vector<16xf32>)
      %rev3A_904 = arith.constant 15 : i32
      %rev3A_905 = vector.broadcast %rev3A_904 : i32 to vector<16xi32>
      %rev3A_906 = tpu.iota {dimensions = array<i32: 0>} : vector<16xi32>
      %rev3A_907 = arith.subi %rev3A_905, %rev3A_906 : vector<16xi32>
      %rev3A_908 = tpu.dynamic_gather %sort3A_644[%rev3A_907] in [0] : vector<16xf32>, vector<16xi32> -> vector<16xf32>
      %max3A_909 = arith.maximumf %sort3A_624, %rev3A_908 : vector<16xf32>
      %rev3A_910 = arith.constant 15 : i32
      %rev3A_911 = vector.broadcast %rev3A_910 : i32 to vector<16xi32>
      %rev3A_912 = tpu.iota {dimensions = array<i32: 0>} : vector<16xi32>
      %rev3A_913 = arith.subi %rev3A_911, %rev3A_912 : vector<16xi32>
      %rev3A_914 = tpu.dynamic_gather %sort3A_639[%rev3A_913] in [0] : vector<16xf32>, vector<16xi32> -> vector<16xf32>
      %max3A_915 = arith.maximumf %sort3A_629, %rev3A_914 : vector<16xf32>
      %min3A_916 = arith.minimumf %max3A_909, %max3A_915 : vector<16xf32>
      %sort3A_917 = arith.constant dense<true> : vector<16xi1>
      %sort3A_918, %sort3A_919, %sort3A_920 = tpu.sort %min3A_916, %min3A_916 masked %sort3A_917 : (vector<16xf32>, vector<16xf32>, vector<16xi1>) -> (vector<16xi1>, vector<16xf32>, vector<16xf32>)
      %max3A_921 = arith.maximumf %max3A_909, %max3A_915 : vector<16xf32>
      %sort3A_922 = arith.constant dense<true> : vector<16xi1>
      %sort3A_923, %sort3A_924, %sort3A_925 = tpu.sort %max3A_921, %max3A_921 masked %sort3A_922 : (vector<16xf32>, vector<16xf32>, vector<16xi1>) -> (vector<16xi1>, vector<16xf32>, vector<16xf32>)
      %rev3A_926 = arith.constant 15 : i32
      %rev3A_927 = vector.broadcast %rev3A_926 : i32 to vector<16xi32>
      %rev3A_928 = tpu.iota {dimensions = array<i32: 0>} : vector<16xi32>
      %rev3A_929 = arith.subi %rev3A_927, %rev3A_928 : vector<16xi32>
      %rev3A_930 = tpu.dynamic_gather %sort3A_674[%rev3A_929] in [0] : vector<16xf32>, vector<16xi32> -> vector<16xf32>
      %max3A_931 = arith.maximumf %sort3A_654, %rev3A_930 : vector<16xf32>
      %rev3A_932 = arith.constant 15 : i32
      %rev3A_933 = vector.broadcast %rev3A_932 : i32 to vector<16xi32>
      %rev3A_934 = tpu.iota {dimensions = array<i32: 0>} : vector<16xi32>
      %rev3A_935 = arith.subi %rev3A_933, %rev3A_934 : vector<16xi32>
      %rev3A_936 = tpu.dynamic_gather %sort3A_669[%rev3A_935] in [0] : vector<16xf32>, vector<16xi32> -> vector<16xf32>
      %max3A_937 = arith.maximumf %sort3A_659, %rev3A_936 : vector<16xf32>
      %min3A_938 = arith.minimumf %max3A_931, %max3A_937 : vector<16xf32>
      %sort3A_939 = arith.constant dense<true> : vector<16xi1>
      %sort3A_940, %sort3A_941, %sort3A_942 = tpu.sort %min3A_938, %min3A_938 masked %sort3A_939 : (vector<16xf32>, vector<16xf32>, vector<16xi1>) -> (vector<16xi1>, vector<16xf32>, vector<16xf32>)
      %max3A_943 = arith.maximumf %max3A_931, %max3A_937 : vector<16xf32>
      %sort3A_944 = arith.constant dense<true> : vector<16xi1>
      %sort3A_945, %sort3A_946, %sort3A_947 = tpu.sort %max3A_943, %max3A_943 masked %sort3A_944 : (vector<16xf32>, vector<16xf32>, vector<16xi1>) -> (vector<16xi1>, vector<16xf32>, vector<16xf32>)
      %rev3A_948 = arith.constant 15 : i32
      %rev3A_949 = vector.broadcast %rev3A_948 : i32 to vector<16xi32>
      %rev3A_950 = tpu.iota {dimensions = array<i32: 0>} : vector<16xi32>
      %rev3A_951 = arith.subi %rev3A_949, %rev3A_950 : vector<16xi32>
      %rev3A_952 = tpu.dynamic_gather %sort3A_704[%rev3A_951] in [0] : vector<16xf32>, vector<16xi32> -> vector<16xf32>
      %max3A_953 = arith.maximumf %sort3A_684, %rev3A_952 : vector<16xf32>
      %rev3A_954 = arith.constant 15 : i32
      %rev3A_955 = vector.broadcast %rev3A_954 : i32 to vector<16xi32>
      %rev3A_956 = tpu.iota {dimensions = array<i32: 0>} : vector<16xi32>
      %rev3A_957 = arith.subi %rev3A_955, %rev3A_956 : vector<16xi32>
      %rev3A_958 = tpu.dynamic_gather %sort3A_699[%rev3A_957] in [0] : vector<16xf32>, vector<16xi32> -> vector<16xf32>
      %max3A_959 = arith.maximumf %sort3A_689, %rev3A_958 : vector<16xf32>
      %min3A_960 = arith.minimumf %max3A_953, %max3A_959 : vector<16xf32>
      %sort3A_961 = arith.constant dense<true> : vector<16xi1>
      %sort3A_962, %sort3A_963, %sort3A_964 = tpu.sort %min3A_960, %min3A_960 masked %sort3A_961 : (vector<16xf32>, vector<16xf32>, vector<16xi1>) -> (vector<16xi1>, vector<16xf32>, vector<16xf32>)
      %max3A_965 = arith.maximumf %max3A_953, %max3A_959 : vector<16xf32>
      %sort3A_966 = arith.constant dense<true> : vector<16xi1>
      %sort3A_967, %sort3A_968, %sort3A_969 = tpu.sort %max3A_965, %max3A_965 masked %sort3A_966 : (vector<16xf32>, vector<16xf32>, vector<16xi1>) -> (vector<16xi1>, vector<16xf32>, vector<16xf32>)
      %rev3A_970 = arith.constant 15 : i32
      %rev3A_971 = vector.broadcast %rev3A_970 : i32 to vector<16xi32>
      %rev3A_972 = tpu.iota {dimensions = array<i32: 0>} : vector<16xi32>
      %rev3A_973 = arith.subi %rev3A_971, %rev3A_972 : vector<16xi32>
      %rev3A_974 = tpu.dynamic_gather %sort3A_748[%rev3A_973] in [0] : vector<16xf32>, vector<16xi32> -> vector<16xf32>
      %max3A_975 = arith.maximumf %sort3A_721, %rev3A_974 : vector<16xf32>
      %rev3A_976 = arith.constant 15 : i32
      %rev3A_977 = vector.broadcast %rev3A_976 : i32 to vector<16xi32>
      %rev3A_978 = tpu.iota {dimensions = array<i32: 0>} : vector<16xi32>
      %rev3A_979 = arith.subi %rev3A_977, %rev3A_978 : vector<16xi32>
      %rev3A_980 = tpu.dynamic_gather %sort3A_743[%rev3A_979] in [0] : vector<16xf32>, vector<16xi32> -> vector<16xf32>
      %max3A_981 = arith.maximumf %sort3A_726, %rev3A_980 : vector<16xf32>
      %min3A_982 = arith.minimumf %max3A_975, %max3A_981 : vector<16xf32>
      %sort3A_983 = arith.constant dense<true> : vector<16xi1>
      %sort3A_984, %sort3A_985, %sort3A_986 = tpu.sort %min3A_982, %min3A_982 masked %sort3A_983 : (vector<16xf32>, vector<16xf32>, vector<16xi1>) -> (vector<16xi1>, vector<16xf32>, vector<16xf32>)
      %max3A_987 = arith.maximumf %max3A_975, %max3A_981 : vector<16xf32>
      %sort3A_988 = arith.constant dense<true> : vector<16xi1>
      %sort3A_989, %sort3A_990, %sort3A_991 = tpu.sort %max3A_987, %max3A_987 masked %sort3A_988 : (vector<16xf32>, vector<16xf32>, vector<16xi1>) -> (vector<16xi1>, vector<16xf32>, vector<16xf32>)
      %rev3A_992 = arith.constant 15 : i32
      %rev3A_993 = vector.broadcast %rev3A_992 : i32 to vector<16xi32>
      %rev3A_994 = tpu.iota {dimensions = array<i32: 0>} : vector<16xi32>
      %rev3A_995 = arith.subi %rev3A_993, %rev3A_994 : vector<16xi32>
      %rev3A_996 = tpu.dynamic_gather %sort3A_792[%rev3A_995] in [0] : vector<16xf32>, vector<16xi32> -> vector<16xf32>
      %max3A_997 = arith.maximumf %sort3A_765, %rev3A_996 : vector<16xf32>
      %rev3A_998 = arith.constant 15 : i32
      %rev3A_999 = vector.broadcast %rev3A_998 : i32 to vector<16xi32>
      %rev3A_1000 = tpu.iota {dimensions = array<i32: 0>} : vector<16xi32>
      %rev3A_1001 = arith.subi %rev3A_999, %rev3A_1000 : vector<16xi32>
      %rev3A_1002 = tpu.dynamic_gather %sort3A_787[%rev3A_1001] in [0] : vector<16xf32>, vector<16xi32> -> vector<16xf32>
      %max3A_1003 = arith.maximumf %sort3A_770, %rev3A_1002 : vector<16xf32>
      %min3A_1004 = arith.minimumf %max3A_997, %max3A_1003 : vector<16xf32>
      %sort3A_1005 = arith.constant dense<true> : vector<16xi1>
      %sort3A_1006, %sort3A_1007, %sort3A_1008 = tpu.sort %min3A_1004, %min3A_1004 masked %sort3A_1005 : (vector<16xf32>, vector<16xf32>, vector<16xi1>) -> (vector<16xi1>, vector<16xf32>, vector<16xf32>)
      %max3A_1009 = arith.maximumf %max3A_997, %max3A_1003 : vector<16xf32>
      %sort3A_1010 = arith.constant dense<true> : vector<16xi1>
      %sort3A_1011, %sort3A_1012, %sort3A_1013 = tpu.sort %max3A_1009, %max3A_1009 masked %sort3A_1010 : (vector<16xf32>, vector<16xf32>, vector<16xi1>) -> (vector<16xi1>, vector<16xf32>, vector<16xf32>)
      %rev3A_1014 = arith.constant 15 : i32
      %rev3A_1015 = vector.broadcast %rev3A_1014 : i32 to vector<16xi32>
      %rev3A_1016 = tpu.iota {dimensions = array<i32: 0>} : vector<16xi32>
      %rev3A_1017 = arith.subi %rev3A_1015, %rev3A_1016 : vector<16xi32>
      %rev3A_1018 = tpu.dynamic_gather %sort3A_836[%rev3A_1017] in [0] : vector<16xf32>, vector<16xi32> -> vector<16xf32>
      %max3A_1019 = arith.maximumf %sort3A_809, %rev3A_1018 : vector<16xf32>
      %rev3A_1020 = arith.constant 15 : i32
      %rev3A_1021 = vector.broadcast %rev3A_1020 : i32 to vector<16xi32>
      %rev3A_1022 = tpu.iota {dimensions = array<i32: 0>} : vector<16xi32>
      %rev3A_1023 = arith.subi %rev3A_1021, %rev3A_1022 : vector<16xi32>
      %rev3A_1024 = tpu.dynamic_gather %sort3A_831[%rev3A_1023] in [0] : vector<16xf32>, vector<16xi32> -> vector<16xf32>
      %max3A_1025 = arith.maximumf %sort3A_814, %rev3A_1024 : vector<16xf32>
      %min3A_1026 = arith.minimumf %max3A_1019, %max3A_1025 : vector<16xf32>
      %sort3A_1027 = arith.constant dense<true> : vector<16xi1>
      %sort3A_1028, %sort3A_1029, %sort3A_1030 = tpu.sort %min3A_1026, %min3A_1026 masked %sort3A_1027 : (vector<16xf32>, vector<16xf32>, vector<16xi1>) -> (vector<16xi1>, vector<16xf32>, vector<16xf32>)
      %max3A_1031 = arith.maximumf %max3A_1019, %max3A_1025 : vector<16xf32>
      %sort3A_1032 = arith.constant dense<true> : vector<16xi1>
      %sort3A_1033, %sort3A_1034, %sort3A_1035 = tpu.sort %max3A_1031, %max3A_1031 masked %sort3A_1032 : (vector<16xf32>, vector<16xf32>, vector<16xi1>) -> (vector<16xi1>, vector<16xf32>, vector<16xf32>)
      %rev3A_1036 = arith.constant 15 : i32
      %rev3A_1037 = vector.broadcast %rev3A_1036 : i32 to vector<16xi32>
      %rev3A_1038 = tpu.iota {dimensions = array<i32: 0>} : vector<16xi32>
      %rev3A_1039 = arith.subi %rev3A_1037, %rev3A_1038 : vector<16xi32>
      %rev3A_1040 = tpu.dynamic_gather %sort3A_880[%rev3A_1039] in [0] : vector<16xf32>, vector<16xi32> -> vector<16xf32>
      %max3A_1041 = arith.maximumf %sort3A_853, %rev3A_1040 : vector<16xf32>
      %rev3A_1042 = arith.constant 15 : i32
      %rev3A_1043 = vector.broadcast %rev3A_1042 : i32 to vector<16xi32>
      %rev3A_1044 = tpu.iota {dimensions = array<i32: 0>} : vector<16xi32>
      %rev3A_1045 = arith.subi %rev3A_1043, %rev3A_1044 : vector<16xi32>
      %rev3A_1046 = tpu.dynamic_gather %sort3A_875[%rev3A_1045] in [0] : vector<16xf32>, vector<16xi32> -> vector<16xf32>
      %max3A_1047 = arith.maximumf %sort3A_858, %rev3A_1046 : vector<16xf32>
      %min3A_1048 = arith.minimumf %max3A_1041, %max3A_1047 : vector<16xf32>
      %sort3A_1049 = arith.constant dense<true> : vector<16xi1>
      %sort3A_1050, %sort3A_1051, %sort3A_1052 = tpu.sort %min3A_1048, %min3A_1048 masked %sort3A_1049 : (vector<16xf32>, vector<16xf32>, vector<16xi1>) -> (vector<16xi1>, vector<16xf32>, vector<16xf32>)
      %max3A_1053 = arith.maximumf %max3A_1041, %max3A_1047 : vector<16xf32>
      %sort3A_1054 = arith.constant dense<true> : vector<16xi1>
      %sort3A_1055, %sort3A_1056, %sort3A_1057 = tpu.sort %max3A_1053, %max3A_1053 masked %sort3A_1054 : (vector<16xf32>, vector<16xf32>, vector<16xi1>) -> (vector<16xi1>, vector<16xf32>, vector<16xf32>)
      %rev3A_1058 = arith.constant 15 : i32
      %rev3A_1059 = vector.broadcast %rev3A_1058 : i32 to vector<16xi32>
      %rev3A_1060 = tpu.iota {dimensions = array<i32: 0>} : vector<16xi32>
      %rev3A_1061 = arith.subi %rev3A_1059, %rev3A_1060 : vector<16xi32>
      %rev3A_1062 = tpu.dynamic_gather %sort3A_924[%rev3A_1061] in [0] : vector<16xf32>, vector<16xi32> -> vector<16xf32>
      %max3A_1063 = arith.maximumf %sort3A_897, %rev3A_1062 : vector<16xf32>
      %rev3A_1064 = arith.constant 15 : i32
      %rev3A_1065 = vector.broadcast %rev3A_1064 : i32 to vector<16xi32>
      %rev3A_1066 = tpu.iota {dimensions = array<i32: 0>} : vector<16xi32>
      %rev3A_1067 = arith.subi %rev3A_1065, %rev3A_1066 : vector<16xi32>
      %rev3A_1068 = tpu.dynamic_gather %sort3A_919[%rev3A_1067] in [0] : vector<16xf32>, vector<16xi32> -> vector<16xf32>
      %max3A_1069 = arith.maximumf %sort3A_902, %rev3A_1068 : vector<16xf32>
      %min3A_1070 = arith.minimumf %max3A_1063, %max3A_1069 : vector<16xf32>
      %sort3A_1071 = arith.constant dense<true> : vector<16xi1>
      %sort3A_1072, %sort3A_1073, %sort3A_1074 = tpu.sort %min3A_1070, %min3A_1070 masked %sort3A_1071 : (vector<16xf32>, vector<16xf32>, vector<16xi1>) -> (vector<16xi1>, vector<16xf32>, vector<16xf32>)
      %max3A_1075 = arith.maximumf %max3A_1063, %max3A_1069 : vector<16xf32>
      %sort3A_1076 = arith.constant dense<true> : vector<16xi1>
      %sort3A_1077, %sort3A_1078, %sort3A_1079 = tpu.sort %max3A_1075, %max3A_1075 masked %sort3A_1076 : (vector<16xf32>, vector<16xf32>, vector<16xi1>) -> (vector<16xi1>, vector<16xf32>, vector<16xf32>)
      %rev3A_1080 = arith.constant 15 : i32
      %rev3A_1081 = vector.broadcast %rev3A_1080 : i32 to vector<16xi32>
      %rev3A_1082 = tpu.iota {dimensions = array<i32: 0>} : vector<16xi32>
      %rev3A_1083 = arith.subi %rev3A_1081, %rev3A_1082 : vector<16xi32>
      %rev3A_1084 = tpu.dynamic_gather %sort3A_968[%rev3A_1083] in [0] : vector<16xf32>, vector<16xi32> -> vector<16xf32>
      %max3A_1085 = arith.maximumf %sort3A_941, %rev3A_1084 : vector<16xf32>
      %rev3A_1086 = arith.constant 15 : i32
      %rev3A_1087 = vector.broadcast %rev3A_1086 : i32 to vector<16xi32>
      %rev3A_1088 = tpu.iota {dimensions = array<i32: 0>} : vector<16xi32>
      %rev3A_1089 = arith.subi %rev3A_1087, %rev3A_1088 : vector<16xi32>
      %rev3A_1090 = tpu.dynamic_gather %sort3A_963[%rev3A_1089] in [0] : vector<16xf32>, vector<16xi32> -> vector<16xf32>
      %max3A_1091 = arith.maximumf %sort3A_946, %rev3A_1090 : vector<16xf32>
      %min3A_1092 = arith.minimumf %max3A_1085, %max3A_1091 : vector<16xf32>
      %sort3A_1093 = arith.constant dense<true> : vector<16xi1>
      %sort3A_1094, %sort3A_1095, %sort3A_1096 = tpu.sort %min3A_1092, %min3A_1092 masked %sort3A_1093 : (vector<16xf32>, vector<16xf32>, vector<16xi1>) -> (vector<16xi1>, vector<16xf32>, vector<16xf32>)
      %max3A_1097 = arith.maximumf %max3A_1085, %max3A_1091 : vector<16xf32>
      %sort3A_1098 = arith.constant dense<true> : vector<16xi1>
      %sort3A_1099, %sort3A_1100, %sort3A_1101 = tpu.sort %max3A_1097, %max3A_1097 masked %sort3A_1098 : (vector<16xf32>, vector<16xf32>, vector<16xi1>) -> (vector<16xi1>, vector<16xf32>, vector<16xf32>)
      %rev3A_1102 = arith.constant 15 : i32
      %rev3A_1103 = vector.broadcast %rev3A_1102 : i32 to vector<16xi32>
      %rev3A_1104 = tpu.iota {dimensions = array<i32: 0>} : vector<16xi32>
      %rev3A_1105 = arith.subi %rev3A_1103, %rev3A_1104 : vector<16xi32>
      %rev3A_1106 = tpu.dynamic_gather %sort3A_1012[%rev3A_1105] in [0] : vector<16xf32>, vector<16xi32> -> vector<16xf32>
      %max3A_1107 = arith.maximumf %sort3A_985, %rev3A_1106 : vector<16xf32>
      %rev3A_1108 = arith.constant 15 : i32
      %rev3A_1109 = vector.broadcast %rev3A_1108 : i32 to vector<16xi32>
      %rev3A_1110 = tpu.iota {dimensions = array<i32: 0>} : vector<16xi32>
      %rev3A_1111 = arith.subi %rev3A_1109, %rev3A_1110 : vector<16xi32>
      %rev3A_1112 = tpu.dynamic_gather %sort3A_1007[%rev3A_1111] in [0] : vector<16xf32>, vector<16xi32> -> vector<16xf32>
      %max3A_1113 = arith.maximumf %sort3A_990, %rev3A_1112 : vector<16xf32>
      %min3A_1114 = arith.minimumf %max3A_1107, %max3A_1113 : vector<16xf32>
      %sort3A_1115 = arith.constant dense<true> : vector<16xi1>
      %sort3A_1116, %sort3A_1117, %sort3A_1118 = tpu.sort %min3A_1114, %min3A_1114 masked %sort3A_1115 : (vector<16xf32>, vector<16xf32>, vector<16xi1>) -> (vector<16xi1>, vector<16xf32>, vector<16xf32>)
      %max3A_1119 = arith.maximumf %max3A_1107, %max3A_1113 : vector<16xf32>
      %sort3A_1120 = arith.constant dense<true> : vector<16xi1>
      %sort3A_1121, %sort3A_1122, %sort3A_1123 = tpu.sort %max3A_1119, %max3A_1119 masked %sort3A_1120 : (vector<16xf32>, vector<16xf32>, vector<16xi1>) -> (vector<16xi1>, vector<16xf32>, vector<16xf32>)
      %rev3A_1124 = arith.constant 15 : i32
      %rev3A_1125 = vector.broadcast %rev3A_1124 : i32 to vector<16xi32>
      %rev3A_1126 = tpu.iota {dimensions = array<i32: 0>} : vector<16xi32>
      %rev3A_1127 = arith.subi %rev3A_1125, %rev3A_1126 : vector<16xi32>
      %rev3A_1128 = tpu.dynamic_gather %sort3A_1056[%rev3A_1127] in [0] : vector<16xf32>, vector<16xi32> -> vector<16xf32>
      %max3A_1129 = arith.maximumf %sort3A_1029, %rev3A_1128 : vector<16xf32>
      %rev3A_1130 = arith.constant 15 : i32
      %rev3A_1131 = vector.broadcast %rev3A_1130 : i32 to vector<16xi32>
      %rev3A_1132 = tpu.iota {dimensions = array<i32: 0>} : vector<16xi32>
      %rev3A_1133 = arith.subi %rev3A_1131, %rev3A_1132 : vector<16xi32>
      %rev3A_1134 = tpu.dynamic_gather %sort3A_1051[%rev3A_1133] in [0] : vector<16xf32>, vector<16xi32> -> vector<16xf32>
      %max3A_1135 = arith.maximumf %sort3A_1034, %rev3A_1134 : vector<16xf32>
      %min3A_1136 = arith.minimumf %max3A_1129, %max3A_1135 : vector<16xf32>
      %sort3A_1137 = arith.constant dense<true> : vector<16xi1>
      %sort3A_1138, %sort3A_1139, %sort3A_1140 = tpu.sort %min3A_1136, %min3A_1136 masked %sort3A_1137 : (vector<16xf32>, vector<16xf32>, vector<16xi1>) -> (vector<16xi1>, vector<16xf32>, vector<16xf32>)
      %max3A_1141 = arith.maximumf %max3A_1129, %max3A_1135 : vector<16xf32>
      %sort3A_1142 = arith.constant dense<true> : vector<16xi1>
      %sort3A_1143, %sort3A_1144, %sort3A_1145 = tpu.sort %max3A_1141, %max3A_1141 masked %sort3A_1142 : (vector<16xf32>, vector<16xf32>, vector<16xi1>) -> (vector<16xi1>, vector<16xf32>, vector<16xf32>)
      %rev3A_1146 = arith.constant 15 : i32
      %rev3A_1147 = vector.broadcast %rev3A_1146 : i32 to vector<16xi32>
      %rev3A_1148 = tpu.iota {dimensions = array<i32: 0>} : vector<16xi32>
      %rev3A_1149 = arith.subi %rev3A_1147, %rev3A_1148 : vector<16xi32>
      %rev3A_1150 = tpu.dynamic_gather %sort3A_1100[%rev3A_1149] in [0] : vector<16xf32>, vector<16xi32> -> vector<16xf32>
      %max3A_1151 = arith.maximumf %sort3A_1073, %rev3A_1150 : vector<16xf32>
      %rev3A_1152 = arith.constant 15 : i32
      %rev3A_1153 = vector.broadcast %rev3A_1152 : i32 to vector<16xi32>
      %rev3A_1154 = tpu.iota {dimensions = array<i32: 0>} : vector<16xi32>
      %rev3A_1155 = arith.subi %rev3A_1153, %rev3A_1154 : vector<16xi32>
      %rev3A_1156 = tpu.dynamic_gather %sort3A_1095[%rev3A_1155] in [0] : vector<16xf32>, vector<16xi32> -> vector<16xf32>
      %max3A_1157 = arith.maximumf %sort3A_1078, %rev3A_1156 : vector<16xf32>
      %min3A_1158 = arith.minimumf %max3A_1151, %max3A_1157 : vector<16xf32>
      %sort3A_1159 = arith.constant dense<true> : vector<16xi1>
      %sort3A_1160, %sort3A_1161, %sort3A_1162 = tpu.sort %min3A_1158, %min3A_1158 masked %sort3A_1159 : (vector<16xf32>, vector<16xf32>, vector<16xi1>) -> (vector<16xi1>, vector<16xf32>, vector<16xf32>)
      %max3A_1163 = arith.maximumf %max3A_1151, %max3A_1157 : vector<16xf32>
      %sort3A_1164 = arith.constant dense<true> : vector<16xi1>
      %sort3A_1165, %sort3A_1166, %sort3A_1167 = tpu.sort %max3A_1163, %max3A_1163 masked %sort3A_1164 : (vector<16xf32>, vector<16xf32>, vector<16xi1>) -> (vector<16xi1>, vector<16xf32>, vector<16xf32>)
      %rev3A_1168 = arith.constant 15 : i32
      %rev3A_1169 = vector.broadcast %rev3A_1168 : i32 to vector<16xi32>
      %rev3A_1170 = tpu.iota {dimensions = array<i32: 0>} : vector<16xi32>
      %rev3A_1171 = arith.subi %rev3A_1169, %rev3A_1170 : vector<16xi32>
      %rev3A_1172 = tpu.dynamic_gather %sort3A_1144[%rev3A_1171] in [0] : vector<16xf32>, vector<16xi32> -> vector<16xf32>
      %max3A_1173 = arith.maximumf %sort3A_1117, %rev3A_1172 : vector<16xf32>
      %rev3A_1174 = arith.constant 15 : i32
      %rev3A_1175 = vector.broadcast %rev3A_1174 : i32 to vector<16xi32>
      %rev3A_1176 = tpu.iota {dimensions = array<i32: 0>} : vector<16xi32>
      %rev3A_1177 = arith.subi %rev3A_1175, %rev3A_1176 : vector<16xi32>
      %rev3A_1178 = tpu.dynamic_gather %sort3A_1139[%rev3A_1177] in [0] : vector<16xf32>, vector<16xi32> -> vector<16xf32>
      %max3A_1179 = arith.maximumf %sort3A_1122, %rev3A_1178 : vector<16xf32>
      %min3A_1180 = arith.minimumf %max3A_1173, %max3A_1179 : vector<16xf32>
      %sort3A_1181 = arith.constant dense<true> : vector<16xi1>
      %sort3A_1182, %sort3A_1183, %sort3A_1184 = tpu.sort %min3A_1180, %min3A_1180 masked %sort3A_1181 : (vector<16xf32>, vector<16xf32>, vector<16xi1>) -> (vector<16xi1>, vector<16xf32>, vector<16xf32>)
      %max3A_1185 = arith.maximumf %max3A_1173, %max3A_1179 : vector<16xf32>
      %sort3A_1186 = arith.constant dense<true> : vector<16xi1>
      %sort3A_1187, %sort3A_1188, %sort3A_1189 = tpu.sort %max3A_1185, %max3A_1185 masked %sort3A_1186 : (vector<16xf32>, vector<16xf32>, vector<16xi1>) -> (vector<16xi1>, vector<16xf32>, vector<16xf32>)
      %rev3A_1190 = arith.constant 15 : i32
      %rev3A_1191 = vector.broadcast %rev3A_1190 : i32 to vector<16xi32>
      %rev3A_1192 = tpu.iota {dimensions = array<i32: 0>} : vector<16xi32>
      %rev3A_1193 = arith.subi %rev3A_1191, %rev3A_1192 : vector<16xi32>
      %rev3A_1194 = tpu.dynamic_gather %sort3A_1166[%rev3A_1193] in [0] : vector<16xf32>, vector<16xi32> -> vector<16xf32>
      %max3A_1195 = arith.maximumf %sort3A_1183, %rev3A_1194 : vector<16xf32>
      %rev3A_1196 = arith.constant 15 : i32
      %rev3A_1197 = vector.broadcast %rev3A_1196 : i32 to vector<16xi32>
      %rev3A_1198 = tpu.iota {dimensions = array<i32: 0>} : vector<16xi32>
      %rev3A_1199 = arith.subi %rev3A_1197, %rev3A_1198 : vector<16xi32>
      %rev3A_1200 = tpu.dynamic_gather %sort3A_1161[%rev3A_1199] in [0] : vector<16xf32>, vector<16xi32> -> vector<16xf32>
      %max3A_1201 = arith.maximumf %sort3A_1188, %rev3A_1200 : vector<16xf32>
      %min3A_1202 = arith.minimumf %max3A_1195, %max3A_1201 : vector<16xf32>
      %reduce_min3A = arith.constant true
      %reduce_min3A_1203 = vector.broadcast %reduce_min3A : i1 to vector<16xi1>
      %reduce_min3A_1204 = tpu.scan <min>, %min3A_1202 masked %reduce_min3A_1203 : vector<16xf32>, vector<16xi1> -> vector<16xf32>
      %reduce_min3A_1205 = vector.extract %reduce_min3A_1204[15] : f32 from vector<16xf32>
      %broadcast_in_dim3A = vector.broadcast %reduce_min3A_1205 : f32 to vector<16xf32>
      %mul3A_1206 = arith.constant 128 : i32
      %mul3A_1207 = arith.muli %add3A_14, %mul3A_1206 : i32
      %swap3A = arith.index_cast %mul3A_1207 : i32 to index
      %swap3A_1208 = tpu.vector_load %arg5[%swap3A] {strides = array<i32>} : memref<6144xf32, #tpu.memory_space<vmem>>, vector<16xf32>,
      tpu.vector_store %arg5[%swap3A], %broadcast_in_dim3A {strides = array<i32>} : memref<6144xf32, #tpu.memory_space<vmem>>, vector<16xf32>,
      %mul3A_1209 = arith.constant 2 : i32
      %mul3A_1210 = arith.muli %scan3A_10, %mul3A_1209 : i32
      %add3A_1211 = arith.constant 1 : i32
      %add3A_1212 = arith.addi %mul3A_1210, %add3A_1211 : i32
      %get3A_1213 = arith.index_cast %add3A_1212 : i32 to index
      %get3A_1214 = arith.constant 0 : index
      %get3A_1215 = tpu.vector_load %arg4[%get3A_1213, %get3A_1214] {strides = array<i32>} : memref<48x768xf32, #tpu.memory_space<vmem>>, vector<16xf32>,
      %get3A_1216 = arith.index_cast %add3A_1212 : i32 to index
      %get3A_1217 = arith.constant 16 : index
      %get3A_1218 = tpu.vector_load %arg4[%get3A_1216, %get3A_1217] {strides = array<i32>} : memref<48x768xf32, #tpu.memory_space<vmem>>, vector<16xf32>,
      %get3A_1219 = arith.index_cast %add3A_1212 : i32 to index
      %get3A_1220 = arith.constant 32 : index
      %get3A_1221 = tpu.vector_load %arg4[%get3A_1219, %get3A_1220] {strides = array<i32>} : memref<48x768xf32, #tpu.memory_space<vmem>>, vector<16xf32>,
      %get3A_1222 = arith.index_cast %add3A_1212 : i32 to index
      %get3A_1223 = arith.constant 48 : index
      %get3A_1224 = tpu.vector_load %arg4[%get3A_1222, %get3A_1223] {strides = array<i32>} : memref<48x768xf32, #tpu.memory_space<vmem>>, vector<16xf32>,
      %get3A_1225 = arith.index_cast %add3A_1212 : i32 to index
      %get3A_1226 = arith.constant 64 : index
      %get3A_1227 = tpu.vector_load %arg4[%get3A_1225, %get3A_1226] {strides = array<i32>} : memref<48x768xf32, #tpu.memory_space<vmem>>, vector<16xf32>,
      %get3A_1228 = arith.index_cast %add3A_1212 : i32 to index
      %get3A_1229 = arith.constant 80 : index
      %get3A_1230 = tpu.vector_load %arg4[%get3A_1228, %get3A_1229] {strides = array<i32>} : memref<48x768xf32, #tpu.memory_space<vmem>>, vector<16xf32>,
      %get3A_1231 = arith.index_cast %add3A_1212 : i32 to index
      %get3A_1232 = arith.constant 96 : index
      %get3A_1233 = tpu.vector_load %arg4[%get3A_1231, %get3A_1232] {strides = array<i32>} : memref<48x768xf32, #tpu.memory_space<vmem>>, vector<16xf32>,
      %get3A_1234 = arith.index_cast %add3A_1212 : i32 to index
      %get3A_1235 = arith.constant 112 : index
      %get3A_1236 = tpu.vector_load %arg4[%get3A_1234, %get3A_1235] {strides = array<i32>} : memref<48x768xf32, #tpu.memory_space<vmem>>, vector<16xf32>,
      %get3A_1237 = arith.index_cast %add3A_1212 : i32 to index
      %get3A_1238 = arith.constant 128 : index
      %get3A_1239 = tpu.vector_load %arg4[%get3A_1237, %get3A_1238] {strides = array<i32>} : memref<48x768xf32, #tpu.memory_space<vmem>>, vector<16xf32>,
      %get3A_1240 = arith.index_cast %add3A_1212 : i32 to index
      %get3A_1241 = arith.constant 144 : index
      %get3A_1242 = tpu.vector_load %arg4[%get3A_1240, %get3A_1241] {strides = array<i32>} : memref<48x768xf32, #tpu.memory_space<vmem>>, vector<16xf32>,
      %get3A_1243 = arith.index_cast %add3A_1212 : i32 to index
      %get3A_1244 = arith.constant 160 : index
      %get3A_1245 = tpu.vector_load %arg4[%get3A_1243, %get3A_1244] {strides = array<i32>} : memref<48x768xf32, #tpu.memory_space<vmem>>, vector<16xf32>,
      %get3A_1246 = arith.index_cast %add3A_1212 : i32 to index
      %get3A_1247 = arith.constant 176 : index
      %get3A_1248 = tpu.vector_load %arg4[%get3A_1246, %get3A_1247] {strides = array<i32>} : memref<48x768xf32, #tpu.memory_space<vmem>>, vector<16xf32>,
      %get3A_1249 = arith.index_cast %add3A_1212 : i32 to index
      %get3A_1250 = arith.constant 192 : index
      %get3A_1251 = tpu.vector_load %arg4[%get3A_1249, %get3A_1250] {strides = array<i32>} : memref<48x768xf32, #tpu.memory_space<vmem>>, vector<16xf32>,
      %get3A_1252 = arith.index_cast %add3A_1212 : i32 to index
      %get3A_1253 = arith.constant 208 : index
      %get3A_1254 = tpu.vector_load %arg4[%get3A_1252, %get3A_1253] {strides = array<i32>} : memref<48x768xf32, #tpu.memory_space<vmem>>, vector<16xf32>,
      %get3A_1255 = arith.index_cast %add3A_1212 : i32 to index
      %get3A_1256 = arith.constant 224 : index
      %get3A_1257 = tpu.vector_load %arg4[%get3A_1255, %get3A_1256] {strides = array<i32>} : memref<48x768xf32, #tpu.memory_space<vmem>>, vector<16xf32>,
      %get3A_1258 = arith.index_cast %add3A_1212 : i32 to index
      %get3A_1259 = arith.constant 240 : index
      %get3A_1260 = tpu.vector_load %arg4[%get3A_1258, %get3A_1259] {strides = array<i32>} : memref<48x768xf32, #tpu.memory_space<vmem>>, vector<16xf32>,
      %get3A_1261 = arith.index_cast %add3A_1212 : i32 to index
      %get3A_1262 = arith.constant 256 : index
      %get3A_1263 = tpu.vector_load %arg4[%get3A_1261, %get3A_1262] {strides = array<i32>} : memref<48x768xf32, #tpu.memory_space<vmem>>, vector<16xf32>,
      %get3A_1264 = arith.index_cast %add3A_1212 : i32 to index
      %get3A_1265 = arith.constant 272 : index
      %get3A_1266 = tpu.vector_load %arg4[%get3A_1264, %get3A_1265] {strides = array<i32>} : memref<48x768xf32, #tpu.memory_space<vmem>>, vector<16xf32>,
      %get3A_1267 = arith.index_cast %add3A_1212 : i32 to index
      %get3A_1268 = arith.constant 288 : index
      %get3A_1269 = tpu.vector_load %arg4[%get3A_1267, %get3A_1268] {strides = array<i32>} : memref<48x768xf32, #tpu.memory_space<vmem>>, vector<16xf32>,
      %get3A_1270 = arith.index_cast %add3A_1212 : i32 to index
      %get3A_1271 = arith.constant 304 : index
      %get3A_1272 = tpu.vector_load %arg4[%get3A_1270, %get3A_1271] {strides = array<i32>} : memref<48x768xf32, #tpu.memory_space<vmem>>, vector<16xf32>,
      %get3A_1273 = arith.index_cast %add3A_1212 : i32 to index
      %get3A_1274 = arith.constant 320 : index
      %get3A_1275 = tpu.vector_load %arg4[%get3A_1273, %get3A_1274] {strides = array<i32>} : memref<48x768xf32, #tpu.memory_space<vmem>>, vector<16xf32>,
      %get3A_1276 = arith.index_cast %add3A_1212 : i32 to index
      %get3A_1277 = arith.constant 336 : index
      %get3A_1278 = tpu.vector_load %arg4[%get3A_1276, %get3A_1277] {strides = array<i32>} : memref<48x768xf32, #tpu.memory_space<vmem>>, vector<16xf32>,
      %get3A_1279 = arith.index_cast %add3A_1212 : i32 to index
      %get3A_1280 = arith.constant 352 : index
      %get3A_1281 = tpu.vector_load %arg4[%get3A_1279, %get3A_1280] {strides = array<i32>} : memref<48x768xf32, #tpu.memory_space<vmem>>, vector<16xf32>,
      %get3A_1282 = arith.index_cast %add3A_1212 : i32 to index
      %get3A_1283 = arith.constant 368 : index
      %get3A_1284 = tpu.vector_load %arg4[%get3A_1282, %get3A_1283] {strides = array<i32>} : memref<48x768xf32, #tpu.memory_space<vmem>>, vector<16xf32>,
      %get3A_1285 = arith.index_cast %add3A_1212 : i32 to index
      %get3A_1286 = arith.constant 384 : index
      %get3A_1287 = tpu.vector_load %arg4[%get3A_1285, %get3A_1286] {strides = array<i32>} : memref<48x768xf32, #tpu.memory_space<vmem>>, vector<16xf32>,
      %get3A_1288 = arith.index_cast %add3A_1212 : i32 to index
      %get3A_1289 = arith.constant 400 : index
      %get3A_1290 = tpu.vector_load %arg4[%get3A_1288, %get3A_1289] {strides = array<i32>} : memref<48x768xf32, #tpu.memory_space<vmem>>, vector<16xf32>,
      %get3A_1291 = arith.index_cast %add3A_1212 : i32 to index
      %get3A_1292 = arith.constant 416 : index
      %get3A_1293 = tpu.vector_load %arg4[%get3A_1291, %get3A_1292] {strides = array<i32>} : memref<48x768xf32, #tpu.memory_space<vmem>>, vector<16xf32>,
      %get3A_1294 = arith.index_cast %add3A_1212 : i32 to index
      %get3A_1295 = arith.constant 432 : index
      %get3A_1296 = tpu.vector_load %arg4[%get3A_1294, %get3A_1295] {strides = array<i32>} : memref<48x768xf32, #tpu.memory_space<vmem>>, vector<16xf32>,
      %get3A_1297 = arith.index_cast %add3A_1212 : i32 to index
      %get3A_1298 = arith.constant 448 : index
      %get3A_1299 = tpu.vector_load %arg4[%get3A_1297, %get3A_1298] {strides = array<i32>} : memref<48x768xf32, #tpu.memory_space<vmem>>, vector<16xf32>,
      %get3A_1300 = arith.index_cast %add3A_1212 : i32 to index
      %get3A_1301 = arith.constant 464 : index
      %get3A_1302 = tpu.vector_load %arg4[%get3A_1300, %get3A_1301] {strides = array<i32>} : memref<48x768xf32, #tpu.memory_space<vmem>>, vector<16xf32>,
      %get3A_1303 = arith.index_cast %add3A_1212 : i32 to index
      %get3A_1304 = arith.constant 480 : index
      %get3A_1305 = tpu.vector_load %arg4[%get3A_1303, %get3A_1304] {strides = array<i32>} : memref<48x768xf32, #tpu.memory_space<vmem>>, vector<16xf32>,
      %get3A_1306 = arith.index_cast %add3A_1212 : i32 to index
      %get3A_1307 = arith.constant 496 : index
      %get3A_1308 = tpu.vector_load %arg4[%get3A_1306, %get3A_1307] {strides = array<i32>} : memref<48x768xf32, #tpu.memory_space<vmem>>, vector<16xf32>,
      %get3A_1309 = arith.index_cast %add3A_1212 : i32 to index
      %get3A_1310 = arith.constant 512 : index
      %get3A_1311 = tpu.vector_load %arg4[%get3A_1309, %get3A_1310] {strides = array<i32>} : memref<48x768xf32, #tpu.memory_space<vmem>>, vector<16xf32>,
      %get3A_1312 = arith.index_cast %add3A_1212 : i32 to index
      %get3A_1313 = arith.constant 528 : index
      %get3A_1314 = tpu.vector_load %arg4[%get3A_1312, %get3A_1313] {strides = array<i32>} : memref<48x768xf32, #tpu.memory_space<vmem>>, vector<16xf32>,
      %get3A_1315 = arith.index_cast %add3A_1212 : i32 to index
      %get3A_1316 = arith.constant 544 : index
      %get3A_1317 = tpu.vector_load %arg4[%get3A_1315, %get3A_1316] {strides = array<i32>} : memref<48x768xf32, #tpu.memory_space<vmem>>, vector<16xf32>,
      %get3A_1318 = arith.index_cast %add3A_1212 : i32 to index
      %get3A_1319 = arith.constant 560 : index
      %get3A_1320 = tpu.vector_load %arg4[%get3A_1318, %get3A_1319] {strides = array<i32>} : memref<48x768xf32, #tpu.memory_space<vmem>>, vector<16xf32>,
      %get3A_1321 = arith.index_cast %add3A_1212 : i32 to index
      %get3A_1322 = arith.constant 576 : index
      %get3A_1323 = tpu.vector_load %arg4[%get3A_1321, %get3A_1322] {strides = array<i32>} : memref<48x768xf32, #tpu.memory_space<vmem>>, vector<16xf32>,
      %get3A_1324 = arith.index_cast %add3A_1212 : i32 to index
      %get3A_1325 = arith.constant 592 : index
      %get3A_1326 = tpu.vector_load %arg4[%get3A_1324, %get3A_1325] {strides = array<i32>} : memref<48x768xf32, #tpu.memory_space<vmem>>, vector<16xf32>,
      %get3A_1327 = arith.index_cast %add3A_1212 : i32 to index
      %get3A_1328 = arith.constant 608 : index
      %get3A_1329 = tpu.vector_load %arg4[%get3A_1327, %get3A_1328] {strides = array<i32>} : memref<48x768xf32, #tpu.memory_space<vmem>>, vector<16xf32>,
      %get3A_1330 = arith.index_cast %add3A_1212 : i32 to index
      %get3A_1331 = arith.constant 624 : index
      %get3A_1332 = tpu.vector_load %arg4[%get3A_1330, %get3A_1331] {strides = array<i32>} : memref<48x768xf32, #tpu.memory_space<vmem>>, vector<16xf32>,
      %get3A_1333 = arith.index_cast %add3A_1212 : i32 to index
      %get3A_1334 = arith.constant 640 : index
      %get3A_1335 = tpu.vector_load %arg4[%get3A_1333, %get3A_1334] {strides = array<i32>} : memref<48x768xf32, #tpu.memory_space<vmem>>, vector<16xf32>,
      %get3A_1336 = arith.index_cast %add3A_1212 : i32 to index
      %get3A_1337 = arith.constant 656 : index
      %get3A_1338 = tpu.vector_load %arg4[%get3A_1336, %get3A_1337] {strides = array<i32>} : memref<48x768xf32, #tpu.memory_space<vmem>>, vector<16xf32>,
      %get3A_1339 = arith.index_cast %add3A_1212 : i32 to index
      %get3A_1340 = arith.constant 672 : index
      %get3A_1341 = tpu.vector_load %arg4[%get3A_1339, %get3A_1340] {strides = array<i32>} : memref<48x768xf32, #tpu.memory_space<vmem>>, vector<16xf32>,
      %get3A_1342 = arith.index_cast %add3A_1212 : i32 to index
      %get3A_1343 = arith.constant 688 : index
      %get3A_1344 = tpu.vector_load %arg4[%get3A_1342, %get3A_1343] {strides = array<i32>} : memref<48x768xf32, #tpu.memory_space<vmem>>, vector<16xf32>,
      %get3A_1345 = arith.index_cast %add3A_1212 : i32 to index
      %get3A_1346 = arith.constant 704 : index
      %get3A_1347 = tpu.vector_load %arg4[%get3A_1345, %get3A_1346] {strides = array<i32>} : memref<48x768xf32, #tpu.memory_space<vmem>>, vector<16xf32>,
      %get3A_1348 = arith.index_cast %add3A_1212 : i32 to index
      %get3A_1349 = arith.constant 720 : index
      %get3A_1350 = tpu.vector_load %arg4[%get3A_1348, %get3A_1349] {strides = array<i32>} : memref<48x768xf32, #tpu.memory_space<vmem>>, vector<16xf32>,
      %get3A_1351 = arith.index_cast %add3A_1212 : i32 to index
      %get3A_1352 = arith.constant 736 : index
      %get3A_1353 = tpu.vector_load %arg4[%get3A_1351, %get3A_1352] {strides = array<i32>} : memref<48x768xf32, #tpu.memory_space<vmem>>, vector<16xf32>,
      %get3A_1354 = arith.index_cast %add3A_1212 : i32 to index
      %get3A_1355 = arith.constant 752 : index
      %get3A_1356 = tpu.vector_load %arg4[%get3A_1354, %get3A_1355] {strides = array<i32>} : memref<48x768xf32, #tpu.memory_space<vmem>>, vector<16xf32>,
      %sort3A_1357 = arith.constant dense<true> : vector<16xi1>
      %sort3A_1358, %sort3A_1359, %sort3A_1360 = tpu.sort %get3A_1215, %get3A_1215 masked %sort3A_1357 : (vector<16xf32>, vector<16xf32>, vector<16xi1>) -> (vector<16xi1>, vector<16xf32>, vector<16xf32>)
      %sort3A_1361 = arith.constant dense<true> : vector<16xi1>
      %sort3A_1362, %sort3A_1363, %sort3A_1364 = tpu.sort %get3A_1218, %get3A_1218 masked %sort3A_1361 : (vector<16xf32>, vector<16xf32>, vector<16xi1>) -> (vector<16xi1>, vector<16xf32>, vector<16xf32>)
      %sort3A_1365 = arith.constant dense<true> : vector<16xi1>
      %sort3A_1366, %sort3A_1367, %sort3A_1368 = tpu.sort %get3A_1221, %get3A_1221 masked %sort3A_1365 : (vector<16xf32>, vector<16xf32>, vector<16xi1>) -> (vector<16xi1>, vector<16xf32>, vector<16xf32>)
      %sort3A_1369 = arith.constant dense<true> : vector<16xi1>
      %sort3A_1370, %sort3A_1371, %sort3A_1372 = tpu.sort %get3A_1224, %get3A_1224 masked %sort3A_1369 : (vector<16xf32>, vector<16xf32>, vector<16xi1>) -> (vector<16xi1>, vector<16xf32>, vector<16xf32>)
      %sort3A_1373 = arith.constant dense<true> : vector<16xi1>
      %sort3A_1374, %sort3A_1375, %sort3A_1376 = tpu.sort %get3A_1227, %get3A_1227 masked %sort3A_1373 : (vector<16xf32>, vector<16xf32>, vector<16xi1>) -> (vector<16xi1>, vector<16xf32>, vector<16xf32>)
      %sort3A_1377 = arith.constant dense<true> : vector<16xi1>
      %sort3A_1378, %sort3A_1379, %sort3A_1380 = tpu.sort %get3A_1230, %get3A_1230 masked %sort3A_1377 : (vector<16xf32>, vector<16xf32>, vector<16xi1>) -> (vector<16xi1>, vector<16xf32>, vector<16xf32>)
      %sort3A_1381 = arith.constant dense<true> : vector<16xi1>
      %sort3A_1382, %sort3A_1383, %sort3A_1384 = tpu.sort %get3A_1233, %get3A_1233 masked %sort3A_1381 : (vector<16xf32>, vector<16xf32>, vector<16xi1>) -> (vector<16xi1>, vector<16xf32>, vector<16xf32>)
      %sort3A_1385 = arith.constant dense<true> : vector<16xi1>
      %sort3A_1386, %sort3A_1387, %sort3A_1388 = tpu.sort %get3A_1236, %get3A_1236 masked %sort3A_1385 : (vector<16xf32>, vector<16xf32>, vector<16xi1>) -> (vector<16xi1>, vector<16xf32>, vector<16xf32>)
      %sort3A_1389 = arith.constant dense<true> : vector<16xi1>
      %sort3A_1390, %sort3A_1391, %sort3A_1392 = tpu.sort %get3A_1239, %get3A_1239 masked %sort3A_1389 : (vector<16xf32>, vector<16xf32>, vector<16xi1>) -> (vector<16xi1>, vector<16xf32>, vector<16xf32>)
      %sort3A_1393 = arith.constant dense<true> : vector<16xi1>
      %sort3A_1394, %sort3A_1395, %sort3A_1396 = tpu.sort %get3A_1242, %get3A_1242 masked %sort3A_1393 : (vector<16xf32>, vector<16xf32>, vector<16xi1>) -> (vector<16xi1>, vector<16xf32>, vector<16xf32>)
      %sort3A_1397 = arith.constant dense<true> : vector<16xi1>
      %sort3A_1398, %sort3A_1399, %sort3A_1400 = tpu.sort %get3A_1245, %get3A_1245 masked %sort3A_1397 : (vector<16xf32>, vector<16xf32>, vector<16xi1>) -> (vector<16xi1>, vector<16xf32>, vector<16xf32>)
      %sort3A_1401 = arith.constant dense<true> : vector<16xi1>
      %sort3A_1402, %sort3A_1403, %sort3A_1404 = tpu.sort %get3A_1248, %get3A_1248 masked %sort3A_1401 : (vector<16xf32>, vector<16xf32>, vector<16xi1>) -> (vector<16xi1>, vector<16xf32>, vector<16xf32>)
      %sort3A_1405 = arith.constant dense<true> : vector<16xi1>
      %sort3A_1406, %sort3A_1407, %sort3A_1408 = tpu.sort %get3A_1251, %get3A_1251 masked %sort3A_1405 : (vector<16xf32>, vector<16xf32>, vector<16xi1>) -> (vector<16xi1>, vector<16xf32>, vector<16xf32>)
      %sort3A_1409 = arith.constant dense<true> : vector<16xi1>
      %sort3A_1410, %sort3A_1411, %sort3A_1412 = tpu.sort %get3A_1254, %get3A_1254 masked %sort3A_1409 : (vector<16xf32>, vector<16xf32>, vector<16xi1>) -> (vector<16xi1>, vector<16xf32>, vector<16xf32>)
      %sort3A_1413 = arith.constant dense<true> : vector<16xi1>
      %sort3A_1414, %sort3A_1415, %sort3A_1416 = tpu.sort %get3A_1257, %get3A_1257 masked %sort3A_1413 : (vector<16xf32>, vector<16xf32>, vector<16xi1>) -> (vector<16xi1>, vector<16xf32>, vector<16xf32>)
      %sort3A_1417 = arith.constant dense<true> : vector<16xi1>
      %sort3A_1418, %sort3A_1419, %sort3A_1420 = tpu.sort %get3A_1260, %get3A_1260 masked %sort3A_1417 : (vector<16xf32>, vector<16xf32>, vector<16xi1>) -> (vector<16xi1>, vector<16xf32>, vector<16xf32>)
      %sort3A_1421 = arith.constant dense<true> : vector<16xi1>
      %sort3A_1422, %sort3A_1423, %sort3A_1424 = tpu.sort %get3A_1263, %get3A_1263 masked %sort3A_1421 : (vector<16xf32>, vector<16xf32>, vector<16xi1>) -> (vector<16xi1>, vector<16xf32>, vector<16xf32>)
      %sort3A_1425 = arith.constant dense<true> : vector<16xi1>
      %sort3A_1426, %sort3A_1427, %sort3A_1428 = tpu.sort %get3A_1266, %get3A_1266 masked %sort3A_1425 : (vector<16xf32>, vector<16xf32>, vector<16xi1>) -> (vector<16xi1>, vector<16xf32>, vector<16xf32>)
      %sort3A_1429 = arith.constant dense<true> : vector<16xi1>
      %sort3A_1430, %sort3A_1431, %sort3A_1432 = tpu.sort %get3A_1269, %get3A_1269 masked %sort3A_1429 : (vector<16xf32>, vector<16xf32>, vector<16xi1>) -> (vector<16xi1>, vector<16xf32>, vector<16xf32>)
      %sort3A_1433 = arith.constant dense<true> : vector<16xi1>
      %sort3A_1434, %sort3A_1435, %sort3A_1436 = tpu.sort %get3A_1272, %get3A_1272 masked %sort3A_1433 : (vector<16xf32>, vector<16xf32>, vector<16xi1>) -> (vector<16xi1>, vector<16xf32>, vector<16xf32>)
      %sort3A_1437 = arith.constant dense<true> : vector<16xi1>
      %sort3A_1438, %sort3A_1439, %sort3A_1440 = tpu.sort %get3A_1275, %get3A_1275 masked %sort3A_1437 : (vector<16xf32>, vector<16xf32>, vector<16xi1>) -> (vector<16xi1>, vector<16xf32>, vector<16xf32>)
      %sort3A_1441 = arith.constant dense<true> : vector<16xi1>
      %sort3A_1442, %sort3A_1443, %sort3A_1444 = tpu.sort %get3A_1278, %get3A_1278 masked %sort3A_1441 : (vector<16xf32>, vector<16xf32>, vector<16xi1>) -> (vector<16xi1>, vector<16xf32>, vector<16xf32>)
      %sort3A_1445 = arith.constant dense<true> : vector<16xi1>
      %sort3A_1446, %sort3A_1447, %sort3A_1448 = tpu.sort %get3A_1281, %get3A_1281 masked %sort3A_1445 : (vector<16xf32>, vector<16xf32>, vector<16xi1>) -> (vector<16xi1>, vector<16xf32>, vector<16xf32>)
      %sort3A_1449 = arith.constant dense<true> : vector<16xi1>
      %sort3A_1450, %sort3A_1451, %sort3A_1452 = tpu.sort %get3A_1284, %get3A_1284 masked %sort3A_1449 : (vector<16xf32>, vector<16xf32>, vector<16xi1>) -> (vector<16xi1>, vector<16xf32>, vector<16xf32>)
      %sort3A_1453 = arith.constant dense<true> : vector<16xi1>
      %sort3A_1454, %sort3A_1455, %sort3A_1456 = tpu.sort %get3A_1287, %get3A_1287 masked %sort3A_1453 : (vector<16xf32>, vector<16xf32>, vector<16xi1>) -> (vector<16xi1>, vector<16xf32>, vector<16xf32>)
      %sort3A_1457 = arith.constant dense<true> : vector<16xi1>
      %sort3A_1458, %sort3A_1459, %sort3A_1460 = tpu.sort %get3A_1290, %get3A_1290 masked %sort3A_1457 : (vector<16xf32>, vector<16xf32>, vector<16xi1>) -> (vector<16xi1>, vector<16xf32>, vector<16xf32>)
      %sort3A_1461 = arith.constant dense<true> : vector<16xi1>
      %sort3A_1462, %sort3A_1463, %sort3A_1464 = tpu.sort %get3A_1293, %get3A_1293 masked %sort3A_1461 : (vector<16xf32>, vector<16xf32>, vector<16xi1>) -> (vector<16xi1>, vector<16xf32>, vector<16xf32>)
      %sort3A_1465 = arith.constant dense<true> : vector<16xi1>
      %sort3A_1466, %sort3A_1467, %sort3A_1468 = tpu.sort %get3A_1296, %get3A_1296 masked %sort3A_1465 : (vector<16xf32>, vector<16xf32>, vector<16xi1>) -> (vector<16xi1>, vector<16xf32>, vector<16xf32>)
      %sort3A_1469 = arith.constant dense<true> : vector<16xi1>
      %sort3A_1470, %sort3A_1471, %sort3A_1472 = tpu.sort %get3A_1299, %get3A_1299 masked %sort3A_1469 : (vector<16xf32>, vector<16xf32>, vector<16xi1>) -> (vector<16xi1>, vector<16xf32>, vector<16xf32>)
      %sort3A_1473 = arith.constant dense<true> : vector<16xi1>
      %sort3A_1474, %sort3A_1475, %sort3A_1476 = tpu.sort %get3A_1302, %get3A_1302 masked %sort3A_1473 : (vector<16xf32>, vector<16xf32>, vector<16xi1>) -> (vector<16xi1>, vector<16xf32>, vector<16xf32>)
      %sort3A_1477 = arith.constant dense<true> : vector<16xi1>
      %sort3A_1478, %sort3A_1479, %sort3A_1480 = tpu.sort %get3A_1305, %get3A_1305 masked %sort3A_1477 : (vector<16xf32>, vector<16xf32>, vector<16xi1>) -> (vector<16xi1>, vector<16xf32>, vector<16xf32>)
      %sort3A_1481 = arith.constant dense<true> : vector<16xi1>
      %sort3A_1482, %sort3A_1483, %sort3A_1484 = tpu.sort %get3A_1308, %get3A_1308 masked %sort3A_1481 : (vector<16xf32>, vector<16xf32>, vector<16xi1>) -> (vector<16xi1>, vector<16xf32>, vector<16xf32>)
      %sort3A_1485 = arith.constant dense<true> : vector<16xi1>
      %sort3A_1486, %sort3A_1487, %sort3A_1488 = tpu.sort %get3A_1311, %get3A_1311 masked %sort3A_1485 : (vector<16xf32>, vector<16xf32>, vector<16xi1>) -> (vector<16xi1>, vector<16xf32>, vector<16xf32>)
      %sort3A_1489 = arith.constant dense<true> : vector<16xi1>
      %sort3A_1490, %sort3A_1491, %sort3A_1492 = tpu.sort %get3A_1314, %get3A_1314 masked %sort3A_1489 : (vector<16xf32>, vector<16xf32>, vector<16xi1>) -> (vector<16xi1>, vector<16xf32>, vector<16xf32>)
      %sort3A_1493 = arith.constant dense<true> : vector<16xi1>
      %sort3A_1494, %sort3A_1495, %sort3A_1496 = tpu.sort %get3A_1317, %get3A_1317 masked %sort3A_1493 : (vector<16xf32>, vector<16xf32>, vector<16xi1>) -> (vector<16xi1>, vector<16xf32>, vector<16xf32>)
      %sort3A_1497 = arith.constant dense<true> : vector<16xi1>
      %sort3A_1498, %sort3A_1499, %sort3A_1500 = tpu.sort %get3A_1320, %get3A_1320 masked %sort3A_1497 : (vector<16xf32>, vector<16xf32>, vector<16xi1>) -> (vector<16xi1>, vector<16xf32>, vector<16xf32>)
      %sort3A_1501 = arith.constant dense<true> : vector<16xi1>
      %sort3A_1502, %sort3A_1503, %sort3A_1504 = tpu.sort %get3A_1323, %get3A_1323 masked %sort3A_1501 : (vector<16xf32>, vector<16xf32>, vector<16xi1>) -> (vector<16xi1>, vector<16xf32>, vector<16xf32>)
      %sort3A_1505 = arith.constant dense<true> : vector<16xi1>
      %sort3A_1506, %sort3A_1507, %sort3A_1508 = tpu.sort %get3A_1326, %get3A_1326 masked %sort3A_1505 : (vector<16xf32>, vector<16xf32>, vector<16xi1>) -> (vector<16xi1>, vector<16xf32>, vector<16xf32>)
      %sort3A_1509 = arith.constant dense<true> : vector<16xi1>
      %sort3A_1510, %sort3A_1511, %sort3A_1512 = tpu.sort %get3A_1329, %get3A_1329 masked %sort3A_1509 : (vector<16xf32>, vector<16xf32>, vector<16xi1>) -> (vector<16xi1>, vector<16xf32>, vector<16xf32>)
      %sort3A_1513 = arith.constant dense<true> : vector<16xi1>
      %sort3A_1514, %sort3A_1515, %sort3A_1516 = tpu.sort %get3A_1332, %get3A_1332 masked %sort3A_1513 : (vector<16xf32>, vector<16xf32>, vector<16xi1>) -> (vector<16xi1>, vector<16xf32>, vector<16xf32>)
      %sort3A_1517 = arith.constant dense<true> : vector<16xi1>
      %sort3A_1518, %sort3A_1519, %sort3A_1520 = tpu.sort %get3A_1335, %get3A_1335 masked %sort3A_1517 : (vector<16xf32>, vector<16xf32>, vector<16xi1>) -> (vector<16xi1>, vector<16xf32>, vector<16xf32>)
      %sort3A_1521 = arith.constant dense<true> : vector<16xi1>
      %sort3A_1522, %sort3A_1523, %sort3A_1524 = tpu.sort %get3A_1338, %get3A_1338 masked %sort3A_1521 : (vector<16xf32>, vector<16xf32>, vector<16xi1>) -> (vector<16xi1>, vector<16xf32>, vector<16xf32>)
      %sort3A_1525 = arith.constant dense<true> : vector<16xi1>
      %sort3A_1526, %sort3A_1527, %sort3A_1528 = tpu.sort %get3A_1341, %get3A_1341 masked %sort3A_1525 : (vector<16xf32>, vector<16xf32>, vector<16xi1>) -> (vector<16xi1>, vector<16xf32>, vector<16xf32>)
      %sort3A_1529 = arith.constant dense<true> : vector<16xi1>
      %sort3A_1530, %sort3A_1531, %sort3A_1532 = tpu.sort %get3A_1344, %get3A_1344 masked %sort3A_1529 : (vector<16xf32>, vector<16xf32>, vector<16xi1>) -> (vector<16xi1>, vector<16xf32>, vector<16xf32>)
      %sort3A_1533 = arith.constant dense<true> : vector<16xi1>
      %sort3A_1534, %sort3A_1535, %sort3A_1536 = tpu.sort %get3A_1347, %get3A_1347 masked %sort3A_1533 : (vector<16xf32>, vector<16xf32>, vector<16xi1>) -> (vector<16xi1>, vector<16xf32>, vector<16xf32>)
      %sort3A_1537 = arith.constant dense<true> : vector<16xi1>
      %sort3A_1538, %sort3A_1539, %sort3A_1540 = tpu.sort %get3A_1350, %get3A_1350 masked %sort3A_1537 : (vector<16xf32>, vector<16xf32>, vector<16xi1>) -> (vector<16xi1>, vector<16xf32>, vector<16xf32>)
      %sort3A_1541 = arith.constant dense<true> : vector<16xi1>
      %sort3A_1542, %sort3A_1543, %sort3A_1544 = tpu.sort %get3A_1353, %get3A_1353 masked %sort3A_1541 : (vector<16xf32>, vector<16xf32>, vector<16xi1>) -> (vector<16xi1>, vector<16xf32>, vector<16xf32>)
      %sort3A_1545 = arith.constant dense<true> : vector<16xi1>
      %sort3A_1546, %sort3A_1547, %sort3A_1548 = tpu.sort %get3A_1356, %get3A_1356 masked %sort3A_1545 : (vector<16xf32>, vector<16xf32>, vector<16xi1>) -> (vector<16xi1>, vector<16xf32>, vector<16xf32>)
      %rev3A_1549 = arith.constant 15 : i32
      %rev3A_1550 = vector.broadcast %rev3A_1549 : i32 to vector<16xi32>
      %rev3A_1551 = tpu.iota {dimensions = array<i32: 0>} : vector<16xi32>
      %rev3A_1552 = arith.subi %rev3A_1550, %rev3A_1551 : vector<16xi32>
      %rev3A_1553 = tpu.dynamic_gather %sort3A_1363[%rev3A_1552] in [0] : vector<16xf32>, vector<16xi32> -> vector<16xf32>
      %min3A_1554 = arith.minimumf %sort3A_1359, %rev3A_1553 : vector<16xf32>
      %sort3A_1555 = arith.constant dense<true> : vector<16xi1>
      %sort3A_1556, %sort3A_1557, %sort3A_1558 = tpu.sort %min3A_1554, %min3A_1554 masked %sort3A_1555 : (vector<16xf32>, vector<16xf32>, vector<16xi1>) -> (vector<16xi1>, vector<16xf32>, vector<16xf32>)
      %max3A_1559 = arith.maximumf %sort3A_1359, %rev3A_1553 : vector<16xf32>
      %sort3A_1560 = arith.constant dense<true> : vector<16xi1>
      %sort3A_1561, %sort3A_1562, %sort3A_1563 = tpu.sort %max3A_1559, %max3A_1559 masked %sort3A_1560 : (vector<16xf32>, vector<16xf32>, vector<16xi1>) -> (vector<16xi1>, vector<16xf32>, vector<16xf32>)
      %rev3A_1564 = arith.constant 15 : i32
      %rev3A_1565 = vector.broadcast %rev3A_1564 : i32 to vector<16xi32>
      %rev3A_1566 = tpu.iota {dimensions = array<i32: 0>} : vector<16xi32>
      %rev3A_1567 = arith.subi %rev3A_1565, %rev3A_1566 : vector<16xi32>
      %rev3A_1568 = tpu.dynamic_gather %sort3A_1371[%rev3A_1567] in [0] : vector<16xf32>, vector<16xi32> -> vector<16xf32>
      %min3A_1569 = arith.minimumf %sort3A_1367, %rev3A_1568 : vector<16xf32>
      %sort3A_1570 = arith.constant dense<true> : vector<16xi1>
      %sort3A_1571, %sort3A_1572, %sort3A_1573 = tpu.sort %min3A_1569, %min3A_1569 masked %sort3A_1570 : (vector<16xf32>, vector<16xf32>, vector<16xi1>) -> (vector<16xi1>, vector<16xf32>, vector<16xf32>)
      %max3A_1574 = arith.maximumf %sort3A_1367, %rev3A_1568 : vector<16xf32>
      %sort3A_1575 = arith.constant dense<true> : vector<16xi1>
      %sort3A_1576, %sort3A_1577, %sort3A_1578 = tpu.sort %max3A_1574, %max3A_1574 masked %sort3A_1575 : (vector<16xf32>, vector<16xf32>, vector<16xi1>) -> (vector<16xi1>, vector<16xf32>, vector<16xf32>)
      %rev3A_1579 = arith.constant 15 : i32
      %rev3A_1580 = vector.broadcast %rev3A_1579 : i32 to vector<16xi32>
      %rev3A_1581 = tpu.iota {dimensions = array<i32: 0>} : vector<16xi32>
      %rev3A_1582 = arith.subi %rev3A_1580, %rev3A_1581 : vector<16xi32>
      %rev3A_1583 = tpu.dynamic_gather %sort3A_1379[%rev3A_1582] in [0] : vector<16xf32>, vector<16xi32> -> vector<16xf32>
      %min3A_1584 = arith.minimumf %sort3A_1375, %rev3A_1583 : vector<16xf32>
      %sort3A_1585 = arith.constant dense<true> : vector<16xi1>
      %sort3A_1586, %sort3A_1587, %sort3A_1588 = tpu.sort %min3A_1584, %min3A_1584 masked %sort3A_1585 : (vector<16xf32>, vector<16xf32>, vector<16xi1>) -> (vector<16xi1>, vector<16xf32>, vector<16xf32>)
      %max3A_1589 = arith.maximumf %sort3A_1375, %rev3A_1583 : vector<16xf32>
      %sort3A_1590 = arith.constant dense<true> : vector<16xi1>
      %sort3A_1591, %sort3A_1592, %sort3A_1593 = tpu.sort %max3A_1589, %max3A_1589 masked %sort3A_1590 : (vector<16xf32>, vector<16xf32>, vector<16xi1>) -> (vector<16xi1>, vector<16xf32>, vector<16xf32>)
      %rev3A_1594 = arith.constant 15 : i32
      %rev3A_1595 = vector.broadcast %rev3A_1594 : i32 to vector<16xi32>
      %rev3A_1596 = tpu.iota {dimensions = array<i32: 0>} : vector<16xi32>
      %rev3A_1597 = arith.subi %rev3A_1595, %rev3A_1596 : vector<16xi32>
      %rev3A_1598 = tpu.dynamic_gather %sort3A_1387[%rev3A_1597] in [0] : vector<16xf32>, vector<16xi32> -> vector<16xf32>
      %min3A_1599 = arith.minimumf %sort3A_1383, %rev3A_1598 : vector<16xf32>
      %sort3A_1600 = arith.constant dense<true> : vector<16xi1>
      %sort3A_1601, %sort3A_1602, %sort3A_1603 = tpu.sort %min3A_1599, %min3A_1599 masked %sort3A_1600 : (vector<16xf32>, vector<16xf32>, vector<16xi1>) -> (vector<16xi1>, vector<16xf32>, vector<16xf32>)
      %max3A_1604 = arith.maximumf %sort3A_1383, %rev3A_1598 : vector<16xf32>
      %sort3A_1605 = arith.constant dense<true> : vector<16xi1>
      %sort3A_1606, %sort3A_1607, %sort3A_1608 = tpu.sort %max3A_1604, %max3A_1604 masked %sort3A_1605 : (vector<16xf32>, vector<16xf32>, vector<16xi1>) -> (vector<16xi1>, vector<16xf32>, vector<16xf32>)
      %rev3A_1609 = arith.constant 15 : i32
      %rev3A_1610 = vector.broadcast %rev3A_1609 : i32 to vector<16xi32>
      %rev3A_1611 = tpu.iota {dimensions = array<i32: 0>} : vector<16xi32>
      %rev3A_1612 = arith.subi %rev3A_1610, %rev3A_1611 : vector<16xi32>
      %rev3A_1613 = tpu.dynamic_gather %sort3A_1395[%rev3A_1612] in [0] : vector<16xf32>, vector<16xi32> -> vector<16xf32>
      %min3A_1614 = arith.minimumf %sort3A_1391, %rev3A_1613 : vector<16xf32>
      %sort3A_1615 = arith.constant dense<true> : vector<16xi1>
      %sort3A_1616, %sort3A_1617, %sort3A_1618 = tpu.sort %min3A_1614, %min3A_1614 masked %sort3A_1615 : (vector<16xf32>, vector<16xf32>, vector<16xi1>) -> (vector<16xi1>, vector<16xf32>, vector<16xf32>)
      %max3A_1619 = arith.maximumf %sort3A_1391, %rev3A_1613 : vector<16xf32>
      %sort3A_1620 = arith.constant dense<true> : vector<16xi1>
      %sort3A_1621, %sort3A_1622, %sort3A_1623 = tpu.sort %max3A_1619, %max3A_1619 masked %sort3A_1620 : (vector<16xf32>, vector<16xf32>, vector<16xi1>) -> (vector<16xi1>, vector<16xf32>, vector<16xf32>)
      %rev3A_1624 = arith.constant 15 : i32
      %rev3A_1625 = vector.broadcast %rev3A_1624 : i32 to vector<16xi32>
      %rev3A_1626 = tpu.iota {dimensions = array<i32: 0>} : vector<16xi32>
      %rev3A_1627 = arith.subi %rev3A_1625, %rev3A_1626 : vector<16xi32>
      %rev3A_1628 = tpu.dynamic_gather %sort3A_1403[%rev3A_1627] in [0] : vector<16xf32>, vector<16xi32> -> vector<16xf32>
      %min3A_1629 = arith.minimumf %sort3A_1399, %rev3A_1628 : vector<16xf32>
      %sort3A_1630 = arith.constant dense<true> : vector<16xi1>
      %sort3A_1631, %sort3A_1632, %sort3A_1633 = tpu.sort %min3A_1629, %min3A_1629 masked %sort3A_1630 : (vector<16xf32>, vector<16xf32>, vector<16xi1>) -> (vector<16xi1>, vector<16xf32>, vector<16xf32>)
      %max3A_1634 = arith.maximumf %sort3A_1399, %rev3A_1628 : vector<16xf32>
      %sort3A_1635 = arith.constant dense<true> : vector<16xi1>
      %sort3A_1636, %sort3A_1637, %sort3A_1638 = tpu.sort %max3A_1634, %max3A_1634 masked %sort3A_1635 : (vector<16xf32>, vector<16xf32>, vector<16xi1>) -> (vector<16xi1>, vector<16xf32>, vector<16xf32>)
      %rev3A_1639 = arith.constant 15 : i32
      %rev3A_1640 = vector.broadcast %rev3A_1639 : i32 to vector<16xi32>
      %rev3A_1641 = tpu.iota {dimensions = array<i32: 0>} : vector<16xi32>
      %rev3A_1642 = arith.subi %rev3A_1640, %rev3A_1641 : vector<16xi32>
      %rev3A_1643 = tpu.dynamic_gather %sort3A_1411[%rev3A_1642] in [0] : vector<16xf32>, vector<16xi32> -> vector<16xf32>
      %min3A_1644 = arith.minimumf %sort3A_1407, %rev3A_1643 : vector<16xf32>
      %sort3A_1645 = arith.constant dense<true> : vector<16xi1>
      %sort3A_1646, %sort3A_1647, %sort3A_1648 = tpu.sort %min3A_1644, %min3A_1644 masked %sort3A_1645 : (vector<16xf32>, vector<16xf32>, vector<16xi1>) -> (vector<16xi1>, vector<16xf32>, vector<16xf32>)
      %max3A_1649 = arith.maximumf %sort3A_1407, %rev3A_1643 : vector<16xf32>
      %sort3A_1650 = arith.constant dense<true> : vector<16xi1>
      %sort3A_1651, %sort3A_1652, %sort3A_1653 = tpu.sort %max3A_1649, %max3A_1649 masked %sort3A_1650 : (vector<16xf32>, vector<16xf32>, vector<16xi1>) -> (vector<16xi1>, vector<16xf32>, vector<16xf32>)
      %rev3A_1654 = arith.constant 15 : i32
      %rev3A_1655 = vector.broadcast %rev3A_1654 : i32 to vector<16xi32>
      %rev3A_1656 = tpu.iota {dimensions = array<i32: 0>} : vector<16xi32>
      %rev3A_1657 = arith.subi %rev3A_1655, %rev3A_1656 : vector<16xi32>
      %rev3A_1658 = tpu.dynamic_gather %sort3A_1419[%rev3A_1657] in [0] : vector<16xf32>, vector<16xi32> -> vector<16xf32>
      %min3A_1659 = arith.minimumf %sort3A_1415, %rev3A_1658 : vector<16xf32>
      %sort3A_1660 = arith.constant dense<true> : vector<16xi1>
      %sort3A_1661, %sort3A_1662, %sort3A_1663 = tpu.sort %min3A_1659, %min3A_1659 masked %sort3A_1660 : (vector<16xf32>, vector<16xf32>, vector<16xi1>) -> (vector<16xi1>, vector<16xf32>, vector<16xf32>)
      %max3A_1664 = arith.maximumf %sort3A_1415, %rev3A_1658 : vector<16xf32>
      %sort3A_1665 = arith.constant dense<true> : vector<16xi1>
      %sort3A_1666, %sort3A_1667, %sort3A_1668 = tpu.sort %max3A_1664, %max3A_1664 masked %sort3A_1665 : (vector<16xf32>, vector<16xf32>, vector<16xi1>) -> (vector<16xi1>, vector<16xf32>, vector<16xf32>)
      %rev3A_1669 = arith.constant 15 : i32
      %rev3A_1670 = vector.broadcast %rev3A_1669 : i32 to vector<16xi32>
      %rev3A_1671 = tpu.iota {dimensions = array<i32: 0>} : vector<16xi32>
      %rev3A_1672 = arith.subi %rev3A_1670, %rev3A_1671 : vector<16xi32>
      %rev3A_1673 = tpu.dynamic_gather %sort3A_1427[%rev3A_1672] in [0] : vector<16xf32>, vector<16xi32> -> vector<16xf32>
      %min3A_1674 = arith.minimumf %sort3A_1423, %rev3A_1673 : vector<16xf32>
      %sort3A_1675 = arith.constant dense<true> : vector<16xi1>
      %sort3A_1676, %sort3A_1677, %sort3A_1678 = tpu.sort %min3A_1674, %min3A_1674 masked %sort3A_1675 : (vector<16xf32>, vector<16xf32>, vector<16xi1>) -> (vector<16xi1>, vector<16xf32>, vector<16xf32>)
      %max3A_1679 = arith.maximumf %sort3A_1423, %rev3A_1673 : vector<16xf32>
      %sort3A_1680 = arith.constant dense<true> : vector<16xi1>
      %sort3A_1681, %sort3A_1682, %sort3A_1683 = tpu.sort %max3A_1679, %max3A_1679 masked %sort3A_1680 : (vector<16xf32>, vector<16xf32>, vector<16xi1>) -> (vector<16xi1>, vector<16xf32>, vector<16xf32>)
      %rev3A_1684 = arith.constant 15 : i32
      %rev3A_1685 = vector.broadcast %rev3A_1684 : i32 to vector<16xi32>
      %rev3A_1686 = tpu.iota {dimensions = array<i32: 0>} : vector<16xi32>
      %rev3A_1687 = arith.subi %rev3A_1685, %rev3A_1686 : vector<16xi32>
      %rev3A_1688 = tpu.dynamic_gather %sort3A_1435[%rev3A_1687] in [0] : vector<16xf32>, vector<16xi32> -> vector<16xf32>
      %min3A_1689 = arith.minimumf %sort3A_1431, %rev3A_1688 : vector<16xf32>
      %sort3A_1690 = arith.constant dense<true> : vector<16xi1>
      %sort3A_1691, %sort3A_1692, %sort3A_1693 = tpu.sort %min3A_1689, %min3A_1689 masked %sort3A_1690 : (vector<16xf32>, vector<16xf32>, vector<16xi1>) -> (vector<16xi1>, vector<16xf32>, vector<16xf32>)
      %max3A_1694 = arith.maximumf %sort3A_1431, %rev3A_1688 : vector<16xf32>
      %sort3A_1695 = arith.constant dense<true> : vector<16xi1>
      %sort3A_1696, %sort3A_1697, %sort3A_1698 = tpu.sort %max3A_1694, %max3A_1694 masked %sort3A_1695 : (vector<16xf32>, vector<16xf32>, vector<16xi1>) -> (vector<16xi1>, vector<16xf32>, vector<16xf32>)
      %rev3A_1699 = arith.constant 15 : i32
      %rev3A_1700 = vector.broadcast %rev3A_1699 : i32 to vector<16xi32>
      %rev3A_1701 = tpu.iota {dimensions = array<i32: 0>} : vector<16xi32>
      %rev3A_1702 = arith.subi %rev3A_1700, %rev3A_1701 : vector<16xi32>
      %rev3A_1703 = tpu.dynamic_gather %sort3A_1443[%rev3A_1702] in [0] : vector<16xf32>, vector<16xi32> -> vector<16xf32>
      %min3A_1704 = arith.minimumf %sort3A_1439, %rev3A_1703 : vector<16xf32>
      %sort3A_1705 = arith.constant dense<true> : vector<16xi1>
      %sort3A_1706, %sort3A_1707, %sort3A_1708 = tpu.sort %min3A_1704, %min3A_1704 masked %sort3A_1705 : (vector<16xf32>, vector<16xf32>, vector<16xi1>) -> (vector<16xi1>, vector<16xf32>, vector<16xf32>)
      %max3A_1709 = arith.maximumf %sort3A_1439, %rev3A_1703 : vector<16xf32>
      %sort3A_1710 = arith.constant dense<true> : vector<16xi1>
      %sort3A_1711, %sort3A_1712, %sort3A_1713 = tpu.sort %max3A_1709, %max3A_1709 masked %sort3A_1710 : (vector<16xf32>, vector<16xf32>, vector<16xi1>) -> (vector<16xi1>, vector<16xf32>, vector<16xf32>)
      %rev3A_1714 = arith.constant 15 : i32
      %rev3A_1715 = vector.broadcast %rev3A_1714 : i32 to vector<16xi32>
      %rev3A_1716 = tpu.iota {dimensions = array<i32: 0>} : vector<16xi32>
      %rev3A_1717 = arith.subi %rev3A_1715, %rev3A_1716 : vector<16xi32>
      %rev3A_1718 = tpu.dynamic_gather %sort3A_1451[%rev3A_1717] in [0] : vector<16xf32>, vector<16xi32> -> vector<16xf32>
      %min3A_1719 = arith.minimumf %sort3A_1447, %rev3A_1718 : vector<16xf32>
      %sort3A_1720 = arith.constant dense<true> : vector<16xi1>
      %sort3A_1721, %sort3A_1722, %sort3A_1723 = tpu.sort %min3A_1719, %min3A_1719 masked %sort3A_1720 : (vector<16xf32>, vector<16xf32>, vector<16xi1>) -> (vector<16xi1>, vector<16xf32>, vector<16xf32>)
      %max3A_1724 = arith.maximumf %sort3A_1447, %rev3A_1718 : vector<16xf32>
      %sort3A_1725 = arith.constant dense<true> : vector<16xi1>
      %sort3A_1726, %sort3A_1727, %sort3A_1728 = tpu.sort %max3A_1724, %max3A_1724 masked %sort3A_1725 : (vector<16xf32>, vector<16xf32>, vector<16xi1>) -> (vector<16xi1>, vector<16xf32>, vector<16xf32>)
      %rev3A_1729 = arith.constant 15 : i32
      %rev3A_1730 = vector.broadcast %rev3A_1729 : i32 to vector<16xi32>
      %rev3A_1731 = tpu.iota {dimensions = array<i32: 0>} : vector<16xi32>
      %rev3A_1732 = arith.subi %rev3A_1730, %rev3A_1731 : vector<16xi32>
      %rev3A_1733 = tpu.dynamic_gather %sort3A_1459[%rev3A_1732] in [0] : vector<16xf32>, vector<16xi32> -> vector<16xf32>
      %min3A_1734 = arith.minimumf %sort3A_1455, %rev3A_1733 : vector<16xf32>
      %sort3A_1735 = arith.constant dense<true> : vector<16xi1>
      %sort3A_1736, %sort3A_1737, %sort3A_1738 = tpu.sort %min3A_1734, %min3A_1734 masked %sort3A_1735 : (vector<16xf32>, vector<16xf32>, vector<16xi1>) -> (vector<16xi1>, vector<16xf32>, vector<16xf32>)
      %max3A_1739 = arith.maximumf %sort3A_1455, %rev3A_1733 : vector<16xf32>
      %sort3A_1740 = arith.constant dense<true> : vector<16xi1>
      %sort3A_1741, %sort3A_1742, %sort3A_1743 = tpu.sort %max3A_1739, %max3A_1739 masked %sort3A_1740 : (vector<16xf32>, vector<16xf32>, vector<16xi1>) -> (vector<16xi1>, vector<16xf32>, vector<16xf32>)
      %rev3A_1744 = arith.constant 15 : i32
      %rev3A_1745 = vector.broadcast %rev3A_1744 : i32 to vector<16xi32>
      %rev3A_1746 = tpu.iota {dimensions = array<i32: 0>} : vector<16xi32>
      %rev3A_1747 = arith.subi %rev3A_1745, %rev3A_1746 : vector<16xi32>
      %rev3A_1748 = tpu.dynamic_gather %sort3A_1467[%rev3A_1747] in [0] : vector<16xf32>, vector<16xi32> -> vector<16xf32>
      %min3A_1749 = arith.minimumf %sort3A_1463, %rev3A_1748 : vector<16xf32>
      %sort3A_1750 = arith.constant dense<true> : vector<16xi1>
      %sort3A_1751, %sort3A_1752, %sort3A_1753 = tpu.sort %min3A_1749, %min3A_1749 masked %sort3A_1750 : (vector<16xf32>, vector<16xf32>, vector<16xi1>) -> (vector<16xi1>, vector<16xf32>, vector<16xf32>)
      %max3A_1754 = arith.maximumf %sort3A_1463, %rev3A_1748 : vector<16xf32>
      %sort3A_1755 = arith.constant dense<true> : vector<16xi1>
      %sort3A_1756, %sort3A_1757, %sort3A_1758 = tpu.sort %max3A_1754, %max3A_1754 masked %sort3A_1755 : (vector<16xf32>, vector<16xf32>, vector<16xi1>) -> (vector<16xi1>, vector<16xf32>, vector<16xf32>)
      %rev3A_1759 = arith.constant 15 : i32
      %rev3A_1760 = vector.broadcast %rev3A_1759 : i32 to vector<16xi32>
      %rev3A_1761 = tpu.iota {dimensions = array<i32: 0>} : vector<16xi32>
      %rev3A_1762 = arith.subi %rev3A_1760, %rev3A_1761 : vector<16xi32>
      %rev3A_1763 = tpu.dynamic_gather %sort3A_1475[%rev3A_1762] in [0] : vector<16xf32>, vector<16xi32> -> vector<16xf32>
      %min3A_1764 = arith.minimumf %sort3A_1471, %rev3A_1763 : vector<16xf32>
      %sort3A_1765 = arith.constant dense<true> : vector<16xi1>
      %sort3A_1766, %sort3A_1767, %sort3A_1768 = tpu.sort %min3A_1764, %min3A_1764 masked %sort3A_1765 : (vector<16xf32>, vector<16xf32>, vector<16xi1>) -> (vector<16xi1>, vector<16xf32>, vector<16xf32>)
      %max3A_1769 = arith.maximumf %sort3A_1471, %rev3A_1763 : vector<16xf32>
      %sort3A_1770 = arith.constant dense<true> : vector<16xi1>
      %sort3A_1771, %sort3A_1772, %sort3A_1773 = tpu.sort %max3A_1769, %max3A_1769 masked %sort3A_1770 : (vector<16xf32>, vector<16xf32>, vector<16xi1>) -> (vector<16xi1>, vector<16xf32>, vector<16xf32>)
      %rev3A_1774 = arith.constant 15 : i32
      %rev3A_1775 = vector.broadcast %rev3A_1774 : i32 to vector<16xi32>
      %rev3A_1776 = tpu.iota {dimensions = array<i32: 0>} : vector<16xi32>
      %rev3A_1777 = arith.subi %rev3A_1775, %rev3A_1776 : vector<16xi32>
      %rev3A_1778 = tpu.dynamic_gather %sort3A_1483[%rev3A_1777] in [0] : vector<16xf32>, vector<16xi32> -> vector<16xf32>
      %min3A_1779 = arith.minimumf %sort3A_1479, %rev3A_1778 : vector<16xf32>
      %sort3A_1780 = arith.constant dense<true> : vector<16xi1>
      %sort3A_1781, %sort3A_1782, %sort3A_1783 = tpu.sort %min3A_1779, %min3A_1779 masked %sort3A_1780 : (vector<16xf32>, vector<16xf32>, vector<16xi1>) -> (vector<16xi1>, vector<16xf32>, vector<16xf32>)
      %max3A_1784 = arith.maximumf %sort3A_1479, %rev3A_1778 : vector<16xf32>
      %sort3A_1785 = arith.constant dense<true> : vector<16xi1>
      %sort3A_1786, %sort3A_1787, %sort3A_1788 = tpu.sort %max3A_1784, %max3A_1784 masked %sort3A_1785 : (vector<16xf32>, vector<16xf32>, vector<16xi1>) -> (vector<16xi1>, vector<16xf32>, vector<16xf32>)
      %rev3A_1789 = arith.constant 15 : i32
      %rev3A_1790 = vector.broadcast %rev3A_1789 : i32 to vector<16xi32>
      %rev3A_1791 = tpu.iota {dimensions = array<i32: 0>} : vector<16xi32>
      %rev3A_1792 = arith.subi %rev3A_1790, %rev3A_1791 : vector<16xi32>
      %rev3A_1793 = tpu.dynamic_gather %sort3A_1491[%rev3A_1792] in [0] : vector<16xf32>, vector<16xi32> -> vector<16xf32>
      %min3A_1794 = arith.minimumf %sort3A_1487, %rev3A_1793 : vector<16xf32>
      %sort3A_1795 = arith.constant dense<true> : vector<16xi1>
      %sort3A_1796, %sort3A_1797, %sort3A_1798 = tpu.sort %min3A_1794, %min3A_1794 masked %sort3A_1795 : (vector<16xf32>, vector<16xf32>, vector<16xi1>) -> (vector<16xi1>, vector<16xf32>, vector<16xf32>)
      %max3A_1799 = arith.maximumf %sort3A_1487, %rev3A_1793 : vector<16xf32>
      %sort3A_1800 = arith.constant dense<true> : vector<16xi1>
      %sort3A_1801, %sort3A_1802, %sort3A_1803 = tpu.sort %max3A_1799, %max3A_1799 masked %sort3A_1800 : (vector<16xf32>, vector<16xf32>, vector<16xi1>) -> (vector<16xi1>, vector<16xf32>, vector<16xf32>)
      %rev3A_1804 = arith.constant 15 : i32
      %rev3A_1805 = vector.broadcast %rev3A_1804 : i32 to vector<16xi32>
      %rev3A_1806 = tpu.iota {dimensions = array<i32: 0>} : vector<16xi32>
      %rev3A_1807 = arith.subi %rev3A_1805, %rev3A_1806 : vector<16xi32>
      %rev3A_1808 = tpu.dynamic_gather %sort3A_1499[%rev3A_1807] in [0] : vector<16xf32>, vector<16xi32> -> vector<16xf32>
      %min3A_1809 = arith.minimumf %sort3A_1495, %rev3A_1808 : vector<16xf32>
      %sort3A_1810 = arith.constant dense<true> : vector<16xi1>
      %sort3A_1811, %sort3A_1812, %sort3A_1813 = tpu.sort %min3A_1809, %min3A_1809 masked %sort3A_1810 : (vector<16xf32>, vector<16xf32>, vector<16xi1>) -> (vector<16xi1>, vector<16xf32>, vector<16xf32>)
      %max3A_1814 = arith.maximumf %sort3A_1495, %rev3A_1808 : vector<16xf32>
      %sort3A_1815 = arith.constant dense<true> : vector<16xi1>
      %sort3A_1816, %sort3A_1817, %sort3A_1818 = tpu.sort %max3A_1814, %max3A_1814 masked %sort3A_1815 : (vector<16xf32>, vector<16xf32>, vector<16xi1>) -> (vector<16xi1>, vector<16xf32>, vector<16xf32>)
      %rev3A_1819 = arith.constant 15 : i32
      %rev3A_1820 = vector.broadcast %rev3A_1819 : i32 to vector<16xi32>
      %rev3A_1821 = tpu.iota {dimensions = array<i32: 0>} : vector<16xi32>
      %rev3A_1822 = arith.subi %rev3A_1820, %rev3A_1821 : vector<16xi32>
      %rev3A_1823 = tpu.dynamic_gather %sort3A_1507[%rev3A_1822] in [0] : vector<16xf32>, vector<16xi32> -> vector<16xf32>
      %min3A_1824 = arith.minimumf %sort3A_1503, %rev3A_1823 : vector<16xf32>
      %sort3A_1825 = arith.constant dense<true> : vector<16xi1>
      %sort3A_1826, %sort3A_1827, %sort3A_1828 = tpu.sort %min3A_1824, %min3A_1824 masked %sort3A_1825 : (vector<16xf32>, vector<16xf32>, vector<16xi1>) -> (vector<16xi1>, vector<16xf32>, vector<16xf32>)
      %max3A_1829 = arith.maximumf %sort3A_1503, %rev3A_1823 : vector<16xf32>
      %sort3A_1830 = arith.constant dense<true> : vector<16xi1>
      %sort3A_1831, %sort3A_1832, %sort3A_1833 = tpu.sort %max3A_1829, %max3A_1829 masked %sort3A_1830 : (vector<16xf32>, vector<16xf32>, vector<16xi1>) -> (vector<16xi1>, vector<16xf32>, vector<16xf32>)
      %rev3A_1834 = arith.constant 15 : i32
      %rev3A_1835 = vector.broadcast %rev3A_1834 : i32 to vector<16xi32>
      %rev3A_1836 = tpu.iota {dimensions = array<i32: 0>} : vector<16xi32>
      %rev3A_1837 = arith.subi %rev3A_1835, %rev3A_1836 : vector<16xi32>
      %rev3A_1838 = tpu.dynamic_gather %sort3A_1515[%rev3A_1837] in [0] : vector<16xf32>, vector<16xi32> -> vector<16xf32>
      %min3A_1839 = arith.minimumf %sort3A_1511, %rev3A_1838 : vector<16xf32>
      %sort3A_1840 = arith.constant dense<true> : vector<16xi1>
      %sort3A_1841, %sort3A_1842, %sort3A_1843 = tpu.sort %min3A_1839, %min3A_1839 masked %sort3A_1840 : (vector<16xf32>, vector<16xf32>, vector<16xi1>) -> (vector<16xi1>, vector<16xf32>, vector<16xf32>)
      %max3A_1844 = arith.maximumf %sort3A_1511, %rev3A_1838 : vector<16xf32>
      %sort3A_1845 = arith.constant dense<true> : vector<16xi1>
      %sort3A_1846, %sort3A_1847, %sort3A_1848 = tpu.sort %max3A_1844, %max3A_1844 masked %sort3A_1845 : (vector<16xf32>, vector<16xf32>, vector<16xi1>) -> (vector<16xi1>, vector<16xf32>, vector<16xf32>)
      %rev3A_1849 = arith.constant 15 : i32
      %rev3A_1850 = vector.broadcast %rev3A_1849 : i32 to vector<16xi32>
      %rev3A_1851 = tpu.iota {dimensions = array<i32: 0>} : vector<16xi32>
      %rev3A_1852 = arith.subi %rev3A_1850, %rev3A_1851 : vector<16xi32>
      %rev3A_1853 = tpu.dynamic_gather %sort3A_1523[%rev3A_1852] in [0] : vector<16xf32>, vector<16xi32> -> vector<16xf32>
      %min3A_1854 = arith.minimumf %sort3A_1519, %rev3A_1853 : vector<16xf32>
      %sort3A_1855 = arith.constant dense<true> : vector<16xi1>
      %sort3A_1856, %sort3A_1857, %sort3A_1858 = tpu.sort %min3A_1854, %min3A_1854 masked %sort3A_1855 : (vector<16xf32>, vector<16xf32>, vector<16xi1>) -> (vector<16xi1>, vector<16xf32>, vector<16xf32>)
      %max3A_1859 = arith.maximumf %sort3A_1519, %rev3A_1853 : vector<16xf32>
      %sort3A_1860 = arith.constant dense<true> : vector<16xi1>
      %sort3A_1861, %sort3A_1862, %sort3A_1863 = tpu.sort %max3A_1859, %max3A_1859 masked %sort3A_1860 : (vector<16xf32>, vector<16xf32>, vector<16xi1>) -> (vector<16xi1>, vector<16xf32>, vector<16xf32>)
      %rev3A_1864 = arith.constant 15 : i32
      %rev3A_1865 = vector.broadcast %rev3A_1864 : i32 to vector<16xi32>
      %rev3A_1866 = tpu.iota {dimensions = array<i32: 0>} : vector<16xi32>
      %rev3A_1867 = arith.subi %rev3A_1865, %rev3A_1866 : vector<16xi32>
      %rev3A_1868 = tpu.dynamic_gather %sort3A_1531[%rev3A_1867] in [0] : vector<16xf32>, vector<16xi32> -> vector<16xf32>
      %min3A_1869 = arith.minimumf %sort3A_1527, %rev3A_1868 : vector<16xf32>
      %sort3A_1870 = arith.constant dense<true> : vector<16xi1>
      %sort3A_1871, %sort3A_1872, %sort3A_1873 = tpu.sort %min3A_1869, %min3A_1869 masked %sort3A_1870 : (vector<16xf32>, vector<16xf32>, vector<16xi1>) -> (vector<16xi1>, vector<16xf32>, vector<16xf32>)
      %max3A_1874 = arith.maximumf %sort3A_1527, %rev3A_1868 : vector<16xf32>
      %sort3A_1875 = arith.constant dense<true> : vector<16xi1>
      %sort3A_1876, %sort3A_1877, %sort3A_1878 = tpu.sort %max3A_1874, %max3A_1874 masked %sort3A_1875 : (vector<16xf32>, vector<16xf32>, vector<16xi1>) -> (vector<16xi1>, vector<16xf32>, vector<16xf32>)
      %rev3A_1879 = arith.constant 15 : i32
      %rev3A_1880 = vector.broadcast %rev3A_1879 : i32 to vector<16xi32>
      %rev3A_1881 = tpu.iota {dimensions = array<i32: 0>} : vector<16xi32>
      %rev3A_1882 = arith.subi %rev3A_1880, %rev3A_1881 : vector<16xi32>
      %rev3A_1883 = tpu.dynamic_gather %sort3A_1539[%rev3A_1882] in [0] : vector<16xf32>, vector<16xi32> -> vector<16xf32>
      %min3A_1884 = arith.minimumf %sort3A_1535, %rev3A_1883 : vector<16xf32>
      %sort3A_1885 = arith.constant dense<true> : vector<16xi1>
      %sort3A_1886, %sort3A_1887, %sort3A_1888 = tpu.sort %min3A_1884, %min3A_1884 masked %sort3A_1885 : (vector<16xf32>, vector<16xf32>, vector<16xi1>) -> (vector<16xi1>, vector<16xf32>, vector<16xf32>)
      %max3A_1889 = arith.maximumf %sort3A_1535, %rev3A_1883 : vector<16xf32>
      %sort3A_1890 = arith.constant dense<true> : vector<16xi1>
      %sort3A_1891, %sort3A_1892, %sort3A_1893 = tpu.sort %max3A_1889, %max3A_1889 masked %sort3A_1890 : (vector<16xf32>, vector<16xf32>, vector<16xi1>) -> (vector<16xi1>, vector<16xf32>, vector<16xf32>)
      %rev3A_1894 = arith.constant 15 : i32
      %rev3A_1895 = vector.broadcast %rev3A_1894 : i32 to vector<16xi32>
      %rev3A_1896 = tpu.iota {dimensions = array<i32: 0>} : vector<16xi32>
      %rev3A_1897 = arith.subi %rev3A_1895, %rev3A_1896 : vector<16xi32>
      %rev3A_1898 = tpu.dynamic_gather %sort3A_1547[%rev3A_1897] in [0] : vector<16xf32>, vector<16xi32> -> vector<16xf32>
      %min3A_1899 = arith.minimumf %sort3A_1543, %rev3A_1898 : vector<16xf32>
      %sort3A_1900 = arith.constant dense<true> : vector<16xi1>
      %sort3A_1901, %sort3A_1902, %sort3A_1903 = tpu.sort %min3A_1899, %min3A_1899 masked %sort3A_1900 : (vector<16xf32>, vector<16xf32>, vector<16xi1>) -> (vector<16xi1>, vector<16xf32>, vector<16xf32>)
      %max3A_1904 = arith.maximumf %sort3A_1543, %rev3A_1898 : vector<16xf32>
      %sort3A_1905 = arith.constant dense<true> : vector<16xi1>
      %sort3A_1906, %sort3A_1907, %sort3A_1908 = tpu.sort %max3A_1904, %max3A_1904 masked %sort3A_1905 : (vector<16xf32>, vector<16xf32>, vector<16xi1>) -> (vector<16xi1>, vector<16xf32>, vector<16xf32>)
      %rev3A_1909 = arith.constant 15 : i32
      %rev3A_1910 = vector.broadcast %rev3A_1909 : i32 to vector<16xi32>
      %rev3A_1911 = tpu.iota {dimensions = array<i32: 0>} : vector<16xi32>
      %rev3A_1912 = arith.subi %rev3A_1910, %rev3A_1911 : vector<16xi32>
      %rev3A_1913 = tpu.dynamic_gather %sort3A_1577[%rev3A_1912] in [0] : vector<16xf32>, vector<16xi32> -> vector<16xf32>
      %max3A_1914 = arith.maximumf %sort3A_1557, %rev3A_1913 : vector<16xf32>
      %rev3A_1915 = arith.constant 15 : i32
      %rev3A_1916 = vector.broadcast %rev3A_1915 : i32 to vector<16xi32>
      %rev3A_1917 = tpu.iota {dimensions = array<i32: 0>} : vector<16xi32>
      %rev3A_1918 = arith.subi %rev3A_1916, %rev3A_1917 : vector<16xi32>
      %rev3A_1919 = tpu.dynamic_gather %sort3A_1572[%rev3A_1918] in [0] : vector<16xf32>, vector<16xi32> -> vector<16xf32>
      %max3A_1920 = arith.maximumf %sort3A_1562, %rev3A_1919 : vector<16xf32>
      %min3A_1921 = arith.minimumf %max3A_1914, %max3A_1920 : vector<16xf32>
      %sort3A_1922 = arith.constant dense<true> : vector<16xi1>
      %sort3A_1923, %sort3A_1924, %sort3A_1925 = tpu.sort %min3A_1921, %min3A_1921 masked %sort3A_1922 : (vector<16xf32>, vector<16xf32>, vector<16xi1>) -> (vector<16xi1>, vector<16xf32>, vector<16xf32>)
      %max3A_1926 = arith.maximumf %max3A_1914, %max3A_1920 : vector<16xf32>
      %sort3A_1927 = arith.constant dense<true> : vector<16xi1>
      %sort3A_1928, %sort3A_1929, %sort3A_1930 = tpu.sort %max3A_1926, %max3A_1926 masked %sort3A_1927 : (vector<16xf32>, vector<16xf32>, vector<16xi1>) -> (vector<16xi1>, vector<16xf32>, vector<16xf32>)
      %rev3A_1931 = arith.constant 15 : i32
      %rev3A_1932 = vector.broadcast %rev3A_1931 : i32 to vector<16xi32>
      %rev3A_1933 = tpu.iota {dimensions = array<i32: 0>} : vector<16xi32>
      %rev3A_1934 = arith.subi %rev3A_1932, %rev3A_1933 : vector<16xi32>
      %rev3A_1935 = tpu.dynamic_gather %sort3A_1607[%rev3A_1934] in [0] : vector<16xf32>, vector<16xi32> -> vector<16xf32>
      %max3A_1936 = arith.maximumf %sort3A_1587, %rev3A_1935 : vector<16xf32>
      %rev3A_1937 = arith.constant 15 : i32
      %rev3A_1938 = vector.broadcast %rev3A_1937 : i32 to vector<16xi32>
      %rev3A_1939 = tpu.iota {dimensions = array<i32: 0>} : vector<16xi32>
      %rev3A_1940 = arith.subi %rev3A_1938, %rev3A_1939 : vector<16xi32>
      %rev3A_1941 = tpu.dynamic_gather %sort3A_1602[%rev3A_1940] in [0] : vector<16xf32>, vector<16xi32> -> vector<16xf32>
      %max3A_1942 = arith.maximumf %sort3A_1592, %rev3A_1941 : vector<16xf32>
      %min3A_1943 = arith.minimumf %max3A_1936, %max3A_1942 : vector<16xf32>
      %sort3A_1944 = arith.constant dense<true> : vector<16xi1>
      %sort3A_1945, %sort3A_1946, %sort3A_1947 = tpu.sort %min3A_1943, %min3A_1943 masked %sort3A_1944 : (vector<16xf32>, vector<16xf32>, vector<16xi1>) -> (vector<16xi1>, vector<16xf32>, vector<16xf32>)
      %max3A_1948 = arith.maximumf %max3A_1936, %max3A_1942 : vector<16xf32>
      %sort3A_1949 = arith.constant dense<true> : vector<16xi1>
      %sort3A_1950, %sort3A_1951, %sort3A_1952 = tpu.sort %max3A_1948, %max3A_1948 masked %sort3A_1949 : (vector<16xf32>, vector<16xf32>, vector<16xi1>) -> (vector<16xi1>, vector<16xf32>, vector<16xf32>)
      %rev3A_1953 = arith.constant 15 : i32
      %rev3A_1954 = vector.broadcast %rev3A_1953 : i32 to vector<16xi32>
      %rev3A_1955 = tpu.iota {dimensions = array<i32: 0>} : vector<16xi32>
      %rev3A_1956 = arith.subi %rev3A_1954, %rev3A_1955 : vector<16xi32>
      %rev3A_1957 = tpu.dynamic_gather %sort3A_1637[%rev3A_1956] in [0] : vector<16xf32>, vector<16xi32> -> vector<16xf32>
      %max3A_1958 = arith.maximumf %sort3A_1617, %rev3A_1957 : vector<16xf32>
      %rev3A_1959 = arith.constant 15 : i32
      %rev3A_1960 = vector.broadcast %rev3A_1959 : i32 to vector<16xi32>
      %rev3A_1961 = tpu.iota {dimensions = array<i32: 0>} : vector<16xi32>
      %rev3A_1962 = arith.subi %rev3A_1960, %rev3A_1961 : vector<16xi32>
      %rev3A_1963 = tpu.dynamic_gather %sort3A_1632[%rev3A_1962] in [0] : vector<16xf32>, vector<16xi32> -> vector<16xf32>
      %max3A_1964 = arith.maximumf %sort3A_1622, %rev3A_1963 : vector<16xf32>
      %min3A_1965 = arith.minimumf %max3A_1958, %max3A_1964 : vector<16xf32>
      %sort3A_1966 = arith.constant dense<true> : vector<16xi1>
      %sort3A_1967, %sort3A_1968, %sort3A_1969 = tpu.sort %min3A_1965, %min3A_1965 masked %sort3A_1966 : (vector<16xf32>, vector<16xf32>, vector<16xi1>) -> (vector<16xi1>, vector<16xf32>, vector<16xf32>)
      %max3A_1970 = arith.maximumf %max3A_1958, %max3A_1964 : vector<16xf32>
      %sort3A_1971 = arith.constant dense<true> : vector<16xi1>
      %sort3A_1972, %sort3A_1973, %sort3A_1974 = tpu.sort %max3A_1970, %max3A_1970 masked %sort3A_1971 : (vector<16xf32>, vector<16xf32>, vector<16xi1>) -> (vector<16xi1>, vector<16xf32>, vector<16xf32>)
      %rev3A_1975 = arith.constant 15 : i32
      %rev3A_1976 = vector.broadcast %rev3A_1975 : i32 to vector<16xi32>
      %rev3A_1977 = tpu.iota {dimensions = array<i32: 0>} : vector<16xi32>
      %rev3A_1978 = arith.subi %rev3A_1976, %rev3A_1977 : vector<16xi32>
      %rev3A_1979 = tpu.dynamic_gather %sort3A_1667[%rev3A_1978] in [0] : vector<16xf32>, vector<16xi32> -> vector<16xf32>
      %max3A_1980 = arith.maximumf %sort3A_1647, %rev3A_1979 : vector<16xf32>
      %rev3A_1981 = arith.constant 15 : i32
      %rev3A_1982 = vector.broadcast %rev3A_1981 : i32 to vector<16xi32>
      %rev3A_1983 = tpu.iota {dimensions = array<i32: 0>} : vector<16xi32>
      %rev3A_1984 = arith.subi %rev3A_1982, %rev3A_1983 : vector<16xi32>
      %rev3A_1985 = tpu.dynamic_gather %sort3A_1662[%rev3A_1984] in [0] : vector<16xf32>, vector<16xi32> -> vector<16xf32>
      %max3A_1986 = arith.maximumf %sort3A_1652, %rev3A_1985 : vector<16xf32>
      %min3A_1987 = arith.minimumf %max3A_1980, %max3A_1986 : vector<16xf32>
      %sort3A_1988 = arith.constant dense<true> : vector<16xi1>
      %sort3A_1989, %sort3A_1990, %sort3A_1991 = tpu.sort %min3A_1987, %min3A_1987 masked %sort3A_1988 : (vector<16xf32>, vector<16xf32>, vector<16xi1>) -> (vector<16xi1>, vector<16xf32>, vector<16xf32>)
      %max3A_1992 = arith.maximumf %max3A_1980, %max3A_1986 : vector<16xf32>
      %sort3A_1993 = arith.constant dense<true> : vector<16xi1>
      %sort3A_1994, %sort3A_1995, %sort3A_1996 = tpu.sort %max3A_1992, %max3A_1992 masked %sort3A_1993 : (vector<16xf32>, vector<16xf32>, vector<16xi1>) -> (vector<16xi1>, vector<16xf32>, vector<16xf32>)
      %rev3A_1997 = arith.constant 15 : i32
      %rev3A_1998 = vector.broadcast %rev3A_1997 : i32 to vector<16xi32>
      %rev3A_1999 = tpu.iota {dimensions = array<i32: 0>} : vector<16xi32>
      %rev3A_2000 = arith.subi %rev3A_1998, %rev3A_1999 : vector<16xi32>
      %rev3A_2001 = tpu.dynamic_gather %sort3A_1697[%rev3A_2000] in [0] : vector<16xf32>, vector<16xi32> -> vector<16xf32>
      %max3A_2002 = arith.maximumf %sort3A_1677, %rev3A_2001 : vector<16xf32>
      %rev3A_2003 = arith.constant 15 : i32
      %rev3A_2004 = vector.broadcast %rev3A_2003 : i32 to vector<16xi32>
      %rev3A_2005 = tpu.iota {dimensions = array<i32: 0>} : vector<16xi32>
      %rev3A_2006 = arith.subi %rev3A_2004, %rev3A_2005 : vector<16xi32>
      %rev3A_2007 = tpu.dynamic_gather %sort3A_1692[%rev3A_2006] in [0] : vector<16xf32>, vector<16xi32> -> vector<16xf32>
      %max3A_2008 = arith.maximumf %sort3A_1682, %rev3A_2007 : vector<16xf32>
      %min3A_2009 = arith.minimumf %max3A_2002, %max3A_2008 : vector<16xf32>
      %sort3A_2010 = arith.constant dense<true> : vector<16xi1>
      %sort3A_2011, %sort3A_2012, %sort3A_2013 = tpu.sort %min3A_2009, %min3A_2009 masked %sort3A_2010 : (vector<16xf32>, vector<16xf32>, vector<16xi1>) -> (vector<16xi1>, vector<16xf32>, vector<16xf32>)
      %max3A_2014 = arith.maximumf %max3A_2002, %max3A_2008 : vector<16xf32>
      %sort3A_2015 = arith.constant dense<true> : vector<16xi1>
      %sort3A_2016, %sort3A_2017, %sort3A_2018 = tpu.sort %max3A_2014, %max3A_2014 masked %sort3A_2015 : (vector<16xf32>, vector<16xf32>, vector<16xi1>) -> (vector<16xi1>, vector<16xf32>, vector<16xf32>)
      %rev3A_2019 = arith.constant 15 : i32
      %rev3A_2020 = vector.broadcast %rev3A_2019 : i32 to vector<16xi32>
      %rev3A_2021 = tpu.iota {dimensions = array<i32: 0>} : vector<16xi32>
      %rev3A_2022 = arith.subi %rev3A_2020, %rev3A_2021 : vector<16xi32>
      %rev3A_2023 = tpu.dynamic_gather %sort3A_1727[%rev3A_2022] in [0] : vector<16xf32>, vector<16xi32> -> vector<16xf32>
      %max3A_2024 = arith.maximumf %sort3A_1707, %rev3A_2023 : vector<16xf32>
      %rev3A_2025 = arith.constant 15 : i32
      %rev3A_2026 = vector.broadcast %rev3A_2025 : i32 to vector<16xi32>
      %rev3A_2027 = tpu.iota {dimensions = array<i32: 0>} : vector<16xi32>
      %rev3A_2028 = arith.subi %rev3A_2026, %rev3A_2027 : vector<16xi32>
      %rev3A_2029 = tpu.dynamic_gather %sort3A_1722[%rev3A_2028] in [0] : vector<16xf32>, vector<16xi32> -> vector<16xf32>
      %max3A_2030 = arith.maximumf %sort3A_1712, %rev3A_2029 : vector<16xf32>
      %min3A_2031 = arith.minimumf %max3A_2024, %max3A_2030 : vector<16xf32>
      %sort3A_2032 = arith.constant dense<true> : vector<16xi1>
      %sort3A_2033, %sort3A_2034, %sort3A_2035 = tpu.sort %min3A_2031, %min3A_2031 masked %sort3A_2032 : (vector<16xf32>, vector<16xf32>, vector<16xi1>) -> (vector<16xi1>, vector<16xf32>, vector<16xf32>)
      %max3A_2036 = arith.maximumf %max3A_2024, %max3A_2030 : vector<16xf32>
      %sort3A_2037 = arith.constant dense<true> : vector<16xi1>
      %sort3A_2038, %sort3A_2039, %sort3A_2040 = tpu.sort %max3A_2036, %max3A_2036 masked %sort3A_2037 : (vector<16xf32>, vector<16xf32>, vector<16xi1>) -> (vector<16xi1>, vector<16xf32>, vector<16xf32>)
      %rev3A_2041 = arith.constant 15 : i32
      %rev3A_2042 = vector.broadcast %rev3A_2041 : i32 to vector<16xi32>
      %rev3A_2043 = tpu.iota {dimensions = array<i32: 0>} : vector<16xi32>
      %rev3A_2044 = arith.subi %rev3A_2042, %rev3A_2043 : vector<16xi32>
      %rev3A_2045 = tpu.dynamic_gather %sort3A_1757[%rev3A_2044] in [0] : vector<16xf32>, vector<16xi32> -> vector<16xf32>
      %max3A_2046 = arith.maximumf %sort3A_1737, %rev3A_2045 : vector<16xf32>
      %rev3A_2047 = arith.constant 15 : i32
      %rev3A_2048 = vector.broadcast %rev3A_2047 : i32 to vector<16xi32>
      %rev3A_2049 = tpu.iota {dimensions = array<i32: 0>} : vector<16xi32>
      %rev3A_2050 = arith.subi %rev3A_2048, %rev3A_2049 : vector<16xi32>
      %rev3A_2051 = tpu.dynamic_gather %sort3A_1752[%rev3A_2050] in [0] : vector<16xf32>, vector<16xi32> -> vector<16xf32>
      %max3A_2052 = arith.maximumf %sort3A_1742, %rev3A_2051 : vector<16xf32>
      %min3A_2053 = arith.minimumf %max3A_2046, %max3A_2052 : vector<16xf32>
      %sort3A_2054 = arith.constant dense<true> : vector<16xi1>
      %sort3A_2055, %sort3A_2056, %sort3A_2057 = tpu.sort %min3A_2053, %min3A_2053 masked %sort3A_2054 : (vector<16xf32>, vector<16xf32>, vector<16xi1>) -> (vector<16xi1>, vector<16xf32>, vector<16xf32>)
      %max3A_2058 = arith.maximumf %max3A_2046, %max3A_2052 : vector<16xf32>
      %sort3A_2059 = arith.constant dense<true> : vector<16xi1>
      %sort3A_2060, %sort3A_2061, %sort3A_2062 = tpu.sort %max3A_2058, %max3A_2058 masked %sort3A_2059 : (vector<16xf32>, vector<16xf32>, vector<16xi1>) -> (vector<16xi1>, vector<16xf32>, vector<16xf32>)
      %rev3A_2063 = arith.constant 15 : i32
      %rev3A_2064 = vector.broadcast %rev3A_2063 : i32 to vector<16xi32>
      %rev3A_2065 = tpu.iota {dimensions = array<i32: 0>} : vector<16xi32>
      %rev3A_2066 = arith.subi %rev3A_2064, %rev3A_2065 : vector<16xi32>
      %rev3A_2067 = tpu.dynamic_gather %sort3A_1787[%rev3A_2066] in [0] : vector<16xf32>, vector<16xi32> -> vector<16xf32>
      %max3A_2068 = arith.maximumf %sort3A_1767, %rev3A_2067 : vector<16xf32>
      %rev3A_2069 = arith.constant 15 : i32
      %rev3A_2070 = vector.broadcast %rev3A_2069 : i32 to vector<16xi32>
      %rev3A_2071 = tpu.iota {dimensions = array<i32: 0>} : vector<16xi32>
      %rev3A_2072 = arith.subi %rev3A_2070, %rev3A_2071 : vector<16xi32>
      %rev3A_2073 = tpu.dynamic_gather %sort3A_1782[%rev3A_2072] in [0] : vector<16xf32>, vector<16xi32> -> vector<16xf32>
      %max3A_2074 = arith.maximumf %sort3A_1772, %rev3A_2073 : vector<16xf32>
      %min3A_2075 = arith.minimumf %max3A_2068, %max3A_2074 : vector<16xf32>
      %sort3A_2076 = arith.constant dense<true> : vector<16xi1>
      %sort3A_2077, %sort3A_2078, %sort3A_2079 = tpu.sort %min3A_2075, %min3A_2075 masked %sort3A_2076 : (vector<16xf32>, vector<16xf32>, vector<16xi1>) -> (vector<16xi1>, vector<16xf32>, vector<16xf32>)
      %max3A_2080 = arith.maximumf %max3A_2068, %max3A_2074 : vector<16xf32>
      %sort3A_2081 = arith.constant dense<true> : vector<16xi1>
      %sort3A_2082, %sort3A_2083, %sort3A_2084 = tpu.sort %max3A_2080, %max3A_2080 masked %sort3A_2081 : (vector<16xf32>, vector<16xf32>, vector<16xi1>) -> (vector<16xi1>, vector<16xf32>, vector<16xf32>)
      %rev3A_2085 = arith.constant 15 : i32
      %rev3A_2086 = vector.broadcast %rev3A_2085 : i32 to vector<16xi32>
      %rev3A_2087 = tpu.iota {dimensions = array<i32: 0>} : vector<16xi32>
      %rev3A_2088 = arith.subi %rev3A_2086, %rev3A_2087 : vector<16xi32>
      %rev3A_2089 = tpu.dynamic_gather %sort3A_1817[%rev3A_2088] in [0] : vector<16xf32>, vector<16xi32> -> vector<16xf32>
      %max3A_2090 = arith.maximumf %sort3A_1797, %rev3A_2089 : vector<16xf32>
      %rev3A_2091 = arith.constant 15 : i32
      %rev3A_2092 = vector.broadcast %rev3A_2091 : i32 to vector<16xi32>
      %rev3A_2093 = tpu.iota {dimensions = array<i32: 0>} : vector<16xi32>
      %rev3A_2094 = arith.subi %rev3A_2092, %rev3A_2093 : vector<16xi32>
      %rev3A_2095 = tpu.dynamic_gather %sort3A_1812[%rev3A_2094] in [0] : vector<16xf32>, vector<16xi32> -> vector<16xf32>
      %max3A_2096 = arith.maximumf %sort3A_1802, %rev3A_2095 : vector<16xf32>
      %min3A_2097 = arith.minimumf %max3A_2090, %max3A_2096 : vector<16xf32>
      %sort3A_2098 = arith.constant dense<true> : vector<16xi1>
      %sort3A_2099, %sort3A_2100, %sort3A_2101 = tpu.sort %min3A_2097, %min3A_2097 masked %sort3A_2098 : (vector<16xf32>, vector<16xf32>, vector<16xi1>) -> (vector<16xi1>, vector<16xf32>, vector<16xf32>)
      %max3A_2102 = arith.maximumf %max3A_2090, %max3A_2096 : vector<16xf32>
      %sort3A_2103 = arith.constant dense<true> : vector<16xi1>
      %sort3A_2104, %sort3A_2105, %sort3A_2106 = tpu.sort %max3A_2102, %max3A_2102 masked %sort3A_2103 : (vector<16xf32>, vector<16xf32>, vector<16xi1>) -> (vector<16xi1>, vector<16xf32>, vector<16xf32>)
      %rev3A_2107 = arith.constant 15 : i32
      %rev3A_2108 = vector.broadcast %rev3A_2107 : i32 to vector<16xi32>
      %rev3A_2109 = tpu.iota {dimensions = array<i32: 0>} : vector<16xi32>
      %rev3A_2110 = arith.subi %rev3A_2108, %rev3A_2109 : vector<16xi32>
      %rev3A_2111 = tpu.dynamic_gather %sort3A_1847[%rev3A_2110] in [0] : vector<16xf32>, vector<16xi32> -> vector<16xf32>
      %max3A_2112 = arith.maximumf %sort3A_1827, %rev3A_2111 : vector<16xf32>
      %rev3A_2113 = arith.constant 15 : i32
      %rev3A_2114 = vector.broadcast %rev3A_2113 : i32 to vector<16xi32>
      %rev3A_2115 = tpu.iota {dimensions = array<i32: 0>} : vector<16xi32>
      %rev3A_2116 = arith.subi %rev3A_2114, %rev3A_2115 : vector<16xi32>
      %rev3A_2117 = tpu.dynamic_gather %sort3A_1842[%rev3A_2116] in [0] : vector<16xf32>, vector<16xi32> -> vector<16xf32>
      %max3A_2118 = arith.maximumf %sort3A_1832, %rev3A_2117 : vector<16xf32>
      %min3A_2119 = arith.minimumf %max3A_2112, %max3A_2118 : vector<16xf32>
      %sort3A_2120 = arith.constant dense<true> : vector<16xi1>
      %sort3A_2121, %sort3A_2122, %sort3A_2123 = tpu.sort %min3A_2119, %min3A_2119 masked %sort3A_2120 : (vector<16xf32>, vector<16xf32>, vector<16xi1>) -> (vector<16xi1>, vector<16xf32>, vector<16xf32>)
      %max3A_2124 = arith.maximumf %max3A_2112, %max3A_2118 : vector<16xf32>
      %sort3A_2125 = arith.constant dense<true> : vector<16xi1>
      %sort3A_2126, %sort3A_2127, %sort3A_2128 = tpu.sort %max3A_2124, %max3A_2124 masked %sort3A_2125 : (vector<16xf32>, vector<16xf32>, vector<16xi1>) -> (vector<16xi1>, vector<16xf32>, vector<16xf32>)
      %rev3A_2129 = arith.constant 15 : i32
      %rev3A_2130 = vector.broadcast %rev3A_2129 : i32 to vector<16xi32>
      %rev3A_2131 = tpu.iota {dimensions = array<i32: 0>} : vector<16xi32>
      %rev3A_2132 = arith.subi %rev3A_2130, %rev3A_2131 : vector<16xi32>
      %rev3A_2133 = tpu.dynamic_gather %sort3A_1877[%rev3A_2132] in [0] : vector<16xf32>, vector<16xi32> -> vector<16xf32>
      %max3A_2134 = arith.maximumf %sort3A_1857, %rev3A_2133 : vector<16xf32>
      %rev3A_2135 = arith.constant 15 : i32
      %rev3A_2136 = vector.broadcast %rev3A_2135 : i32 to vector<16xi32>
      %rev3A_2137 = tpu.iota {dimensions = array<i32: 0>} : vector<16xi32>
      %rev3A_2138 = arith.subi %rev3A_2136, %rev3A_2137 : vector<16xi32>
      %rev3A_2139 = tpu.dynamic_gather %sort3A_1872[%rev3A_2138] in [0] : vector<16xf32>, vector<16xi32> -> vector<16xf32>
      %max3A_2140 = arith.maximumf %sort3A_1862, %rev3A_2139 : vector<16xf32>
      %min3A_2141 = arith.minimumf %max3A_2134, %max3A_2140 : vector<16xf32>
      %sort3A_2142 = arith.constant dense<true> : vector<16xi1>
      %sort3A_2143, %sort3A_2144, %sort3A_2145 = tpu.sort %min3A_2141, %min3A_2141 masked %sort3A_2142 : (vector<16xf32>, vector<16xf32>, vector<16xi1>) -> (vector<16xi1>, vector<16xf32>, vector<16xf32>)
      %max3A_2146 = arith.maximumf %max3A_2134, %max3A_2140 : vector<16xf32>
      %sort3A_2147 = arith.constant dense<true> : vector<16xi1>
      %sort3A_2148, %sort3A_2149, %sort3A_2150 = tpu.sort %max3A_2146, %max3A_2146 masked %sort3A_2147 : (vector<16xf32>, vector<16xf32>, vector<16xi1>) -> (vector<16xi1>, vector<16xf32>, vector<16xf32>)
      %rev3A_2151 = arith.constant 15 : i32
      %rev3A_2152 = vector.broadcast %rev3A_2151 : i32 to vector<16xi32>
      %rev3A_2153 = tpu.iota {dimensions = array<i32: 0>} : vector<16xi32>
      %rev3A_2154 = arith.subi %rev3A_2152, %rev3A_2153 : vector<16xi32>
      %rev3A_2155 = tpu.dynamic_gather %sort3A_1907[%rev3A_2154] in [0] : vector<16xf32>, vector<16xi32> -> vector<16xf32>
      %max3A_2156 = arith.maximumf %sort3A_1887, %rev3A_2155 : vector<16xf32>
      %rev3A_2157 = arith.constant 15 : i32
      %rev3A_2158 = vector.broadcast %rev3A_2157 : i32 to vector<16xi32>
      %rev3A_2159 = tpu.iota {dimensions = array<i32: 0>} : vector<16xi32>
      %rev3A_2160 = arith.subi %rev3A_2158, %rev3A_2159 : vector<16xi32>
      %rev3A_2161 = tpu.dynamic_gather %sort3A_1902[%rev3A_2160] in [0] : vector<16xf32>, vector<16xi32> -> vector<16xf32>
      %max3A_2162 = arith.maximumf %sort3A_1892, %rev3A_2161 : vector<16xf32>
      %min3A_2163 = arith.minimumf %max3A_2156, %max3A_2162 : vector<16xf32>
      %sort3A_2164 = arith.constant dense<true> : vector<16xi1>
      %sort3A_2165, %sort3A_2166, %sort3A_2167 = tpu.sort %min3A_2163, %min3A_2163 masked %sort3A_2164 : (vector<16xf32>, vector<16xf32>, vector<16xi1>) -> (vector<16xi1>, vector<16xf32>, vector<16xf32>)
      %max3A_2168 = arith.maximumf %max3A_2156, %max3A_2162 : vector<16xf32>
      %sort3A_2169 = arith.constant dense<true> : vector<16xi1>
      %sort3A_2170, %sort3A_2171, %sort3A_2172 = tpu.sort %max3A_2168, %max3A_2168 masked %sort3A_2169 : (vector<16xf32>, vector<16xf32>, vector<16xi1>) -> (vector<16xi1>, vector<16xf32>, vector<16xf32>)
      %rev3A_2173 = arith.constant 15 : i32
      %rev3A_2174 = vector.broadcast %rev3A_2173 : i32 to vector<16xi32>
      %rev3A_2175 = tpu.iota {dimensions = array<i32: 0>} : vector<16xi32>
      %rev3A_2176 = arith.subi %rev3A_2174, %rev3A_2175 : vector<16xi32>
      %rev3A_2177 = tpu.dynamic_gather %sort3A_1951[%rev3A_2176] in [0] : vector<16xf32>, vector<16xi32> -> vector<16xf32>
      %max3A_2178 = arith.maximumf %sort3A_1924, %rev3A_2177 : vector<16xf32>
      %rev3A_2179 = arith.constant 15 : i32
      %rev3A_2180 = vector.broadcast %rev3A_2179 : i32 to vector<16xi32>
      %rev3A_2181 = tpu.iota {dimensions = array<i32: 0>} : vector<16xi32>
      %rev3A_2182 = arith.subi %rev3A_2180, %rev3A_2181 : vector<16xi32>
      %rev3A_2183 = tpu.dynamic_gather %sort3A_1946[%rev3A_2182] in [0] : vector<16xf32>, vector<16xi32> -> vector<16xf32>
      %max3A_2184 = arith.maximumf %sort3A_1929, %rev3A_2183 : vector<16xf32>
      %min3A_2185 = arith.minimumf %max3A_2178, %max3A_2184 : vector<16xf32>
      %sort3A_2186 = arith.constant dense<true> : vector<16xi1>
      %sort3A_2187, %sort3A_2188, %sort3A_2189 = tpu.sort %min3A_2185, %min3A_2185 masked %sort3A_2186 : (vector<16xf32>, vector<16xf32>, vector<16xi1>) -> (vector<16xi1>, vector<16xf32>, vector<16xf32>)
      %max3A_2190 = arith.maximumf %max3A_2178, %max3A_2184 : vector<16xf32>
      %sort3A_2191 = arith.constant dense<true> : vector<16xi1>
      %sort3A_2192, %sort3A_2193, %sort3A_2194 = tpu.sort %max3A_2190, %max3A_2190 masked %sort3A_2191 : (vector<16xf32>, vector<16xf32>, vector<16xi1>) -> (vector<16xi1>, vector<16xf32>, vector<16xf32>)
      %rev3A_2195 = arith.constant 15 : i32
      %rev3A_2196 = vector.broadcast %rev3A_2195 : i32 to vector<16xi32>
      %rev3A_2197 = tpu.iota {dimensions = array<i32: 0>} : vector<16xi32>
      %rev3A_2198 = arith.subi %rev3A_2196, %rev3A_2197 : vector<16xi32>
      %rev3A_2199 = tpu.dynamic_gather %sort3A_1995[%rev3A_2198] in [0] : vector<16xf32>, vector<16xi32> -> vector<16xf32>
      %max3A_2200 = arith.maximumf %sort3A_1968, %rev3A_2199 : vector<16xf32>
      %rev3A_2201 = arith.constant 15 : i32
      %rev3A_2202 = vector.broadcast %rev3A_2201 : i32 to vector<16xi32>
      %rev3A_2203 = tpu.iota {dimensions = array<i32: 0>} : vector<16xi32>
      %rev3A_2204 = arith.subi %rev3A_2202, %rev3A_2203 : vector<16xi32>
      %rev3A_2205 = tpu.dynamic_gather %sort3A_1990[%rev3A_2204] in [0] : vector<16xf32>, vector<16xi32> -> vector<16xf32>
      %max3A_2206 = arith.maximumf %sort3A_1973, %rev3A_2205 : vector<16xf32>
      %min3A_2207 = arith.minimumf %max3A_2200, %max3A_2206 : vector<16xf32>
      %sort3A_2208 = arith.constant dense<true> : vector<16xi1>
      %sort3A_2209, %sort3A_2210, %sort3A_2211 = tpu.sort %min3A_2207, %min3A_2207 masked %sort3A_2208 : (vector<16xf32>, vector<16xf32>, vector<16xi1>) -> (vector<16xi1>, vector<16xf32>, vector<16xf32>)
      %max3A_2212 = arith.maximumf %max3A_2200, %max3A_2206 : vector<16xf32>
      %sort3A_2213 = arith.constant dense<true> : vector<16xi1>
      %sort3A_2214, %sort3A_2215, %sort3A_2216 = tpu.sort %max3A_2212, %max3A_2212 masked %sort3A_2213 : (vector<16xf32>, vector<16xf32>, vector<16xi1>) -> (vector<16xi1>, vector<16xf32>, vector<16xf32>)
      %rev3A_2217 = arith.constant 15 : i32
      %rev3A_2218 = vector.broadcast %rev3A_2217 : i32 to vector<16xi32>
      %rev3A_2219 = tpu.iota {dimensions = array<i32: 0>} : vector<16xi32>
      %rev3A_2220 = arith.subi %rev3A_2218, %rev3A_2219 : vector<16xi32>
      %rev3A_2221 = tpu.dynamic_gather %sort3A_2039[%rev3A_2220] in [0] : vector<16xf32>, vector<16xi32> -> vector<16xf32>
      %max3A_2222 = arith.maximumf %sort3A_2012, %rev3A_2221 : vector<16xf32>
      %rev3A_2223 = arith.constant 15 : i32
      %rev3A_2224 = vector.broadcast %rev3A_2223 : i32 to vector<16xi32>
      %rev3A_2225 = tpu.iota {dimensions = array<i32: 0>} : vector<16xi32>
      %rev3A_2226 = arith.subi %rev3A_2224, %rev3A_2225 : vector<16xi32>
      %rev3A_2227 = tpu.dynamic_gather %sort3A_2034[%rev3A_2226] in [0] : vector<16xf32>, vector<16xi32> -> vector<16xf32>
      %max3A_2228 = arith.maximumf %sort3A_2017, %rev3A_2227 : vector<16xf32>
      %min3A_2229 = arith.minimumf %max3A_2222, %max3A_2228 : vector<16xf32>
      %sort3A_2230 = arith.constant dense<true> : vector<16xi1>
      %sort3A_2231, %sort3A_2232, %sort3A_2233 = tpu.sort %min3A_2229, %min3A_2229 masked %sort3A_2230 : (vector<16xf32>, vector<16xf32>, vector<16xi1>) -> (vector<16xi1>, vector<16xf32>, vector<16xf32>)
      %max3A_2234 = arith.maximumf %max3A_2222, %max3A_2228 : vector<16xf32>
      %sort3A_2235 = arith.constant dense<true> : vector<16xi1>
      %sort3A_2236, %sort3A_2237, %sort3A_2238 = tpu.sort %max3A_2234, %max3A_2234 masked %sort3A_2235 : (vector<16xf32>, vector<16xf32>, vector<16xi1>) -> (vector<16xi1>, vector<16xf32>, vector<16xf32>)
      %rev3A_2239 = arith.constant 15 : i32
      %rev3A_2240 = vector.broadcast %rev3A_2239 : i32 to vector<16xi32>
      %rev3A_2241 = tpu.iota {dimensions = array<i32: 0>} : vector<16xi32>
      %rev3A_2242 = arith.subi %rev3A_2240, %rev3A_2241 : vector<16xi32>
      %rev3A_2243 = tpu.dynamic_gather %sort3A_2083[%rev3A_2242] in [0] : vector<16xf32>, vector<16xi32> -> vector<16xf32>
      %max3A_2244 = arith.maximumf %sort3A_2056, %rev3A_2243 : vector<16xf32>
      %rev3A_2245 = arith.constant 15 : i32
      %rev3A_2246 = vector.broadcast %rev3A_2245 : i32 to vector<16xi32>
      %rev3A_2247 = tpu.iota {dimensions = array<i32: 0>} : vector<16xi32>
      %rev3A_2248 = arith.subi %rev3A_2246, %rev3A_2247 : vector<16xi32>
      %rev3A_2249 = tpu.dynamic_gather %sort3A_2078[%rev3A_2248] in [0] : vector<16xf32>, vector<16xi32> -> vector<16xf32>
      %max3A_2250 = arith.maximumf %sort3A_2061, %rev3A_2249 : vector<16xf32>
      %min3A_2251 = arith.minimumf %max3A_2244, %max3A_2250 : vector<16xf32>
      %sort3A_2252 = arith.constant dense<true> : vector<16xi1>
      %sort3A_2253, %sort3A_2254, %sort3A_2255 = tpu.sort %min3A_2251, %min3A_2251 masked %sort3A_2252 : (vector<16xf32>, vector<16xf32>, vector<16xi1>) -> (vector<16xi1>, vector<16xf32>, vector<16xf32>)
      %max3A_2256 = arith.maximumf %max3A_2244, %max3A_2250 : vector<16xf32>
      %sort3A_2257 = arith.constant dense<true> : vector<16xi1>
      %sort3A_2258, %sort3A_2259, %sort3A_2260 = tpu.sort %max3A_2256, %max3A_2256 masked %sort3A_2257 : (vector<16xf32>, vector<16xf32>, vector<16xi1>) -> (vector<16xi1>, vector<16xf32>, vector<16xf32>)
      %rev3A_2261 = arith.constant 15 : i32
      %rev3A_2262 = vector.broadcast %rev3A_2261 : i32 to vector<16xi32>
      %rev3A_2263 = tpu.iota {dimensions = array<i32: 0>} : vector<16xi32>
      %rev3A_2264 = arith.subi %rev3A_2262, %rev3A_2263 : vector<16xi32>
      %rev3A_2265 = tpu.dynamic_gather %sort3A_2127[%rev3A_2264] in [0] : vector<16xf32>, vector<16xi32> -> vector<16xf32>
      %max3A_2266 = arith.maximumf %sort3A_2100, %rev3A_2265 : vector<16xf32>
      %rev3A_2267 = arith.constant 15 : i32
      %rev3A_2268 = vector.broadcast %rev3A_2267 : i32 to vector<16xi32>
      %rev3A_2269 = tpu.iota {dimensions = array<i32: 0>} : vector<16xi32>
      %rev3A_2270 = arith.subi %rev3A_2268, %rev3A_2269 : vector<16xi32>
      %rev3A_2271 = tpu.dynamic_gather %sort3A_2122[%rev3A_2270] in [0] : vector<16xf32>, vector<16xi32> -> vector<16xf32>
      %max3A_2272 = arith.maximumf %sort3A_2105, %rev3A_2271 : vector<16xf32>
      %min3A_2273 = arith.minimumf %max3A_2266, %max3A_2272 : vector<16xf32>
      %sort3A_2274 = arith.constant dense<true> : vector<16xi1>
      %sort3A_2275, %sort3A_2276, %sort3A_2277 = tpu.sort %min3A_2273, %min3A_2273 masked %sort3A_2274 : (vector<16xf32>, vector<16xf32>, vector<16xi1>) -> (vector<16xi1>, vector<16xf32>, vector<16xf32>)
      %max3A_2278 = arith.maximumf %max3A_2266, %max3A_2272 : vector<16xf32>
      %sort3A_2279 = arith.constant dense<true> : vector<16xi1>
      %sort3A_2280, %sort3A_2281, %sort3A_2282 = tpu.sort %max3A_2278, %max3A_2278 masked %sort3A_2279 : (vector<16xf32>, vector<16xf32>, vector<16xi1>) -> (vector<16xi1>, vector<16xf32>, vector<16xf32>)
      %rev3A_2283 = arith.constant 15 : i32
      %rev3A_2284 = vector.broadcast %rev3A_2283 : i32 to vector<16xi32>
      %rev3A_2285 = tpu.iota {dimensions = array<i32: 0>} : vector<16xi32>
      %rev3A_2286 = arith.subi %rev3A_2284, %rev3A_2285 : vector<16xi32>
      %rev3A_2287 = tpu.dynamic_gather %sort3A_2171[%rev3A_2286] in [0] : vector<16xf32>, vector<16xi32> -> vector<16xf32>
      %max3A_2288 = arith.maximumf %sort3A_2144, %rev3A_2287 : vector<16xf32>
      %rev3A_2289 = arith.constant 15 : i32
      %rev3A_2290 = vector.broadcast %rev3A_2289 : i32 to vector<16xi32>
      %rev3A_2291 = tpu.iota {dimensions = array<i32: 0>} : vector<16xi32>
      %rev3A_2292 = arith.subi %rev3A_2290, %rev3A_2291 : vector<16xi32>
      %rev3A_2293 = tpu.dynamic_gather %sort3A_2166[%rev3A_2292] in [0] : vector<16xf32>, vector<16xi32> -> vector<16xf32>
      %max3A_2294 = arith.maximumf %sort3A_2149, %rev3A_2293 : vector<16xf32>
      %min3A_2295 = arith.minimumf %max3A_2288, %max3A_2294 : vector<16xf32>
      %sort3A_2296 = arith.constant dense<true> : vector<16xi1>
      %sort3A_2297, %sort3A_2298, %sort3A_2299 = tpu.sort %min3A_2295, %min3A_2295 masked %sort3A_2296 : (vector<16xf32>, vector<16xf32>, vector<16xi1>) -> (vector<16xi1>, vector<16xf32>, vector<16xf32>)
      %max3A_2300 = arith.maximumf %max3A_2288, %max3A_2294 : vector<16xf32>
      %sort3A_2301 = arith.constant dense<true> : vector<16xi1>
      %sort3A_2302, %sort3A_2303, %sort3A_2304 = tpu.sort %max3A_2300, %max3A_2300 masked %sort3A_2301 : (vector<16xf32>, vector<16xf32>, vector<16xi1>) -> (vector<16xi1>, vector<16xf32>, vector<16xf32>)
      %rev3A_2305 = arith.constant 15 : i32
      %rev3A_2306 = vector.broadcast %rev3A_2305 : i32 to vector<16xi32>
      %rev3A_2307 = tpu.iota {dimensions = array<i32: 0>} : vector<16xi32>
      %rev3A_2308 = arith.subi %rev3A_2306, %rev3A_2307 : vector<16xi32>
      %rev3A_2309 = tpu.dynamic_gather %sort3A_2215[%rev3A_2308] in [0] : vector<16xf32>, vector<16xi32> -> vector<16xf32>
      %max3A_2310 = arith.maximumf %sort3A_2188, %rev3A_2309 : vector<16xf32>
      %rev3A_2311 = arith.constant 15 : i32
      %rev3A_2312 = vector.broadcast %rev3A_2311 : i32 to vector<16xi32>
      %rev3A_2313 = tpu.iota {dimensions = array<i32: 0>} : vector<16xi32>
      %rev3A_2314 = arith.subi %rev3A_2312, %rev3A_2313 : vector<16xi32>
      %rev3A_2315 = tpu.dynamic_gather %sort3A_2210[%rev3A_2314] in [0] : vector<16xf32>, vector<16xi32> -> vector<16xf32>
      %max3A_2316 = arith.maximumf %sort3A_2193, %rev3A_2315 : vector<16xf32>
      %min3A_2317 = arith.minimumf %max3A_2310, %max3A_2316 : vector<16xf32>
      %sort3A_2318 = arith.constant dense<true> : vector<16xi1>
      %sort3A_2319, %sort3A_2320, %sort3A_2321 = tpu.sort %min3A_2317, %min3A_2317 masked %sort3A_2318 : (vector<16xf32>, vector<16xf32>, vector<16xi1>) -> (vector<16xi1>, vector<16xf32>, vector<16xf32>)
      %max3A_2322 = arith.maximumf %max3A_2310, %max3A_2316 : vector<16xf32>
      %sort3A_2323 = arith.constant dense<true> : vector<16xi1>
      %sort3A_2324, %sort3A_2325, %sort3A_2326 = tpu.sort %max3A_2322, %max3A_2322 masked %sort3A_2323 : (vector<16xf32>, vector<16xf32>, vector<16xi1>) -> (vector<16xi1>, vector<16xf32>, vector<16xf32>)
      %rev3A_2327 = arith.constant 15 : i32
      %rev3A_2328 = vector.broadcast %rev3A_2327 : i32 to vector<16xi32>
      %rev3A_2329 = tpu.iota {dimensions = array<i32: 0>} : vector<16xi32>
      %rev3A_2330 = arith.subi %rev3A_2328, %rev3A_2329 : vector<16xi32>
      %rev3A_2331 = tpu.dynamic_gather %sort3A_2259[%rev3A_2330] in [0] : vector<16xf32>, vector<16xi32> -> vector<16xf32>
      %max3A_2332 = arith.maximumf %sort3A_2232, %rev3A_2331 : vector<16xf32>
      %rev3A_2333 = arith.constant 15 : i32
      %rev3A_2334 = vector.broadcast %rev3A_2333 : i32 to vector<16xi32>
      %rev3A_2335 = tpu.iota {dimensions = array<i32: 0>} : vector<16xi32>
      %rev3A_2336 = arith.subi %rev3A_2334, %rev3A_2335 : vector<16xi32>
      %rev3A_2337 = tpu.dynamic_gather %sort3A_2254[%rev3A_2336] in [0] : vector<16xf32>, vector<16xi32> -> vector<16xf32>
      %max3A_2338 = arith.maximumf %sort3A_2237, %rev3A_2337 : vector<16xf32>
      %min3A_2339 = arith.minimumf %max3A_2332, %max3A_2338 : vector<16xf32>
      %sort3A_2340 = arith.constant dense<true> : vector<16xi1>
      %sort3A_2341, %sort3A_2342, %sort3A_2343 = tpu.sort %min3A_2339, %min3A_2339 masked %sort3A_2340 : (vector<16xf32>, vector<16xf32>, vector<16xi1>) -> (vector<16xi1>, vector<16xf32>, vector<16xf32>)
      %max3A_2344 = arith.maximumf %max3A_2332, %max3A_2338 : vector<16xf32>
      %sort3A_2345 = arith.constant dense<true> : vector<16xi1>
      %sort3A_2346, %sort3A_2347, %sort3A_2348 = tpu.sort %max3A_2344, %max3A_2344 masked %sort3A_2345 : (vector<16xf32>, vector<16xf32>, vector<16xi1>) -> (vector<16xi1>, vector<16xf32>, vector<16xf32>)
      %rev3A_2349 = arith.constant 15 : i32
      %rev3A_2350 = vector.broadcast %rev3A_2349 : i32 to vector<16xi32>
      %rev3A_2351 = tpu.iota {dimensions = array<i32: 0>} : vector<16xi32>
      %rev3A_2352 = arith.subi %rev3A_2350, %rev3A_2351 : vector<16xi32>
      %rev3A_2353 = tpu.dynamic_gather %sort3A_2303[%rev3A_2352] in [0] : vector<16xf32>, vector<16xi32> -> vector<16xf32>
      %max3A_2354 = arith.maximumf %sort3A_2276, %rev3A_2353 : vector<16xf32>
      %rev3A_2355 = arith.constant 15 : i32
      %rev3A_2356 = vector.broadcast %rev3A_2355 : i32 to vector<16xi32>
      %rev3A_2357 = tpu.iota {dimensions = array<i32: 0>} : vector<16xi32>
      %rev3A_2358 = arith.subi %rev3A_2356, %rev3A_2357 : vector<16xi32>
      %rev3A_2359 = tpu.dynamic_gather %sort3A_2298[%rev3A_2358] in [0] : vector<16xf32>, vector<16xi32> -> vector<16xf32>
      %max3A_2360 = arith.maximumf %sort3A_2281, %rev3A_2359 : vector<16xf32>
      %min3A_2361 = arith.minimumf %max3A_2354, %max3A_2360 : vector<16xf32>
      %sort3A_2362 = arith.constant dense<true> : vector<16xi1>
      %sort3A_2363, %sort3A_2364, %sort3A_2365 = tpu.sort %min3A_2361, %min3A_2361 masked %sort3A_2362 : (vector<16xf32>, vector<16xf32>, vector<16xi1>) -> (vector<16xi1>, vector<16xf32>, vector<16xf32>)
      %max3A_2366 = arith.maximumf %max3A_2354, %max3A_2360 : vector<16xf32>
      %sort3A_2367 = arith.constant dense<true> : vector<16xi1>
      %sort3A_2368, %sort3A_2369, %sort3A_2370 = tpu.sort %max3A_2366, %max3A_2366 masked %sort3A_2367 : (vector<16xf32>, vector<16xf32>, vector<16xi1>) -> (vector<16xi1>, vector<16xf32>, vector<16xf32>)
      %rev3A_2371 = arith.constant 15 : i32
      %rev3A_2372 = vector.broadcast %rev3A_2371 : i32 to vector<16xi32>
      %rev3A_2373 = tpu.iota {dimensions = array<i32: 0>} : vector<16xi32>
      %rev3A_2374 = arith.subi %rev3A_2372, %rev3A_2373 : vector<16xi32>
      %rev3A_2375 = tpu.dynamic_gather %sort3A_2347[%rev3A_2374] in [0] : vector<16xf32>, vector<16xi32> -> vector<16xf32>
      %max3A_2376 = arith.maximumf %sort3A_2320, %rev3A_2375 : vector<16xf32>
      %rev3A_2377 = arith.constant 15 : i32
      %rev3A_2378 = vector.broadcast %rev3A_2377 : i32 to vector<16xi32>
      %rev3A_2379 = tpu.iota {dimensions = array<i32: 0>} : vector<16xi32>
      %rev3A_2380 = arith.subi %rev3A_2378, %rev3A_2379 : vector<16xi32>
      %rev3A_2381 = tpu.dynamic_gather %sort3A_2342[%rev3A_2380] in [0] : vector<16xf32>, vector<16xi32> -> vector<16xf32>
      %max3A_2382 = arith.maximumf %sort3A_2325, %rev3A_2381 : vector<16xf32>
      %min3A_2383 = arith.minimumf %max3A_2376, %max3A_2382 : vector<16xf32>
      %sort3A_2384 = arith.constant dense<true> : vector<16xi1>
      %sort3A_2385, %sort3A_2386, %sort3A_2387 = tpu.sort %min3A_2383, %min3A_2383 masked %sort3A_2384 : (vector<16xf32>, vector<16xf32>, vector<16xi1>) -> (vector<16xi1>, vector<16xf32>, vector<16xf32>)
      %max3A_2388 = arith.maximumf %max3A_2376, %max3A_2382 : vector<16xf32>
      %sort3A_2389 = arith.constant dense<true> : vector<16xi1>
      %sort3A_2390, %sort3A_2391, %sort3A_2392 = tpu.sort %max3A_2388, %max3A_2388 masked %sort3A_2389 : (vector<16xf32>, vector<16xf32>, vector<16xi1>) -> (vector<16xi1>, vector<16xf32>, vector<16xf32>)
      %rev3A_2393 = arith.constant 15 : i32
      %rev3A_2394 = vector.broadcast %rev3A_2393 : i32 to vector<16xi32>
      %rev3A_2395 = tpu.iota {dimensions = array<i32: 0>} : vector<16xi32>
      %rev3A_2396 = arith.subi %rev3A_2394, %rev3A_2395 : vector<16xi32>
      %rev3A_2397 = tpu.dynamic_gather %sort3A_2369[%rev3A_2396] in [0] : vector<16xf32>, vector<16xi32> -> vector<16xf32>
      %max3A_2398 = arith.maximumf %sort3A_2386, %rev3A_2397 : vector<16xf32>
      %rev3A_2399 = arith.constant 15 : i32
      %rev3A_2400 = vector.broadcast %rev3A_2399 : i32 to vector<16xi32>
      %rev3A_2401 = tpu.iota {dimensions = array<i32: 0>} : vector<16xi32>
      %rev3A_2402 = arith.subi %rev3A_2400, %rev3A_2401 : vector<16xi32>
      %rev3A_2403 = tpu.dynamic_gather %sort3A_2364[%rev3A_2402] in [0] : vector<16xf32>, vector<16xi32> -> vector<16xf32>
      %max3A_2404 = arith.maximumf %sort3A_2391, %rev3A_2403 : vector<16xf32>
      %min3A_2405 = arith.minimumf %max3A_2398, %max3A_2404 : vector<16xf32>
      %reduce_min3A_2406 = arith.constant true
      %reduce_min3A_2407 = vector.broadcast %reduce_min3A_2406 : i1 to vector<16xi1>
      %reduce_min3A_2408 = tpu.scan <min>, %min3A_2405 masked %reduce_min3A_2407 : vector<16xf32>, vector<16xi1> -> vector<16xf32>
      %reduce_min3A_2409 = vector.extract %reduce_min3A_2408[15] : f32 from vector<16xf32>
      %broadcast_in_dim3A_2410 = vector.broadcast %reduce_min3A_2409 : f32 to vector<16xf32>
      %mul3A_2411 = arith.constant 128 : i32
      %mul3A_2412 = arith.muli %add3A_1212, %mul3A_2411 : i32
      %swap3A_2413 = arith.index_cast %mul3A_2412 : i32 to index
      %swap3A_2414 = tpu.vector_load %arg5[%swap3A_2413] {strides = array<i32>} : memref<6144xf32, #tpu.memory_space<vmem>>, vector<16xf32>,
      tpu.vector_store %arg5[%swap3A_2413], %broadcast_in_dim3A_2410 {strides = array<i32>} : memref<6144xf32, #tpu.memory_space<vmem>>, vector<16xf32>,
    }
    %scan3A_7 = arith.constant 24 : i32
    %mul3A_8 = arith.constant 128 : i32
    %mul3A_9 = arith.muli %mul3A_2, %mul3A_8 : i32
    "tpu.region"() ({
      %run_scoped3A = tpu.sem_alloc : memref<!tpu.dma_semaphore, #tpu.memory_space<semaphore_mem>>
      %dma_start3A = tpu.memref_slice %arg3[%mul3A_9] : memref<196608xf32, #tpu.memory_space<hbm>> -> memref<6144xf32, #tpu.memory_space<hbm>>
      %dma_start3A_10 = tpu.memref_slice %arg3[%mul3A_9] : memref<196608xf32, #tpu.memory_space<hbm>> -> memref<6144xf32, #tpu.memory_space<hbm>>
      tpu.enqueue_dma source(%arg5 : memref<6144xf32, #tpu.memory_space<vmem>>) target(%dma_start3A_10 : memref<6144xf32, #tpu.memory_space<hbm>>) target_semaphore(%run_scoped3A : memref<!tpu.dma_semaphore, #tpu.memory_space<semaphore_mem>>)
      %dma_wait3A = tpu.memref_slice %arg3[%mul3A_9] : memref<196608xf32, #tpu.memory_space<hbm>> -> memref<6144xf32, #tpu.memory_space<hbm>>
      %dma_wait3A_11 = tpu.memref_slice %arg3[%mul3A_9] : memref<196608xf32, #tpu.memory_space<hbm>> -> memref<6144xf32, #tpu.memory_space<hbm>>
      tpu.wait_dma2 semaphore(%run_scoped3A : memref<!tpu.dma_semaphore, #tpu.memory_space<semaphore_mem>>) src(%arg5 : memref<6144xf32, #tpu.memory_space<vmem>>) dst(%dma_wait3A_11 : memref<6144xf32, #tpu.memory_space<hbm>>)
      tpu.yield
    }) : () -> ()
    return
  }
}

module attributes {stable_mosaic.version = 14 : i64} {
  func.func @_tc1_body(%arg0: i32, %arg1: memref<1x384x576xf32, #tpu.memory_space<vmem>>, %arg2: memref<1x384x144xf32, #tpu.memory_space<vmem>>, %arg3: memref<144x576xf32, #tpu.memory_space<vmem>>, %arg4: memref<576x256xf32, #tpu.memory_space<vmem>>, %arg5: memref<576x256xf32, #tpu.memory_space<vmem>>, %arg6: memref<1x256xf32, #tpu.memory_space<vmem>>, %arg7: memref<1x256xf32, #tpu.memory_space<vmem>>, %arg8: memref<1x768x576xf32, #tpu.memory_space<vmem>>, %arg9: memref<1x768x768xf32, #tpu.memory_space<vmem>>, %arg10: memref<1x1x768xf32, #tpu.memory_space<vmem>>) attributes {dimension_semantics = [#tpu.dimension_semantics<arbitrary>], iteration_bounds = array<i64: 2>, scalar_prefetch = 0 : i64, scratch_operands = 0 : i64, tpu.core_type = #tpu.core_type<tc>, window_params = [{transform_indices = @transform_0, window_bounds = array<i64: 1, 384, 576>}, {transform_indices = @transform_1, window_bounds = array<i64: 1, 384, 144>}, {pipeline_mode = #tpu.pipeline_mode<synchronous>, transform_indices = @transform_2, window_bounds = array<i64: 144, 576>}, {pipeline_mode = #tpu.pipeline_mode<synchronous>, transform_indices = @transform_3, window_bounds = array<i64: 576, 256>}, {pipeline_mode = #tpu.pipeline_mode<synchronous>, transform_indices = @transform_4, window_bounds = array<i64: 576, 256>}, {pipeline_mode = #tpu.pipeline_mode<synchronous>, transform_indices = @transform_5, window_bounds = array<i64: 1, 256>}, {pipeline_mode = #tpu.pipeline_mode<synchronous>, transform_indices = @transform_6, window_bounds = array<i64: 1, 256>}, {transform_indices = @transform_7, window_bounds = array<i64: 1, 768, 576>}, {transform_indices = @transform_8, window_bounds = array<i64: 1, 768, 768>}, {transform_indices = @transform_9, window_bounds = array<i64: 1, 1, 768>}]} {
    %get3A = arith.constant 0 : index
    %get3A_0 = arith.constant 0 : index
    %get3A_1 = arith.constant 0 : index
    %get3A_2 = vector.load %arg1[%get3A, %get3A_0, %get3A_1] : memref<1x384x576xf32, #tpu.memory_space<vmem>>, vector<1x384x576xf32>
    %get3A_3 = vector.shape_cast %get3A_2 : vector<1x384x576xf32> to vector<384x576xf32>
    %get3A_4 = arith.constant 0 : index
    %get3A_5 = arith.constant 0 : index
    %get3A_6 = arith.constant 0 : index
    %get3A_7 = vector.load %arg2[%get3A_4, %get3A_5, %get3A_6] : memref<1x384x144xf32, #tpu.memory_space<vmem>>, vector<1x384x144xf32>
    %get3A_8 = vector.shape_cast %get3A_7 : vector<1x384x144xf32> to vector<384x144xf32>
    %get3A_9 = arith.constant 0 : index
    %get3A_10 = arith.constant 0 : index
    %get3A_11 = vector.load %arg3[%get3A_9, %get3A_10] : memref<144x576xf32, #tpu.memory_space<vmem>>, vector<144x576xf32>
    %dot_general3A = arith.constant dense<0.000000e+00> : vector<384x576xf32>
    %dot_general3A_12 = tpu.matmul %get3A_8, %get3A_11, %dot_general3A {dimension_numbers = #tpu.dot_dimension_numbers<[1], [0], [0], [1], [0, 0, 1, 1], [], []>, precision = #tpu.contract_precision<fp32>, transpose_lhs_hint = false} : vector<384x144xf32>, vector<144x576xf32>, vector<384x576xf32> -> vector<384x576xf32>
    %concatenate3A = tpu.concatenate %get3A_3, %dot_general3A_12 in 0 : vector<384x576xf32>, vector<384x576xf32> -> vector<768x576xf32>
    %swap3A = arith.constant 0 : index
    %swap3A_13 = arith.constant 0 : index
    %swap3A_14 = arith.constant 0 : index
    %swap3A_15 = vector.load %arg8[%swap3A, %swap3A_13, %swap3A_14] : memref<1x768x576xf32, #tpu.memory_space<vmem>>, vector<1x768x576xf32>
    %swap3A_16 = vector.shape_cast %swap3A_15 : vector<1x768x576xf32> to vector<768x576xf32>
    %swap3A_17 = vector.shape_cast %concatenate3A : vector<768x576xf32> to vector<1x768x576xf32>
    tpu.vector_store %arg8[%swap3A, %swap3A_13, %swap3A_14], %swap3A_17 {strides = array<i32>} : memref<1x768x576xf32, #tpu.memory_space<vmem>>, vector<1x768x576xf32>,
    %get3A_18 = arith.constant 0 : index
    %get3A_19 = arith.constant 0 : index
    %get3A_20 = vector.load %arg4[%get3A_18, %get3A_19] : memref<576x256xf32, #tpu.memory_space<vmem>>, vector<576x256xf32>
    %dot_general3A_21 = arith.constant dense<0.000000e+00> : vector<768x256xf32>
    %dot_general3A_22 = tpu.matmul %concatenate3A, %get3A_20, %dot_general3A_21 {dimension_numbers = #tpu.dot_dimension_numbers<[1], [0], [0], [1], [0, 0, 1, 1], [], []>, transpose_lhs_hint = false} : vector<768x576xf32>, vector<576x256xf32>, vector<768x256xf32> -> vector<768x256xf32>
    %get3A_23 = arith.constant 0 : index
    %get3A_24 = arith.constant 0 : index
    %get3A_25 = vector.load %arg6[%get3A_23, %get3A_24] : memref<1x256xf32, #tpu.memory_space<vmem>>, vector<1x256xf32>
    %add3A = vector.broadcast %get3A_25 : vector<1x256xf32> to vector<768x256xf32>
    %add3A_26 = arith.addf %dot_general3A_22, %add3A : vector<768x256xf32>
    %get3A_27 = arith.constant 0 : index
    %get3A_28 = arith.constant 0 : index
    %get3A_29 = vector.load %arg5[%get3A_27, %get3A_28] : memref<576x256xf32, #tpu.memory_space<vmem>>, vector<576x256xf32>
    %dot_general3A_30 = arith.constant dense<0.000000e+00> : vector<768x256xf32>
    %dot_general3A_31 = tpu.matmul %concatenate3A, %get3A_29, %dot_general3A_30 {dimension_numbers = #tpu.dot_dimension_numbers<[1], [0], [0], [1], [0, 0, 1, 1], [], []>, transpose_lhs_hint = false} : vector<768x576xf32>, vector<576x256xf32>, vector<768x256xf32> -> vector<768x256xf32>
    %get3A_32 = arith.constant 0 : index
    %get3A_33 = arith.constant 0 : index
    %get3A_34 = vector.load %arg7[%get3A_32, %get3A_33] : memref<1x256xf32, #tpu.memory_space<vmem>>, vector<1x256xf32>
    %add3A_35 = vector.broadcast %get3A_34 : vector<1x256xf32> to vector<768x256xf32>
    %add3A_36 = arith.addf %dot_general3A_31, %add3A_35 : vector<768x256xf32>
    %dot_general3A_37 = arith.constant dense<0.000000e+00> : vector<768x768xf32>
    %dot_general3A_38 = tpu.matmul %add3A_26, %add3A_36, %dot_general3A_37 {dimension_numbers = #tpu.dot_dimension_numbers<[1], [1], [0], [0], [0, 0, 1, 0], [], []>, transpose_lhs_hint = false} : vector<768x256xf32>, vector<768x256xf32>, vector<768x768xf32> -> vector<768x768xf32>
    %mul3A = arith.constant 6.250000e-02 : f32
    %mul3A_39 = vector.broadcast %mul3A : f32 to vector<768x768xf32>
    %mul3A_40 = arith.mulf %dot_general3A_38, %mul3A_39 : vector<768x768xf32>
    %iota3A = tpu.iota {dimensions = array<i32: 0>} : vector<768x768xi32>
    %iota3A_41 = tpu.iota {dimensions = array<i32: 1>} : vector<768x768xi32>
    %eq3A = arith.cmpi eq, %iota3A, %iota3A_41 : vector<768x768xi32>
    %jit3A = arith.constant 0.000000e+00 : f32
    %broadcast_in_dim3A = vector.broadcast %jit3A : f32 to vector<768x768xf32>
    %select_n3A = arith.select %eq3A, %mul3A_40, %broadcast_in_dim3A : vector<768x768xi1>, vector<768x768xf32>
    %reduce_sum3A = arith.constant dense<0.000000e+00> : vector<768xf32>
    %reduce_sum3A_42 = vector.multi_reduction <add>, %select_n3A, %reduce_sum3A [0] : vector<768x768xf32> to vector<768xf32>
    %broadcast_in_dim3A_43 = vector.shape_cast %reduce_sum3A_42 : vector<768xf32> to vector<1x768xf32>
    %swap3A_44 = arith.constant 0 : index
    %swap3A_45 = arith.constant 0 : index
    %swap3A_46 = arith.constant 0 : index
    %swap3A_47 = vector.load %arg10[%swap3A_44, %swap3A_45, %swap3A_46] : memref<1x1x768xf32, #tpu.memory_space<vmem>>, vector<1x1x768xf32>
    %swap3A_48 = vector.shape_cast %swap3A_47 : vector<1x1x768xf32> to vector<1x768xf32>
    %swap3A_49 = vector.shape_cast %broadcast_in_dim3A_43 : vector<1x768xf32> to vector<1x1x768xf32>
    tpu.vector_store %arg10[%swap3A_44, %swap3A_45, %swap3A_46], %swap3A_49 {strides = array<i32>} : memref<1x1x768xf32, #tpu.memory_space<vmem>>, vector<1x1x768xf32>,
    %jit3A_50 = arith.constant -1.000000e+09 : f32
    %broadcast_in_dim3A_51 = vector.broadcast %jit3A_50 : f32 to vector<768x768xf32>
    %select_n3A_52 = arith.select %eq3A, %broadcast_in_dim3A_51, %mul3A_40 : vector<768x768xi1>, vector<768x768xf32>
    %swap3A_53 = arith.constant 0 : index
    %swap3A_54 = arith.constant 0 : index
    %swap3A_55 = arith.constant 0 : index
    %swap3A_56 = vector.load %arg9[%swap3A_53, %swap3A_54, %swap3A_55] : memref<1x768x768xf32, #tpu.memory_space<vmem>>, vector<1x768x768xf32>
    %swap3A_57 = vector.shape_cast %swap3A_56 : vector<1x768x768xf32> to vector<768x768xf32>
    %swap3A_58 = vector.shape_cast %select_n3A_52 : vector<768x768xf32> to vector<1x768x768xf32>
    tpu.vector_store %arg9[%swap3A_53, %swap3A_54, %swap3A_55], %swap3A_58 {strides = array<i32>} : memref<1x768x768xf32, #tpu.memory_space<vmem>>, vector<1x768x768xf32>,
    return
  }
  func.func @transform_0(%arg0: i32) -> (i32, i32, i32) {
    %c0_i32 = arith.constant 0 : i32
    %c0_i32_0 = arith.constant 0 : i32
    %c0_i32_1 = arith.constant 0 : i32
    return %arg0, %c0_i32, %c0_i32_0 : i32, i32, i32
  }
  func.func @transform_1(%arg0: i32) -> (i32, i32, i32) {
    %c0_i32 = arith.constant 0 : i32
    %c0_i32_0 = arith.constant 0 : i32
    %c0_i32_1 = arith.constant 0 : i32
    return %arg0, %c0_i32, %c0_i32_0 : i32, i32, i32
  }
  func.func @transform_2(%arg0: i32) -> (i32, i32) {
    %c0_i32 = arith.constant 0 : i32
    %c0_i32_0 = arith.constant 0 : i32
    %c0_i32_1 = arith.constant 0 : i32
    return %c0_i32, %c0_i32_0 : i32, i32
  }
  func.func @transform_3(%arg0: i32) -> (i32, i32) {
    %c0_i32 = arith.constant 0 : i32
    %c0_i32_0 = arith.constant 0 : i32
    %c0_i32_1 = arith.constant 0 : i32
    return %c0_i32, %c0_i32_0 : i32, i32
  }
  func.func @transform_4(%arg0: i32) -> (i32, i32) {
    %c0_i32 = arith.constant 0 : i32
    %c0_i32_0 = arith.constant 0 : i32
    %c0_i32_1 = arith.constant 0 : i32
    return %c0_i32, %c0_i32_0 : i32, i32
  }
  func.func @transform_5(%arg0: i32) -> (i32, i32) {
    %c0_i32 = arith.constant 0 : i32
    %c0_i32_0 = arith.constant 0 : i32
    %c0_i32_1 = arith.constant 0 : i32
    return %c0_i32, %c0_i32_0 : i32, i32
  }
  func.func @transform_6(%arg0: i32) -> (i32, i32) {
    %c0_i32 = arith.constant 0 : i32
    %c0_i32_0 = arith.constant 0 : i32
    %c0_i32_1 = arith.constant 0 : i32
    return %c0_i32, %c0_i32_0 : i32, i32
  }
  func.func @transform_7(%arg0: i32) -> (i32, i32, i32) {
    %c0_i32 = arith.constant 0 : i32
    %c0_i32_0 = arith.constant 0 : i32
    %c0_i32_1 = arith.constant 0 : i32
    return %arg0, %c0_i32, %c0_i32_0 : i32, i32, i32
  }
  func.func @transform_8(%arg0: i32) -> (i32, i32, i32) {
    %c0_i32 = arith.constant 0 : i32
    %c0_i32_0 = arith.constant 0 : i32
    %c0_i32_1 = arith.constant 0 : i32
    return %arg0, %c0_i32, %c0_i32_0 : i32, i32, i32
  }
  func.func @transform_9(%arg0: i32) -> (i32, i32, i32) {
    %c0_i32 = arith.constant 0 : i32
    %c0_i32_0 = arith.constant 0 : i32
    %c0_i32_1 = arith.constant 0 : i32
    return %arg0, %c0_i32, %c0_i32_0 : i32, i32, i32
  }
}

module attributes {stable_mosaic.version = 14 : i64} {
  func.func @_tc2_body(%arg0: memref<2x768x768xf32, #tpu.memory_space<vmem>>, %arg1: memref<2x768x768xf32, #tpu.memory_space<vmem>>, %arg2: memref<2x768x128xf32, #tpu.memory_space<vmem>>, %arg3: memref<2x768x128xf32, #tpu.memory_space<vmem>>, %arg4: memref<2x1x768xf32, #tpu.memory_space<vmem>>, %arg5: memref<2x1x768xf32, #tpu.memory_space<vmem>>, %arg6: memref<2x768x576xf32, #tpu.memory_space<vmem>>, %arg7: memref<2x768x576xf32, #tpu.memory_space<vmem>>, %arg8: memref<256x768xf32, #tpu.memory_space<vmem>>, %arg9: memref<256x1xf32, #tpu.memory_space<vmem>>, %arg10: memref<256x1xf32, #tpu.memory_space<vmem>>, %arg11: memref<4x256x576xf32, #tpu.memory_space<vmem>>, %arg12: memref<4x256x576xf32, #tpu.memory_space<vmem>>) attributes {dimension_semantics = [], scalar_prefetch = 0 : i64, scratch_operands = 1 : i64, tpu.core_type = #tpu.core_type<tc>} {
    %iota3A = tpu.iota {dimensions = array<i32: 0>} : vector<768x768xi32>
    %iota3A_0 = tpu.iota {dimensions = array<i32: 1>} : vector<768x768xi32>
    %eq3A = arith.cmpi eq, %iota3A, %iota3A_0 : vector<768x768xi32>
    %broadcast_in_dim3A = arith.constant 0.000000e+00 : f32
    %broadcast_in_dim3A_1 = vector.broadcast %broadcast_in_dim3A : f32 to vector<256x1xf32>
    %broadcast_in_dim3A_2 = arith.constant 0.000000e+00 : f32
    %broadcast_in_dim3A_3 = vector.broadcast %broadcast_in_dim3A_2 : f32 to vector<256x1xf32>
    %get3A = arith.constant 0 : index
    %get3A_4 = arith.constant 0 : index
    %get3A_5 = arith.constant 0 : index
    %get3A_6 = vector.load %arg0[%get3A, %get3A_4, %get3A_5] : memref<2x768x768xf32, #tpu.memory_space<vmem>>, vector<1x768x768xf32>
    %get3A_7 = vector.shape_cast %get3A_6 : vector<1x768x768xf32> to vector<768x768xf32>
    %get3A_8 = arith.constant 0 : index
    %get3A_9 = arith.constant 0 : index
    %get3A_10 = arith.constant 0 : index
    %get3A_11 = vector.load %arg2[%get3A_8, %get3A_9, %get3A_10] : memref<2x768x128xf32, #tpu.memory_space<vmem>>, vector<1x768x128xf32>
    %get3A_12 = vector.shape_cast %get3A_11 : vector<1x768x128xf32> to vector<768x128xf32>
    %slice3A = vector.extract_strided_slice %get3A_12 {offsets = [0, 0], sizes = [768, 1], strides = [1, 1]} : vector<768x128xf32> to vector<768x1xf32>
    %get3A_13 = arith.constant 0 : index
    %get3A_14 = arith.constant 0 : index
    %get3A_15 = arith.constant 0 : index
    %get3A_16 = vector.load %arg6[%get3A_13, %get3A_14, %get3A_15] : memref<2x768x576xf32, #tpu.memory_space<vmem>>, vector<1x768x576xf32>
    %get3A_17 = vector.shape_cast %get3A_16 : vector<1x768x576xf32> to vector<768x576xf32>
    %ge3A = vector.broadcast %slice3A : vector<768x1xf32> to vector<768x768xf32>
    %ge3A_18 = arith.cmpf oge, %get3A_7, %ge3A : vector<768x768xf32>
    %neg3A = arith.constant 0.000000e+00 : f32
    %neg3A_19 = vector.broadcast %neg3A : f32 to vector<768x768xf32>
    %neg3A_20 = arith.subf %neg3A_19, %get3A_7 : vector<768x768xf32>
    %exp3A = math.exp %neg3A_20 : vector<768x768xf32>
    %add3A = arith.constant 1.000000e+00 : f32
    %add3A_21 = vector.broadcast %add3A : f32 to vector<768x768xf32>
    %add3A_22 = arith.addf %add3A_21, %exp3A : vector<768x768xf32>
    %div3A = arith.constant 1.000000e+00 : f32
    %div3A_23 = vector.broadcast %div3A : f32 to vector<768x768xf32>
    %div3A_24 = arith.divf %div3A_23, %add3A_22 : vector<768x768xf32>
    %jit3A = arith.constant 0.000000e+00 : f32
    %broadcast_in_dim3A_25 = vector.broadcast %jit3A : f32 to vector<768x768xf32>
    %select_n3A = arith.select %ge3A_18, %div3A_24, %broadcast_in_dim3A_25 : vector<768x768xi1>, vector<768x768xf32>
    %get3A_26 = arith.constant 0 : index
    %get3A_27 = arith.constant 0 : index
    %get3A_28 = arith.constant 0 : index
    %get3A_29 = vector.load %arg4[%get3A_26, %get3A_27, %get3A_28] : memref<2x1x768xf32, #tpu.memory_space<vmem>>, vector<1x1x768xf32>
    %get3A_30 = vector.shape_cast %get3A_29 : vector<1x1x768xf32> to vector<1x768xf32>
    %neg3A_31 = arith.constant 0.000000e+00 : f32
    %neg3A_32 = vector.broadcast %neg3A_31 : f32 to vector<1x768xf32>
    %neg3A_33 = arith.subf %neg3A_32, %get3A_30 : vector<1x768xf32>
    %exp3A_34 = math.exp %neg3A_33 : vector<1x768xf32>
    %add3A_35 = arith.constant 1.000000e+00 : f32
    %add3A_36 = vector.broadcast %add3A_35 : f32 to vector<1x768xf32>
    %add3A_37 = arith.addf %add3A_36, %exp3A_34 : vector<1x768xf32>
    %div3A_38 = arith.constant 1.000000e+00 : f32
    %div3A_39 = vector.broadcast %div3A_38 : f32 to vector<1x768xf32>
    %div3A_40 = arith.divf %div3A_39, %add3A_37 : vector<1x768xf32>
    %broadcast_in_dim3A_41 = vector.shape_cast %div3A_40 : vector<1x768xf32> to vector<1x768xf32>
    %broadcast_in_dim3A_42 = vector.broadcast %broadcast_in_dim3A_41 : vector<1x768xf32> to vector<768x768xf32>
    %select_n3A_43 = arith.select %eq3A, %broadcast_in_dim3A_42, %select_n3A : vector<768x768xi1>, vector<768x768xf32>
    %dot_general3A = arith.constant dense<0.000000e+00> : vector<768x576xf32>
    %dot_general3A_44 = tpu.matmul %select_n3A_43, %get3A_17, %dot_general3A {dimension_numbers = #tpu.dot_dimension_numbers<[1], [0], [0], [1], [0, 0, 1, 1], [], []>, transpose_lhs_hint = false} : vector<768x768xf32>, vector<768x576xf32>, vector<768x576xf32> -> vector<768x576xf32>
    %add3A_45 = arith.addf %dot_general3A_44, %get3A_17 : vector<768x576xf32>
    %get3A_46 = arith.constant 0 : index
    %get3A_47 = arith.constant 0 : index
    %get3A_48 = vector.load %arg8[%get3A_46, %get3A_47] : memref<256x768xf32, #tpu.memory_space<vmem>>, vector<256x768xf32>
    %dot_general3A_49 = arith.constant dense<0.000000e+00> : vector<256x576xf32>
    %dot_general3A_50 = tpu.matmul %get3A_48, %add3A_45, %dot_general3A_49 {dimension_numbers = #tpu.dot_dimension_numbers<[1], [0], [0], [1], [0, 0, 1, 1], [], []>, transpose_lhs_hint = false} : vector<256x768xf32>, vector<768x576xf32>, vector<256x576xf32> -> vector<256x576xf32>
    %swap3A = arith.constant 0 : index
    %swap3A_51 = arith.constant 0 : index
    %swap3A_52 = arith.constant 0 : index
    %swap3A_53 = vector.load %arg12[%swap3A, %swap3A_51, %swap3A_52] : memref<4x256x576xf32, #tpu.memory_space<vmem>>, vector<1x256x576xf32>
    %swap3A_54 = vector.shape_cast %swap3A_53 : vector<1x256x576xf32> to vector<256x576xf32>
    %swap3A_55 = vector.shape_cast %dot_general3A_50 : vector<256x576xf32> to vector<1x256x576xf32>
    tpu.vector_store %arg12[%swap3A, %swap3A_51, %swap3A_52], %swap3A_55 {strides = array<i32>} : memref<4x256x576xf32, #tpu.memory_space<vmem>>, vector<1x256x576xf32>,
    %reduce_sum3A = arith.constant dense<0.000000e+00> : vector<256xf32>
    %reduce_sum3A_56 = vector.multi_reduction <add>, %dot_general3A_50, %reduce_sum3A [1] : vector<256x576xf32> to vector<256xf32>
    %broadcast_in_dim3A_57 = vector.shape_cast %reduce_sum3A_56 : vector<256xf32> to vector<256x1xf32>
    %add3A_58 = arith.addf %broadcast_in_dim3A_1, %broadcast_in_dim3A_57 : vector<256x1xf32>
    %mul3A = arith.mulf %dot_general3A_50, %dot_general3A_50 : vector<256x576xf32>
    %reduce_sum3A_59 = arith.constant dense<0.000000e+00> : vector<256xf32>
    %reduce_sum3A_60 = vector.multi_reduction <add>, %mul3A, %reduce_sum3A_59 [1] : vector<256x576xf32> to vector<256xf32>
    %broadcast_in_dim3A_61 = vector.shape_cast %reduce_sum3A_60 : vector<256xf32> to vector<256x1xf32>
    %add3A_62 = arith.addf %broadcast_in_dim3A_3, %broadcast_in_dim3A_61 : vector<256x1xf32>
    %get3A_63 = arith.constant 1 : index
    %get3A_64 = arith.constant 0 : index
    %get3A_65 = arith.constant 0 : index
    %get3A_66 = vector.load %arg0[%get3A_63, %get3A_64, %get3A_65] : memref<2x768x768xf32, #tpu.memory_space<vmem>>, vector<1x768x768xf32>
    %get3A_67 = vector.shape_cast %get3A_66 : vector<1x768x768xf32> to vector<768x768xf32>
    %get3A_68 = arith.constant 1 : index
    %get3A_69 = arith.constant 0 : index
    %get3A_70 = arith.constant 0 : index
    %get3A_71 = vector.load %arg2[%get3A_68, %get3A_69, %get3A_70] : memref<2x768x128xf32, #tpu.memory_space<vmem>>, vector<1x768x128xf32>
    %get3A_72 = vector.shape_cast %get3A_71 : vector<1x768x128xf32> to vector<768x128xf32>
    %slice3A_73 = vector.extract_strided_slice %get3A_72 {offsets = [0, 0], sizes = [768, 1], strides = [1, 1]} : vector<768x128xf32> to vector<768x1xf32>
    %get3A_74 = arith.constant 1 : index
    %get3A_75 = arith.constant 0 : index
    %get3A_76 = arith.constant 0 : index
    %get3A_77 = vector.load %arg6[%get3A_74, %get3A_75, %get3A_76] : memref<2x768x576xf32, #tpu.memory_space<vmem>>, vector<1x768x576xf32>
    %get3A_78 = vector.shape_cast %get3A_77 : vector<1x768x576xf32> to vector<768x576xf32>
    %ge3A_79 = vector.broadcast %slice3A_73 : vector<768x1xf32> to vector<768x768xf32>
    %ge3A_80 = arith.cmpf oge, %get3A_67, %ge3A_79 : vector<768x768xf32>
    %neg3A_81 = arith.constant 0.000000e+00 : f32
    %neg3A_82 = vector.broadcast %neg3A_81 : f32 to vector<768x768xf32>
    %neg3A_83 = arith.subf %neg3A_82, %get3A_67 : vector<768x768xf32>
    %exp3A_84 = math.exp %neg3A_83 : vector<768x768xf32>
    %add3A_85 = arith.constant 1.000000e+00 : f32
    %add3A_86 = vector.broadcast %add3A_85 : f32 to vector<768x768xf32>
    %add3A_87 = arith.addf %add3A_86, %exp3A_84 : vector<768x768xf32>
    %div3A_88 = arith.constant 1.000000e+00 : f32
    %div3A_89 = vector.broadcast %div3A_88 : f32 to vector<768x768xf32>
    %div3A_90 = arith.divf %div3A_89, %add3A_87 : vector<768x768xf32>
    %jit3A_91 = arith.constant 0.000000e+00 : f32
    %broadcast_in_dim3A_92 = vector.broadcast %jit3A_91 : f32 to vector<768x768xf32>
    %select_n3A_93 = arith.select %ge3A_80, %div3A_90, %broadcast_in_dim3A_92 : vector<768x768xi1>, vector<768x768xf32>
    %get3A_94 = arith.constant 1 : index
    %get3A_95 = arith.constant 0 : index
    %get3A_96 = arith.constant 0 : index
    %get3A_97 = vector.load %arg4[%get3A_94, %get3A_95, %get3A_96] : memref<2x1x768xf32, #tpu.memory_space<vmem>>, vector<1x1x768xf32>
    %get3A_98 = vector.shape_cast %get3A_97 : vector<1x1x768xf32> to vector<1x768xf32>
    %neg3A_99 = arith.constant 0.000000e+00 : f32
    %neg3A_100 = vector.broadcast %neg3A_99 : f32 to vector<1x768xf32>
    %neg3A_101 = arith.subf %neg3A_100, %get3A_98 : vector<1x768xf32>
    %exp3A_102 = math.exp %neg3A_101 : vector<1x768xf32>
    %add3A_103 = arith.constant 1.000000e+00 : f32
    %add3A_104 = vector.broadcast %add3A_103 : f32 to vector<1x768xf32>
    %add3A_105 = arith.addf %add3A_104, %exp3A_102 : vector<1x768xf32>
    %div3A_106 = arith.constant 1.000000e+00 : f32
    %div3A_107 = vector.broadcast %div3A_106 : f32 to vector<1x768xf32>
    %div3A_108 = arith.divf %div3A_107, %add3A_105 : vector<1x768xf32>
    %broadcast_in_dim3A_109 = vector.shape_cast %div3A_108 : vector<1x768xf32> to vector<1x768xf32>
    %broadcast_in_dim3A_110 = vector.broadcast %broadcast_in_dim3A_109 : vector<1x768xf32> to vector<768x768xf32>
    %select_n3A_111 = arith.select %eq3A, %broadcast_in_dim3A_110, %select_n3A_93 : vector<768x768xi1>, vector<768x768xf32>
    %dot_general3A_112 = arith.constant dense<0.000000e+00> : vector<768x576xf32>
    %dot_general3A_113 = tpu.matmul %select_n3A_111, %get3A_78, %dot_general3A_112 {dimension_numbers = #tpu.dot_dimension_numbers<[1], [0], [0], [1], [0, 0, 1, 1], [], []>, transpose_lhs_hint = false} : vector<768x768xf32>, vector<768x576xf32>, vector<768x576xf32> -> vector<768x576xf32>
    %add3A_114 = arith.addf %dot_general3A_113, %get3A_78 : vector<768x576xf32>
    %get3A_115 = arith.constant 0 : index
    %get3A_116 = arith.constant 0 : index
    %get3A_117 = vector.load %arg8[%get3A_115, %get3A_116] : memref<256x768xf32, #tpu.memory_space<vmem>>, vector<256x768xf32>
    %dot_general3A_118 = arith.constant dense<0.000000e+00> : vector<256x576xf32>
    %dot_general3A_119 = tpu.matmul %get3A_117, %add3A_114, %dot_general3A_118 {dimension_numbers = #tpu.dot_dimension_numbers<[1], [0], [0], [1], [0, 0, 1, 1], [], []>, transpose_lhs_hint = false} : vector<256x768xf32>, vector<768x576xf32>, vector<256x576xf32> -> vector<256x576xf32>
    %swap3A_120 = arith.constant 1 : index
    %swap3A_121 = arith.constant 0 : index
    %swap3A_122 = arith.constant 0 : index
    %swap3A_123 = vector.load %arg12[%swap3A_120, %swap3A_121, %swap3A_122] : memref<4x256x576xf32, #tpu.memory_space<vmem>>, vector<1x256x576xf32>
    %swap3A_124 = vector.shape_cast %swap3A_123 : vector<1x256x576xf32> to vector<256x576xf32>
    %swap3A_125 = vector.shape_cast %dot_general3A_119 : vector<256x576xf32> to vector<1x256x576xf32>
    tpu.vector_store %arg12[%swap3A_120, %swap3A_121, %swap3A_122], %swap3A_125 {strides = array<i32>} : memref<4x256x576xf32, #tpu.memory_space<vmem>>, vector<1x256x576xf32>,
    %reduce_sum3A_126 = arith.constant dense<0.000000e+00> : vector<256xf32>
    %reduce_sum3A_127 = vector.multi_reduction <add>, %dot_general3A_119, %reduce_sum3A_126 [1] : vector<256x576xf32> to vector<256xf32>
    %broadcast_in_dim3A_128 = vector.shape_cast %reduce_sum3A_127 : vector<256xf32> to vector<256x1xf32>
    %add3A_129 = arith.addf %add3A_58, %broadcast_in_dim3A_128 : vector<256x1xf32>
    %mul3A_130 = arith.mulf %dot_general3A_119, %dot_general3A_119 : vector<256x576xf32>
    %reduce_sum3A_131 = arith.constant dense<0.000000e+00> : vector<256xf32>
    %reduce_sum3A_132 = vector.multi_reduction <add>, %mul3A_130, %reduce_sum3A_131 [1] : vector<256x576xf32> to vector<256xf32>
    %broadcast_in_dim3A_133 = vector.shape_cast %reduce_sum3A_132 : vector<256xf32> to vector<256x1xf32>
    %add3A_134 = arith.addf %add3A_62, %broadcast_in_dim3A_133 : vector<256x1xf32>
    %get3A_135 = arith.constant 0 : index
    %get3A_136 = arith.constant 0 : index
    %get3A_137 = arith.constant 0 : index
    %get3A_138 = vector.load %arg1[%get3A_135, %get3A_136, %get3A_137] : memref<2x768x768xf32, #tpu.memory_space<vmem>>, vector<1x768x768xf32>
    %get3A_139 = vector.shape_cast %get3A_138 : vector<1x768x768xf32> to vector<768x768xf32>
    %get3A_140 = arith.constant 0 : index
    %get3A_141 = arith.constant 0 : index
    %get3A_142 = arith.constant 0 : index
    %get3A_143 = vector.load %arg3[%get3A_140, %get3A_141, %get3A_142] : memref<2x768x128xf32, #tpu.memory_space<vmem>>, vector<1x768x128xf32>
    %get3A_144 = vector.shape_cast %get3A_143 : vector<1x768x128xf32> to vector<768x128xf32>
    %slice3A_145 = vector.extract_strided_slice %get3A_144 {offsets = [0, 0], sizes = [768, 1], strides = [1, 1]} : vector<768x128xf32> to vector<768x1xf32>
    %get3A_146 = arith.constant 0 : index
    %get3A_147 = arith.constant 0 : index
    %get3A_148 = arith.constant 0 : index
    %get3A_149 = vector.load %arg7[%get3A_146, %get3A_147, %get3A_148] : memref<2x768x576xf32, #tpu.memory_space<vmem>>, vector<1x768x576xf32>
    %get3A_150 = vector.shape_cast %get3A_149 : vector<1x768x576xf32> to vector<768x576xf32>
    %ge3A_151 = vector.broadcast %slice3A_145 : vector<768x1xf32> to vector<768x768xf32>
    %ge3A_152 = arith.cmpf oge, %get3A_139, %ge3A_151 : vector<768x768xf32>
    %neg3A_153 = arith.constant 0.000000e+00 : f32
    %neg3A_154 = vector.broadcast %neg3A_153 : f32 to vector<768x768xf32>
    %neg3A_155 = arith.subf %neg3A_154, %get3A_139 : vector<768x768xf32>
    %exp3A_156 = math.exp %neg3A_155 : vector<768x768xf32>
    %add3A_157 = arith.constant 1.000000e+00 : f32
    %add3A_158 = vector.broadcast %add3A_157 : f32 to vector<768x768xf32>
    %add3A_159 = arith.addf %add3A_158, %exp3A_156 : vector<768x768xf32>
    %div3A_160 = arith.constant 1.000000e+00 : f32
    %div3A_161 = vector.broadcast %div3A_160 : f32 to vector<768x768xf32>
    %div3A_162 = arith.divf %div3A_161, %add3A_159 : vector<768x768xf32>
    %jit3A_163 = arith.constant 0.000000e+00 : f32
    %broadcast_in_dim3A_164 = vector.broadcast %jit3A_163 : f32 to vector<768x768xf32>
    %select_n3A_165 = arith.select %ge3A_152, %div3A_162, %broadcast_in_dim3A_164 : vector<768x768xi1>, vector<768x768xf32>
    %get3A_166 = arith.constant 0 : index
    %get3A_167 = arith.constant 0 : index
    %get3A_168 = arith.constant 0 : index
    %get3A_169 = vector.load %arg5[%get3A_166, %get3A_167, %get3A_168] : memref<2x1x768xf32, #tpu.memory_space<vmem>>, vector<1x1x768xf32>
    %get3A_170 = vector.shape_cast %get3A_169 : vector<1x1x768xf32> to vector<1x768xf32>
    %neg3A_171 = arith.constant 0.000000e+00 : f32
    %neg3A_172 = vector.broadcast %neg3A_171 : f32 to vector<1x768xf32>
    %neg3A_173 = arith.subf %neg3A_172, %get3A_170 : vector<1x768xf32>
    %exp3A_174 = math.exp %neg3A_173 : vector<1x768xf32>
    %add3A_175 = arith.constant 1.000000e+00 : f32
    %add3A_176 = vector.broadcast %add3A_175 : f32 to vector<1x768xf32>
    %add3A_177 = arith.addf %add3A_176, %exp3A_174 : vector<1x768xf32>
    %div3A_178 = arith.constant 1.000000e+00 : f32
    %div3A_179 = vector.broadcast %div3A_178 : f32 to vector<1x768xf32>
    %div3A_180 = arith.divf %div3A_179, %add3A_177 : vector<1x768xf32>
    %broadcast_in_dim3A_181 = vector.shape_cast %div3A_180 : vector<1x768xf32> to vector<1x768xf32>
    %broadcast_in_dim3A_182 = vector.broadcast %broadcast_in_dim3A_181 : vector<1x768xf32> to vector<768x768xf32>
    %select_n3A_183 = arith.select %eq3A, %broadcast_in_dim3A_182, %select_n3A_165 : vector<768x768xi1>, vector<768x768xf32>
    %dot_general3A_184 = arith.constant dense<0.000000e+00> : vector<768x576xf32>
    %dot_general3A_185 = tpu.matmul %select_n3A_183, %get3A_150, %dot_general3A_184 {dimension_numbers = #tpu.dot_dimension_numbers<[1], [0], [0], [1], [0, 0, 1, 1], [], []>, transpose_lhs_hint = false} : vector<768x768xf32>, vector<768x576xf32>, vector<768x576xf32> -> vector<768x576xf32>
    %add3A_186 = arith.addf %dot_general3A_185, %get3A_150 : vector<768x576xf32>
    %get3A_187 = arith.constant 0 : index
    %get3A_188 = arith.constant 0 : index
    %get3A_189 = vector.load %arg8[%get3A_187, %get3A_188] : memref<256x768xf32, #tpu.memory_space<vmem>>, vector<256x768xf32>
    %dot_general3A_190 = arith.constant dense<0.000000e+00> : vector<256x576xf32>
    %dot_general3A_191 = tpu.matmul %get3A_189, %add3A_186, %dot_general3A_190 {dimension_numbers = #tpu.dot_dimension_numbers<[1], [0], [0], [1], [0, 0, 1, 1], [], []>, transpose_lhs_hint = false} : vector<256x768xf32>, vector<768x576xf32>, vector<256x576xf32> -> vector<256x576xf32>
    %swap3A_192 = arith.constant 2 : index
    %swap3A_193 = arith.constant 0 : index
    %swap3A_194 = arith.constant 0 : index
    %swap3A_195 = vector.load %arg12[%swap3A_192, %swap3A_193, %swap3A_194] : memref<4x256x576xf32, #tpu.memory_space<vmem>>, vector<1x256x576xf32>
    %swap3A_196 = vector.shape_cast %swap3A_195 : vector<1x256x576xf32> to vector<256x576xf32>
    %swap3A_197 = vector.shape_cast %dot_general3A_191 : vector<256x576xf32> to vector<1x256x576xf32>
    tpu.vector_store %arg12[%swap3A_192, %swap3A_193, %swap3A_194], %swap3A_197 {strides = array<i32>} : memref<4x256x576xf32, #tpu.memory_space<vmem>>, vector<1x256x576xf32>,
    %reduce_sum3A_198 = arith.constant dense<0.000000e+00> : vector<256xf32>
    %reduce_sum3A_199 = vector.multi_reduction <add>, %dot_general3A_191, %reduce_sum3A_198 [1] : vector<256x576xf32> to vector<256xf32>
    %broadcast_in_dim3A_200 = vector.shape_cast %reduce_sum3A_199 : vector<256xf32> to vector<256x1xf32>
    %add3A_201 = arith.addf %add3A_129, %broadcast_in_dim3A_200 : vector<256x1xf32>
    %mul3A_202 = arith.mulf %dot_general3A_191, %dot_general3A_191 : vector<256x576xf32>
    %reduce_sum3A_203 = arith.constant dense<0.000000e+00> : vector<256xf32>
    %reduce_sum3A_204 = vector.multi_reduction <add>, %mul3A_202, %reduce_sum3A_203 [1] : vector<256x576xf32> to vector<256xf32>
    %broadcast_in_dim3A_205 = vector.shape_cast %reduce_sum3A_204 : vector<256xf32> to vector<256x1xf32>
    %add3A_206 = arith.addf %add3A_134, %broadcast_in_dim3A_205 : vector<256x1xf32>
    %get3A_207 = arith.constant 1 : index
    %get3A_208 = arith.constant 0 : index
    %get3A_209 = arith.constant 0 : index
    %get3A_210 = vector.load %arg1[%get3A_207, %get3A_208, %get3A_209] : memref<2x768x768xf32, #tpu.memory_space<vmem>>, vector<1x768x768xf32>
    %get3A_211 = vector.shape_cast %get3A_210 : vector<1x768x768xf32> to vector<768x768xf32>
    %get3A_212 = arith.constant 1 : index
    %get3A_213 = arith.constant 0 : index
    %get3A_214 = arith.constant 0 : index
    %get3A_215 = vector.load %arg3[%get3A_212, %get3A_213, %get3A_214] : memref<2x768x128xf32, #tpu.memory_space<vmem>>, vector<1x768x128xf32>
    %get3A_216 = vector.shape_cast %get3A_215 : vector<1x768x128xf32> to vector<768x128xf32>
    %slice3A_217 = vector.extract_strided_slice %get3A_216 {offsets = [0, 0], sizes = [768, 1], strides = [1, 1]} : vector<768x128xf32> to vector<768x1xf32>
    %get3A_218 = arith.constant 1 : index
    %get3A_219 = arith.constant 0 : index
    %get3A_220 = arith.constant 0 : index
    %get3A_221 = vector.load %arg7[%get3A_218, %get3A_219, %get3A_220] : memref<2x768x576xf32, #tpu.memory_space<vmem>>, vector<1x768x576xf32>
    %get3A_222 = vector.shape_cast %get3A_221 : vector<1x768x576xf32> to vector<768x576xf32>
    %ge3A_223 = vector.broadcast %slice3A_217 : vector<768x1xf32> to vector<768x768xf32>
    %ge3A_224 = arith.cmpf oge, %get3A_211, %ge3A_223 : vector<768x768xf32>
    %neg3A_225 = arith.constant 0.000000e+00 : f32
    %neg3A_226 = vector.broadcast %neg3A_225 : f32 to vector<768x768xf32>
    %neg3A_227 = arith.subf %neg3A_226, %get3A_211 : vector<768x768xf32>
    %exp3A_228 = math.exp %neg3A_227 : vector<768x768xf32>
    %add3A_229 = arith.constant 1.000000e+00 : f32
    %add3A_230 = vector.broadcast %add3A_229 : f32 to vector<768x768xf32>
    %add3A_231 = arith.addf %add3A_230, %exp3A_228 : vector<768x768xf32>
    %div3A_232 = arith.constant 1.000000e+00 : f32
    %div3A_233 = vector.broadcast %div3A_232 : f32 to vector<768x768xf32>
    %div3A_234 = arith.divf %div3A_233, %add3A_231 : vector<768x768xf32>
    %jit3A_235 = arith.constant 0.000000e+00 : f32
    %broadcast_in_dim3A_236 = vector.broadcast %jit3A_235 : f32 to vector<768x768xf32>
    %select_n3A_237 = arith.select %ge3A_224, %div3A_234, %broadcast_in_dim3A_236 : vector<768x768xi1>, vector<768x768xf32>
    %get3A_238 = arith.constant 1 : index
    %get3A_239 = arith.constant 0 : index
    %get3A_240 = arith.constant 0 : index
    %get3A_241 = vector.load %arg5[%get3A_238, %get3A_239, %get3A_240] : memref<2x1x768xf32, #tpu.memory_space<vmem>>, vector<1x1x768xf32>
    %get3A_242 = vector.shape_cast %get3A_241 : vector<1x1x768xf32> to vector<1x768xf32>
    %neg3A_243 = arith.constant 0.000000e+00 : f32
    %neg3A_244 = vector.broadcast %neg3A_243 : f32 to vector<1x768xf32>
    %neg3A_245 = arith.subf %neg3A_244, %get3A_242 : vector<1x768xf32>
    %exp3A_246 = math.exp %neg3A_245 : vector<1x768xf32>
    %add3A_247 = arith.constant 1.000000e+00 : f32
    %add3A_248 = vector.broadcast %add3A_247 : f32 to vector<1x768xf32>
    %add3A_249 = arith.addf %add3A_248, %exp3A_246 : vector<1x768xf32>
    %div3A_250 = arith.constant 1.000000e+00 : f32
    %div3A_251 = vector.broadcast %div3A_250 : f32 to vector<1x768xf32>
    %div3A_252 = arith.divf %div3A_251, %add3A_249 : vector<1x768xf32>
    %broadcast_in_dim3A_253 = vector.shape_cast %div3A_252 : vector<1x768xf32> to vector<1x768xf32>
    %broadcast_in_dim3A_254 = vector.broadcast %broadcast_in_dim3A_253 : vector<1x768xf32> to vector<768x768xf32>
    %select_n3A_255 = arith.select %eq3A, %broadcast_in_dim3A_254, %select_n3A_237 : vector<768x768xi1>, vector<768x768xf32>
    %dot_general3A_256 = arith.constant dense<0.000000e+00> : vector<768x576xf32>
    %dot_general3A_257 = tpu.matmul %select_n3A_255, %get3A_222, %dot_general3A_256 {dimension_numbers = #tpu.dot_dimension_numbers<[1], [0], [0], [1], [0, 0, 1, 1], [], []>, transpose_lhs_hint = false} : vector<768x768xf32>, vector<768x576xf32>, vector<768x576xf32> -> vector<768x576xf32>
    %add3A_258 = arith.addf %dot_general3A_257, %get3A_222 : vector<768x576xf32>
    %get3A_259 = arith.constant 0 : index
    %get3A_260 = arith.constant 0 : index
    %get3A_261 = vector.load %arg8[%get3A_259, %get3A_260] : memref<256x768xf32, #tpu.memory_space<vmem>>, vector<256x768xf32>
    %dot_general3A_262 = arith.constant dense<0.000000e+00> : vector<256x576xf32>
    %dot_general3A_263 = tpu.matmul %get3A_261, %add3A_258, %dot_general3A_262 {dimension_numbers = #tpu.dot_dimension_numbers<[1], [0], [0], [1], [0, 0, 1, 1], [], []>, transpose_lhs_hint = false} : vector<256x768xf32>, vector<768x576xf32>, vector<256x576xf32> -> vector<256x576xf32>
    %swap3A_264 = arith.constant 3 : index
    %swap3A_265 = arith.constant 0 : index
    %swap3A_266 = arith.constant 0 : index
    %swap3A_267 = vector.load %arg12[%swap3A_264, %swap3A_265, %swap3A_266] : memref<4x256x576xf32, #tpu.memory_space<vmem>>, vector<1x256x576xf32>
    %swap3A_268 = vector.shape_cast %swap3A_267 : vector<1x256x576xf32> to vector<256x576xf32>
    %swap3A_269 = vector.shape_cast %dot_general3A_263 : vector<256x576xf32> to vector<1x256x576xf32>
    tpu.vector_store %arg12[%swap3A_264, %swap3A_265, %swap3A_266], %swap3A_269 {strides = array<i32>} : memref<4x256x576xf32, #tpu.memory_space<vmem>>, vector<1x256x576xf32>,
    %reduce_sum3A_270 = arith.constant dense<0.000000e+00> : vector<256xf32>
    %reduce_sum3A_271 = vector.multi_reduction <add>, %dot_general3A_263, %reduce_sum3A_270 [1] : vector<256x576xf32> to vector<256xf32>
    %broadcast_in_dim3A_272 = vector.shape_cast %reduce_sum3A_271 : vector<256xf32> to vector<256x1xf32>
    %add3A_273 = arith.addf %add3A_201, %broadcast_in_dim3A_272 : vector<256x1xf32>
    %mul3A_274 = arith.mulf %dot_general3A_263, %dot_general3A_263 : vector<256x576xf32>
    %reduce_sum3A_275 = arith.constant dense<0.000000e+00> : vector<256xf32>
    %reduce_sum3A_276 = vector.multi_reduction <add>, %mul3A_274, %reduce_sum3A_275 [1] : vector<256x576xf32> to vector<256xf32>
    %broadcast_in_dim3A_277 = vector.shape_cast %reduce_sum3A_276 : vector<256xf32> to vector<256x1xf32>
    %add3A_278 = arith.addf %add3A_206, %broadcast_in_dim3A_277 : vector<256x1xf32>
    %mul3A_279 = arith.constant 4.34027781E-4 : f32
    %mul3A_280 = vector.broadcast %mul3A_279 : f32 to vector<256x1xf32>
    %mul3A_281 = arith.mulf %add3A_273, %mul3A_280 : vector<256x1xf32>
    %mul3A_282 = arith.constant 4.34027781E-4 : f32
    %mul3A_283 = vector.broadcast %mul3A_282 : f32 to vector<256x1xf32>
    %mul3A_284 = arith.mulf %add3A_278, %mul3A_283 : vector<256x1xf32>
    %mul3A_285 = arith.mulf %mul3A_281, %mul3A_281 : vector<256x1xf32>
    %sub3A = arith.subf %mul3A_284, %mul3A_285 : vector<256x1xf32>
    %get3A_286 = arith.constant 0 : index
    %get3A_287 = arith.constant 0 : index
    %get3A_288 = vector.load %arg9[%get3A_286, %get3A_287] : memref<256x1xf32, #tpu.memory_space<vmem>>, vector<256x1xf32>
    %add3A_289 = arith.constant 9.99999974E-6 : f32
    %add3A_290 = vector.broadcast %add3A_289 : f32 to vector<256x1xf32>
    %add3A_291 = arith.addf %sub3A, %add3A_290 : vector<256x1xf32>
    %rsqrt3A = math.rsqrt %add3A_291 : vector<256x1xf32>
    %mul3A_292 = arith.mulf %get3A_288, %rsqrt3A : vector<256x1xf32>
    %get3A_293 = arith.constant 0 : index
    %get3A_294 = arith.constant 0 : index
    %get3A_295 = vector.load %arg10[%get3A_293, %get3A_294] : memref<256x1xf32, #tpu.memory_space<vmem>>, vector<256x1xf32>
    %mul3A_296 = arith.mulf %mul3A_281, %mul3A_292 : vector<256x1xf32>
    %sub3A_297 = arith.subf %get3A_295, %mul3A_296 : vector<256x1xf32>
    %get3A_298 = arith.constant 0 : index
    %get3A_299 = arith.constant 0 : index
    %get3A_300 = arith.constant 0 : index
    %get3A_301 = vector.load %arg12[%get3A_298, %get3A_299, %get3A_300] : memref<4x256x576xf32, #tpu.memory_space<vmem>>, vector<1x256x576xf32>
    %get3A_302 = vector.shape_cast %get3A_301 : vector<1x256x576xf32> to vector<256x576xf32>
    %mul3A_303 = vector.broadcast %mul3A_292 : vector<256x1xf32> to vector<256x576xf32>
    %mul3A_304 = arith.mulf %get3A_302, %mul3A_303 : vector<256x576xf32>
    %add3A_305 = vector.broadcast %sub3A_297 : vector<256x1xf32> to vector<256x576xf32>
    %add3A_306 = arith.addf %mul3A_304, %add3A_305 : vector<256x576xf32>
    %max3A = arith.constant 0.000000e+00 : f32
    %max3A_307 = vector.broadcast %max3A : f32 to vector<256x576xf32>
    %max3A_308 = arith.maximumf %add3A_306, %max3A_307 : vector<256x576xf32>
    %swap3A_309 = arith.constant 0 : index
    %swap3A_310 = arith.constant 0 : index
    %swap3A_311 = arith.constant 0 : index
    %swap3A_312 = vector.load %arg11[%swap3A_309, %swap3A_310, %swap3A_311] : memref<4x256x576xf32, #tpu.memory_space<vmem>>, vector<1x256x576xf32>
    %swap3A_313 = vector.shape_cast %swap3A_312 : vector<1x256x576xf32> to vector<256x576xf32>
    %swap3A_314 = vector.shape_cast %max3A_308 : vector<256x576xf32> to vector<1x256x576xf32>
    tpu.vector_store %arg11[%swap3A_309, %swap3A_310, %swap3A_311], %swap3A_314 {strides = array<i32>} : memref<4x256x576xf32, #tpu.memory_space<vmem>>, vector<1x256x576xf32>,
    %get3A_315 = arith.constant 1 : index
    %get3A_316 = arith.constant 0 : index
    %get3A_317 = arith.constant 0 : index
    %get3A_318 = vector.load %arg12[%get3A_315, %get3A_316, %get3A_317] : memref<4x256x576xf32, #tpu.memory_space<vmem>>, vector<1x256x576xf32>
    %get3A_319 = vector.shape_cast %get3A_318 : vector<1x256x576xf32> to vector<256x576xf32>
    %mul3A_320 = vector.broadcast %mul3A_292 : vector<256x1xf32> to vector<256x576xf32>
    %mul3A_321 = arith.mulf %get3A_319, %mul3A_320 : vector<256x576xf32>
    %add3A_322 = vector.broadcast %sub3A_297 : vector<256x1xf32> to vector<256x576xf32>
    %add3A_323 = arith.addf %mul3A_321, %add3A_322 : vector<256x576xf32>
    %max3A_324 = arith.constant 0.000000e+00 : f32
    %max3A_325 = vector.broadcast %max3A_324 : f32 to vector<256x576xf32>
    %max3A_326 = arith.maximumf %add3A_323, %max3A_325 : vector<256x576xf32>
    %swap3A_327 = arith.constant 1 : index
    %swap3A_328 = arith.constant 0 : index
    %swap3A_329 = arith.constant 0 : index
    %swap3A_330 = vector.load %arg11[%swap3A_327, %swap3A_328, %swap3A_329] : memref<4x256x576xf32, #tpu.memory_space<vmem>>, vector<1x256x576xf32>
    %swap3A_331 = vector.shape_cast %swap3A_330 : vector<1x256x576xf32> to vector<256x576xf32>
    %swap3A_332 = vector.shape_cast %max3A_326 : vector<256x576xf32> to vector<1x256x576xf32>
    tpu.vector_store %arg11[%swap3A_327, %swap3A_328, %swap3A_329], %swap3A_332 {strides = array<i32>} : memref<4x256x576xf32, #tpu.memory_space<vmem>>, vector<1x256x576xf32>,
    %get3A_333 = arith.constant 2 : index
    %get3A_334 = arith.constant 0 : index
    %get3A_335 = arith.constant 0 : index
    %get3A_336 = vector.load %arg12[%get3A_333, %get3A_334, %get3A_335] : memref<4x256x576xf32, #tpu.memory_space<vmem>>, vector<1x256x576xf32>
    %get3A_337 = vector.shape_cast %get3A_336 : vector<1x256x576xf32> to vector<256x576xf32>
    %mul3A_338 = vector.broadcast %mul3A_292 : vector<256x1xf32> to vector<256x576xf32>
    %mul3A_339 = arith.mulf %get3A_337, %mul3A_338 : vector<256x576xf32>
    %add3A_340 = vector.broadcast %sub3A_297 : vector<256x1xf32> to vector<256x576xf32>
    %add3A_341 = arith.addf %mul3A_339, %add3A_340 : vector<256x576xf32>
    %max3A_342 = arith.constant 0.000000e+00 : f32
    %max3A_343 = vector.broadcast %max3A_342 : f32 to vector<256x576xf32>
    %max3A_344 = arith.maximumf %add3A_341, %max3A_343 : vector<256x576xf32>
    %swap3A_345 = arith.constant 2 : index
    %swap3A_346 = arith.constant 0 : index
    %swap3A_347 = arith.constant 0 : index
    %swap3A_348 = vector.load %arg11[%swap3A_345, %swap3A_346, %swap3A_347] : memref<4x256x576xf32, #tpu.memory_space<vmem>>, vector<1x256x576xf32>
    %swap3A_349 = vector.shape_cast %swap3A_348 : vector<1x256x576xf32> to vector<256x576xf32>
    %swap3A_350 = vector.shape_cast %max3A_344 : vector<256x576xf32> to vector<1x256x576xf32>
    tpu.vector_store %arg11[%swap3A_345, %swap3A_346, %swap3A_347], %swap3A_350 {strides = array<i32>} : memref<4x256x576xf32, #tpu.memory_space<vmem>>, vector<1x256x576xf32>,
    %get3A_351 = arith.constant 3 : index
    %get3A_352 = arith.constant 0 : index
    %get3A_353 = arith.constant 0 : index
    %get3A_354 = vector.load %arg12[%get3A_351, %get3A_352, %get3A_353] : memref<4x256x576xf32, #tpu.memory_space<vmem>>, vector<1x256x576xf32>
    %get3A_355 = vector.shape_cast %get3A_354 : vector<1x256x576xf32> to vector<256x576xf32>
    %mul3A_356 = vector.broadcast %mul3A_292 : vector<256x1xf32> to vector<256x576xf32>
    %mul3A_357 = arith.mulf %get3A_355, %mul3A_356 : vector<256x576xf32>
    %add3A_358 = vector.broadcast %sub3A_297 : vector<256x1xf32> to vector<256x576xf32>
    %add3A_359 = arith.addf %mul3A_357, %add3A_358 : vector<256x576xf32>
    %max3A_360 = arith.constant 0.000000e+00 : f32
    %max3A_361 = vector.broadcast %max3A_360 : f32 to vector<256x576xf32>
    %max3A_362 = arith.maximumf %add3A_359, %max3A_361 : vector<256x576xf32>
    %swap3A_363 = arith.constant 3 : index
    %swap3A_364 = arith.constant 0 : index
    %swap3A_365 = arith.constant 0 : index
    %swap3A_366 = vector.load %arg11[%swap3A_363, %swap3A_364, %swap3A_365] : memref<4x256x576xf32, #tpu.memory_space<vmem>>, vector<1x256x576xf32>
    %swap3A_367 = vector.shape_cast %swap3A_366 : vector<1x256x576xf32> to vector<256x576xf32>
    %swap3A_368 = vector.shape_cast %max3A_362 : vector<256x576xf32> to vector<1x256x576xf32>
    tpu.vector_store %arg11[%swap3A_363, %swap3A_364, %swap3A_365], %swap3A_368 {strides = array<i32>} : memref<4x256x576xf32, #tpu.memory_space<vmem>>, vector<1x256x576xf32>,
    return
  }
}

</mosaic_0001>

<sc_bundles>
// kernel: kernel.10.cloned.1.call-start
scs
__scs_entry_jumppad:
0x0: {  	(pc) =	sbr.rel $0x88, $3  }
0x1: {  	(tag) =	ssettag $0x0;
	lr =	simm.s32 $0x1  }
0x2: {  	[smem:$0x3F98] =	sst lr;
	_ =	strace $0xD0000000  }
0x3: {  	_ = 	snop  }
0x4: {  	_ = 	snop  }
0x5: {  	_ = 	snop  }
0x6: {  	_ = 	snop  }
0x7: {  	_ = 	snop  }
__scs_overlays_trampoline_lowered:
0x8: {  	[smem:$0x3FA7] =	sst s0  }
0x9: {  	[smem:$0x3FA8] =	sst s1  }
0xa: {  	[smem:$0x3FA9] =	sst s2  }
0xb: {  	[smem:$0x3FAA] =	sst s3  }
0xc: {  	[smem:$0x3FAB] =	sst s4  }
0xd: {  	[smem:$0x3FAC] =	sst s5  }
0xe: {  	[smem:$0x3FAD] =	sst s6  }
0xf: {  	[smem:$0x3FAE] =	sst s7  }
0x10: {  	[smem:$0x3FAF] =	sst s8  }
0x11: {  	[smem:$0x3FB0] =	sst s9;
	s0 =	simm.s32 @!p0 $0x0  }
0x12: {  	s1 =	sld [smem:$0x3F96];
	s0 =	simm.s32 @p0 $0x1  }
0x13: {  	[smem:$0x3FB1] =	sst s0;
	s0 =	simm.s32 @!p1 $0x0  }
0x14: {  	s2 =	sld [smem:$0x3F95];
	s0 =	simm.s32 @p1 $0x1  }
0x15: {  	[smem:$0x3FB2] =	sst s0;
	s0 =	simm.s32 @!p2 $0x0  }
0x16: {  	s3 =	sld [smem:$0x3FDB];
	s0 =	simm.s32 @p2 $0x1  }
0x17: {  	s4 =	simm.s32 $0x1BF5;
	[smem:$0x3FB4] =	sst s0  }
0x18: {  	s0 =	sld [smem:$0x3F97];
	_ =	swait.ge [sflag:s4], $0x0  }
0x19: {  	s7 =	sld [smem:$0x3F98]  }
0x1a: {  	s8 =	sadd.s32 $0xFFFFE003, lr  }
0x1b: {  	s9 =	sadd.s32 $0xFFFFFEF7, lr;
	s5 =	simm.s32 $0xFFFFFFFF;
	p2 =	slt.u32 s8, $0xFFFFF086  }
0x1c: {  	p1 =	slt.u32 s9, $0xF7A;
	s5 =	simm.s32 @!p2 $0x0  }
0x1d: {  	s5 =	simm.s32 @p1 $0x1;
	p0 =	seq.s32 s7, s2  }
0x1e: {  	s7 =	smul.u32 @!p0 $0xF7A, s2;
	p2 =	seq.s32 @!p0 s5, $0x0  }
0x1f: {  	s9 =	smul.u32 $0xF7A, s1;
	s8 =	simm.s32 @!p0 $0x1BF5;
	p2 =	por !p2, p0  }
0x20: {  	[sflag:s8] =	ssyncset.s32 @!p0 $0xFFFFF086;
	s6 =	sadd.s32 @!p0 s3, s7;
	s7 =	simm.s32 @!p0 $0x108  }
0x21: {  	s3 =	sadd.s32 s3, s9;
	s6 =	sadd.s32 @!p0 $0x88, s6;
	s7 =	simm.s32 @p2 $0x1082  }
0x22: {  	[simem:s7], [sflag:s8] =	dma.local @!p0 [hbm:s6], $0xF7A  }
0x23: {  	s9 =	sor.u32 $0xD0000000, s2;
	s6 =	simm.s32 $0x108;
	_ =	swait.ge @!p0 [sflag:s8], $0x0  }
0x24: {  	s3 =	sadd.s32 $0x88, s3;
	s6 =	simm.s32 @!p1 $0x1082;
	[sflag:s4] =	ssyncset.s32 $0xFFFFF086  }
0x25: {  	[simem:s6], [sflag:s4] =	dma.local [hbm:s3], $0xF7A  }
0x26: {  	[smem:$0x3F98] =	sst s1;
	(tag) =	ssettag s2;
	_ =	strace s9  }
0x27: {  	s1 =	sld [smem:$0x3FA8]  }
0x28: {  	s2 =	sld [smem:$0x3FA9]  }
0x29: {  	s4 =	sld [smem:$0x3FAB]  }
0x2a: {  	p0 =	seq.s32 s5, $0x0;
	s5 =	sld [smem:$0x3FAC]  }
0x2b: {  	s6 =	sld [smem:$0x3FAD]  }
0x2c: {  	s7 =	sld [smem:$0x3FAE]  }
0x2d: {  	s3 =	simm.s32 $0x108;
	s8 =	sld [smem:$0x3FAF]  }
0x2e: {  	s3 =	simm.s32 @!p0 $0x1082;
	s9 =	sld [smem:$0x3FB0]  }
0x2f: {  	lr =	sadd.s32 s0, s3;
	s0 =	sld [smem:$0x3FA7]  }
0x30: {  	s3 =	sld [smem:$0x3FAA]  }
0x31: {  	[smem:$0x3FB3] =	sst s10  }
0x32: {  	s10 =	sld [smem:$0x3FB1];
	_ =	sdelay $0x3  }
0x33: {  	p0 =	seq.s32 s10, $0x1;
	s10 =	sld [smem:$0x3FB3];
	_ =	sdelay $0x3  }
0x34: {  	[smem:$0x3FB3] =	sst s10  }
0x35: {  	s10 =	sld [smem:$0x3FB2];
	_ =	sdelay $0x3  }
0x36: {  	p1 =	seq.s32 s10, $0x1;
	s10 =	sld [smem:$0x3FB3];
	_ =	sdelay $0x3  }
0x37: {  	[smem:$0x3FB3] =	sst s10  }
0x38: {  	s10 =	sld [smem:$0x3FB4]  }
0x39: {  	_ = 	snop;
	(pc) =	sbr.ind lr, $3  }
0x3a: {  	_ = 	snop  }
0x3b: {  	_ = 	snop  }
0x3c: {  	p2 =	seq.s32 s10, $0x1;
	s10 =	sld [smem:$0x3FB3]  }
0x3d: {  	_ =	shalt  }
0x3e: {  	_ =	shalt  }
0x3f: {  	_ =	shalt  }
0x40: {  	_ =	shalt  }
0x41: {  	_ =	shalt  }
0x42: {  	_ =	shalt  }
0x43: {  	_ =	shalt  }
0x44: {  	_ =	shalt  }
0x45: {  	_ =	shalt  }
0x46: {  	_ =	shalt  }
0x47: {  	_ =	shalt  }
0x48: {  	_ =	shalt  }
0x49: {  	_ =	shalt  }
0x4a: {  	_ =	shalt  }
0x4b: {  	_ =	shalt  }
0x4c: {  	_ =	shalt  }
0x4d: {  	_ =	shalt  }
0x4e: {  	_ =	shalt  }
0x4f: {  	_ =	shalt  }
0x50: {  	_ =	shalt  }
0x51: {  	_ =	shalt  }
0x52: {  	_ =	shalt  }
0x53: {  	_ =	shalt  }
0x54: {  	_ =	shalt  }
0x55: {  	_ =	shalt  }
0x56: {  	_ =	shalt  }
0x57: {  	_ =	shalt  }
0x58: {  	_ =	shalt  }
0x59: {  	_ =	shalt  }
0x5a: {  	_ =	shalt  }
0x5b: {  	_ =	shalt  }
0x5c: {  	_ =	shalt  }
0x5d: {  	_ =	shalt  }
0x5e: {  	_ =	shalt  }
0x5f: {  	_ =	shalt  }
0x60: {  	_ =	shalt  }
0x61: {  	_ =	shalt  }
0x62: {  	_ =	shalt  }
0x63: {  	_ =	shalt  }
0x64: {  	_ =	shalt  }
0x65: {  	_ =	shalt  }
0x66: {  	_ =	shalt  }
0x67: {  	_ =	shalt  }
0x68: {  	_ =	shalt  }
0x69: {  	_ =	shalt  }
0x6a: {  	_ =	shalt  }
0x6b: {  	_ =	shalt  }
0x6c: {  	_ =	shalt  }
0x6d: {  	_ =	shalt  }
0x6e: {  	_ =	shalt  }
0x6f: {  	_ =	shalt  }
0x70: {  	_ =	shalt  }
0x71: {  	_ =	shalt  }
0x72: {  	_ =	shalt  }
0x73: {  	_ =	shalt  }
0x74: {  	_ =	shalt  }
0x75: {  	_ =	shalt  }
0x76: {  	_ =	shalt  }
0x77: {  	_ =	shalt  }
0x78: {  	_ =	shalt  }
0x79: {  	_ =	shalt  }
0x7a: {  	_ =	shalt  }
0x7b: {  	_ =	shalt  }
0x7c: {  	_ =	shalt  }
0x7d: {  	_ =	shalt  }
0x7e: {  	_ =	shalt  }
0x7f: {  	_ =	shalt  }
0x80: {  	_ =	shalt  }
0x81: {  	_ =	shalt  }
0x82: {  	_ =	shalt  }
0x83: {  	_ =	shalt  }
0x84: {  	_ =	shalt  }
0x85: {  	_ =	shalt  }
0x86: {  	_ =	shalt  }
0x87: {  	_ =	shalt  }
.Lfunc_end0:
.L_simem_size_0:
called_computation.1_lowered:
.L_overlay_start_0:
0x88: {  	s2 =	sld [smem:$0x3FD9]  }
0x89: {  	s3 =	sld [smem:$0x3FFE];
	_ =	sdelay $0x1  }
0x8a: {  	s1 =	srdreg.scid  }
0x8b: {  	s0 =	sand.u32 $0x1, s1  }
0x8c: {  	s17 =	sshll.u32 s0, $0xA;
	s2 =	sadd.s32 s3, s2  }
0x8d: {  	s2 =	sadd.s32 s2, s17  }
0x8e: {  	[smem:$0x3FBF] =	sst s2  }
0x8f: {  	_ = 	snop  }
0x90: {  	s18 =	sld [smem:$0x3FD0];
	(tm) =	ssettm $0x1  }
0x91: {  	s19 =	sld [smem:$0x3FFB];
	_ =	sdelay $0x3  }
0x92: {  	_ =	strace s19  }
0x93: {  	s2 =	sld [smem:$0x3FFC];
	_ =	sdelay $0x3  }
0x94: {  	_ =	strace s2  }
0x95: {  	s2 =	sld [smem:$0x3FFD];
	_ =	sdelay $0x3  }
0x96: {  	_ =	strace s2  }
0x97: {  	_ =	strace $0x8FFFFFFF  }
0x98: {  	s20 =	sld [smem:$0x3FDB];
	_ =	sdelay $0x1  }
0x99: {  	s4 =	simm.s32 $_scs_section_size  }
0x9a: {  	s5 =	simm.s32 $_size__tile_overlayer_lowered;
	s6 =	simm.s32 $_tile_overlayer_lowered  }
0x9b: {  	s7 =	simm.s32 $0x1BFF;
	s21 =	sshll.u32 s6, $0x1;
	s4 =	sadd.s32 s4, s20  }
0x9c: {  	s22 =	simm.s32 $0x0;
	s5 =	sshll.u32 s5, $0x1;
	s6 =	sadd.s32 s21, s4  }
0x9d: {  	[timem:s22], [sflag:s7] =	dma.local [hbm:s6], s5  }
0x9e: {  	_ =	swait.ge [sflag:s7], s5  }
0x9f: {  	s5 =	ssub.s32 $0x0, s5;
	[sflag:s7] =	ssyncset.done $0x0  }
0xa0: {  	[sflag:s7] =	ssyncadd.s32 s5;
	_ =	sdelay $0x1  }
0xa1: {  	s23 =	simm.s32 $0x1B8B  }
0xa2: {  	_ =	swait.ge [sflag:s23], $0x1  }
0xa3: {  	[sflag:s23] =	ssyncset.done $0x0  }
0xa4: {  	[sflag:s23] =	ssyncadd.s32 $0xFFFFFFFF  }
0xa5: {  	s5 =	sld [smem:$0x0]  }
0xa6: {  	s6 =	sand.u32 $0xFFFFFFFE, s1  }
0xa7: {  	p0 =	sne.s32 s1, s6  }
0xa8: {  	s6 =	sshll.u32 @p0 s6, $0xE  }
0xa9: {  	s6 =	sadd.s32 @p0 $0x11B8D, s6;
	s7 =	sshll.u32 @p0 s5, $0x11  }
0xaa: {  	s6 =	sor.u32 @p0 s7, s6  }
0xab: {  	[sflag:s6] =	ssyncadd.remote.s32 @p0 $0x1;
	_ =	sdelay $0x1  }
0xac: {  	s6 =	simm.s32 @p0 $0x1B8D  }
0xad: {  	_ =	swait.eq @p0 [sflag:s6], $0x1  }
0xae: {  	[sflag:s6] =	ssyncadd.s32 @p0 $0xFFFFFFFF  }
0xaf: {  	s7 =	sshll.u32 @!p0 s1, $0xE  }
0xb0: {  	s7 =	sor.u32 @!p0 $0x4000, s7;
	s6 =	simm.s32 @!p0 $0x1B8D  }
0xb1: {  	s5 =	sshll.u32 @!p0 s5, $0x11;
	s7 =	sadd.s32 @!p0 $0x11B8D, s7;
	_ =	swait.eq @!p0 [sflag:s6], $0x1  }
0xb2: {  	s5 =	sor.u32 @!p0 s5, s7;
	[sflag:s6] =	ssyncadd.s32 @!p0 $0xFFFFFFFF  }
0xb3: {  	s25 =	simm.s32 $0x1B8E;
	s24 =	sld [smem:$0x3FFE];
	[sflag:s5] =	ssyncadd.remote.s32 @!p0 $0x1  }
0xb4: {  	s26 =	simm.s32 $execute0_lowered;
	[smem:$0x3FD2] =	sst s25  }
0xb5: {  	s6 =	sshll.u32 s26, $0x1;
	_ =	strace $0x80000049;
	[dreg:$0x1] =	wrdreg $0xFFFFFFFF  }
0xb6: {  	s28 =	simm.s32 $_size_execute0_lowered;
	s4 =	sadd.s32 s4, s6;
	[dreg:$0x0] =	wrdreg $0x0  }
0xb7: {  	s6 =	sshll.u32 s28, $0x1;
	[dreg:$0x2] =	wrdreg s4  }
0xb8: {  	[dreg:$0x3] =	wrdreg s6  }
0xb9: {  	[dreg:$0x4] =	wrdreg $0xC0  }
0xba: {  	_ =	task [dreg:s22], $0x5FFFF  }
0xbb: {  	[dreg:$0x1] =	wrdreg $0xFFFFFFFF  }
0xbc: {  	[dreg:$0x0] =	wrdreg $0x60  }
0xbd: {  	[dreg:$0x2] =	wrdreg s24  }
0xbe: {  	[dreg:$0x3] =	wrdreg s18  }
0xbf: {  	[dreg:$0x4] =	wrdreg $0xA  }
0xc0: {  	_ =	task.clear_ibuf [dreg:s22], $0x5FFFF;
	_ =	strace $0x90000049  }
0xc1: {  	s29 =	simm.s32 $0xA;
	_ =	strace $0x8000004B  }
0xc2: {  	_ =	swait.ge [sflag:s29], $0x1  }
0xc3: {  	[sflag:s29] =	ssyncadd.s32 $0xFFFFFFFF  }
0xc4: {  	_ =	strace $0x9000004B  }
0xc5: {  	_ =	sfence  }
0xc6: {  	s30 =	sld [smem:$0x0];
	_ =	sdelay $0x2  }
0xc7: {  	s31 =	sshll.u32 s1, $0xD;
	s1 =	sshrl.u32 s1, $0x2  }
0xc8: {  	s4 =	sand.u32 $0x4000, s31;
	s1 =	sadd.s32 s1, s30  }
0xc9: {  	s0 =	sor.u32 s4, s0;
	s1 =	sshll.u32 s1, $0x11  }
0xca: {  	s0 =	sor.u32 s1, s0  }
0xcb: {  	s0 =	sadd.s32 $0x8F2B, s0  }
0xcc: {  	[sflag:s0] =	ssyncadd.remote.s32 $0x1  }
0xcd: {  	_ =	sfence.sel $0xFFFF  }
0xce: {  	[dreg:$0x0] =	wrdreg $0xFFFFFFFF;
	(pc) =	sbr.abs _section_cstart, $3  }
0xcf: {  	[dreg:$0x1] =	wrdreg $0xFFFFFFFF  }
0xd0: {  	_ =	task.clear_ibuf [dreg:s22], $0x2FFFF;
	_ =	strace $0x9FFFFFFF  }
0xd1: {  	(tm) =	ssettm $0x7FFFFFFF  }
tec
execute0_lowered:
.L_overlay_start_1:
0x0: {  	(tag) =	ssettag $0x1  }
0x1: {  	s3 =	rddreg [dreg:$0x0]  }
0x2: {  	s1 =	srdreg.scid;
	s0 =	stileid.u32  }
0x3: {  	s4 =	rddreg [dreg:$0x1];
	s5 =	sand.u32 $0x1, s1;
	s2 =	sshll.u32 s0, $0x1  }
0x4: {  	s1 =	rddreg [dreg:$0x2];
	s6 =	sor.u32 s5, s2  }
0x5: {  	s2 =	simm.s32 $0x0;
	s5 =	ssub.s32 $0x2, s5;
	s7 =	smul.u32 $0x1200, s6  }
0x6: {  	v0 =	vlaneseq.u32;
	[smem:$0x7FF] =	sst s2;
	s8 =	sshrl.u32 s5, $0x1;
	s6 =	smul.u32 $0x300, s6  }
0x7: {  	v0 =	vmul.u32 $0xFFFFFFFF, v0;
	_ =	strace $0x8000004A;
	s5 =	ssub.s32 s5, s8;
	s8 =	simm.s32 $0x0  }
0x8: {  	s3 =	sadd.s32 s7, s3;
	s4 =	sadd.s32 s4, s6;
	s5 =	smax.u32 s5, $0x1  }
0x9: {  	v0 =	vadd.s32 $0xF, v0;
	s6 =	simm.s32 $0x1;
	s7 =	simm.s32 $0x9000;
	s3 =	sadd.s32 $0x2DC00, s3  }
.LBB2_1:
0xa: {  	[tilespmem:s2], [sflag:$0x1] =	stream.linear.gather [hbm4b:s3+s2], $0x9000, $0x38;
	[tilespmem:$0xA800] =	vst v63  }
0xb: {  	_ =	swait.ge [sflag:s6], $0x9000  }
0xc: {  	s9 =	simm.s32 $0x9080;
	[sflag:s6] =	ssyncset.done $0x0  }
0xd: {  	s10 =	simm.s32 $0x0;
	s11 =	simm.s32 $0x0;
	[sflag:s6] =	ssyncadd.s32 $0xFFFF7000  }
.LBB2_2:
0xe: {  	s12 =	sshrl.u32 s11, $0x2  }
0xf: {  	s12 =	smul.u32 $0x6000, s12;
	_ =	sdelay $0x1  }
0x10: {  	s17 =	sand.u32 $0x300, s10;
	s13 =	sshra.s32 s12, $0x2  }
0x11: {  	s14 =	sor.u32 s17, s13  }
0x12: {  	v1 =	vld [tilespmem:s14+$0x0]  }
0x13: {  	v2 =	vld [tilespmem:s14+$0x10]  }
0x14: {  	v3 =	vld [tilespmem:s14+$0x20]  }
0x15: {  	v4 =	vld [tilespmem:s14+$0x30]  }
0x16: {  	v5 =	vld [tilespmem:s14+$0x40]  }
0x17: {  	v6 =	vld [tilespmem:s14+$0x50];
	(xrf1) =	vsort.ascd.msk.f32 $0xffff, v1, v1  }
0x18: {  	v1 =	vld [tilespmem:s14+$0x60];
	(xrf1) =	vsort.ascd.msk.f32 $0xffff, v2, v2  }
0x19: {  	v2 =	vld [tilespmem:s14+$0x70];
	(xrf1) =	vsort.ascd.msk.f32 $0xffff, v3, v3  }
0x1a: {  	v3 =	vld [tilespmem:s14+$0x400];
	(xrf1) =	vsort.ascd.msk.f32 $0xffff, v4, v4  }
0x1b: {  	v35 =	vld [tilespmem:s14+$0x410];
	(xrf1) =	vsort.ascd.msk.f32 $0xffff, v5, v5  }
0x1c: {  	v36 =	vld [tilespmem:s14+$0x420];
	(xrf1) =	vsort.ascd.msk.f32 $0xffff, v6, v6  }
0x1d: {  	v37 =	vld [tilespmem:s14+$0x430];
	(xrf1) =	vsort.ascd.msk.f32 $0xffff, v1, v1  }
0x1e: {  	v1 =	vld [tilespmem:s14+$0x440];
	(xrf1) =	vsort.ascd.msk.f32 $0xffff, v2, v2  }
0x1f: {  	v2 =	vld [tilespmem:s14+$0x450];
	(xrf1) =	vsort.ascd.msk.f32 $0xffff, v3, v3  }
0x20: {  	s12 =	sadd.s32 $0x800, s13;
	v3 =	vld [tilespmem:s14+$0x460];
	(xrf1) =	vsort.ascd.msk.f32 $0xffff, v35, v35  }
0x21: {  	v38 =	vld [tilespmem:s14+$0x470];
	s15 =	sor.u32 s17, s12;
	(xrf1) =	vsort.ascd.msk.f32 $0xffff, v36, v36  }
0x22: {  	v39 =	vld [tilespmem:s15+$0x0];
	(xrf1) =	vsort.ascd.msk.f32 $0xffff, v37, v37  }
0x23: {  	v40 =	vld [tilespmem:s15+$0x10];
	(xrf1) =	vsort.ascd.msk.f32 $0xffff, v1, v1  }
0x24: {  	v1 =	vld [tilespmem:s15+$0x20];
	(xrf1) =	vsort.ascd.msk.f32 $0xffff, v2, v2  }
0x25: {  	v2 =	vld [tilespmem:s15+$0x30];
	v7, _, _ =	vpop (xrf1);
	(xrf1) =	vsort.ascd.msk.f32 $0xffff, v3, v3  }
0x26: {  	v3 =	vld [tilespmem:s15+$0x40];
	v8, _, _ =	vpop (xrf1);
	(xrf1) =	vsort.ascd.msk.f32 $0xffff, v38, v38  }
0x27: {  	v41 =	vld [tilespmem:s15+$0x50];
	v9, _, _ =	vpop (xrf1);
	(xrf1) =	vsort.ascd.msk.f32 $0xffff, v39, v39  }
0x28: {  	s24 =	sadd.s32 $0xC00, s13;
	v42 =	vld [tilespmem:s15+$0x60];
	v10, _, _ =	vpop (xrf1);
	(xrf1) =	vsort.ascd.msk.f32 $0xffff, v40, v40  }
0x29: {  	s16 =	sor.u32 s17, s24;
	v43 =	vld [tilespmem:s15+$0x70];
	v11, _, _ =	vpop (xrf1);
	(xrf1) =	vsort.ascd.msk.f32 $0xffff, v1, v1  }
0x2a: {  	v1 =	vld [tilespmem:s16+$0x0];
	v12, _, _ =	vpop (xrf1);
	(xrf1) =	vsort.ascd.msk.f32 $0xffff, v2, v2  }
0x2b: {  	v2 =	vld [tilespmem:s16+$0x10];
	v13, _, _ =	vpop (xrf1);
	(xrf1) =	vsort.ascd.msk.f32 $0xffff, v3, v3  }
0x2c: {  	v3 =	vld [tilespmem:s16+$0x20];
	v14, _, _ =	vpop (xrf1);
	(xrf1) =	vsort.ascd.msk.f32 $0xffff, v41, v41  }
0x2d: {  	v44 =	vld [tilespmem:s16+$0x30];
	v15, _, _ =	vpop (xrf1);
	(xrf1) =	vsort.ascd.msk.f32 $0xffff, v42, v42  }
0x2e: {  	v45 =	vld [tilespmem:s16+$0x40];
	v16, _, _ =	vpop (xrf1);
	(xrf1) =	vsort.ascd.msk.f32 $0xffff, v43, v43  }
0x2f: {  	v46 =	vld [tilespmem:s16+$0x50];
	v17, _, _ =	vpop (xrf1);
	(xrf1) =	vsort.ascd.msk.f32 $0xffff, v1, v1  }
0x30: {  	s25 =	sadd.s32 $0x1000, s13;
	v1 =	vld [tilespmem:s16+$0x60];
	v18, _, _ =	vpop (xrf1);
	(xrf1) =	vsort.ascd.msk.f32 $0xffff, v2, v2  }
0x31: {  	s18 =	sor.u32 s17, s25;
	v2 =	vld [tilespmem:s16+$0x70];
	v19, _, _ =	vpop (xrf1);
	(xrf1) =	vsort.ascd.msk.f32 $0xffff, v3, v3  }
0x32: {  	v3 =	vld [tilespmem:s18+$0x0];
	v20, _, _ =	vpop (xrf1);
	(xrf1) =	vsort.ascd.msk.f32 $0xffff, v44, v44  }
0x33: {  	v47 =	vld [tilespmem:s18+$0x10];
	v21, _, _ =	vpop (xrf1);
	(xrf1) =	vsort.ascd.msk.f32 $0xffff, v45, v45  }
0x34: {  	v48 =	vld [tilespmem:s18+$0x20];
	v22, _, _ =	vpop (xrf1);
	(xrf1) =	vsort.ascd.msk.f32 $0xffff, v46, v46  }
0x35: {  	v49 =	vld [tilespmem:s18+$0x30];
	v23, _, _ =	vpop (xrf1);
	(xrf1) =	vsort.ascd.msk.f32 $0xffff, v1, v1  }
0x36: {  	v1 =	vld [tilespmem:s18+$0x40];
	v24, _, _ =	vpop (xrf1);
	(xrf1) =	vsort.ascd.msk.f32 $0xffff, v2, v2  }
0x37: {  	v2 =	vld [tilespmem:s18+$0x50];
	v25, _, _ =	vpop (xrf1);
	(xrf1) =	vsort.ascd.msk.f32 $0xffff, v3, v3  }
0x38: {  	s26 =	sadd.s32 $0x1400, s13;
	v3 =	vld [tilespmem:s18+$0x60];
	v26, _, _ =	vpop (xrf1);
	(xrf1) =	vsort.ascd.msk.f32 $0xffff, v47, v47  }
0x39: {  	s17 =	sor.u32 s17, s26;
	v50 =	vld [tilespmem:s18+$0x70];
	v27, _, _ =	vpop (xrf1);
	(xrf1) =	vsort.ascd.msk.f32 $0xffff, v48, v48  }
0x3a: {  	v51 =	vld [tilespmem:s17+$0x0];
	v28, _, _ =	vpop (xrf1);
	(xrf1) =	vsort.ascd.msk.f32 $0xffff, v49, v49  }
0x3b: {  	v52 =	vld [tilespmem:s17+$0x10];
	v29, _, _ =	vpop (xrf1);
	(xrf1) =	vsort.ascd.msk.f32 $0xffff, v1, v1  }
0x3c: {  	v1 =	vld [tilespmem:s17+$0x20];
	v30, _, _ =	vpop (xrf1);
	(xrf1) =	vsort.ascd.msk.f32 $0xffff, v2, v2  }
0x3d: {  	v2 =	vld [tilespmem:s17+$0x30];
	v31, _, _ =	vpop (xrf1);
	(xrf1) =	vsort.ascd.msk.f32 $0xffff, v3, v3  }
0x3e: {  	v3 =	vld [tilespmem:s17+$0x40];
	v32, _, _ =	vpop (xrf1);
	(xrf1) =	vsort.ascd.msk.f32 $0xffff, v50, v50  }
0x3f: {  	v53 =	vld [tilespmem:s17+$0x50];
	v33, _, _ =	vpop (xrf1);
	(xrf1) =	vsort.ascd.msk.f32 $0xffff, v51, v51  }
0x40: {  	v54 =	vld [tilespmem:s17+$0x60];
	v34, _, _ =	vpop (xrf1);
	(xrf1) =	vsort.ascd.msk.f32 $0xffff, v52, v52  }
0x41: {  	v55 =	vld [tilespmem:s17+$0x70];
	v35, _, _ =	vpop (xrf1);
	(xrf1) =	vsort.ascd.msk.f32 $0xffff, v1, v1  }
0x42: {  	v36, _, _ =	vpop (xrf1);
	(xrf1) =	vsort.ascd.msk.f32 $0xffff, v2, v2  }
0x43: {  	v37, _, _ =	vpop (xrf1);
	(xrf1) =	vsort.ascd.msk.f32 $0xffff, v3, v3  }
0x44: {  	v1 =	vperm.xlane v8, v0;
	v38, _, _ =	vpop (xrf1);
	(xrf1) =	vsort.ascd.msk.f32 $0xffff, v53, v53  }
0x45: {  	v8, _, _ =	vpop (xrf1);
	(xrf1) =	vsort.ascd.msk.f32 $0xffff, v54, v54  }
0x46: {  	v2 =	vmin.f32 v7, v1;
	v3 =	vperm.xlane v10, v0;
	v39, _, _ =	vpop (xrf1);
	(xrf1) =	vsort.ascd.msk.f32 $0xffff, v55, v55  }
0x47: {  	v1 =	vmax.f32 v7, v1;
	v10, _, _ =	vpop (xrf1);
	(xrf1) =	vsort.ascd.msk.f32 $0xffff, v2, v2  }
0x48: {  	v2 =	vperm.xlane v12, v0;
	v40, _, _ =	vpop (xrf1);
	(xrf1) =	vsort.ascd.msk.f32 $0xffff, v1, v1;
	v1 =	vmin.f32 v9, v3  }
0x49: {  	v12, _, _ =	vpop (xrf1);
	(xrf1) =	vsort.ascd.msk.f32 $0xffff, v1, v1;
	v1 =	vmax.f32 v9, v3  }
0x4a: {  	v3 =	vperm.xlane v14, v0;
	v9, _, _ =	vpop (xrf1);
	(xrf1) =	vsort.ascd.msk.f32 $0xffff, v1, v1;
	v1 =	vmin.f32 v11, v2  }
0x4b: {  	v14, _, _ =	vpop (xrf1);
	(xrf1) =	vsort.ascd.msk.f32 $0xffff, v1, v1;
	v1 =	vmax.f32 v11, v2  }
0x4c: {  	v16 =	vperm.xlane v16, v0;
	v11, _, _ =	vpop (xrf1);
	(xrf1) =	vsort.ascd.msk.f32 $0xffff, v1, v1;
	v1 =	vmin.f32 v13, v3  }
0x4d: {  	v41, _, _ =	vpop (xrf1);
	(xrf1) =	vsort.ascd.msk.f32 $0xffff, v1, v1;
	v1 =	vmax.f32 v13, v3  }
0x4e: {  	v13, _, _ =	vpop (xrf1);
	(xrf1) =	vsort.ascd.msk.f32 $0xffff, v1, v1;
	v1 =	vmin.f32 v15, v16  }
0x4f: {  	v42, _, _ =	vpop (xrf1);
	(xrf1) =	vsort.ascd.msk.f32 $0xffff, v1, v1  }
0x50: {  	v43, _, _ =	vpop (xrf1)  }
0x51: {  	v44, _, _ =	vpop (xrf1)  }
0x52: {  	v45, _, _ =	vpop (xrf1)  }
0x53: {  	v4, _, _ =	vpop (xrf1)  }
0x54: {  	v46, _, _ =	vpop (xrf1)  }
0x55: {  	v5, _, _ =	vpop (xrf1)  }
0x56: {  	v6, _, _ =	vpop (xrf1)  }
0x57: {  	v47, _, _ =	vpop (xrf1)  }
0x58: {  	v48, _, _ =	vpop (xrf1)  }
0x59: {  	v2, _, _ =	vpop (xrf1)  }
0x5a: {  	v3, _, _ =	vpop (xrf1)  }
0x5b: {  	v7, _, _ =	vpop (xrf1)  }
0x5c: {  	v18 =	vperm.xlane v18, v0;
	v49, _, _ =	vpop (xrf1)  }
0x5d: {  	v15 =	vmax.f32 v15, v16;
	v1, _, _ =	vpop (xrf1)  }
0x5e: {  	v56 =	vmin.f32 v17, v18;
	v57 =	vperm.xlane v20, v0;
	(xrf1) =	vsort.ascd.msk.f32 $0xffff, v15, v15  }
0x5f: {  	v58 =	vmax.f32 v17, v18;
	(xrf1) =	vsort.ascd.msk.f32 $0xffff, v56, v56  }
0x60: {  	v59 =	vmin.f32 v19, v57;
	v60 =	vperm.xlane v22, v0;
	(xrf1) =	vsort.ascd.msk.f32 $0xffff, v58, v58  }
0x61: {  	v61 =	vmax.f32 v19, v57;
	(xrf1) =	vsort.ascd.msk.f32 $0xffff, v59, v59  }
0x62: {  	v62 =	vmin.f32 v21, v60;
	v63 =	vperm.xlane v24, v0;
	(xrf1) =	vsort.ascd.msk.f32 $0xffff, v61, v61  }
0x63: {  	v19 =	vmax.f32 v21, v60;
	(xrf1) =	vsort.ascd.msk.f32 $0xffff, v62, v62  }
0x64: {  	v20 =	vmin.f32 v23, v63;
	v21 =	vperm.xlane v26, v0;
	(xrf1) =	vsort.ascd.msk.f32 $0xffff, v19, v19  }
0x65: {  	v22 =	vmax.f32 v23, v63;
	(xrf1) =	vsort.ascd.msk.f32 $0xffff, v20, v20  }
0x66: {  	v23 =	vmin.f32 v25, v21;
	v24 =	vperm.xlane v28, v0;
	(xrf1) =	vsort.ascd.msk.f32 $0xffff, v22, v22  }
0x67: {  	v26 =	vmax.f32 v25, v21;
	(xrf1) =	vsort.ascd.msk.f32 $0xffff, v23, v23  }
0x68: {  	v28 =	vmin.f32 v27, v24;
	v30 =	vperm.xlane v30, v0;
	(xrf1) =	vsort.ascd.msk.f32 $0xffff, v26, v26  }
0x69: {  	v50 =	vmax.f32 v27, v24;
	(xrf1) =	vsort.ascd.msk.f32 $0xffff, v28, v28  }
0x6a: {  	v51 =	vmin.f32 v29, v30;
	v52 =	vperm.xlane v32, v0;
	(xrf1) =	vsort.ascd.msk.f32 $0xffff, v50, v50  }
0x6b: {  	v53 =	vmax.f32 v29, v30;
	(xrf1) =	vsort.ascd.msk.f32 $0xffff, v51, v51  }
0x6c: {  	v54 =	vmin.f32 v31, v52;
	v55 =	vperm.xlane v34, v0;
	(xrf1) =	vsort.ascd.msk.f32 $0xffff, v53, v53  }
0x6d: {  	v56 =	vmax.f32 v31, v52;
	v18, _, _ =	vpop (xrf1);
	(xrf1) =	vsort.ascd.msk.f32 $0xffff, v54, v54  }
0x6e: {  	v57 =	vmin.f32 v33, v55;
	v58 =	vperm.xlane v36, v0;
	v16, _, _ =	vpop (xrf1);
	(xrf1) =	vsort.ascd.msk.f32 $0xffff, v56, v56  }
0x6f: {  	v59 =	vmax.f32 v33, v55;
	v20, _, _ =	vpop (xrf1);
	(xrf1) =	vsort.ascd.msk.f32 $0xffff, v57, v57  }
0x70: {  	v60 =	vmin.f32 v35, v58;
	v61 =	vperm.xlane v38, v0;
	v17, _, _ =	vpop (xrf1);
	(xrf1) =	vsort.ascd.msk.f32 $0xffff, v59, v59  }
0x71: {  	v62 =	vmax.f32 v35, v58;
	v22, _, _ =	vpop (xrf1);
	(xrf1) =	vsort.ascd.msk.f32 $0xffff, v60, v60  }
0x72: {  	v63 =	vmin.f32 v37, v61;
	v28 =	vperm.xlane v39, v0;
	v19, _, _ =	vpop (xrf1);
	(xrf1) =	vsort.ascd.msk.f32 $0xffff, v62, v62  }
0x73: {  	v29 =	vmax.f32 v37, v61;
	v24, _, _ =	vpop (xrf1);
	(xrf1) =	vsort.ascd.msk.f32 $0xffff, v63, v63  }
0x74: {  	v31 =	vperm.xlane v40, v0;
	v30 =	vmin.f32 v8, v28;
	v21, _, _ =	vpop (xrf1);
	(xrf1) =	vsort.ascd.msk.f32 $0xffff, v29, v29  }
0x75: {  	v8 =	vmax.f32 v8, v28;
	v26, _, _ =	vpop (xrf1);
	(xrf1) =	vsort.ascd.msk.f32 $0xffff, v30, v30  }
0x76: {  	v9 =	vperm.xlane v9, v0;
	v32 =	vmin.f32 v10, v31;
	v15, _, _ =	vpop (xrf1);
	(xrf1) =	vsort.ascd.msk.f32 $0xffff, v8, v8  }
0x77: {  	v33 =	vmax.f32 v10, v31;
	v23, _, _ =	vpop (xrf1);
	(xrf1) =	vsort.ascd.msk.f32 $0xffff, v32, v32  }
0x78: {  	v34 =	vmin.f32 v12, v9;
	v11 =	vperm.xlane v11, v0;
	v10, _, _ =	vpop (xrf1);
	(xrf1) =	vsort.ascd.msk.f32 $0xffff, v33, v33  }
0x79: {  	v7 =	vperm.xlane v7, v0;
	v35 =	vmax.f32 v12, v9;
	v25, _, _ =	vpop (xrf1);
	(xrf1) =	vsort.ascd.msk.f32 $0xffff, v34, v34  }
0x7a: {  	v36 =	vmin.f32 v14, v11;
	v37 =	vperm.xlane v13, v0;
	v9, _, _ =	vpop (xrf1);
	(xrf1) =	vsort.ascd.msk.f32 $0xffff, v35, v35  }
0x7b: {  	v3 =	vmax.f32 v3, v7;
	v38 =	vmax.f32 v14, v11;
	v13, _, _ =	vpop (xrf1);
	(xrf1) =	vsort.ascd.msk.f32 $0xffff, v36, v36  }
0x7c: {  	v40 =	vperm.xlane v43, v0;
	v39 =	vmin.f32 v41, v37;
	v11, _, _ =	vpop (xrf1);
	(xrf1) =	vsort.ascd.msk.f32 $0xffff, v38, v38  }
0x7d: {  	v41 =	vmax.f32 v41, v37;
	v50 =	vperm.xlane v45, v0;
	v27, _, _ =	vpop (xrf1);
	(xrf1) =	vsort.ascd.msk.f32 $0xffff, v39, v39  }
0x7e: {  	v43 =	vmin.f32 v42, v40;
	v51 =	vmax.f32 v42, v40;
	(xrf1) =	vsort.ascd.msk.f32 $0xffff, v41, v41  }
0x7f: {  	v52 =	vmin.f32 v44, v50;
	v54 =	vperm.xlane v46, v0;
	v12, _, _ =	vpop (xrf1);
	(xrf1) =	vsort.ascd.msk.f32 $0xffff, v43, v43  }
0x80: {  	v53 =	vmax.f32 v44, v50;
	v56 =	vperm.xlane v48, v0;
	v29, _, _ =	vpop (xrf1);
	(xrf1) =	vsort.ascd.msk.f32 $0xffff, v51, v51  }
0x81: {  	v55 =	vmin.f32 v4, v54;
	v57 =	vperm.xlane v47, v0;
	v14, _, _ =	vpop (xrf1);
	(xrf1) =	vsort.ascd.msk.f32 $0xffff, v52, v52  }
0x82: {  	v4 =	vmax.f32 v4, v54;
	v59 =	vmax.f32 v5, v56;
	v30, _, _ =	vpop (xrf1);
	(xrf1) =	vsort.ascd.msk.f32 $0xffff, v53, v53  }
0x83: {  	v60 =	vmax.f32 v6, v57;
	v63 =	vperm.xlane v49, v0;
	v8, _, _ =	vpop (xrf1);
	(xrf1) =	vsort.ascd.msk.f32 $0xffff, v55, v55  }
0x84: {  	v16 =	vperm.xlane v16, v0;
	v62 =	vmin.f32 v59, v60;
	v58, _, _ =	vpop (xrf1);
	(xrf1) =	vsort.ascd.msk.f32 $0xffff, v4, v4  }
0x85: {  	v2 =	vmax.f32 v2, v63;
	v61, _, _ =	vpop (xrf1);
	v4 =	vmax.f32 v59, v60;
	(xrf1) =	vsort.ascd.msk.f32 $0xffff, v62, v62  }
0x86: {  	v38 =	vmin.f32 v2, v3;
	v39 =	vperm.xlane v20, v0;
	v36, _, _ =	vpop (xrf1);
	(xrf1) =	vsort.ascd.msk.f32 $0xffff, v4, v4  }
0x87: {  	v2 =	vmax.f32 v2, v3;
	v37, _, _ =	vpop (xrf1);
	(xrf1) =	vsort.ascd.msk.f32 $0xffff, v38, v38  }
0x88: {  	v1 =	vmax.f32 v1, v39;
	v40, _, _ =	vpop (xrf1);
	(xrf1) =	vsort.ascd.msk.f32 $0xffff, v2, v2;
	v2 =	vmax.f32 v18, v16  }
0x89: {  	v42 =	vperm.xlane v24, v0;
	v43 =	vperm.xlane v19, v0;
	v41 =	vmin.f32 v1, v2  }
0x8a: {  	v3, _, _ =	vpop (xrf1);
	v1 =	vmax.f32 v1, v2;
	(xrf1) =	vsort.ascd.msk.f32 $0xffff, v41, v41  }
0x8b: {  	v44, _, _ =	vpop (xrf1);
	v2 =	vmax.f32 v22, v43;
	(xrf1) =	vsort.ascd.msk.f32 $0xffff, v1, v1;
	v1 =	vmax.f32 v17, v42  }
0x8c: {  	v15 =	vperm.xlane v15, v0;
	v46 =	vperm.xlane v23, v0;
	v7 =	vmin.f32 v1, v2  }
0x8d: {  	v45, _, _ =	vpop (xrf1);
	v1 =	vmax.f32 v1, v2;
	(xrf1) =	vsort.ascd.msk.f32 $0xffff, v7, v7  }
0x8e: {  	v47, _, _ =	vpop (xrf1);
	v2 =	vmax.f32 v26, v15;
	(xrf1) =	vsort.ascd.msk.f32 $0xffff, v1, v1;
	v1 =	vmax.f32 v21, v46  }
0x8f: {  	v9 =	vperm.xlane v9, v0;
	v13 =	vperm.xlane v13, v0;
	v15 =	vmin.f32 v1, v2  }
0x90: {  	v48, _, _ =	vpop (xrf1);
	v1 =	vmax.f32 v1, v2;
	(xrf1) =	vsort.ascd.msk.f32 $0xffff, v15, v15  }
0x91: {  	v49, _, _ =	vpop (xrf1);
	v2 =	vmax.f32 v25, v9;
	(xrf1) =	vsort.ascd.msk.f32 $0xffff, v1, v1;
	v1 =	vmax.f32 v10, v13  }
0x92: {  	v12 =	vperm.xlane v12, v0;
	v51 =	vperm.xlane v29, v0;
	v10 =	vmin.f32 v1, v2  }
0x93: {  	v50, _, _ =	vpop (xrf1);
	v1 =	vmax.f32 v1, v2;
	(xrf1) =	vsort.ascd.msk.f32 $0xffff, v10, v10  }
0x94: {  	v52, _, _ =	vpop (xrf1);
	v2 =	vmax.f32 v27, v12;
	(xrf1) =	vsort.ascd.msk.f32 $0xffff, v1, v1;
	v1 =	vmax.f32 v11, v51  }
0x95: {  	v8 =	vperm.xlane v8, v0;
	v54 =	vperm.xlane v58, v0;
	v53, _, _ =	vpop (xrf1);
	v11 =	vmin.f32 v1, v2  }
0x96: {  	v55, _, _ =	vpop (xrf1);
	v1 =	vmax.f32 v1, v2;
	(xrf1) =	vsort.ascd.msk.f32 $0xffff, v11, v11  }
0x97: {  	v2 =	vmax.f32 v30, v8;
	(xrf1) =	vsort.ascd.msk.f32 $0xffff, v1, v1;
	v1 =	vmax.f32 v14, v54  }
0x98: {  	v4 =	vperm.xlane v37, v0;
	v58 =	vperm.xlane v40, v0;
	v57 =	vmin.f32 v1, v2  }
0x99: {  	v56, _, _ =	vpop (xrf1);
	v1 =	vmax.f32 v1, v2;
	(xrf1) =	vsort.ascd.msk.f32 $0xffff, v57, v57  }
0x9a: {  	v59, _, _ =	vpop (xrf1);
	v2 =	vmax.f32 v36, v4;
	(xrf1) =	vsort.ascd.msk.f32 $0xffff, v1, v1;
	v1 =	vmax.f32 v61, v58  }
0x9b: {  	v5 =	vperm.xlane v45, v0;
	v61 =	vperm.xlane v47, v0;
	v6 =	vmin.f32 v1, v2  }
0x9c: {  	v9 =	vperm.xlane v50, v0;
	v60, _, _ =	vpop (xrf1);
	v1 =	vmax.f32 v1, v2;
	(xrf1) =	vsort.ascd.msk.f32 $0xffff, v6, v6  }
0x9d: {  	v62, _, _ =	vpop (xrf1);
	v2 =	vmax.f32 v44, v5;
	(xrf1) =	vsort.ascd.msk.f32 $0xffff, v1, v1;
	v1 =	vmax.f32 v3, v61  }
0x9e: {  	v63 =	vperm.xlane v52, v0;
	v3, _, _ =	vpop (xrf1);
	v5 =	vmin.f32 v1, v2  }
0x9f: {  	v15, _, _ =	vpop (xrf1);
	v1 =	vmax.f32 v1, v2;
	v2 =	vmax.f32 v49, v9;
	(xrf1) =	vsort.ascd.msk.f32 $0xffff, v5, v5  }
0xa0: {  	v17, _, _ =	vpop (xrf1);
	(xrf1) =	vsort.ascd.msk.f32 $0xffff, v1, v1;
	v1 =	vmax.f32 v48, v63  }
0xa1: {  	v18 =	vperm.xlane v59, v0;
	v8 =	vperm.xlane v56, v0;
	v19, _, _ =	vpop (xrf1);
	v6 =	vmin.f32 v1, v2  }
0xa2: {  	v3 =	vperm.xlane v3, v0;
	v1 =	vmax.f32 v1, v2;
	v2, _, _ =	vpop (xrf1);
	(xrf1) =	vsort.ascd.msk.f32 $0xffff, v6, v6  }
0xa3: {  	v20 =	vmax.f32 v55, v8;
	v21, _, _ =	vpop (xrf1);
	(xrf1) =	vsort.ascd.msk.f32 $0xffff, v1, v1;
	v1 =	vmax.f32 v53, v18  }
0xa4: {  	v22 =	vperm.xlane v15, v0;
	v3 =	vmax.f32 v62, v3;
	v23, _, _ =	vpop (xrf1);
	v8 =	vmin.f32 v1, v20  }
0xa5: {  	v2 =	vperm.xlane v2, v0;
	v1 =	vmax.f32 v1, v20;
	v24, _, _ =	vpop (xrf1);
	(xrf1) =	vsort.ascd.msk.f32 $0xffff, v8, v8  }
0xa6: {  	v25, _, _ =	vpop (xrf1);
	(xrf1) =	vsort.ascd.msk.f32 $0xffff, v1, v1;
	v1 =	vmax.f32 v60, v22  }
0xa7: {  	v7 =	vperm.xlane v21, v0;
	v2 =	vmax.f32 v19, v2;
	v27, _, _ =	vpop (xrf1);
	v26 =	vmin.f32 v1, v3  }
0xa8: {  	v4 =	vperm.xlane v25, v0;
	v1 =	vmax.f32 v1, v3;
	v3, _, _ =	vpop (xrf1);
	(xrf1) =	vsort.ascd.msk.f32 $0xffff, v26, v26  }
0xa9: {  	v28, _, _ =	vpop (xrf1);
	(xrf1) =	vsort.ascd.msk.f32 $0xffff, v1, v1;
	v1 =	vmax.f32 v17, v7  }
0xaa: {  	v29 =	vperm.xlane v27, v0;
	v4 =	vmax.f32 v24, v4;
	v30, _, _ =	vpop (xrf1);
	v7 =	vmin.f32 v1, v2  }
0xab: {  	v1 =	vmax.f32 v1, v2;
	v2, _, _ =	vpop (xrf1);
	v31 =	vperm.xlane v30, v0;
	(xrf1) =	vsort.ascd.msk.f32 $0xffff, v7, v7  }
0xac: {  	v2 =	vperm.xlane v2, v0;
	(xrf1) =	vsort.ascd.msk.f32 $0xffff, v1, v1;
	v1 =	vmax.f32 v23, v29  }
0xad: {  	v6 =	vmin.f32 v1, v4;
	v1 =	vmax.f32 v1, v4  }
0xae: {  	v2 =	vmax.f32 v3, v2;
	v3 =	vmax.f32 v28, v31;
	(xrf1) =	vsort.ascd.msk.f32 $0xffff, v6, v6  }
0xaf: {  	(xrf1) =	vsort.ascd.msk.f32 $0xffff, v1, v1;
	v1 =	vmin.f32 v2, v3  }
0xb0: {  	v32, _, _ =	vpop (xrf1);
	(xrf1) =	vsort.ascd.msk.f32 $0xffff, v1, v1;
	v1 =	vmax.f32 v2, v3;
	_ =	sdelay $0x1  }
0xb1: {  	v2, _, _ =	vpop (xrf1);
	(xrf1) =	vsort.ascd.msk.f32 $0xffff, v1, v1  }
0xb2: {  	v1, _, _ =	vpop (xrf1)  }
0xb3: {  	v3, _, _ =	vpop (xrf1)  }
0xb4: {  	v33, _, _ =	vpop (xrf1)  }
0xb5: {  	v34, _, _ =	vpop (xrf1)  }
0xb6: {  	v35, _, _ =	vpop (xrf1)  }
0xb7: {  	v1 =	vperm.xlane v1, v0;
	v3 =	vperm.xlane v3, v0;
	v36, _, _ =	vpop (xrf1)  }
0xb8: {  	v37, _, _ =	vpop (xrf1)  }
0xb9: {  	v1 =	vmax.f32 v2, v1;
	v3 =	vmax.f32 v32, v3;
	v38, _, _ =	vpop (xrf1)  }
0xba: {  	v4 =	vmin.f32 v3, v1;
	v7 =	vperm.xlane v35, v0;
	v8 =	vperm.xlane v36, v0;
	v2, _, _ =	vpop (xrf1)  }
0xbb: {  	v1 =	vmax.f32 v3, v1;
	(xrf1) =	vsort.ascd.msk.f32 $0xffff, v4, v4;
	v39, _, _ =	vpop (xrf1)  }
0xbc: {  	(xrf1) =	vsort.ascd.msk.f32 $0xffff, v1, v1;
	v40 =	vmax.f32 v34, v7;
	v1 =	vmax.f32 v33, v8;
	v3, _, _ =	vpop (xrf1)  }
0xbd: {  	v6 =	vmin.f32 v1, v40;
	v2 =	vperm.xlane v2, v0;
	v41, _, _ =	vpop (xrf1)  }
0xbe: {  	v1 =	vmax.f32 v1, v40;
	v42 =	vperm.xlane v39, v0;
	(xrf1) =	vsort.ascd.msk.f32 $0xffff, v6, v6;
	v43, _, _ =	vpop (xrf1)  }
0xbf: {  	(xrf1) =	vsort.ascd.msk.f32 $0xffff, v1, v1;
	v2 =	vmax.f32 v38, v2;
	v44, _, _ =	vpop (xrf1)  }
0xc0: {  	v1 =	vmax.f32 v37, v42;
	v46 =	vperm.xlane v43, v0;
	v4 =	vperm.xlane v44, v0  }
0xc1: {  	v45 =	vmin.f32 v1, v2;
	v1 =	vmax.f32 v1, v2  }
0xc2: {  	(xrf1) =	vsort.ascd.msk.f32 $0xffff, v45, v45;
	v2 =	vmax.f32 v3, v4;
	v3 =	vmax.f32 v41, v46  }
0xc3: {  	(xrf1) =	vsort.ascd.msk.f32 $0xffff, v1, v1;
	v1 =	vmin.f32 v2, v3  }
0xc4: {  	(xrf1) =	vsort.ascd.msk.f32 $0xffff, v1, v1;
	v1 =	vmax.f32 v2, v3  }
0xc5: {  	(xrf1) =	vsort.ascd.msk.f32 $0xffff, v1, v1;
	_ =	sdelay $0x6  }
0xc6: {  	v1, _, _ =	vpop (xrf1)  }
0xc7: {  	v2, _, _ =	vpop (xrf1)  }
0xc8: {  	v3, _, _ =	vpop (xrf1)  }
0xc9: {  	v47, _, _ =	vpop (xrf1)  }
0xca: {  	v48, _, _ =	vpop (xrf1)  }
0xcb: {  	v3 =	vperm.xlane v3, v0;
	v49, _, _ =	vpop (xrf1)  }
0xcc: {  	v4 =	vperm.xlane v47, v0;
	v50, _, _ =	vpop (xrf1)  }
0xcd: {  	v2 =	vmax.f32 v2, v3;
	v51, _, _ =	vpop (xrf1)  }
0xce: {  	v1 =	vmax.f32 v1, v4;
	v7 =	vperm.xlane v50, v0;
	v52 =	vperm.xlane v51, v0  }
0xcf: {  	v3 =	vmin.f32 v1, v2;
	v1 =	vmax.f32 v1, v2  }
0xd0: {  	(xrf1) =	vsort.ascd.msk.f32 $0xffff, v3, v3;
	v3 =	vmax.f32 v49, v7;
	v2 =	vmax.f32 v48, v52  }
0xd1: {  	(xrf1) =	vsort.ascd.msk.f32 $0xffff, v1, v1;
	v1 =	vmin.f32 v2, v3  }
0xd2: {  	(xrf1) =	vsort.ascd.msk.f32 $0xffff, v1, v1;
	v1 =	vmax.f32 v2, v3  }
0xd3: {  	(xrf1) =	vsort.ascd.msk.f32 $0xffff, v1, v1;
	_ =	sdelay $0xa  }
0xd4: {  	v1, _, _ =	vpop (xrf1)  }
0xd5: {  	v2, _, _ =	vpop (xrf1)  }
0xd6: {  	v1 =	vperm.xlane v1, v0;
	v2 =	vperm.xlane v2, v0;
	v3, _, _ =	vpop (xrf1)  }
0xd7: {  	v53, _, _ =	vpop (xrf1)  }
0xd8: {  	v2 =	vmax.f32 v3, v2;
	v1 =	vmax.f32 v53, v1  }
0xd9: {  	v1 =	vmin.f32 v2, v1  }
0xda: {  	(xrf0) =	vmin.scan.msk.f32 $0xffff, v1;
	_ =	sdelay $0x5  }
0xdb: {  	v1, _, _ =	vpop (xrf0)  }
0xdc: {  	s28 =	sadd.s32 $0x80, s10;
	v1 =	vbroadcast v1, $0xF  }
0xdd: {  	s17 =	sand.u32 $0x380, s28  }
0xde: {  	s13 =	sor.u32 s17, s13;
	[tilespmem:s9+$0xFFFFFF80] =	vst v1  }
0xdf: {  	v1 =	vld [tilespmem:s13+$0x0]  }
0xe0: {  	v2 =	vld [tilespmem:s13+$0x10]  }
0xe1: {  	v3 =	vld [tilespmem:s13+$0x20]  }
0xe2: {  	v54 =	vld [tilespmem:s13+$0x30]  }
0xe3: {  	v55 =	vld [tilespmem:s13+$0x40]  }
0xe4: {  	v56 =	vld [tilespmem:s13+$0x50];
	(xrf1) =	vsort.ascd.msk.f32 $0xffff, v1, v1  }
0xe5: {  	v1 =	vld [tilespmem:s13+$0x60];
	(xrf1) =	vsort.ascd.msk.f32 $0xffff, v2, v2  }
0xe6: {  	v2 =	vld [tilespmem:s13+$0x70];
	(xrf1) =	vsort.ascd.msk.f32 $0xffff, v3, v3  }
0xe7: {  	v3 =	vld [tilespmem:s13+$0x400];
	(xrf1) =	vsort.ascd.msk.f32 $0xffff, v54, v54  }
0xe8: {  	v57 =	vld [tilespmem:s13+$0x410];
	(xrf1) =	vsort.ascd.msk.f32 $0xffff, v55, v55  }
0xe9: {  	v58 =	vld [tilespmem:s13+$0x420];
	(xrf1) =	vsort.ascd.msk.f32 $0xffff, v56, v56  }
0xea: {  	v59 =	vld [tilespmem:s13+$0x430];
	(xrf1) =	vsort.ascd.msk.f32 $0xffff, v1, v1  }
0xeb: {  	v1 =	vld [tilespmem:s13+$0x440];
	(xrf1) =	vsort.ascd.msk.f32 $0xffff, v2, v2  }
0xec: {  	v2 =	vld [tilespmem:s13+$0x450];
	(xrf1) =	vsort.ascd.msk.f32 $0xffff, v3, v3  }
0xed: {  	v3 =	vld [tilespmem:s13+$0x460];
	(xrf1) =	vsort.ascd.msk.f32 $0xffff, v57, v57  }
0xee: {  	s12 =	sor.u32 s17, s12;
	v60 =	vld [tilespmem:s13+$0x470];
	(xrf1) =	vsort.ascd.msk.f32 $0xffff, v58, v58  }
0xef: {  	v61 =	vld [tilespmem:s12+$0x0];
	(xrf1) =	vsort.ascd.msk.f32 $0xffff, v59, v59  }
0xf0: {  	v62 =	vld [tilespmem:s12+$0x10];
	(xrf1) =	vsort.ascd.msk.f32 $0xffff, v1, v1  }
0xf1: {  	v1 =	vld [tilespmem:s12+$0x20];
	(xrf1) =	vsort.ascd.msk.f32 $0xffff, v2, v2  }
0xf2: {  	v2 =	vld [tilespmem:s12+$0x30];
	(xrf1) =	vsort.ascd.msk.f32 $0xffff, v3, v3  }
0xf3: {  	v3 =	vld [tilespmem:s12+$0x40];
	v63, _, _ =	vpop (xrf1);
	(xrf1) =	vsort.ascd.msk.f32 $0xffff, v60, v60  }
0xf4: {  	v35 =	vld [tilespmem:s12+$0x50];
	v36, _, _ =	vpop (xrf1);
	(xrf1) =	vsort.ascd.msk.f32 $0xffff, v61, v61  }
0xf5: {  	v37 =	vld [tilespmem:s12+$0x60];
	v38, _, _ =	vpop (xrf1);
	(xrf1) =	vsort.ascd.msk.f32 $0xffff, v62, v62  }
0xf6: {  	s29 =	sor.u32 s17, s24;
	v39 =	vld [tilespmem:s12+$0x70];
	v40, _, _ =	vpop (xrf1);
	(xrf1) =	vsort.ascd.msk.f32 $0xffff, v1, v1  }
0xf7: {  	v1 =	vld [tilespmem:s29+$0x0];
	v41, _, _ =	vpop (xrf1);
	(xrf1) =	vsort.ascd.msk.f32 $0xffff, v2, v2  }
0xf8: {  	v2 =	vld [tilespmem:s29+$0x10];
	v42, _, _ =	vpop (xrf1);
	(xrf1) =	vsort.ascd.msk.f32 $0xffff, v3, v3  }
0xf9: {  	v3 =	vld [tilespmem:s29+$0x20];
	v13, _, _ =	vpop (xrf1);
	(xrf1) =	vsort.ascd.msk.f32 $0xffff, v35, v35  }
0xfa: {  	v43 =	vld [tilespmem:s29+$0x30];
	v44, _, _ =	vpop (xrf1);
	(xrf1) =	vsort.ascd.msk.f32 $0xffff, v37, v37  }
0xfb: {  	v45 =	vld [tilespmem:s29+$0x40];
	v15, _, _ =	vpop (xrf1);
	(xrf1) =	vsort.ascd.msk.f32 $0xffff, v39, v39  }
0xfc: {  	v46 =	vld [tilespmem:s29+$0x50];
	v47, _, _ =	vpop (xrf1);
	(xrf1) =	vsort.ascd.msk.f32 $0xffff, v1, v1  }
0xfd: {  	v1 =	vld [tilespmem:s29+$0x60];
	v17, _, _ =	vpop (xrf1);
	(xrf1) =	vsort.ascd.msk.f32 $0xffff, v2, v2  }
0xfe: {  	s30 =	sor.u32 s17, s25;
	v2 =	vld [tilespmem:s29+$0x70];
	v48, _, _ =	vpop (xrf1);
	(xrf1) =	vsort.ascd.msk.f32 $0xffff, v3, v3  }
0xff: {  	v3 =	vld [tilespmem:s30+$0x0];
	v19, _, _ =	vpop (xrf1);
	(xrf1) =	vsort.ascd.msk.f32 $0xffff, v43, v43  }
0x100: {  	v49 =	vld [tilespmem:s30+$0x10];
	v50, _, _ =	vpop (xrf1);
	(xrf1) =	vsort.ascd.msk.f32 $0xffff, v45, v45  }
0x101: {  	v51 =	vld [tilespmem:s30+$0x20];
	v21, _, _ =	vpop (xrf1);
	(xrf1) =	vsort.ascd.msk.f32 $0xffff, v46, v46  }
0x102: {  	v52 =	vld [tilespmem:s30+$0x30];
	v53, _, _ =	vpop (xrf1);
	(xrf1) =	vsort.ascd.msk.f32 $0xffff, v1, v1  }
0x103: {  	v1 =	vld [tilespmem:s30+$0x40];
	v23, _, _ =	vpop (xrf1);
	(xrf1) =	vsort.ascd.msk.f32 $0xffff, v2, v2  }
0x104: {  	v2 =	vld [tilespmem:s30+$0x50];
	v54, _, _ =	vpop (xrf1);
	(xrf1) =	vsort.ascd.msk.f32 $0xffff, v3, v3  }
0x105: {  	v3 =	vld [tilespmem:s30+$0x60];
	v25, _, _ =	vpop (xrf1);
	(xrf1) =	vsort.ascd.msk.f32 $0xffff, v49, v49  }
0x106: {  	s31 =	sor.u32 s17, s26;
	v55 =	vld [tilespmem:s30+$0x70];
	v26, _, _ =	vpop (xrf1);
	(xrf1) =	vsort.ascd.msk.f32 $0xffff, v51, v51  }
0x107: {  	v56 =	vld [tilespmem:s31+$0x0];
	v27, _, _ =	vpop (xrf1);
	(xrf1) =	vsort.ascd.msk.f32 $0xffff, v52, v52  }
0x108: {  	v57 =	vld [tilespmem:s31+$0x10];
	v28, _, _ =	vpop (xrf1);
	(xrf1) =	vsort.ascd.msk.f32 $0xffff, v1, v1  }
0x109: {  	v1 =	vld [tilespmem:s31+$0x20];
	v29, _, _ =	vpop (xrf1);
	(xrf1) =	vsort.ascd.msk.f32 $0xffff, v2, v2  }
0x10a: {  	v2 =	vld [tilespmem:s31+$0x30];
	v30, _, _ =	vpop (xrf1);
	(xrf1) =	vsort.ascd.msk.f32 $0xffff, v3, v3  }
0x10b: {  	v3 =	vld [tilespmem:s31+$0x40];
	v31, _, _ =	vpop (xrf1);
	(xrf1) =	vsort.ascd.msk.f32 $0xffff, v55, v55  }
0x10c: {  	v58 =	vld [tilespmem:s31+$0x50];
	v32, _, _ =	vpop (xrf1);
	(xrf1) =	vsort.ascd.msk.f32 $0xffff, v56, v56  }
0x10d: {  	v59 =	vld [tilespmem:s31+$0x60];
	v33, _, _ =	vpop (xrf1);
	(xrf1) =	vsort.ascd.msk.f32 $0xffff, v57, v57  }
0x10e: {  	v60 =	vld [tilespmem:s31+$0x70];
	v34, _, _ =	vpop (xrf1);
	(xrf1) =	vsort.ascd.msk.f32 $0xffff, v1, v1  }
0x10f: {  	v1, _, _ =	vpop (xrf1);
	(xrf1) =	vsort.ascd.msk.f32 $0xffff, v2, v2  }
0x110: {  	v2, _, _ =	vpop (xrf1);
	(xrf1) =	vsort.ascd.msk.f32 $0xffff, v3, v3  }
0x111: {  	v61 =	vperm.xlane v36, v0;
	v3, _, _ =	vpop (xrf1);
	(xrf1) =	vsort.ascd.msk.f32 $0xffff, v58, v58  }
0x112: {  	v8, _, _ =	vpop (xrf1);
	(xrf1) =	vsort.ascd.msk.f32 $0xffff, v59, v59  }
0x113: {  	v62 =	vmin.f32 v63, v61;
	v10 =	vperm.xlane v40, v0;
	v5, _, _ =	vpop (xrf1);
	(xrf1) =	vsort.ascd.msk.f32 $0xffff, v60, v60  }
0x114: {  	v4 =	vmax.f32 v63, v61;
	v35, _, _ =	vpop (xrf1);
	(xrf1) =	vsort.ascd.msk.f32 $0xffff, v62, v62  }
0x115: {  	v63 =	vmin.f32 v38, v10;
	v36 =	vperm.xlane v42, v0;
	v6, _, _ =	vpop (xrf1);
	(xrf1) =	vsort.ascd.msk.f32 $0xffff, v4, v4  }
0x116: {  	v37 =	vmax.f32 v38, v10;
	v12, _, _ =	vpop (xrf1);
	(xrf1) =	vsort.ascd.msk.f32 $0xffff, v63, v63  }
0x117: {  	v38 =	vmin.f32 v41, v36;
	v39 =	vperm.xlane v44, v0;
	v9, _, _ =	vpop (xrf1);
	(xrf1) =	vsort.ascd.msk.f32 $0xffff, v37, v37  }
0x118: {  	v40 =	vmax.f32 v41, v36;
	v14, _, _ =	vpop (xrf1);
	(xrf1) =	vsort.ascd.msk.f32 $0xffff, v38, v38  }
0x119: {  	v42 =	vperm.xlane v47, v0;
	v41 =	vmin.f32 v13, v39;
	v7, _, _ =	vpop (xrf1);
	(xrf1) =	vsort.ascd.msk.f32 $0xffff, v40, v40  }
0x11a: {  	v43 =	vmax.f32 v13, v39;
	v16, _, _ =	vpop (xrf1);
	(xrf1) =	vsort.ascd.msk.f32 $0xffff, v41, v41  }
0x11b: {  	v44 =	vmin.f32 v15, v42;
	v45 =	vperm.xlane v48, v0;
	v10, _, _ =	vpop (xrf1);
	(xrf1) =	vsort.ascd.msk.f32 $0xffff, v43, v43  }
0x11c: {  	v46 =	vmax.f32 v15, v42;
	v18, _, _ =	vpop (xrf1);
	(xrf1) =	vsort.ascd.msk.f32 $0xffff, v44, v44  }
0x11d: {  	v48 =	vperm.xlane v50, v0;
	v47 =	vmin.f32 v17, v45;
	v11, _, _ =	vpop (xrf1);
	(xrf1) =	vsort.ascd.msk.f32 $0xffff, v46, v46  }
0x11e: {  	v49 =	vmax.f32 v17, v45;
	v20, _, _ =	vpop (xrf1);
	(xrf1) =	vsort.ascd.msk.f32 $0xffff, v47, v47  }
0x11f: {  	v50 =	vmin.f32 v19, v48;
	v51 =	vperm.xlane v53, v0;
	v13, _, _ =	vpop (xrf1);
	(xrf1) =	vsort.ascd.msk.f32 $0xffff, v49, v49  }
0x120: {  	v52 =	vmax.f32 v19, v48;
	v22, _, _ =	vpop (xrf1);
	(xrf1) =	vsort.ascd.msk.f32 $0xffff, v50, v50  }
0x121: {  	v54 =	vperm.xlane v54, v0;
	v53 =	vmin.f32 v21, v51;
	v15, _, _ =	vpop (xrf1);
	(xrf1) =	vsort.ascd.msk.f32 $0xffff, v52, v52  }
0x122: {  	v55 =	vmax.f32 v21, v51;
	v24, _, _ =	vpop (xrf1);
	(xrf1) =	vsort.ascd.msk.f32 $0xffff, v53, v53  }
0x123: {  	v56 =	vmin.f32 v23, v54;
	v57 =	vperm.xlane v26, v0;
	v17, _, _ =	vpop (xrf1);
	(xrf1) =	vsort.ascd.msk.f32 $0xffff, v55, v55  }
0x124: {  	v58 =	vmax.f32 v23, v54;
	v26, _, _ =	vpop (xrf1);
	(xrf1) =	vsort.ascd.msk.f32 $0xffff, v56, v56  }
0x125: {  	v59 =	vmin.f32 v25, v57;
	v60 =	vperm.xlane v28, v0;
	v19, _, _ =	vpop (xrf1);
	(xrf1) =	vsort.ascd.msk.f32 $0xffff, v58, v58  }
0x126: {  	v61 =	vmax.f32 v25, v57;
	v28, _, _ =	vpop (xrf1);
	(xrf1) =	vsort.ascd.msk.f32 $0xffff, v59, v59  }
0x127: {  	v62 =	vmin.f32 v27, v60;
	v63 =	vperm.xlane v30, v0;
	v21, _, _ =	vpop (xrf1);
	(xrf1) =	vsort.ascd.msk.f32 $0xffff, v61, v61  }
0x128: {  	v36 =	vmax.f32 v27, v60;
	v30, _, _ =	vpop (xrf1);
	(xrf1) =	vsort.ascd.msk.f32 $0xffff, v62, v62  }
0x129: {  	v37 =	vmin.f32 v29, v63;
	v38 =	vperm.xlane v32, v0;
	v23, _, _ =	vpop (xrf1);
	(xrf1) =	vsort.ascd.msk.f32 $0xffff, v36, v36  }
0x12a: {  	v40 =	vmax.f32 v29, v63;
	v39, _, _ =	vpop (xrf1);
	(xrf1) =	vsort.ascd.msk.f32 $0xffff, v37, v37  }
0x12b: {  	v42 =	vperm.xlane v34, v0;
	v41 =	vmin.f32 v31, v38;
	v25, _, _ =	vpop (xrf1);
	(xrf1) =	vsort.ascd.msk.f32 $0xffff, v40, v40  }
0x12c: {  	v43 =	vmax.f32 v31, v38;
	v34, _, _ =	vpop (xrf1);
	(xrf1) =	vsort.ascd.msk.f32 $0xffff, v41, v41  }
0x12d: {  	v45 =	vmin.f32 v33, v42;
	v2 =	vperm.xlane v2, v0;
	v44, _, _ =	vpop (xrf1);
	(xrf1) =	vsort.ascd.msk.f32 $0xffff, v43, v43  }
0x12e: {  	v47 =	vmax.f32 v33, v42;
	v46, _, _ =	vpop (xrf1);
	(xrf1) =	vsort.ascd.msk.f32 $0xffff, v45, v45  }
0x12f: {  	v48 =	vmin.f32 v1, v2;
	v8 =	vperm.xlane v8, v0;
	v29, _, _ =	vpop (xrf1);
	(xrf1) =	vsort.ascd.msk.f32 $0xffff, v47, v47  }
0x130: {  	v1 =	vmax.f32 v1, v2;
	v33, _, _ =	vpop (xrf1);
	(xrf1) =	vsort.ascd.msk.f32 $0xffff, v48, v48  }
0x131: {  	v49 =	vperm.xlane v35, v0;
	v2, _, _ =	vpop (xrf1);
	(xrf1) =	vsort.ascd.msk.f32 $0xffff, v1, v1;
	v1 =	vmin.f32 v3, v8  }
0x132: {  	v50, _, _ =	vpop (xrf1);
	(xrf1) =	vsort.ascd.msk.f32 $0xffff, v1, v1;
	v1 =	vmax.f32 v3, v8  }
0x133: {  	v51 =	vperm.xlane v12, v0;
	v3, _, _ =	vpop (xrf1);
	(xrf1) =	vsort.ascd.msk.f32 $0xffff, v1, v1;
	v1 =	vmin.f32 v5, v49  }
0x134: {  	v12, _, _ =	vpop (xrf1);
	(xrf1) =	vsort.ascd.msk.f32 $0xffff, v1, v1;
	v1 =	vmax.f32 v5, v49  }
0x135: {  	v52 =	vperm.xlane v14, v0;
	v4, _, _ =	vpop (xrf1);
	(xrf1) =	vsort.ascd.msk.f32 $0xffff, v1, v1;
	v1 =	vmin.f32 v6, v51  }
0x136: {  	v53, _, _ =	vpop (xrf1);
	(xrf1) =	vsort.ascd.msk.f32 $0xffff, v1, v1;
	v1 =	vmax.f32 v6, v51  }
0x137: {  	v54 =	vperm.xlane v16, v0;
	v6, _, _ =	vpop (xrf1);
	(xrf1) =	vsort.ascd.msk.f32 $0xffff, v1, v1;
	v1 =	vmin.f32 v9, v52  }
0x138: {  	v16, _, _ =	vpop (xrf1);
	(xrf1) =	vsort.ascd.msk.f32 $0xffff, v1, v1;
	v1 =	vmax.f32 v9, v52  }
0x139: {  	v55 =	vperm.xlane v18, v0;
	v5, _, _ =	vpop (xrf1);
	(xrf1) =	vsort.ascd.msk.f32 $0xffff, v1, v1;
	v1 =	vmin.f32 v7, v54  }
0x13a: {  	v56, _, _ =	vpop (xrf1);
	(xrf1) =	vsort.ascd.msk.f32 $0xffff, v1, v1;
	v1 =	vmax.f32 v7, v54  }
0x13b: {  	v57 =	vperm.xlane v20, v0;
	v7, _, _ =	vpop (xrf1);
	(xrf1) =	vsort.ascd.msk.f32 $0xffff, v1, v1;
	v1 =	vmin.f32 v10, v55  }
0x13c: {  	v58 =	vperm.xlane v22, v0;
	v20, _, _ =	vpop (xrf1);
	(xrf1) =	vsort.ascd.msk.f32 $0xffff, v1, v1;
	v1 =	vmax.f32 v10, v55  }
0x13d: {  	v19 =	vperm.xlane v19, v0;
	v9, _, _ =	vpop (xrf1);
	(xrf1) =	vsort.ascd.msk.f32 $0xffff, v1, v1;
	v1 =	vmin.f32 v11, v57  }
0x13e: {  	v59 =	vperm.xlane v24, v0;
	(xrf1) =	vsort.ascd.msk.f32 $0xffff, v1, v1;
	v1 =	vmax.f32 v11, v57  }
0x13f: {  	v61 =	vperm.xlane v28, v0;
	v22, _, _ =	vpop (xrf1);
	(xrf1) =	vsort.ascd.msk.f32 $0xffff, v1, v1;
	v1 =	vmin.f32 v13, v58  }
0x140: {  	v23 =	vperm.xlane v23, v0;
	v8, _, _ =	vpop (xrf1);
	(xrf1) =	vsort.ascd.msk.f32 $0xffff, v1, v1;
	v1 =	vmax.f32 v13, v58  }
0x141: {  	v63 =	vmax.f32 v26, v19;
	v62 =	vmax.f32 v17, v61;
	v37 =	vperm.xlane v39, v0  }
0x142: {  	v60 =	vmin.f32 v15, v59;
	v17 =	vmin.f32 v62, v63;
	v40 =	vmax.f32 v30, v23;
	v11, _, _ =	vpop (xrf1)  }
0x143: {  	v39 =	vmax.f32 v21, v37;
	v43 =	vperm.xlane v44, v0;
	(xrf1) =	vsort.ascd.msk.f32 $0xffff, v1, v1;
	v1, _, _ =	vpop (xrf1)  }
0x144: {  	v42 =	vperm.xlane v46, v0;
	v10 =	vmax.f32 v15, v59;
	(xrf1) =	vsort.ascd.msk.f32 $0xffff, v60, v60;
	v28, _, _ =	vpop (xrf1)  }
0x145: {  	v19 =	vmin.f32 v39, v40;
	v46 =	vmax.f32 v34, v43;
	(xrf1) =	vsort.ascd.msk.f32 $0xffff, v10, v10;
	v36, _, _ =	vpop (xrf1)  }
0x146: {  	v45 =	vmax.f32 v25, v42;
	v10 =	vmax.f32 v62, v63;
	v38, _, _ =	vpop (xrf1);
	(xrf1) =	vsort.ascd.msk.f32 $0xffff, v17, v17  }
0x147: {  	v2 =	vperm.xlane v2, v0;
	v48 =	vperm.xlane v50, v0;
	(xrf1) =	vsort.ascd.msk.f32 $0xffff, v10, v10  }
0x148: {  	v21 =	vmin.f32 v45, v46;
	v41, _, _ =	vpop (xrf1);
	v10 =	vmax.f32 v39, v40;
	(xrf1) =	vsort.ascd.msk.f32 $0xffff, v19, v19  }
0x149: {  	v2 =	vmax.f32 v33, v2;
	v50 =	vmax.f32 v29, v48;
	v44, _, _ =	vpop (xrf1);
	(xrf1) =	vsort.ascd.msk.f32 $0xffff, v10, v10  }
0x14a: {  	v4 =	vperm.xlane v4, v0;
	v47, _, _ =	vpop (xrf1);
	v10 =	vmax.f32 v45, v46;
	(xrf1) =	vsort.ascd.msk.f32 $0xffff, v21, v21  }
0x14b: {  	v14 =	vperm.xlane v53, v0;
	v52 =	vmin.f32 v50, v2;
	v49, _, _ =	vpop (xrf1);
	(xrf1) =	vsort.ascd.msk.f32 $0xffff, v10, v10  }
0x14c: {  	v2 =	vmax.f32 v50, v2;
	v51, _, _ =	vpop (xrf1);
	(xrf1) =	vsort.ascd.msk.f32 $0xffff, v52, v52  }
0x14d: {  	v53, _, _ =	vpop (xrf1);
	(xrf1) =	vsort.ascd.msk.f32 $0xffff, v2, v2;
	v2 =	vmax.f32 v3, v14;
	v3 =	vmax.f32 v12, v4  }
0x14e: {  	v5 =	vperm.xlane v5, v0;
	v56 =	vperm.xlane v56, v0;
	v55 =	vmin.f32 v2, v3  }
0x14f: {  	v54, _, _ =	vpop (xrf1);
	v2 =	vmax.f32 v2, v3;
	(xrf1) =	vsort.ascd.msk.f32 $0xffff, v55, v55  }
0x150: {  	v57, _, _ =	vpop (xrf1);
	v3 =	vmax.f32 v16, v5;
	(xrf1) =	vsort.ascd.msk.f32 $0xffff, v2, v2;
	v2 =	vmax.f32 v6, v56  }
0x151: {  	v9 =	vperm.xlane v9, v0;
	v59 =	vperm.xlane v22, v0;
	v6 =	vmin.f32 v2, v3  }
0x152: {  	v58, _, _ =	vpop (xrf1);
	v2 =	vmax.f32 v2, v3;
	(xrf1) =	vsort.ascd.msk.f32 $0xffff, v6, v6  }
0x153: {  	v60, _, _ =	vpop (xrf1);
	v3 =	vmax.f32 v20, v9;
	(xrf1) =	vsort.ascd.msk.f32 $0xffff, v2, v2;
	v2 =	vmax.f32 v7, v59  }
0x154: {  	v1 =	vperm.xlane v1, v0;
	v62 =	vperm.xlane v28, v0;
	v7 =	vmin.f32 v2, v3  }
0x155: {  	v61, _, _ =	vpop (xrf1);
	v2 =	vmax.f32 v2, v3;
	(xrf1) =	vsort.ascd.msk.f32 $0xffff, v7, v7  }
0x156: {  	v1 =	vmax.f32 v11, v1;
	v63, _, _ =	vpop (xrf1);
	(xrf1) =	vsort.ascd.msk.f32 $0xffff, v2, v2;
	v2 =	vmax.f32 v8, v62  }
0x157: {  	v18 =	vperm.xlane v44, v0;
	v20 =	vperm.xlane v41, v0;
	v16 =	vmin.f32 v2, v1  }
0x158: {  	v3, _, _ =	vpop (xrf1);
	v1 =	vmax.f32 v2, v1;
	(xrf1) =	vsort.ascd.msk.f32 $0xffff, v16, v16  }
0x159: {  	v21, _, _ =	vpop (xrf1);
	v2 =	vmax.f32 v38, v20;
	(xrf1) =	vsort.ascd.msk.f32 $0xffff, v1, v1;
	v1 =	vmax.f32 v36, v18  }
0x15a: {  	v13 =	vperm.xlane v51, v0;
	v23 =	vperm.xlane v53, v0;
	v22, _, _ =	vpop (xrf1);
	v8 =	vmin.f32 v1, v2  }
0x15b: {  	v5 =	vperm.xlane v58, v0;
	v24, _, _ =	vpop (xrf1);
	v1 =	vmax.f32 v1, v2;
	(xrf1) =	vsort.ascd.msk.f32 $0xffff, v8, v8  }
0x15c: {  	v2 =	vmax.f32 v49, v13;
	(xrf1) =	vsort.ascd.msk.f32 $0xffff, v1, v1;
	v1 =	vmax.f32 v47, v23  }
0x15d: {  	v12 =	vperm.xlane v60, v0;
	v25, _, _ =	vpop (xrf1);
	v9 =	vmin.f32 v1, v2  }
0x15e: {  	v26, _, _ =	vpop (xrf1);
	v1 =	vmax.f32 v1, v2;
	v2 =	vmax.f32 v57, v5;
	(xrf1) =	vsort.ascd.msk.f32 $0xffff, v9, v9  }
0x15f: {  	v3 =	vperm.xlane v3, v0;
	v27, _, _ =	vpop (xrf1);
	(xrf1) =	vsort.ascd.msk.f32 $0xffff, v1, v1;
	v1 =	vmax.f32 v54, v12  }
0x160: {  	v28 =	vperm.xlane v21, v0;
	v29, _, _ =	vpop (xrf1);
	v5 =	vmin.f32 v1, v2  }
0x161: {  	v3 =	vmax.f32 v63, v3;
	v1 =	vmax.f32 v1, v2;
	v2, _, _ =	vpop (xrf1);
	(xrf1) =	vsort.ascd.msk.f32 $0xffff, v5, v5  }
0x162: {  	v30, _, _ =	vpop (xrf1);
	(xrf1) =	vsort.ascd.msk.f32 $0xffff, v1, v1;
	v1 =	vmax.f32 v61, v28  }
0x163: {  	v31 =	vperm.xlane v26, v0;
	v8 =	vperm.xlane v25, v0;
	v32, _, _ =	vpop (xrf1);
	v6 =	vmin.f32 v1, v3  }
0x164: {  	v2 =	vperm.xlane v2, v0;
	v1 =	vmax.f32 v1, v3;
	v3, _, _ =	vpop (xrf1);
	(xrf1) =	vsort.ascd.msk.f32 $0xffff, v6, v6  }
0x165: {  	v33 =	vmax.f32 v24, v8;
	v34, _, _ =	vpop (xrf1);
	(xrf1) =	vsort.ascd.msk.f32 $0xffff, v1, v1;
	v1 =	vmax.f32 v22, v31  }
0x166: {  	v5 =	vperm.xlane v30, v0;
	v2 =	vmax.f32 v29, v2;
	v35, _, _ =	vpop (xrf1);
	v8 =	vmin.f32 v1, v33  }
0x167: {  	v7 =	vperm.xlane v34, v0;
	v1 =	vmax.f32 v1, v33;
	v36, _, _ =	vpop (xrf1);
	(xrf1) =	vsort.ascd.msk.f32 $0xffff, v8, v8  }
0x168: {  	v37, _, _ =	vpop (xrf1);
	(xrf1) =	vsort.ascd.msk.f32 $0xffff, v1, v1;
	v1 =	vmax.f32 v27, v5  }
0x169: {  	v38 =	vperm.xlane v35, v0;
	v3 =	vmax.f32 v3, v7;
	v39, _, _ =	vpop (xrf1);
	v5 =	vmin.f32 v1, v2  }
0x16a: {  	v1 =	vmax.f32 v1, v2;
	v2, _, _ =	vpop (xrf1);
	v41 =	vperm.xlane v39, v0;
	(xrf1) =	vsort.ascd.msk.f32 $0xffff, v5, v5  }
0x16b: {  	v2 =	vperm.xlane v2, v0;
	(xrf1) =	vsort.ascd.msk.f32 $0xffff, v1, v1;
	v1 =	vmax.f32 v32, v38  }
0x16c: {  	v40 =	vmin.f32 v1, v3;
	v1 =	vmax.f32 v1, v3  }
0x16d: {  	v2 =	vmax.f32 v36, v2;
	v3 =	vmax.f32 v37, v41;
	(xrf1) =	vsort.ascd.msk.f32 $0xffff, v40, v40  }
0x16e: {  	(xrf1) =	vsort.ascd.msk.f32 $0xffff, v1, v1;
	v1 =	vmin.f32 v2, v3  }
0x16f: {  	v42, _, _ =	vpop (xrf1);
	(xrf1) =	vsort.ascd.msk.f32 $0xffff, v1, v1;
	v1 =	vmax.f32 v2, v3;
	_ =	sdelay $0x1  }
0x170: {  	v2, _, _ =	vpop (xrf1);
	(xrf1) =	vsort.ascd.msk.f32 $0xffff, v1, v1  }
0x171: {  	v1, _, _ =	vpop (xrf1)  }
0x172: {  	v3, _, _ =	vpop (xrf1)  }
0x173: {  	v43, _, _ =	vpop (xrf1)  }
0x174: {  	v44, _, _ =	vpop (xrf1)  }
0x175: {  	v45, _, _ =	vpop (xrf1)  }
0x176: {  	v1 =	vperm.xlane v1, v0;
	v3 =	vperm.xlane v3, v0;
	v46, _, _ =	vpop (xrf1)  }
0x177: {  	v47, _, _ =	vpop (xrf1)  }
0x178: {  	v1 =	vmax.f32 v2, v1;
	v3 =	vmax.f32 v42, v3;
	v48, _, _ =	vpop (xrf1)  }
0x179: {  	v4 =	vmin.f32 v3, v1;
	v7 =	vperm.xlane v45, v0;
	v8 =	vperm.xlane v46, v0;
	v2, _, _ =	vpop (xrf1)  }
0x17a: {  	v1 =	vmax.f32 v3, v1;
	(xrf1) =	vsort.ascd.msk.f32 $0xffff, v4, v4;
	v49, _, _ =	vpop (xrf1)  }
0x17b: {  	(xrf1) =	vsort.ascd.msk.f32 $0xffff, v1, v1;
	v50 =	vmax.f32 v44, v7;
	v1 =	vmax.f32 v43, v8;
	v3, _, _ =	vpop (xrf1)  }
0x17c: {  	v6 =	vmin.f32 v1, v50;
	v2 =	vperm.xlane v2, v0;
	v51, _, _ =	vpop (xrf1)  }
0x17d: {  	v1 =	vmax.f32 v1, v50;
	v52 =	vperm.xlane v49, v0;
	v53, _, _ =	vpop (xrf1);
	(xrf1) =	vsort.ascd.msk.f32 $0xffff, v6, v6  }
0x17e: {  	v2 =	vmax.f32 v48, v2;
	v54, _, _ =	vpop (xrf1);
	(xrf1) =	vsort.ascd.msk.f32 $0xffff, v1, v1  }
0x17f: {  	v1 =	vmax.f32 v47, v52;
	v56 =	vperm.xlane v53, v0;
	v4 =	vperm.xlane v54, v0  }
0x180: {  	v55 =	vmin.f32 v1, v2;
	v1 =	vmax.f32 v1, v2  }
0x181: {  	(xrf1) =	vsort.ascd.msk.f32 $0xffff, v55, v55;
	v2 =	vmax.f32 v3, v4;
	v3 =	vmax.f32 v51, v56  }
0x182: {  	(xrf1) =	vsort.ascd.msk.f32 $0xffff, v1, v1;
	v1 =	vmin.f32 v2, v3  }
0x183: {  	(xrf1) =	vsort.ascd.msk.f32 $0xffff, v1, v1;
	v1 =	vmax.f32 v2, v3  }
0x184: {  	(xrf1) =	vsort.ascd.msk.f32 $0xffff, v1, v1;
	_ =	sdelay $0x6  }
0x185: {  	v1, _, _ =	vpop (xrf1)  }
0x186: {  	v2, _, _ =	vpop (xrf1)  }
0x187: {  	v3, _, _ =	vpop (xrf1)  }
0x188: {  	v57, _, _ =	vpop (xrf1)  }
0x189: {  	v58, _, _ =	vpop (xrf1)  }
0x18a: {  	v3 =	vperm.xlane v3, v0;
	v59, _, _ =	vpop (xrf1)  }
0x18b: {  	v4 =	vperm.xlane v57, v0;
	v60, _, _ =	vpop (xrf1)  }
0x18c: {  	v2 =	vmax.f32 v2, v3;
	v61, _, _ =	vpop (xrf1)  }
0x18d: {  	v1 =	vmax.f32 v1, v4;
	v7 =	vperm.xlane v60, v0;
	v62 =	vperm.xlane v61, v0  }
0x18e: {  	v3 =	vmin.f32 v1, v2;
	v1 =	vmax.f32 v1, v2  }
0x18f: {  	(xrf1) =	vsort.ascd.msk.f32 $0xffff, v3, v3;
	v3 =	vmax.f32 v59, v7;
	v2 =	vmax.f32 v58, v62  }
0x190: {  	(xrf1) =	vsort.ascd.msk.f32 $0xffff, v1, v1;
	v1 =	vmin.f32 v2, v3  }
0x191: {  	(xrf1) =	vsort.ascd.msk.f32 $0xffff, v1, v1;
	v1 =	vmax.f32 v2, v3  }
0x192: {  	(xrf1) =	vsort.ascd.msk.f32 $0xffff, v1, v1;
	_ =	sdelay $0xa  }
0x193: {  	v1, _, _ =	vpop (xrf1)  }
0x194: {  	v2, _, _ =	vpop (xrf1)  }
0x195: {  	v1 =	vperm.xlane v1, v0;
	v2 =	vperm.xlane v2, v0;
	v3, _, _ =	vpop (xrf1)  }
0x196: {  	v63, _, _ =	vpop (xrf1)  }
0x197: {  	v2 =	vmax.f32 v3, v2;
	v1 =	vmax.f32 v63, v1  }
0x198: {  	v1 =	vmin.f32 v2, v1  }
0x199: {  	(xrf0) =	vmin.scan.msk.f32 $0xffff, v1;
	_ =	sdelay $0x3  }
0x19a: {  	p0 =	sne.s32 s11, $0x17  }
.Ltmp0:
0x19b: {  	_ = 	snop;
	(pc) =	sbr.rel @p0 .LBB2_2-.Ltmp0, $3  }
0x19c: {  	v1, _, _ =	vpop (xrf0)  }
0x19d: {  	v1 =	vbroadcast v1, $0xF;
	_ =	sdelay $0x1  }
0x19e: {  	s10 =	sadd.s32 $0x100, s10;
	s11 =	sadd.s32 $0x1, s11;
	[tilespmem:s9+$0x0] =	vst v1;
	s9 =	sadd.s32 $0x100, s9  }
0x19f: {  	s8 =	sadd.s32 $0x1, s8  }
0x1a0: {  	p0 =	sne.s32 s8, s5  }
.Ltmp1:
0x1a1: {  	_ = 	snop;
	(pc) =	sbr.rel @p0 .LBB2_1-.Ltmp1, $4  }
0x1a2: {  	[hbm4b:s4+s2] =	stream.linear.scatter [tilespmem:s7], [sflag:$0x1], $0x1800, $0x38;
	[tilespmem:$0xA800] =	vst v63  }
0x1a3: {  	_ =	swait.ge [sflag:s6], $0x1800  }
0x1a4: {  	[sflag:s6] =	ssyncset.done $0x0  }
0x1a5: {  	[sflag:s6] =	ssyncadd.s32 $0xFFFFE800  }
0x1a6: {  	_ =	sfence.sel $0x180000  }
0x1a7: {  	[bflag:$0x0] =	sbarrier.arrive $0xFFFF  }
0x1a8: {  	p0 =	sne.s32 s0, $0x0;
	_ =	strace $0x9000004A  }
0x1a9: {  	s0 =	sadd.s32 @!p0 $0x100000, s1;
	[bflag:$0x2] =	sbarrier.arrive $0xFFFF  }
0x1aa: {  	[sflag:s0] =	ssyncadd.tile.s32 @!p0 $0x1;
	_ =	shalt  }
.Lfunc_end2:
_tile_overlayer_lowered:
.L_overlay_start_2:
0x1ab: {  	(tag) =	ssettag $0x2  }
0x1ac: {  	s0 =	rddreg [dreg:$0x0];
	s2 =	stileid.u32  }
0x1ad: {  	s1 =	rddreg [dreg:$0x1];
	p0 =	sne.s32 s2, $0x0  }
0x1ae: {  	s3 =	rddreg [dreg:$0x2];
	[bflag:$0x3] =	sbarrier.arrive $0xFFFF;
	s2 =	simm.s32 @!p0 $0x1C01  }
0x1af: {  	[timem:s3], [sflag:s2] =	dma.local @!p0 [hbm:s0], s1  }
0x1b0: {  	s0 =	simm.s32 @!p0 $0x1  }
0x1b1: {  	_ =	swait.ge @!p0 [sflag:s0], s1  }
0x1b2: {  	s1 =	ssub.s32 @!p0 $0x0, s1;
	[sflag:s0] =	ssyncset.done @!p0 $0x0  }
0x1b3: {  	[sflag:s0] =	ssyncadd.s32 @!p0 s1  }
0x1b4: {  	[bflag:$0x3] =	sbarrier.arrive $0xFFFF  }
0x1b5: {  	_ =	shalt  }

// kernel: kernel.7.cloned.1.call-start
scs
__scs_entry_jumppad:
0x0: {  	(pc) =	sbr.rel $0x88, $3  }
0x1: {  	(tag) =	ssettag $0x0;
	lr =	simm.s32 $0x1  }
0x2: {  	[smem:$0x3F98] =	sst lr;
	_ =	strace $0xD0000000  }
0x3: {  	_ = 	snop  }
0x4: {  	_ = 	snop  }
0x5: {  	_ = 	snop  }
0x6: {  	_ = 	snop  }
0x7: {  	_ = 	snop  }
__scs_overlays_trampoline_lowered:
0x8: {  	[smem:$0x3FA7] =	sst s0  }
0x9: {  	[smem:$0x3FA8] =	sst s1  }
0xa: {  	[smem:$0x3FA9] =	sst s2  }
0xb: {  	[smem:$0x3FAA] =	sst s3  }
0xc: {  	[smem:$0x3FAB] =	sst s4  }
0xd: {  	[smem:$0x3FAC] =	sst s5  }
0xe: {  	[smem:$0x3FAD] =	sst s6  }
0xf: {  	[smem:$0x3FAE] =	sst s7  }
0x10: {  	[smem:$0x3FAF] =	sst s8  }
0x11: {  	[smem:$0x3FB0] =	sst s9;
	s0 =	simm.s32 @!p0 $0x0  }
0x12: {  	s1 =	sld [smem:$0x3F96];
	s0 =	simm.s32 @p0 $0x1  }
0x13: {  	[smem:$0x3FB1] =	sst s0;
	s0 =	simm.s32 @!p1 $0x0  }
0x14: {  	s2 =	sld [smem:$0x3F95];
	s0 =	simm.s32 @p1 $0x1  }
0x15: {  	[smem:$0x3FB2] =	sst s0;
	s0 =	simm.s32 @!p2 $0x0  }
0x16: {  	s3 =	sld [smem:$0x3FDB];
	s0 =	simm.s32 @p2 $0x1  }
0x17: {  	s4 =	simm.s32 $0x1BF5;
	[smem:$0x3FB4] =	sst s0  }
0x18: {  	s0 =	sld [smem:$0x3F97];
	_ =	swait.ge [sflag:s4], $0x0  }
0x19: {  	s7 =	sld [smem:$0x3F98]  }
0x1a: {  	s8 =	sadd.s32 $0xFFFFE003, lr  }
0x1b: {  	s9 =	sadd.s32 $0xFFFFFEF7, lr;
	s5 =	simm.s32 $0xFFFFFFFF;
	p2 =	slt.u32 s8, $0xFFFFF086  }
0x1c: {  	p1 =	slt.u32 s9, $0xF7A;
	s5 =	simm.s32 @!p2 $0x0  }
0x1d: {  	s5 =	simm.s32 @p1 $0x1;
	p0 =	seq.s32 s7, s2  }
0x1e: {  	s7 =	smul.u32 @!p0 $0xF7A, s2;
	p2 =	seq.s32 @!p0 s5, $0x0  }
0x1f: {  	s9 =	smul.u32 $0xF7A, s1;
	s8 =	simm.s32 @!p0 $0x1BF5;
	p2 =	por !p2, p0  }
0x20: {  	[sflag:s8] =	ssyncset.s32 @!p0 $0xFFFFF086;
	s6 =	sadd.s32 @!p0 s3, s7;
	s7 =	simm.s32 @!p0 $0x108  }
0x21: {  	s3 =	sadd.s32 s3, s9;
	s6 =	sadd.s32 @!p0 $0x88, s6;
	s7 =	simm.s32 @p2 $0x1082  }
0x22: {  	[simem:s7], [sflag:s8] =	dma.local @!p0 [hbm:s6], $0xF7A  }
0x23: {  	s9 =	sor.u32 $0xD0000000, s2;
	s6 =	simm.s32 $0x108;
	_ =	swait.ge @!p0 [sflag:s8], $0x0  }
0x24: {  	s3 =	sadd.s32 $0x88, s3;
	s6 =	simm.s32 @!p1 $0x1082;
	[sflag:s4] =	ssyncset.s32 $0xFFFFF086  }
0x25: {  	[simem:s6], [sflag:s4] =	dma.local [hbm:s3], $0xF7A  }
0x26: {  	[smem:$0x3F98] =	sst s1;
	(tag) =	ssettag s2;
	_ =	strace s9  }
0x27: {  	s1 =	sld [smem:$0x3FA8]  }
0x28: {  	s2 =	sld [smem:$0x3FA9]  }
0x29: {  	s4 =	sld [smem:$0x3FAB]  }
0x2a: {  	p0 =	seq.s32 s5, $0x0;
	s5 =	sld [smem:$0x3FAC]  }
0x2b: {  	s6 =	sld [smem:$0x3FAD]  }
0x2c: {  	s7 =	sld [smem:$0x3FAE]  }
0x2d: {  	s3 =	simm.s32 $0x108;
	s8 =	sld [smem:$0x3FAF]  }
0x2e: {  	s3 =	simm.s32 @!p0 $0x1082;
	s9 =	sld [smem:$0x3FB0]  }
0x2f: {  	lr =	sadd.s32 s0, s3;
	s0 =	sld [smem:$0x3FA7]  }
0x30: {  	s3 =	sld [smem:$0x3FAA]  }
0x31: {  	[smem:$0x3FB3] =	sst s10  }
0x32: {  	s10 =	sld [smem:$0x3FB1];
	_ =	sdelay $0x3  }
0x33: {  	p0 =	seq.s32 s10, $0x1;
	s10 =	sld [smem:$0x3FB3];
	_ =	sdelay $0x3  }
0x34: {  	[smem:$0x3FB3] =	sst s10  }
0x35: {  	s10 =	sld [smem:$0x3FB2];
	_ =	sdelay $0x3  }
0x36: {  	p1 =	seq.s32 s10, $0x1;
	s10 =	sld [smem:$0x3FB3];
	_ =	sdelay $0x3  }
0x37: {  	[smem:$0x3FB3] =	sst s10  }
0x38: {  	s10 =	sld [smem:$0x3FB4]  }
0x39: {  	_ = 	snop;
	(pc) =	sbr.ind lr, $3  }
0x3a: {  	_ = 	snop  }
0x3b: {  	_ = 	snop  }
0x3c: {  	p2 =	seq.s32 s10, $0x1;
	s10 =	sld [smem:$0x3FB3]  }
0x3d: {  	_ =	shalt  }
0x3e: {  	_ =	shalt  }
0x3f: {  	_ =	shalt  }
0x40: {  	_ =	shalt  }
0x41: {  	_ =	shalt  }
0x42: {  	_ =	shalt  }
0x43: {  	_ =	shalt  }
0x44: {  	_ =	shalt  }
0x45: {  	_ =	shalt  }
0x46: {  	_ =	shalt  }
0x47: {  	_ =	shalt  }
0x48: {  	_ =	shalt  }
0x49: {  	_ =	shalt  }
0x4a: {  	_ =	shalt  }
0x4b: {  	_ =	shalt  }
0x4c: {  	_ =	shalt  }
0x4d: {  	_ =	shalt  }
0x4e: {  	_ =	shalt  }
0x4f: {  	_ =	shalt  }
0x50: {  	_ =	shalt  }
0x51: {  	_ =	shalt  }
0x52: {  	_ =	shalt  }
0x53: {  	_ =	shalt  }
0x54: {  	_ =	shalt  }
0x55: {  	_ =	shalt  }
0x56: {  	_ =	shalt  }
0x57: {  	_ =	shalt  }
0x58: {  	_ =	shalt  }
0x59: {  	_ =	shalt  }
0x5a: {  	_ =	shalt  }
0x5b: {  	_ =	shalt  }
0x5c: {  	_ =	shalt  }
0x5d: {  	_ =	shalt  }
0x5e: {  	_ =	shalt  }
0x5f: {  	_ =	shalt  }
0x60: {  	_ =	shalt  }
0x61: {  	_ =	shalt  }
0x62: {  	_ =	shalt  }
0x63: {  	_ =	shalt  }
0x64: {  	_ =	shalt  }
0x65: {  	_ =	shalt  }
0x66: {  	_ =	shalt  }
0x67: {  	_ =	shalt  }
0x68: {  	_ =	shalt  }
0x69: {  	_ =	shalt  }
0x6a: {  	_ =	shalt  }
0x6b: {  	_ =	shalt  }
0x6c: {  	_ =	shalt  }
0x6d: {  	_ =	shalt  }
0x6e: {  	_ =	shalt  }
0x6f: {  	_ =	shalt  }
0x70: {  	_ =	shalt  }
0x71: {  	_ =	shalt  }
0x72: {  	_ =	shalt  }
0x73: {  	_ =	shalt  }
0x74: {  	_ =	shalt  }
0x75: {  	_ =	shalt  }
0x76: {  	_ =	shalt  }
0x77: {  	_ =	shalt  }
0x78: {  	_ =	shalt  }
0x79: {  	_ =	shalt  }
0x7a: {  	_ =	shalt  }
0x7b: {  	_ =	shalt  }
0x7c: {  	_ =	shalt  }
0x7d: {  	_ =	shalt  }
0x7e: {  	_ =	shalt  }
0x7f: {  	_ =	shalt  }
0x80: {  	_ =	shalt  }
0x81: {  	_ =	shalt  }
0x82: {  	_ =	shalt  }
0x83: {  	_ =	shalt  }
0x84: {  	_ =	shalt  }
0x85: {  	_ =	shalt  }
0x86: {  	_ =	shalt  }
0x87: {  	_ =	shalt  }
.Lfunc_end0:
.L_simem_size_0:
called_computation_lowered:
.L_overlay_start_0:
0x88: {  	s2 =	sld [smem:$0x3FD9]  }
0x89: {  	s3 =	sld [smem:$0x3FFE];
	_ =	sdelay $0x1  }
0x8a: {  	s1 =	srdreg.scid  }
0x8b: {  	s0 =	sand.u32 $0x1, s1  }
0x8c: {  	s16 =	sshll.u32 s0, $0xA;
	s2 =	sadd.s32 s3, s2  }
0x8d: {  	s2 =	sadd.s32 s2, s16  }
0x8e: {  	[smem:$0x3FBF] =	sst s2  }
0x8f: {  	_ = 	snop  }
0x90: {  	(tm) =	ssettm $0x1  }
0x91: {  	s17 =	sld [smem:$0x3FFB];
	_ =	sdelay $0x3  }
0x92: {  	_ =	strace s17  }
0x93: {  	s2 =	sld [smem:$0x3FFC];
	_ =	sdelay $0x3  }
0x94: {  	_ =	strace s2  }
0x95: {  	s2 =	sld [smem:$0x3FFD];
	_ =	sdelay $0x3  }
0x96: {  	_ =	strace s2  }
0x97: {  	_ =	strace $0x8FFFFFFF  }
0x98: {  	s18 =	sld [smem:$0x3FDB];
	_ =	sdelay $0x1  }
0x99: {  	s19 =	simm.s32 $_scs_section_size  }
0x9a: {  	s4 =	simm.s32 $_size__tile_overlayer_lowered;
	s5 =	simm.s32 $_tile_overlayer_lowered  }
0x9b: {  	s22 =	simm.s32 $0x1BFF;
	s21 =	sshll.u32 s5, $0x1;
	s2 =	sadd.s32 s19, s18  }
0x9c: {  	s6 =	simm.s32 $0x0;
	s20 =	sshll.u32 s4, $0x1;
	s4 =	sadd.s32 s21, s2  }
0x9d: {  	[timem:s6], [sflag:s22] =	dma.local [hbm:s4], s20  }
0x9e: {  	_ =	swait.ge [sflag:s22], s20  }
0x9f: {  	s3 =	ssub.s32 $0x0, s20;
	[sflag:s22] =	ssyncset.done $0x0  }
0xa0: {  	[sflag:s22] =	ssyncadd.s32 s3;
	_ =	sdelay $0x1  }
0xa1: {  	s23 =	simm.s32 $0x1B8B  }
0xa2: {  	_ =	swait.ge [sflag:s23], $0x1  }
0xa3: {  	[sflag:s23] =	ssyncset.done $0x0  }
0xa4: {  	s25 =	simm.s32 $0x1B8E;
	s24 =	sld [smem:$0x3FFE];
	[sflag:s23] =	ssyncadd.s32 $0xFFFFFFFF  }
0xa5: {  	s26 =	simm.s32 $execute0_lowered;
	[smem:$0x3FD2] =	sst s25  }
0xa6: {  	s4 =	sshll.u32 s26, $0x1;
	_ =	strace $0x80000046;
	[dreg:$0x1] =	wrdreg $0xFFFFFFFF  }
0xa7: {  	s28 =	simm.s32 $_size_execute0_lowered;
	s2 =	sadd.s32 s2, s4;
	[dreg:$0x0] =	wrdreg $0x0  }
0xa8: {  	s4 =	sshll.u32 s28, $0x1;
	[dreg:$0x2] =	wrdreg s2  }
0xa9: {  	[dreg:$0x3] =	wrdreg s4  }
0xaa: {  	[dreg:$0x4] =	wrdreg $0xC0  }
0xab: {  	_ =	task [dreg:s6], $0x5FFFF  }
0xac: {  	[dreg:$0x1] =	wrdreg $0xFFFFFFFF  }
0xad: {  	[dreg:$0x0] =	wrdreg $0x60  }
0xae: {  	[dreg:$0x2] =	wrdreg s24  }
0xaf: {  	[dreg:$0x3] =	wrdreg $0x9  }
0xb0: {  	_ =	task.clear_ibuf [dreg:s6], $0x4FFFF;
	_ =	strace $0x90000046  }
0xb1: {  	s29 =	simm.s32 $0x9;
	_ =	strace $0x80000048  }
0xb2: {  	_ =	swait.ge [sflag:s29], $0x1  }
0xb3: {  	[sflag:s29] =	ssyncadd.s32 $0xFFFFFFFF  }
0xb4: {  	_ =	strace $0x90000048  }
0xb5: {  	_ =	sfence  }
0xb6: {  	s30 =	sld [smem:$0x0];
	_ =	sdelay $0x2  }
0xb7: {  	s31 =	sshll.u32 s1, $0xD;
	s1 =	sshrl.u32 s1, $0x2  }
0xb8: {  	s3 =	sand.u32 $0x4000, s31;
	s1 =	sadd.s32 s1, s30  }
0xb9: {  	s0 =	sor.u32 s3, s0;
	s1 =	sshll.u32 s1, $0x11  }
0xba: {  	s0 =	sor.u32 s1, s0  }
0xbb: {  	s0 =	sadd.s32 $0x8F2B, s0  }
0xbc: {  	[sflag:s0] =	ssyncadd.remote.s32 $0x1  }
0xbd: {  	_ =	sfence.sel $0xFFFF  }
0xbe: {  	[dreg:$0x0] =	wrdreg $0xFFFFFFFF;
	(pc) =	sbr.abs _section_cstart, $3  }
0xbf: {  	[dreg:$0x1] =	wrdreg $0xFFFFFFFF  }
0xc0: {  	_ =	task.clear_ibuf [dreg:s6], $0x2FFFF;
	_ =	strace $0x9FFFFFFF  }
0xc1: {  	(tm) =	ssettm $0x7FFFFFFF  }
tec
execute0_lowered:
.L_overlay_start_1:
0x0: {  	(tag) =	ssettag $0x1  }
0x1: {  	s1 =	srdreg.scid;
	s0 =	stileid.u32  }
0x2: {  	s4 =	rddreg [dreg:$0x0];
	s3 =	sand.u32 $0x1, s1;
	s30 =	sshll.u32 s0, $0x1  }
0x3: {  	s2 =	simm.s32 $0x0;
	s8 =	simm.s32 $0x0;
	s5 =	sor.u32 s3, s30  }
0x4: {  	s1 =	rddreg [dreg:$0x1];
	s3 =	ssub.s32 $0x2, s3;
	s6 =	smul.u32 $0x1200, s5  }
0x5: {  	v0 =	vlaneseq.u32;
	[smem:$0x7FF] =	sst s2;
	s5 =	smul.u32 $0x300, s5;
	s7 =	sshrl.u32 s3, $0x1  }
0x6: {  	v0 =	vmul.u32 $0xFFFFFFFF, v0;
	_ =	strace $0x80000047;
	s31 =	ssub.s32 s3, s7;
	s7 =	simm.s32 $0x9000  }
0x7: {  	s6 =	sadd.s32 s6, s4;
	s4 =	sadd.s32 s5, s4;
	s5 =	smax.u32 s31, $0x1  }
0x8: {  	v0 =	vadd.s32 $0xF, v0;
	s3 =	sadd.s32 $0x3C00, s6;
	s4 =	sadd.s32 $0x27C00, s4;
	s6 =	simm.s32 $0x1  }
.LBB2_1:
0x9: {  	[tilespmem:s2], [sflag:$0x1] =	stream.linear.gather [hbm4b:s3+s2], $0x9000, $0x38;
	[tilespmem:$0xA800] =	vst v63  }
0xa: {  	_ =	swait.ge [sflag:s6], $0x9000  }
0xb: {  	s9 =	simm.s32 $0x9080;
	[sflag:s6] =	ssyncset.done $0x0  }
0xc: {  	s10 =	simm.s32 $0x0;
	s11 =	simm.s32 $0x0;
	[sflag:s6] =	ssyncadd.s32 $0xFFFF7000  }
.LBB2_2:
0xd: {  	s12 =	sshrl.u32 s11, $0x2  }
0xe: {  	s12 =	smul.u32 $0x6000, s12;
	_ =	sdelay $0x1  }
0xf: {  	s17 =	sand.u32 $0x300, s10;
	s13 =	sshra.s32 s12, $0x2  }
0x10: {  	s14 =	sor.u32 s17, s13  }
0x11: {  	v1 =	vld [tilespmem:s14+$0x0]  }
0x12: {  	v2 =	vld [tilespmem:s14+$0x10]  }
0x13: {  	v3 =	vld [tilespmem:s14+$0x20]  }
0x14: {  	v4 =	vld [tilespmem:s14+$0x30]  }
0x15: {  	v5 =	vld [tilespmem:s14+$0x40]  }
0x16: {  	v6 =	vld [tilespmem:s14+$0x50];
	(xrf1) =	vsort.ascd.msk.f32 $0xffff, v1, v1  }
0x17: {  	v1 =	vld [tilespmem:s14+$0x60];
	(xrf1) =	vsort.ascd.msk.f32 $0xffff, v2, v2  }
0x18: {  	v2 =	vld [tilespmem:s14+$0x70];
	(xrf1) =	vsort.ascd.msk.f32 $0xffff, v3, v3  }
0x19: {  	v3 =	vld [tilespmem:s14+$0x400];
	(xrf1) =	vsort.ascd.msk.f32 $0xffff, v4, v4  }
0x1a: {  	v35 =	vld [tilespmem:s14+$0x410];
	(xrf1) =	vsort.ascd.msk.f32 $0xffff, v5, v5  }
0x1b: {  	v36 =	vld [tilespmem:s14+$0x420];
	(xrf1) =	vsort.ascd.msk.f32 $0xffff, v6, v6  }
0x1c: {  	v37 =	vld [tilespmem:s14+$0x430];
	(xrf1) =	vsort.ascd.msk.f32 $0xffff, v1, v1  }
0x1d: {  	v1 =	vld [tilespmem:s14+$0x440];
	(xrf1) =	vsort.ascd.msk.f32 $0xffff, v2, v2  }
0x1e: {  	v2 =	vld [tilespmem:s14+$0x450];
	(xrf1) =	vsort.ascd.msk.f32 $0xffff, v3, v3  }
0x1f: {  	s12 =	sadd.s32 $0x800, s13;
	v3 =	vld [tilespmem:s14+$0x460];
	(xrf1) =	vsort.ascd.msk.f32 $0xffff, v35, v35  }
0x20: {  	v38 =	vld [tilespmem:s14+$0x470];
	s15 =	sor.u32 s17, s12;
	(xrf1) =	vsort.ascd.msk.f32 $0xffff, v36, v36  }
0x21: {  	v39 =	vld [tilespmem:s15+$0x0];
	(xrf1) =	vsort.ascd.msk.f32 $0xffff, v37, v37  }
0x22: {  	v40 =	vld [tilespmem:s15+$0x10];
	(xrf1) =	vsort.ascd.msk.f32 $0xffff, v1, v1  }
0x23: {  	v1 =	vld [tilespmem:s15+$0x20];
	(xrf1) =	vsort.ascd.msk.f32 $0xffff, v2, v2  }
0x24: {  	v2 =	vld [tilespmem:s15+$0x30];
	v7, _, _ =	vpop (xrf1);
	(xrf1) =	vsort.ascd.msk.f32 $0xffff, v3, v3  }
0x25: {  	v3 =	vld [tilespmem:s15+$0x40];
	v8, _, _ =	vpop (xrf1);
	(xrf1) =	vsort.ascd.msk.f32 $0xffff, v38, v38  }
0x26: {  	v41 =	vld [tilespmem:s15+$0x50];
	v9, _, _ =	vpop (xrf1);
	(xrf1) =	vsort.ascd.msk.f32 $0xffff, v39, v39  }
0x27: {  	s24 =	sadd.s32 $0xC00, s13;
	v42 =	vld [tilespmem:s15+$0x60];
	v10, _, _ =	vpop (xrf1);
	(xrf1) =	vsort.ascd.msk.f32 $0xffff, v40, v40  }
0x28: {  	s16 =	sor.u32 s17, s24;
	v43 =	vld [tilespmem:s15+$0x70];
	v11, _, _ =	vpop (xrf1);
	(xrf1) =	vsort.ascd.msk.f32 $0xffff, v1, v1  }
0x29: {  	v1 =	vld [tilespmem:s16+$0x0];
	v12, _, _ =	vpop (xrf1);
	(xrf1) =	vsort.ascd.msk.f32 $0xffff, v2, v2  }
0x2a: {  	v2 =	vld [tilespmem:s16+$0x10];
	v13, _, _ =	vpop (xrf1);
	(xrf1) =	vsort.ascd.msk.f32 $0xffff, v3, v3  }
0x2b: {  	v3 =	vld [tilespmem:s16+$0x20];
	v14, _, _ =	vpop (xrf1);
	(xrf1) =	vsort.ascd.msk.f32 $0xffff, v41, v41  }
0x2c: {  	v44 =	vld [tilespmem:s16+$0x30];
	v15, _, _ =	vpop (xrf1);
	(xrf1) =	vsort.ascd.msk.f32 $0xffff, v42, v42  }
0x2d: {  	v45 =	vld [tilespmem:s16+$0x40];
	v16, _, _ =	vpop (xrf1);
	(xrf1) =	vsort.ascd.msk.f32 $0xffff, v43, v43  }
0x2e: {  	v46 =	vld [tilespmem:s16+$0x50];
	v17, _, _ =	vpop (xrf1);
	(xrf1) =	vsort.ascd.msk.f32 $0xffff, v1, v1  }
0x2f: {  	s25 =	sadd.s32 $0x1000, s13;
	v1 =	vld [tilespmem:s16+$0x60];
	v18, _, _ =	vpop (xrf1);
	(xrf1) =	vsort.ascd.msk.f32 $0xffff, v2, v2  }
0x30: {  	s18 =	sor.u32 s17, s25;
	v2 =	vld [tilespmem:s16+$0x70];
	v19, _, _ =	vpop (xrf1);
	(xrf1) =	vsort.ascd.msk.f32 $0xffff, v3, v3  }
0x31: {  	v3 =	vld [tilespmem:s18+$0x0];
	v20, _, _ =	vpop (xrf1);
	(xrf1) =	vsort.ascd.msk.f32 $0xffff, v44, v44  }
0x32: {  	v47 =	vld [tilespmem:s18+$0x10];
	v21, _, _ =	vpop (xrf1);
	(xrf1) =	vsort.ascd.msk.f32 $0xffff, v45, v45  }
0x33: {  	v48 =	vld [tilespmem:s18+$0x20];
	v22, _, _ =	vpop (xrf1);
	(xrf1) =	vsort.ascd.msk.f32 $0xffff, v46, v46  }
0x34: {  	v49 =	vld [tilespmem:s18+$0x30];
	v23, _, _ =	vpop (xrf1);
	(xrf1) =	vsort.ascd.msk.f32 $0xffff, v1, v1  }
0x35: {  	v1 =	vld [tilespmem:s18+$0x40];
	v24, _, _ =	vpop (xrf1);
	(xrf1) =	vsort.ascd.msk.f32 $0xffff, v2, v2  }
0x36: {  	v2 =	vld [tilespmem:s18+$0x50];
	v25, _, _ =	vpop (xrf1);
	(xrf1) =	vsort.ascd.msk.f32 $0xffff, v3, v3  }
0x37: {  	s26 =	sadd.s32 $0x1400, s13;
	v3 =	vld [tilespmem:s18+$0x60];
	v26, _, _ =	vpop (xrf1);
	(xrf1) =	vsort.ascd.msk.f32 $0xffff, v47, v47  }
0x38: {  	s17 =	sor.u32 s17, s26;
	v50 =	vld [tilespmem:s18+$0x70];
	v27, _, _ =	vpop (xrf1);
	(xrf1) =	vsort.ascd.msk.f32 $0xffff, v48, v48  }
0x39: {  	v51 =	vld [tilespmem:s17+$0x0];
	v28, _, _ =	vpop (xrf1);
	(xrf1) =	vsort.ascd.msk.f32 $0xffff, v49, v49  }
0x3a: {  	v52 =	vld [tilespmem:s17+$0x10];
	v29, _, _ =	vpop (xrf1);
	(xrf1) =	vsort.ascd.msk.f32 $0xffff, v1, v1  }
0x3b: {  	v1 =	vld [tilespmem:s17+$0x20];
	v30, _, _ =	vpop (xrf1);
	(xrf1) =	vsort.ascd.msk.f32 $0xffff, v2, v2  }
0x3c: {  	v2 =	vld [tilespmem:s17+$0x30];
	v31, _, _ =	vpop (xrf1);
	(xrf1) =	vsort.ascd.msk.f32 $0xffff, v3, v3  }
0x3d: {  	v3 =	vld [tilespmem:s17+$0x40];
	v32, _, _ =	vpop (xrf1);
	(xrf1) =	vsort.ascd.msk.f32 $0xffff, v50, v50  }
0x3e: {  	v53 =	vld [tilespmem:s17+$0x50];
	v33, _, _ =	vpop (xrf1);
	(xrf1) =	vsort.ascd.msk.f32 $0xffff, v51, v51  }
0x3f: {  	v54 =	vld [tilespmem:s17+$0x60];
	v34, _, _ =	vpop (xrf1);
	(xrf1) =	vsort.ascd.msk.f32 $0xffff, v52, v52  }
0x40: {  	v55 =	vld [tilespmem:s17+$0x70];
	v35, _, _ =	vpop (xrf1);
	(xrf1) =	vsort.ascd.msk.f32 $0xffff, v1, v1  }
0x41: {  	v36, _, _ =	vpop (xrf1);
	(xrf1) =	vsort.ascd.msk.f32 $0xffff, v2, v2  }
0x42: {  	v37, _, _ =	vpop (xrf1);
	(xrf1) =	vsort.ascd.msk.f32 $0xffff, v3, v3  }
0x43: {  	v1 =	vperm.xlane v8, v0;
	v38, _, _ =	vpop (xrf1);
	(xrf1) =	vsort.ascd.msk.f32 $0xffff, v53, v53  }
0x44: {  	v8, _, _ =	vpop (xrf1);
	(xrf1) =	vsort.ascd.msk.f32 $0xffff, v54, v54  }
0x45: {  	v2 =	vmin.f32 v7, v1;
	v3 =	vperm.xlane v10, v0;
	v39, _, _ =	vpop (xrf1);
	(xrf1) =	vsort.ascd.msk.f32 $0xffff, v55, v55  }
0x46: {  	v1 =	vmax.f32 v7, v1;
	v10, _, _ =	vpop (xrf1);
	(xrf1) =	vsort.ascd.msk.f32 $0xffff, v2, v2  }
0x47: {  	v2 =	vperm.xlane v12, v0;
	v40, _, _ =	vpop (xrf1);
	(xrf1) =	vsort.ascd.msk.f32 $0xffff, v1, v1;
	v1 =	vmin.f32 v9, v3  }
0x48: {  	v12, _, _ =	vpop (xrf1);
	(xrf1) =	vsort.ascd.msk.f32 $0xffff, v1, v1;
	v1 =	vmax.f32 v9, v3  }
0x49: {  	v3 =	vperm.xlane v14, v0;
	v9, _, _ =	vpop (xrf1);
	(xrf1) =	vsort.ascd.msk.f32 $0xffff, v1, v1;
	v1 =	vmin.f32 v11, v2  }
0x4a: {  	v14, _, _ =	vpop (xrf1);
	(xrf1) =	vsort.ascd.msk.f32 $0xffff, v1, v1;
	v1 =	vmax.f32 v11, v2  }
0x4b: {  	v16 =	vperm.xlane v16, v0;
	v11, _, _ =	vpop (xrf1);
	(xrf1) =	vsort.ascd.msk.f32 $0xffff, v1, v1;
	v1 =	vmin.f32 v13, v3  }
0x4c: {  	v41, _, _ =	vpop (xrf1);
	(xrf1) =	vsort.ascd.msk.f32 $0xffff, v1, v1;
	v1 =	vmax.f32 v13, v3  }
0x4d: {  	v13, _, _ =	vpop (xrf1);
	(xrf1) =	vsort.ascd.msk.f32 $0xffff, v1, v1;
	v1 =	vmin.f32 v15, v16  }
0x4e: {  	v42, _, _ =	vpop (xrf1);
	(xrf1) =	vsort.ascd.msk.f32 $0xffff, v1, v1  }
0x4f: {  	v43, _, _ =	vpop (xrf1)  }
0x50: {  	v44, _, _ =	vpop (xrf1)  }
0x51: {  	v45, _, _ =	vpop (xrf1)  }
0x52: {  	v4, _, _ =	vpop (xrf1)  }
0x53: {  	v46, _, _ =	vpop (xrf1)  }
0x54: {  	v5, _, _ =	vpop (xrf1)  }
0x55: {  	v6, _, _ =	vpop (xrf1)  }
0x56: {  	v47, _, _ =	vpop (xrf1)  }
0x57: {  	v48, _, _ =	vpop (xrf1)  }
0x58: {  	v2, _, _ =	vpop (xrf1)  }
0x59: {  	v3, _, _ =	vpop (xrf1)  }
0x5a: {  	v7, _, _ =	vpop (xrf1)  }
0x5b: {  	v18 =	vperm.xlane v18, v0;
	v49, _, _ =	vpop (xrf1)  }
0x5c: {  	v15 =	vmax.f32 v15, v16;
	v1, _, _ =	vpop (xrf1)  }
0x5d: {  	v56 =	vmin.f32 v17, v18;
	v57 =	vperm.xlane v20, v0;
	(xrf1) =	vsort.ascd.msk.f32 $0xffff, v15, v15  }
0x5e: {  	v58 =	vmax.f32 v17, v18;
	(xrf1) =	vsort.ascd.msk.f32 $0xffff, v56, v56  }
0x5f: {  	v59 =	vmin.f32 v19, v57;
	v60 =	vperm.xlane v22, v0;
	(xrf1) =	vsort.ascd.msk.f32 $0xffff, v58, v58  }
0x60: {  	v61 =	vmax.f32 v19, v57;
	(xrf1) =	vsort.ascd.msk.f32 $0xffff, v59, v59  }
0x61: {  	v62 =	vmin.f32 v21, v60;
	v63 =	vperm.xlane v24, v0;
	(xrf1) =	vsort.ascd.msk.f32 $0xffff, v61, v61  }
0x62: {  	v19 =	vmax.f32 v21, v60;
	(xrf1) =	vsort.ascd.msk.f32 $0xffff, v62, v62  }
0x63: {  	v20 =	vmin.f32 v23, v63;
	v21 =	vperm.xlane v26, v0;
	(xrf1) =	vsort.ascd.msk.f32 $0xffff, v19, v19  }
0x64: {  	v22 =	vmax.f32 v23, v63;
	(xrf1) =	vsort.ascd.msk.f32 $0xffff, v20, v20  }
0x65: {  	v23 =	vmin.f32 v25, v21;
	v24 =	vperm.xlane v28, v0;
	(xrf1) =	vsort.ascd.msk.f32 $0xffff, v22, v22  }
0x66: {  	v26 =	vmax.f32 v25, v21;
	(xrf1) =	vsort.ascd.msk.f32 $0xffff, v23, v23  }
0x67: {  	v28 =	vmin.f32 v27, v24;
	v30 =	vperm.xlane v30, v0;
	(xrf1) =	vsort.ascd.msk.f32 $0xffff, v26, v26  }
0x68: {  	v50 =	vmax.f32 v27, v24;
	(xrf1) =	vsort.ascd.msk.f32 $0xffff, v28, v28  }
0x69: {  	v51 =	vmin.f32 v29, v30;
	v52 =	vperm.xlane v32, v0;
	(xrf1) =	vsort.ascd.msk.f32 $0xffff, v50, v50  }
0x6a: {  	v53 =	vmax.f32 v29, v30;
	(xrf1) =	vsort.ascd.msk.f32 $0xffff, v51, v51  }
0x6b: {  	v54 =	vmin.f32 v31, v52;
	v55 =	vperm.xlane v34, v0;
	(xrf1) =	vsort.ascd.msk.f32 $0xffff, v53, v53  }
0x6c: {  	v56 =	vmax.f32 v31, v52;
	v18, _, _ =	vpop (xrf1);
	(xrf1) =	vsort.ascd.msk.f32 $0xffff, v54, v54  }
0x6d: {  	v57 =	vmin.f32 v33, v55;
	v58 =	vperm.xlane v36, v0;
	v16, _, _ =	vpop (xrf1);
	(xrf1) =	vsort.ascd.msk.f32 $0xffff, v56, v56  }
0x6e: {  	v59 =	vmax.f32 v33, v55;
	v20, _, _ =	vpop (xrf1);
	(xrf1) =	vsort.ascd.msk.f32 $0xffff, v57, v57  }
0x6f: {  	v60 =	vmin.f32 v35, v58;
	v61 =	vperm.xlane v38, v0;
	v17, _, _ =	vpop (xrf1);
	(xrf1) =	vsort.ascd.msk.f32 $0xffff, v59, v59  }
0x70: {  	v62 =	vmax.f32 v35, v58;
	v22, _, _ =	vpop (xrf1);
	(xrf1) =	vsort.ascd.msk.f32 $0xffff, v60, v60  }
0x71: {  	v63 =	vmin.f32 v37, v61;
	v28 =	vperm.xlane v39, v0;
	v19, _, _ =	vpop (xrf1);
	(xrf1) =	vsort.ascd.msk.f32 $0xffff, v62, v62  }
0x72: {  	v29 =	vmax.f32 v37, v61;
	v24, _, _ =	vpop (xrf1);
	(xrf1) =	vsort.ascd.msk.f32 $0xffff, v63, v63  }
0x73: {  	v31 =	vperm.xlane v40, v0;
	v30 =	vmin.f32 v8, v28;
	v21, _, _ =	vpop (xrf1);
	(xrf1) =	vsort.ascd.msk.f32 $0xffff, v29, v29  }
0x74: {  	v8 =	vmax.f32 v8, v28;
	v26, _, _ =	vpop (xrf1);
	(xrf1) =	vsort.ascd.msk.f32 $0xffff, v30, v30  }
0x75: {  	v9 =	vperm.xlane v9, v0;
	v32 =	vmin.f32 v10, v31;
	v15, _, _ =	vpop (xrf1);
	(xrf1) =	vsort.ascd.msk.f32 $0xffff, v8, v8  }
0x76: {  	v33 =	vmax.f32 v10, v31;
	v23, _, _ =	vpop (xrf1);
	(xrf1) =	vsort.ascd.msk.f32 $0xffff, v32, v32  }
0x77: {  	v34 =	vmin.f32 v12, v9;
	v11 =	vperm.xlane v11, v0;
	v10, _, _ =	vpop (xrf1);
	(xrf1) =	vsort.ascd.msk.f32 $0xffff, v33, v33  }
0x78: {  	v7 =	vperm.xlane v7, v0;
	v35 =	vmax.f32 v12, v9;
	v25, _, _ =	vpop (xrf1);
	(xrf1) =	vsort.ascd.msk.f32 $0xffff, v34, v34  }
0x79: {  	v36 =	vmin.f32 v14, v11;
	v37 =	vperm.xlane v13, v0;
	v9, _, _ =	vpop (xrf1);
	(xrf1) =	vsort.ascd.msk.f32 $0xffff, v35, v35  }
0x7a: {  	v3 =	vmax.f32 v3, v7;
	v38 =	vmax.f32 v14, v11;
	v13, _, _ =	vpop (xrf1);
	(xrf1) =	vsort.ascd.msk.f32 $0xffff, v36, v36  }
0x7b: {  	v40 =	vperm.xlane v43, v0;
	v39 =	vmin.f32 v41, v37;
	v11, _, _ =	vpop (xrf1);
	(xrf1) =	vsort.ascd.msk.f32 $0xffff, v38, v38  }
0x7c: {  	v41 =	vmax.f32 v41, v37;
	v50 =	vperm.xlane v45, v0;
	v27, _, _ =	vpop (xrf1);
	(xrf1) =	vsort.ascd.msk.f32 $0xffff, v39, v39  }
0x7d: {  	v43 =	vmin.f32 v42, v40;
	v51 =	vmax.f32 v42, v40;
	(xrf1) =	vsort.ascd.msk.f32 $0xffff, v41, v41  }
0x7e: {  	v52 =	vmin.f32 v44, v50;
	v54 =	vperm.xlane v46, v0;
	v12, _, _ =	vpop (xrf1);
	(xrf1) =	vsort.ascd.msk.f32 $0xffff, v43, v43  }
0x7f: {  	v53 =	vmax.f32 v44, v50;
	v56 =	vperm.xlane v48, v0;
	v29, _, _ =	vpop (xrf1);
	(xrf1) =	vsort.ascd.msk.f32 $0xffff, v51, v51  }
0x80: {  	v55 =	vmin.f32 v4, v54;
	v57 =	vperm.xlane v47, v0;
	v14, _, _ =	vpop (xrf1);
	(xrf1) =	vsort.ascd.msk.f32 $0xffff, v52, v52  }
0x81: {  	v4 =	vmax.f32 v4, v54;
	v59 =	vmax.f32 v5, v56;
	v30, _, _ =	vpop (xrf1);
	(xrf1) =	vsort.ascd.msk.f32 $0xffff, v53, v53  }
0x82: {  	v60 =	vmax.f32 v6, v57;
	v63 =	vperm.xlane v49, v0;
	v8, _, _ =	vpop (xrf1);
	(xrf1) =	vsort.ascd.msk.f32 $0xffff, v55, v55  }
0x83: {  	v16 =	vperm.xlane v16, v0;
	v62 =	vmin.f32 v59, v60;
	v58, _, _ =	vpop (xrf1);
	(xrf1) =	vsort.ascd.msk.f32 $0xffff, v4, v4  }
0x84: {  	v2 =	vmax.f32 v2, v63;
	v61, _, _ =	vpop (xrf1);
	v4 =	vmax.f32 v59, v60;
	(xrf1) =	vsort.ascd.msk.f32 $0xffff, v62, v62  }
0x85: {  	v38 =	vmin.f32 v2, v3;
	v39 =	vperm.xlane v20, v0;
	v36, _, _ =	vpop (xrf1);
	(xrf1) =	vsort.ascd.msk.f32 $0xffff, v4, v4  }
0x86: {  	v2 =	vmax.f32 v2, v3;
	v37, _, _ =	vpop (xrf1);
	(xrf1) =	vsort.ascd.msk.f32 $0xffff, v38, v38  }
0x87: {  	v1 =	vmax.f32 v1, v39;
	v40, _, _ =	vpop (xrf1);
	(xrf1) =	vsort.ascd.msk.f32 $0xffff, v2, v2;
	v2 =	vmax.f32 v18, v16  }
0x88: {  	v42 =	vperm.xlane v24, v0;
	v43 =	vperm.xlane v19, v0;
	v41 =	vmin.f32 v1, v2  }
0x89: {  	v3, _, _ =	vpop (xrf1);
	v1 =	vmax.f32 v1, v2;
	(xrf1) =	vsort.ascd.msk.f32 $0xffff, v41, v41  }
0x8a: {  	v44, _, _ =	vpop (xrf1);
	v2 =	vmax.f32 v22, v43;
	(xrf1) =	vsort.ascd.msk.f32 $0xffff, v1, v1;
	v1 =	vmax.f32 v17, v42  }
0x8b: {  	v15 =	vperm.xlane v15, v0;
	v46 =	vperm.xlane v23, v0;
	v7 =	vmin.f32 v1, v2  }
0x8c: {  	v45, _, _ =	vpop (xrf1);
	v1 =	vmax.f32 v1, v2;
	(xrf1) =	vsort.ascd.msk.f32 $0xffff, v7, v7  }
0x8d: {  	v47, _, _ =	vpop (xrf1);
	v2 =	vmax.f32 v26, v15;
	(xrf1) =	vsort.ascd.msk.f32 $0xffff, v1, v1;
	v1 =	vmax.f32 v21, v46  }
0x8e: {  	v9 =	vperm.xlane v9, v0;
	v13 =	vperm.xlane v13, v0;
	v15 =	vmin.f32 v1, v2  }
0x8f: {  	v48, _, _ =	vpop (xrf1);
	v1 =	vmax.f32 v1, v2;
	(xrf1) =	vsort.ascd.msk.f32 $0xffff, v15, v15  }
0x90: {  	v49, _, _ =	vpop (xrf1);
	v2 =	vmax.f32 v25, v9;
	(xrf1) =	vsort.ascd.msk.f32 $0xffff, v1, v1;
	v1 =	vmax.f32 v10, v13  }
0x91: {  	v12 =	vperm.xlane v12, v0;
	v51 =	vperm.xlane v29, v0;
	v10 =	vmin.f32 v1, v2  }
0x92: {  	v50, _, _ =	vpop (xrf1);
	v1 =	vmax.f32 v1, v2;
	(xrf1) =	vsort.ascd.msk.f32 $0xffff, v10, v10  }
0x93: {  	v52, _, _ =	vpop (xrf1);
	v2 =	vmax.f32 v27, v12;
	(xrf1) =	vsort.ascd.msk.f32 $0xffff, v1, v1;
	v1 =	vmax.f32 v11, v51  }
0x94: {  	v8 =	vperm.xlane v8, v0;
	v54 =	vperm.xlane v58, v0;
	v53, _, _ =	vpop (xrf1);
	v11 =	vmin.f32 v1, v2  }
0x95: {  	v55, _, _ =	vpop (xrf1);
	v1 =	vmax.f32 v1, v2;
	(xrf1) =	vsort.ascd.msk.f32 $0xffff, v11, v11  }
0x96: {  	v2 =	vmax.f32 v30, v8;
	(xrf1) =	vsort.ascd.msk.f32 $0xffff, v1, v1;
	v1 =	vmax.f32 v14, v54  }
0x97: {  	v4 =	vperm.xlane v37, v0;
	v58 =	vperm.xlane v40, v0;
	v57 =	vmin.f32 v1, v2  }
0x98: {  	v56, _, _ =	vpop (xrf1);
	v1 =	vmax.f32 v1, v2;
	(xrf1) =	vsort.ascd.msk.f32 $0xffff, v57, v57  }
0x99: {  	v59, _, _ =	vpop (xrf1);
	v2 =	vmax.f32 v36, v4;
	(xrf1) =	vsort.ascd.msk.f32 $0xffff, v1, v1;
	v1 =	vmax.f32 v61, v58  }
0x9a: {  	v5 =	vperm.xlane v45, v0;
	v61 =	vperm.xlane v47, v0;
	v6 =	vmin.f32 v1, v2  }
0x9b: {  	v9 =	vperm.xlane v50, v0;
	v60, _, _ =	vpop (xrf1);
	v1 =	vmax.f32 v1, v2;
	(xrf1) =	vsort.ascd.msk.f32 $0xffff, v6, v6  }
0x9c: {  	v62, _, _ =	vpop (xrf1);
	v2 =	vmax.f32 v44, v5;
	(xrf1) =	vsort.ascd.msk.f32 $0xffff, v1, v1;
	v1 =	vmax.f32 v3, v61  }
0x9d: {  	v63 =	vperm.xlane v52, v0;
	v3, _, _ =	vpop (xrf1);
	v5 =	vmin.f32 v1, v2  }
0x9e: {  	v15, _, _ =	vpop (xrf1);
	v1 =	vmax.f32 v1, v2;
	v2 =	vmax.f32 v49, v9;
	(xrf1) =	vsort.ascd.msk.f32 $0xffff, v5, v5  }
0x9f: {  	v17, _, _ =	vpop (xrf1);
	(xrf1) =	vsort.ascd.msk.f32 $0xffff, v1, v1;
	v1 =	vmax.f32 v48, v63  }
0xa0: {  	v18 =	vperm.xlane v59, v0;
	v8 =	vperm.xlane v56, v0;
	v19, _, _ =	vpop (xrf1);
	v6 =	vmin.f32 v1, v2  }
0xa1: {  	v3 =	vperm.xlane v3, v0;
	v1 =	vmax.f32 v1, v2;
	v2, _, _ =	vpop (xrf1);
	(xrf1) =	vsort.ascd.msk.f32 $0xffff, v6, v6  }
0xa2: {  	v20 =	vmax.f32 v55, v8;
	v21, _, _ =	vpop (xrf1);
	(xrf1) =	vsort.ascd.msk.f32 $0xffff, v1, v1;
	v1 =	vmax.f32 v53, v18  }
0xa3: {  	v22 =	vperm.xlane v15, v0;
	v3 =	vmax.f32 v62, v3;
	v23, _, _ =	vpop (xrf1);
	v8 =	vmin.f32 v1, v20  }
0xa4: {  	v2 =	vperm.xlane v2, v0;
	v1 =	vmax.f32 v1, v20;
	v24, _, _ =	vpop (xrf1);
	(xrf1) =	vsort.ascd.msk.f32 $0xffff, v8, v8  }
0xa5: {  	v25, _, _ =	vpop (xrf1);
	(xrf1) =	vsort.ascd.msk.f32 $0xffff, v1, v1;
	v1 =	vmax.f32 v60, v22  }
0xa6: {  	v7 =	vperm.xlane v21, v0;
	v2 =	vmax.f32 v19, v2;
	v27, _, _ =	vpop (xrf1);
	v26 =	vmin.f32 v1, v3  }
0xa7: {  	v4 =	vperm.xlane v25, v0;
	v1 =	vmax.f32 v1, v3;
	v3, _, _ =	vpop (xrf1);
	(xrf1) =	vsort.ascd.msk.f32 $0xffff, v26, v26  }
0xa8: {  	v28, _, _ =	vpop (xrf1);
	(xrf1) =	vsort.ascd.msk.f32 $0xffff, v1, v1;
	v1 =	vmax.f32 v17, v7  }
0xa9: {  	v29 =	vperm.xlane v27, v0;
	v4 =	vmax.f32 v24, v4;
	v30, _, _ =	vpop (xrf1);
	v7 =	vmin.f32 v1, v2  }
0xaa: {  	v1 =	vmax.f32 v1, v2;
	v2, _, _ =	vpop (xrf1);
	v31 =	vperm.xlane v30, v0;
	(xrf1) =	vsort.ascd.msk.f32 $0xffff, v7, v7  }
0xab: {  	v2 =	vperm.xlane v2, v0;
	(xrf1) =	vsort.ascd.msk.f32 $0xffff, v1, v1;
	v1 =	vmax.f32 v23, v29  }
0xac: {  	v6 =	vmin.f32 v1, v4;
	v1 =	vmax.f32 v1, v4  }
0xad: {  	v2 =	vmax.f32 v3, v2;
	v3 =	vmax.f32 v28, v31;
	(xrf1) =	vsort.ascd.msk.f32 $0xffff, v6, v6  }
0xae: {  	(xrf1) =	vsort.ascd.msk.f32 $0xffff, v1, v1;
	v1 =	vmin.f32 v2, v3  }
0xaf: {  	v32, _, _ =	vpop (xrf1);
	(xrf1) =	vsort.ascd.msk.f32 $0xffff, v1, v1;
	v1 =	vmax.f32 v2, v3;
	_ =	sdelay $0x1  }
0xb0: {  	v2, _, _ =	vpop (xrf1);
	(xrf1) =	vsort.ascd.msk.f32 $0xffff, v1, v1  }
0xb1: {  	v1, _, _ =	vpop (xrf1)  }
0xb2: {  	v3, _, _ =	vpop (xrf1)  }
0xb3: {  	v33, _, _ =	vpop (xrf1)  }
0xb4: {  	v34, _, _ =	vpop (xrf1)  }
0xb5: {  	v35, _, _ =	vpop (xrf1)  }
0xb6: {  	v1 =	vperm.xlane v1, v0;
	v3 =	vperm.xlane v3, v0;
	v36, _, _ =	vpop (xrf1)  }
0xb7: {  	v37, _, _ =	vpop (xrf1)  }
0xb8: {  	v1 =	vmax.f32 v2, v1;
	v3 =	vmax.f32 v32, v3;
	v38, _, _ =	vpop (xrf1)  }
0xb9: {  	v4 =	vmin.f32 v3, v1;
	v7 =	vperm.xlane v35, v0;
	v8 =	vperm.xlane v36, v0;
	v2, _, _ =	vpop (xrf1)  }
0xba: {  	v1 =	vmax.f32 v3, v1;
	(xrf1) =	vsort.ascd.msk.f32 $0xffff, v4, v4;
	v39, _, _ =	vpop (xrf1)  }
0xbb: {  	(xrf1) =	vsort.ascd.msk.f32 $0xffff, v1, v1;
	v40 =	vmax.f32 v34, v7;
	v1 =	vmax.f32 v33, v8;
	v3, _, _ =	vpop (xrf1)  }
0xbc: {  	v6 =	vmin.f32 v1, v40;
	v2 =	vperm.xlane v2, v0;
	v41, _, _ =	vpop (xrf1)  }
0xbd: {  	v1 =	vmax.f32 v1, v40;
	v42 =	vperm.xlane v39, v0;
	(xrf1) =	vsort.ascd.msk.f32 $0xffff, v6, v6;
	v43, _, _ =	vpop (xrf1)  }
0xbe: {  	(xrf1) =	vsort.ascd.msk.f32 $0xffff, v1, v1;
	v2 =	vmax.f32 v38, v2;
	v44, _, _ =	vpop (xrf1)  }
0xbf: {  	v1 =	vmax.f32 v37, v42;
	v46 =	vperm.xlane v43, v0;
	v4 =	vperm.xlane v44, v0  }
0xc0: {  	v45 =	vmin.f32 v1, v2;
	v1 =	vmax.f32 v1, v2  }
0xc1: {  	(xrf1) =	vsort.ascd.msk.f32 $0xffff, v45, v45;
	v2 =	vmax.f32 v3, v4;
	v3 =	vmax.f32 v41, v46  }
0xc2: {  	(xrf1) =	vsort.ascd.msk.f32 $0xffff, v1, v1;
	v1 =	vmin.f32 v2, v3  }
0xc3: {  	(xrf1) =	vsort.ascd.msk.f32 $0xffff, v1, v1;
	v1 =	vmax.f32 v2, v3  }
0xc4: {  	(xrf1) =	vsort.ascd.msk.f32 $0xffff, v1, v1;
	_ =	sdelay $0x6  }
0xc5: {  	v1, _, _ =	vpop (xrf1)  }
0xc6: {  	v2, _, _ =	vpop (xrf1)  }
0xc7: {  	v3, _, _ =	vpop (xrf1)  }
0xc8: {  	v47, _, _ =	vpop (xrf1)  }
0xc9: {  	v48, _, _ =	vpop (xrf1)  }
0xca: {  	v3 =	vperm.xlane v3, v0;
	v49, _, _ =	vpop (xrf1)  }
0xcb: {  	v4 =	vperm.xlane v47, v0;
	v50, _, _ =	vpop (xrf1)  }
0xcc: {  	v2 =	vmax.f32 v2, v3;
	v51, _, _ =	vpop (xrf1)  }
0xcd: {  	v1 =	vmax.f32 v1, v4;
	v7 =	vperm.xlane v50, v0;
	v52 =	vperm.xlane v51, v0  }
0xce: {  	v3 =	vmin.f32 v1, v2;
	v1 =	vmax.f32 v1, v2  }
0xcf: {  	(xrf1) =	vsort.ascd.msk.f32 $0xffff, v3, v3;
	v3 =	vmax.f32 v49, v7;
	v2 =	vmax.f32 v48, v52  }
0xd0: {  	(xrf1) =	vsort.ascd.msk.f32 $0xffff, v1, v1;
	v1 =	vmin.f32 v2, v3  }
0xd1: {  	(xrf1) =	vsort.ascd.msk.f32 $0xffff, v1, v1;
	v1 =	vmax.f32 v2, v3  }
0xd2: {  	(xrf1) =	vsort.ascd.msk.f32 $0xffff, v1, v1;
	_ =	sdelay $0xa  }
0xd3: {  	v1, _, _ =	vpop (xrf1)  }
0xd4: {  	v2, _, _ =	vpop (xrf1)  }
0xd5: {  	v1 =	vperm.xlane v1, v0;
	v2 =	vperm.xlane v2, v0;
	v3, _, _ =	vpop (xrf1)  }
0xd6: {  	v53, _, _ =	vpop (xrf1)  }
0xd7: {  	v2 =	vmax.f32 v3, v2;
	v1 =	vmax.f32 v53, v1  }
0xd8: {  	v1 =	vmin.f32 v2, v1  }
0xd9: {  	(xrf0) =	vmin.scan.msk.f32 $0xffff, v1;
	_ =	sdelay $0x5  }
0xda: {  	v1, _, _ =	vpop (xrf0)  }
0xdb: {  	s28 =	sadd.s32 $0x80, s10;
	v1 =	vbroadcast v1, $0xF  }
0xdc: {  	s17 =	sand.u32 $0x380, s28  }
0xdd: {  	s13 =	sor.u32 s17, s13;
	[tilespmem:s9+$0xFFFFFF80] =	vst v1  }
0xde: {  	v1 =	vld [tilespmem:s13+$0x0]  }
0xdf: {  	v2 =	vld [tilespmem:s13+$0x10]  }
0xe0: {  	v3 =	vld [tilespmem:s13+$0x20]  }
0xe1: {  	v54 =	vld [tilespmem:s13+$0x30]  }
0xe2: {  	v55 =	vld [tilespmem:s13+$0x40]  }
0xe3: {  	v56 =	vld [tilespmem:s13+$0x50];
	(xrf1) =	vsort.ascd.msk.f32 $0xffff, v1, v1  }
0xe4: {  	v1 =	vld [tilespmem:s13+$0x60];
	(xrf1) =	vsort.ascd.msk.f32 $0xffff, v2, v2  }
0xe5: {  	v2 =	vld [tilespmem:s13+$0x70];
	(xrf1) =	vsort.ascd.msk.f32 $0xffff, v3, v3  }
0xe6: {  	v3 =	vld [tilespmem:s13+$0x400];
	(xrf1) =	vsort.ascd.msk.f32 $0xffff, v54, v54  }
0xe7: {  	v57 =	vld [tilespmem:s13+$0x410];
	(xrf1) =	vsort.ascd.msk.f32 $0xffff, v55, v55  }
0xe8: {  	v58 =	vld [tilespmem:s13+$0x420];
	(xrf1) =	vsort.ascd.msk.f32 $0xffff, v56, v56  }
0xe9: {  	v59 =	vld [tilespmem:s13+$0x430];
	(xrf1) =	vsort.ascd.msk.f32 $0xffff, v1, v1  }
0xea: {  	v1 =	vld [tilespmem:s13+$0x440];
	(xrf1) =	vsort.ascd.msk.f32 $0xffff, v2, v2  }
0xeb: {  	v2 =	vld [tilespmem:s13+$0x450];
	(xrf1) =	vsort.ascd.msk.f32 $0xffff, v3, v3  }
0xec: {  	v3 =	vld [tilespmem:s13+$0x460];
	(xrf1) =	vsort.ascd.msk.f32 $0xffff, v57, v57  }
0xed: {  	s12 =	sor.u32 s17, s12;
	v60 =	vld [tilespmem:s13+$0x470];
	(xrf1) =	vsort.ascd.msk.f32 $0xffff, v58, v58  }
0xee: {  	v61 =	vld [tilespmem:s12+$0x0];
	(xrf1) =	vsort.ascd.msk.f32 $0xffff, v59, v59  }
0xef: {  	v62 =	vld [tilespmem:s12+$0x10];
	(xrf1) =	vsort.ascd.msk.f32 $0xffff, v1, v1  }
0xf0: {  	v1 =	vld [tilespmem:s12+$0x20];
	(xrf1) =	vsort.ascd.msk.f32 $0xffff, v2, v2  }
0xf1: {  	v2 =	vld [tilespmem:s12+$0x30];
	(xrf1) =	vsort.ascd.msk.f32 $0xffff, v3, v3  }
0xf2: {  	v3 =	vld [tilespmem:s12+$0x40];
	v63, _, _ =	vpop (xrf1);
	(xrf1) =	vsort.ascd.msk.f32 $0xffff, v60, v60  }
0xf3: {  	v35 =	vld [tilespmem:s12+$0x50];
	v36, _, _ =	vpop (xrf1);
	(xrf1) =	vsort.ascd.msk.f32 $0xffff, v61, v61  }
0xf4: {  	v37 =	vld [tilespmem:s12+$0x60];
	v38, _, _ =	vpop (xrf1);
	(xrf1) =	vsort.ascd.msk.f32 $0xffff, v62, v62  }
0xf5: {  	s29 =	sor.u32 s17, s24;
	v39 =	vld [tilespmem:s12+$0x70];
	v40, _, _ =	vpop (xrf1);
	(xrf1) =	vsort.ascd.msk.f32 $0xffff, v1, v1  }
0xf6: {  	v1 =	vld [tilespmem:s29+$0x0];
	v41, _, _ =	vpop (xrf1);
	(xrf1) =	vsort.ascd.msk.f32 $0xffff, v2, v2  }
0xf7: {  	v2 =	vld [tilespmem:s29+$0x10];
	v42, _, _ =	vpop (xrf1);
	(xrf1) =	vsort.ascd.msk.f32 $0xffff, v3, v3  }
0xf8: {  	v3 =	vld [tilespmem:s29+$0x20];
	v13, _, _ =	vpop (xrf1);
	(xrf1) =	vsort.ascd.msk.f32 $0xffff, v35, v35  }
0xf9: {  	v43 =	vld [tilespmem:s29+$0x30];
	v44, _, _ =	vpop (xrf1);
	(xrf1) =	vsort.ascd.msk.f32 $0xffff, v37, v37  }
0xfa: {  	v45 =	vld [tilespmem:s29+$0x40];
	v15, _, _ =	vpop (xrf1);
	(xrf1) =	vsort.ascd.msk.f32 $0xffff, v39, v39  }
0xfb: {  	v46 =	vld [tilespmem:s29+$0x50];
	v47, _, _ =	vpop (xrf1);
	(xrf1) =	vsort.ascd.msk.f32 $0xffff, v1, v1  }
0xfc: {  	v1 =	vld [tilespmem:s29+$0x60];
	v17, _, _ =	vpop (xrf1);
	(xrf1) =	vsort.ascd.msk.f32 $0xffff, v2, v2  }
0xfd: {  	s30 =	sor.u32 s17, s25;
	v2 =	vld [tilespmem:s29+$0x70];
	v48, _, _ =	vpop (xrf1);
	(xrf1) =	vsort.ascd.msk.f32 $0xffff, v3, v3  }
0xfe: {  	v3 =	vld [tilespmem:s30+$0x0];
	v19, _, _ =	vpop (xrf1);
	(xrf1) =	vsort.ascd.msk.f32 $0xffff, v43, v43  }
0xff: {  	v49 =	vld [tilespmem:s30+$0x10];
	v50, _, _ =	vpop (xrf1);
	(xrf1) =	vsort.ascd.msk.f32 $0xffff, v45, v45  }
0x100: {  	v51 =	vld [tilespmem:s30+$0x20];
	v21, _, _ =	vpop (xrf1);
	(xrf1) =	vsort.ascd.msk.f32 $0xffff, v46, v46  }
0x101: {  	v52 =	vld [tilespmem:s30+$0x30];
	v53, _, _ =	vpop (xrf1);
	(xrf1) =	vsort.ascd.msk.f32 $0xffff, v1, v1  }
0x102: {  	v1 =	vld [tilespmem:s30+$0x40];
	v23, _, _ =	vpop (xrf1);
	(xrf1) =	vsort.ascd.msk.f32 $0xffff, v2, v2  }
0x103: {  	v2 =	vld [tilespmem:s30+$0x50];
	v54, _, _ =	vpop (xrf1);
	(xrf1) =	vsort.ascd.msk.f32 $0xffff, v3, v3  }
0x104: {  	v3 =	vld [tilespmem:s30+$0x60];
	v25, _, _ =	vpop (xrf1);
	(xrf1) =	vsort.ascd.msk.f32 $0xffff, v49, v49  }
0x105: {  	s31 =	sor.u32 s17, s26;
	v55 =	vld [tilespmem:s30+$0x70];
	v26, _, _ =	vpop (xrf1);
	(xrf1) =	vsort.ascd.msk.f32 $0xffff, v51, v51  }
0x106: {  	v56 =	vld [tilespmem:s31+$0x0];
	v27, _, _ =	vpop (xrf1);
	(xrf1) =	vsort.ascd.msk.f32 $0xffff, v52, v52  }
0x107: {  	v57 =	vld [tilespmem:s31+$0x10];
	v28, _, _ =	vpop (xrf1);
	(xrf1) =	vsort.ascd.msk.f32 $0xffff, v1, v1  }
0x108: {  	v1 =	vld [tilespmem:s31+$0x20];
	v29, _, _ =	vpop (xrf1);
	(xrf1) =	vsort.ascd.msk.f32 $0xffff, v2, v2  }
0x109: {  	v2 =	vld [tilespmem:s31+$0x30];
	v30, _, _ =	vpop (xrf1);
	(xrf1) =	vsort.ascd.msk.f32 $0xffff, v3, v3  }
0x10a: {  	v3 =	vld [tilespmem:s31+$0x40];
	v31, _, _ =	vpop (xrf1);
	(xrf1) =	vsort.ascd.msk.f32 $0xffff, v55, v55  }
0x10b: {  	v58 =	vld [tilespmem:s31+$0x50];
	v32, _, _ =	vpop (xrf1);
	(xrf1) =	vsort.ascd.msk.f32 $0xffff, v56, v56  }
0x10c: {  	v59 =	vld [tilespmem:s31+$0x60];
	v33, _, _ =	vpop (xrf1);
	(xrf1) =	vsort.ascd.msk.f32 $0xffff, v57, v57  }
0x10d: {  	v60 =	vld [tilespmem:s31+$0x70];
	v34, _, _ =	vpop (xrf1);
	(xrf1) =	vsort.ascd.msk.f32 $0xffff, v1, v1  }
0x10e: {  	v1, _, _ =	vpop (xrf1);
	(xrf1) =	vsort.ascd.msk.f32 $0xffff, v2, v2  }
0x10f: {  	v2, _, _ =	vpop (xrf1);
	(xrf1) =	vsort.ascd.msk.f32 $0xffff, v3, v3  }
0x110: {  	v61 =	vperm.xlane v36, v0;
	v3, _, _ =	vpop (xrf1);
	(xrf1) =	vsort.ascd.msk.f32 $0xffff, v58, v58  }
0x111: {  	v8, _, _ =	vpop (xrf1);
	(xrf1) =	vsort.ascd.msk.f32 $0xffff, v59, v59  }
0x112: {  	v62 =	vmin.f32 v63, v61;
	v10 =	vperm.xlane v40, v0;
	v5, _, _ =	vpop (xrf1);
	(xrf1) =	vsort.ascd.msk.f32 $0xffff, v60, v60  }
0x113: {  	v4 =	vmax.f32 v63, v61;
	v35, _, _ =	vpop (xrf1);
	(xrf1) =	vsort.ascd.msk.f32 $0xffff, v62, v62  }
0x114: {  	v63 =	vmin.f32 v38, v10;
	v36 =	vperm.xlane v42, v0;
	v6, _, _ =	vpop (xrf1);
	(xrf1) =	vsort.ascd.msk.f32 $0xffff, v4, v4  }
0x115: {  	v37 =	vmax.f32 v38, v10;
	v12, _, _ =	vpop (xrf1);
	(xrf1) =	vsort.ascd.msk.f32 $0xffff, v63, v63  }
0x116: {  	v38 =	vmin.f32 v41, v36;
	v39 =	vperm.xlane v44, v0;
	v9, _, _ =	vpop (xrf1);
	(xrf1) =	vsort.ascd.msk.f32 $0xffff, v37, v37  }
0x117: {  	v40 =	vmax.f32 v41, v36;
	v14, _, _ =	vpop (xrf1);
	(xrf1) =	vsort.ascd.msk.f32 $0xffff, v38, v38  }
0x118: {  	v42 =	vperm.xlane v47, v0;
	v41 =	vmin.f32 v13, v39;
	v7, _, _ =	vpop (xrf1);
	(xrf1) =	vsort.ascd.msk.f32 $0xffff, v40, v40  }
0x119: {  	v43 =	vmax.f32 v13, v39;
	v16, _, _ =	vpop (xrf1);
	(xrf1) =	vsort.ascd.msk.f32 $0xffff, v41, v41  }
0x11a: {  	v44 =	vmin.f32 v15, v42;
	v45 =	vperm.xlane v48, v0;
	v10, _, _ =	vpop (xrf1);
	(xrf1) =	vsort.ascd.msk.f32 $0xffff, v43, v43  }
0x11b: {  	v46 =	vmax.f32 v15, v42;
	v18, _, _ =	vpop (xrf1);
	(xrf1) =	vsort.ascd.msk.f32 $0xffff, v44, v44  }
0x11c: {  	v48 =	vperm.xlane v50, v0;
	v47 =	vmin.f32 v17, v45;
	v11, _, _ =	vpop (xrf1);
	(xrf1) =	vsort.ascd.msk.f32 $0xffff, v46, v46  }
0x11d: {  	v49 =	vmax.f32 v17, v45;
	v20, _, _ =	vpop (xrf1);
	(xrf1) =	vsort.ascd.msk.f32 $0xffff, v47, v47  }
0x11e: {  	v50 =	vmin.f32 v19, v48;
	v51 =	vperm.xlane v53, v0;
	v13, _, _ =	vpop (xrf1);
	(xrf1) =	vsort.ascd.msk.f32 $0xffff, v49, v49  }
0x11f: {  	v52 =	vmax.f32 v19, v48;
	v22, _, _ =	vpop (xrf1);
	(xrf1) =	vsort.ascd.msk.f32 $0xffff, v50, v50  }
0x120: {  	v54 =	vperm.xlane v54, v0;
	v53 =	vmin.f32 v21, v51;
	v15, _, _ =	vpop (xrf1);
	(xrf1) =	vsort.ascd.msk.f32 $0xffff, v52, v52  }
0x121: {  	v55 =	vmax.f32 v21, v51;
	v24, _, _ =	vpop (xrf1);
	(xrf1) =	vsort.ascd.msk.f32 $0xffff, v53, v53  }
0x122: {  	v56 =	vmin.f32 v23, v54;
	v57 =	vperm.xlane v26, v0;
	v17, _, _ =	vpop (xrf1);
	(xrf1) =	vsort.ascd.msk.f32 $0xffff, v55, v55  }
0x123: {  	v58 =	vmax.f32 v23, v54;
	v26, _, _ =	vpop (xrf1);
	(xrf1) =	vsort.ascd.msk.f32 $0xffff, v56, v56  }
0x124: {  	v59 =	vmin.f32 v25, v57;
	v60 =	vperm.xlane v28, v0;
	v19, _, _ =	vpop (xrf1);
	(xrf1) =	vsort.ascd.msk.f32 $0xffff, v58, v58  }
0x125: {  	v61 =	vmax.f32 v25, v57;
	v28, _, _ =	vpop (xrf1);
	(xrf1) =	vsort.ascd.msk.f32 $0xffff, v59, v59  }
0x126: {  	v62 =	vmin.f32 v27, v60;
	v63 =	vperm.xlane v30, v0;
	v21, _, _ =	vpop (xrf1);
	(xrf1) =	vsort.ascd.msk.f32 $0xffff, v61, v61  }
0x127: {  	v36 =	vmax.f32 v27, v60;
	v30, _, _ =	vpop (xrf1);
	(xrf1) =	vsort.ascd.msk.f32 $0xffff, v62, v62  }
0x128: {  	v37 =	vmin.f32 v29, v63;
	v38 =	vperm.xlane v32, v0;
	v23, _, _ =	vpop (xrf1);
	(xrf1) =	vsort.ascd.msk.f32 $0xffff, v36, v36  }
0x129: {  	v40 =	vmax.f32 v29, v63;
	v39, _, _ =	vpop (xrf1);
	(xrf1) =	vsort.ascd.msk.f32 $0xffff, v37, v37  }
0x12a: {  	v42 =	vperm.xlane v34, v0;
	v41 =	vmin.f32 v31, v38;
	v25, _, _ =	vpop (xrf1);
	(xrf1) =	vsort.ascd.msk.f32 $0xffff, v40, v40  }
0x12b: {  	v43 =	vmax.f32 v31, v38;
	v34, _, _ =	vpop (xrf1);
	(xrf1) =	vsort.ascd.msk.f32 $0xffff, v41, v41  }
0x12c: {  	v45 =	vmin.f32 v33, v42;
	v2 =	vperm.xlane v2, v0;
	v44, _, _ =	vpop (xrf1);
	(xrf1) =	vsort.ascd.msk.f32 $0xffff, v43, v43  }
0x12d: {  	v47 =	vmax.f32 v33, v42;
	v46, _, _ =	vpop (xrf1);
	(xrf1) =	vsort.ascd.msk.f32 $0xffff, v45, v45  }
0x12e: {  	v48 =	vmin.f32 v1, v2;
	v8 =	vperm.xlane v8, v0;
	v29, _, _ =	vpop (xrf1);
	(xrf1) =	vsort.ascd.msk.f32 $0xffff, v47, v47  }
0x12f: {  	v1 =	vmax.f32 v1, v2;
	v33, _, _ =	vpop (xrf1);
	(xrf1) =	vsort.ascd.msk.f32 $0xffff, v48, v48  }
0x130: {  	v49 =	vperm.xlane v35, v0;
	v2, _, _ =	vpop (xrf1);
	(xrf1) =	vsort.ascd.msk.f32 $0xffff, v1, v1;
	v1 =	vmin.f32 v3, v8  }
0x131: {  	v50, _, _ =	vpop (xrf1);
	(xrf1) =	vsort.ascd.msk.f32 $0xffff, v1, v1;
	v1 =	vmax.f32 v3, v8  }
0x132: {  	v51 =	vperm.xlane v12, v0;
	v3, _, _ =	vpop (xrf1);
	(xrf1) =	vsort.ascd.msk.f32 $0xffff, v1, v1;
	v1 =	vmin.f32 v5, v49  }
0x133: {  	v12, _, _ =	vpop (xrf1);
	(xrf1) =	vsort.ascd.msk.f32 $0xffff, v1, v1;
	v1 =	vmax.f32 v5, v49  }
0x134: {  	v52 =	vperm.xlane v14, v0;
	v4, _, _ =	vpop (xrf1);
	(xrf1) =	vsort.ascd.msk.f32 $0xffff, v1, v1;
	v1 =	vmin.f32 v6, v51  }
0x135: {  	v53, _, _ =	vpop (xrf1);
	(xrf1) =	vsort.ascd.msk.f32 $0xffff, v1, v1;
	v1 =	vmax.f32 v6, v51  }
0x136: {  	v54 =	vperm.xlane v16, v0;
	v6, _, _ =	vpop (xrf1);
	(xrf1) =	vsort.ascd.msk.f32 $0xffff, v1, v1;
	v1 =	vmin.f32 v9, v52  }
0x137: {  	v16, _, _ =	vpop (xrf1);
	(xrf1) =	vsort.ascd.msk.f32 $0xffff, v1, v1;
	v1 =	vmax.f32 v9, v52  }
0x138: {  	v55 =	vperm.xlane v18, v0;
	v5, _, _ =	vpop (xrf1);
	(xrf1) =	vsort.ascd.msk.f32 $0xffff, v1, v1;
	v1 =	vmin.f32 v7, v54  }
0x139: {  	v56, _, _ =	vpop (xrf1);
	(xrf1) =	vsort.ascd.msk.f32 $0xffff, v1, v1;
	v1 =	vmax.f32 v7, v54  }
0x13a: {  	v57 =	vperm.xlane v20, v0;
	v7, _, _ =	vpop (xrf1);
	(xrf1) =	vsort.ascd.msk.f32 $0xffff, v1, v1;
	v1 =	vmin.f32 v10, v55  }
0x13b: {  	v58 =	vperm.xlane v22, v0;
	v20, _, _ =	vpop (xrf1);
	(xrf1) =	vsort.ascd.msk.f32 $0xffff, v1, v1;
	v1 =	vmax.f32 v10, v55  }
0x13c: {  	v19 =	vperm.xlane v19, v0;
	v9, _, _ =	vpop (xrf1);
	(xrf1) =	vsort.ascd.msk.f32 $0xffff, v1, v1;
	v1 =	vmin.f32 v11, v57  }
0x13d: {  	v59 =	vperm.xlane v24, v0;
	(xrf1) =	vsort.ascd.msk.f32 $0xffff, v1, v1;
	v1 =	vmax.f32 v11, v57  }
0x13e: {  	v61 =	vperm.xlane v28, v0;
	v22, _, _ =	vpop (xrf1);
	(xrf1) =	vsort.ascd.msk.f32 $0xffff, v1, v1;
	v1 =	vmin.f32 v13, v58  }
0x13f: {  	v23 =	vperm.xlane v23, v0;
	v8, _, _ =	vpop (xrf1);
	(xrf1) =	vsort.ascd.msk.f32 $0xffff, v1, v1;
	v1 =	vmax.f32 v13, v58  }
0x140: {  	v63 =	vmax.f32 v26, v19;
	v62 =	vmax.f32 v17, v61;
	v37 =	vperm.xlane v39, v0  }
0x141: {  	v60 =	vmin.f32 v15, v59;
	v17 =	vmin.f32 v62, v63;
	v40 =	vmax.f32 v30, v23;
	v11, _, _ =	vpop (xrf1)  }
0x142: {  	v39 =	vmax.f32 v21, v37;
	v43 =	vperm.xlane v44, v0;
	(xrf1) =	vsort.ascd.msk.f32 $0xffff, v1, v1;
	v1, _, _ =	vpop (xrf1)  }
0x143: {  	v42 =	vperm.xlane v46, v0;
	v10 =	vmax.f32 v15, v59;
	(xrf1) =	vsort.ascd.msk.f32 $0xffff, v60, v60;
	v28, _, _ =	vpop (xrf1)  }
0x144: {  	v19 =	vmin.f32 v39, v40;
	v46 =	vmax.f32 v34, v43;
	(xrf1) =	vsort.ascd.msk.f32 $0xffff, v10, v10;
	v36, _, _ =	vpop (xrf1)  }
0x145: {  	v45 =	vmax.f32 v25, v42;
	v10 =	vmax.f32 v62, v63;
	v38, _, _ =	vpop (xrf1);
	(xrf1) =	vsort.ascd.msk.f32 $0xffff, v17, v17  }
0x146: {  	v2 =	vperm.xlane v2, v0;
	v48 =	vperm.xlane v50, v0;
	(xrf1) =	vsort.ascd.msk.f32 $0xffff, v10, v10  }
0x147: {  	v21 =	vmin.f32 v45, v46;
	v41, _, _ =	vpop (xrf1);
	v10 =	vmax.f32 v39, v40;
	(xrf1) =	vsort.ascd.msk.f32 $0xffff, v19, v19  }
0x148: {  	v2 =	vmax.f32 v33, v2;
	v50 =	vmax.f32 v29, v48;
	v44, _, _ =	vpop (xrf1);
	(xrf1) =	vsort.ascd.msk.f32 $0xffff, v10, v10  }
0x149: {  	v4 =	vperm.xlane v4, v0;
	v47, _, _ =	vpop (xrf1);
	v10 =	vmax.f32 v45, v46;
	(xrf1) =	vsort.ascd.msk.f32 $0xffff, v21, v21  }
0x14a: {  	v14 =	vperm.xlane v53, v0;
	v52 =	vmin.f32 v50, v2;
	v49, _, _ =	vpop (xrf1);
	(xrf1) =	vsort.ascd.msk.f32 $0xffff, v10, v10  }
0x14b: {  	v2 =	vmax.f32 v50, v2;
	v51, _, _ =	vpop (xrf1);
	(xrf1) =	vsort.ascd.msk.f32 $0xffff, v52, v52  }
0x14c: {  	v53, _, _ =	vpop (xrf1);
	(xrf1) =	vsort.ascd.msk.f32 $0xffff, v2, v2;
	v2 =	vmax.f32 v3, v14;
	v3 =	vmax.f32 v12, v4  }
0x14d: {  	v5 =	vperm.xlane v5, v0;
	v56 =	vperm.xlane v56, v0;
	v55 =	vmin.f32 v2, v3  }
0x14e: {  	v54, _, _ =	vpop (xrf1);
	v2 =	vmax.f32 v2, v3;
	(xrf1) =	vsort.ascd.msk.f32 $0xffff, v55, v55  }
0x14f: {  	v57, _, _ =	vpop (xrf1);
	v3 =	vmax.f32 v16, v5;
	(xrf1) =	vsort.ascd.msk.f32 $0xffff, v2, v2;
	v2 =	vmax.f32 v6, v56  }
0x150: {  	v9 =	vperm.xlane v9, v0;
	v59 =	vperm.xlane v22, v0;
	v6 =	vmin.f32 v2, v3  }
0x151: {  	v58, _, _ =	vpop (xrf1);
	v2 =	vmax.f32 v2, v3;
	(xrf1) =	vsort.ascd.msk.f32 $0xffff, v6, v6  }
0x152: {  	v60, _, _ =	vpop (xrf1);
	v3 =	vmax.f32 v20, v9;
	(xrf1) =	vsort.ascd.msk.f32 $0xffff, v2, v2;
	v2 =	vmax.f32 v7, v59  }
0x153: {  	v1 =	vperm.xlane v1, v0;
	v62 =	vperm.xlane v28, v0;
	v7 =	vmin.f32 v2, v3  }
0x154: {  	v61, _, _ =	vpop (xrf1);
	v2 =	vmax.f32 v2, v3;
	(xrf1) =	vsort.ascd.msk.f32 $0xffff, v7, v7  }
0x155: {  	v1 =	vmax.f32 v11, v1;
	v63, _, _ =	vpop (xrf1);
	(xrf1) =	vsort.ascd.msk.f32 $0xffff, v2, v2;
	v2 =	vmax.f32 v8, v62  }
0x156: {  	v18 =	vperm.xlane v44, v0;
	v20 =	vperm.xlane v41, v0;
	v16 =	vmin.f32 v2, v1  }
0x157: {  	v3, _, _ =	vpop (xrf1);
	v1 =	vmax.f32 v2, v1;
	(xrf1) =	vsort.ascd.msk.f32 $0xffff, v16, v16  }
0x158: {  	v21, _, _ =	vpop (xrf1);
	v2 =	vmax.f32 v38, v20;
	(xrf1) =	vsort.ascd.msk.f32 $0xffff, v1, v1;
	v1 =	vmax.f32 v36, v18  }
0x159: {  	v13 =	vperm.xlane v51, v0;
	v23 =	vperm.xlane v53, v0;
	v22, _, _ =	vpop (xrf1);
	v8 =	vmin.f32 v1, v2  }
0x15a: {  	v5 =	vperm.xlane v58, v0;
	v24, _, _ =	vpop (xrf1);
	v1 =	vmax.f32 v1, v2;
	(xrf1) =	vsort.ascd.msk.f32 $0xffff, v8, v8  }
0x15b: {  	v2 =	vmax.f32 v49, v13;
	(xrf1) =	vsort.ascd.msk.f32 $0xffff, v1, v1;
	v1 =	vmax.f32 v47, v23  }
0x15c: {  	v12 =	vperm.xlane v60, v0;
	v25, _, _ =	vpop (xrf1);
	v9 =	vmin.f32 v1, v2  }
0x15d: {  	v26, _, _ =	vpop (xrf1);
	v1 =	vmax.f32 v1, v2;
	v2 =	vmax.f32 v57, v5;
	(xrf1) =	vsort.ascd.msk.f32 $0xffff, v9, v9  }
0x15e: {  	v3 =	vperm.xlane v3, v0;
	v27, _, _ =	vpop (xrf1);
	(xrf1) =	vsort.ascd.msk.f32 $0xffff, v1, v1;
	v1 =	vmax.f32 v54, v12  }
0x15f: {  	v28 =	vperm.xlane v21, v0;
	v29, _, _ =	vpop (xrf1);
	v5 =	vmin.f32 v1, v2  }
0x160: {  	v3 =	vmax.f32 v63, v3;
	v1 =	vmax.f32 v1, v2;
	v2, _, _ =	vpop (xrf1);
	(xrf1) =	vsort.ascd.msk.f32 $0xffff, v5, v5  }
0x161: {  	v30, _, _ =	vpop (xrf1);
	(xrf1) =	vsort.ascd.msk.f32 $0xffff, v1, v1;
	v1 =	vmax.f32 v61, v28  }
0x162: {  	v31 =	vperm.xlane v26, v0;
	v8 =	vperm.xlane v25, v0;
	v32, _, _ =	vpop (xrf1);
	v6 =	vmin.f32 v1, v3  }
0x163: {  	v2 =	vperm.xlane v2, v0;
	v1 =	vmax.f32 v1, v3;
	v3, _, _ =	vpop (xrf1);
	(xrf1) =	vsort.ascd.msk.f32 $0xffff, v6, v6  }
0x164: {  	v33 =	vmax.f32 v24, v8;
	v34, _, _ =	vpop (xrf1);
	(xrf1) =	vsort.ascd.msk.f32 $0xffff, v1, v1;
	v1 =	vmax.f32 v22, v31  }
0x165: {  	v5 =	vperm.xlane v30, v0;
	v2 =	vmax.f32 v29, v2;
	v35, _, _ =	vpop (xrf1);
	v8 =	vmin.f32 v1, v33  }
0x166: {  	v7 =	vperm.xlane v34, v0;
	v1 =	vmax.f32 v1, v33;
	v36, _, _ =	vpop (xrf1);
	(xrf1) =	vsort.ascd.msk.f32 $0xffff, v8, v8  }
0x167: {  	v37, _, _ =	vpop (xrf1);
	(xrf1) =	vsort.ascd.msk.f32 $0xffff, v1, v1;
	v1 =	vmax.f32 v27, v5  }
0x168: {  	v38 =	vperm.xlane v35, v0;
	v3 =	vmax.f32 v3, v7;
	v39, _, _ =	vpop (xrf1);
	v5 =	vmin.f32 v1, v2  }
0x169: {  	v1 =	vmax.f32 v1, v2;
	v2, _, _ =	vpop (xrf1);
	v41 =	vperm.xlane v39, v0;
	(xrf1) =	vsort.ascd.msk.f32 $0xffff, v5, v5  }
0x16a: {  	v2 =	vperm.xlane v2, v0;
	(xrf1) =	vsort.ascd.msk.f32 $0xffff, v1, v1;
	v1 =	vmax.f32 v32, v38  }
0x16b: {  	v40 =	vmin.f32 v1, v3;
	v1 =	vmax.f32 v1, v3  }
0x16c: {  	v2 =	vmax.f32 v36, v2;
	v3 =	vmax.f32 v37, v41;
	(xrf1) =	vsort.ascd.msk.f32 $0xffff, v40, v40  }
0x16d: {  	(xrf1) =	vsort.ascd.msk.f32 $0xffff, v1, v1;
	v1 =	vmin.f32 v2, v3  }
0x16e: {  	v42, _, _ =	vpop (xrf1);
	(xrf1) =	vsort.ascd.msk.f32 $0xffff, v1, v1;
	v1 =	vmax.f32 v2, v3;
	_ =	sdelay $0x1  }
0x16f: {  	v2, _, _ =	vpop (xrf1);
	(xrf1) =	vsort.ascd.msk.f32 $0xffff, v1, v1  }
0x170: {  	v1, _, _ =	vpop (xrf1)  }
0x171: {  	v3, _, _ =	vpop (xrf1)  }
0x172: {  	v43, _, _ =	vpop (xrf1)  }
0x173: {  	v44, _, _ =	vpop (xrf1)  }
0x174: {  	v45, _, _ =	vpop (xrf1)  }
0x175: {  	v1 =	vperm.xlane v1, v0;
	v3 =	vperm.xlane v3, v0;
	v46, _, _ =	vpop (xrf1)  }
0x176: {  	v47, _, _ =	vpop (xrf1)  }
0x177: {  	v1 =	vmax.f32 v2, v1;
	v3 =	vmax.f32 v42, v3;
	v48, _, _ =	vpop (xrf1)  }
0x178: {  	v4 =	vmin.f32 v3, v1;
	v7 =	vperm.xlane v45, v0;
	v8 =	vperm.xlane v46, v0;
	v2, _, _ =	vpop (xrf1)  }
0x179: {  	v1 =	vmax.f32 v3, v1;
	(xrf1) =	vsort.ascd.msk.f32 $0xffff, v4, v4;
	v49, _, _ =	vpop (xrf1)  }
0x17a: {  	(xrf1) =	vsort.ascd.msk.f32 $0xffff, v1, v1;
	v50 =	vmax.f32 v44, v7;
	v1 =	vmax.f32 v43, v8;
	v3, _, _ =	vpop (xrf1)  }
0x17b: {  	v6 =	vmin.f32 v1, v50;
	v2 =	vperm.xlane v2, v0;
	v51, _, _ =	vpop (xrf1)  }
0x17c: {  	v1 =	vmax.f32 v1, v50;
	v52 =	vperm.xlane v49, v0;
	v53, _, _ =	vpop (xrf1);
	(xrf1) =	vsort.ascd.msk.f32 $0xffff, v6, v6  }
0x17d: {  	v2 =	vmax.f32 v48, v2;
	v54, _, _ =	vpop (xrf1);
	(xrf1) =	vsort.ascd.msk.f32 $0xffff, v1, v1  }
0x17e: {  	v1 =	vmax.f32 v47, v52;
	v56 =	vperm.xlane v53, v0;
	v4 =	vperm.xlane v54, v0  }
0x17f: {  	v55 =	vmin.f32 v1, v2;
	v1 =	vmax.f32 v1, v2  }
0x180: {  	(xrf1) =	vsort.ascd.msk.f32 $0xffff, v55, v55;
	v2 =	vmax.f32 v3, v4;
	v3 =	vmax.f32 v51, v56  }
0x181: {  	(xrf1) =	vsort.ascd.msk.f32 $0xffff, v1, v1;
	v1 =	vmin.f32 v2, v3  }
0x182: {  	(xrf1) =	vsort.ascd.msk.f32 $0xffff, v1, v1;
	v1 =	vmax.f32 v2, v3  }
0x183: {  	(xrf1) =	vsort.ascd.msk.f32 $0xffff, v1, v1;
	_ =	sdelay $0x6  }
0x184: {  	v1, _, _ =	vpop (xrf1)  }
0x185: {  	v2, _, _ =	vpop (xrf1)  }
0x186: {  	v3, _, _ =	vpop (xrf1)  }
0x187: {  	v57, _, _ =	vpop (xrf1)  }
0x188: {  	v58, _, _ =	vpop (xrf1)  }
0x189: {  	v3 =	vperm.xlane v3, v0;
	v59, _, _ =	vpop (xrf1)  }
0x18a: {  	v4 =	vperm.xlane v57, v0;
	v60, _, _ =	vpop (xrf1)  }
0x18b: {  	v2 =	vmax.f32 v2, v3;
	v61, _, _ =	vpop (xrf1)  }
0x18c: {  	v1 =	vmax.f32 v1, v4;
	v7 =	vperm.xlane v60, v0;
	v62 =	vperm.xlane v61, v0  }
0x18d: {  	v3 =	vmin.f32 v1, v2;
	v1 =	vmax.f32 v1, v2  }
0x18e: {  	(xrf1) =	vsort.ascd.msk.f32 $0xffff, v3, v3;
	v3 =	vmax.f32 v59, v7;
	v2 =	vmax.f32 v58, v62  }
0x18f: {  	(xrf1) =	vsort.ascd.msk.f32 $0xffff, v1, v1;
	v1 =	vmin.f32 v2, v3  }
0x190: {  	(xrf1) =	vsort.ascd.msk.f32 $0xffff, v1, v1;
	v1 =	vmax.f32 v2, v3  }
0x191: {  	(xrf1) =	vsort.ascd.msk.f32 $0xffff, v1, v1;
	_ =	sdelay $0xa  }
0x192: {  	v1, _, _ =	vpop (xrf1)  }
0x193: {  	v2, _, _ =	vpop (xrf1)  }
0x194: {  	v1 =	vperm.xlane v1, v0;
	v2 =	vperm.xlane v2, v0;
	v3, _, _ =	vpop (xrf1)  }
0x195: {  	v63, _, _ =	vpop (xrf1)  }
0x196: {  	v2 =	vmax.f32 v3, v2;
	v1 =	vmax.f32 v63, v1  }
0x197: {  	v1 =	vmin.f32 v2, v1  }
0x198: {  	(xrf0) =	vmin.scan.msk.f32 $0xffff, v1;
	_ =	sdelay $0x3  }
0x199: {  	p0 =	sne.s32 s11, $0x17  }
.Ltmp0:
0x19a: {  	_ = 	snop;
	(pc) =	sbr.rel @p0 .LBB2_2-.Ltmp0, $3  }
0x19b: {  	v1, _, _ =	vpop (xrf0)  }
0x19c: {  	v1 =	vbroadcast v1, $0xF;
	_ =	sdelay $0x1  }
0x19d: {  	s10 =	sadd.s32 $0x100, s10;
	s11 =	sadd.s32 $0x1, s11;
	[tilespmem:s9+$0x0] =	vst v1;
	s9 =	sadd.s32 $0x100, s9  }
0x19e: {  	s8 =	sadd.s32 $0x1, s8  }
0x19f: {  	p0 =	sne.s32 s8, s5  }
.Ltmp1:
0x1a0: {  	_ = 	snop;
	(pc) =	sbr.rel @p0 .LBB2_1-.Ltmp1, $4  }
0x1a1: {  	[hbm4b:s4+s2] =	stream.linear.scatter [tilespmem:s7], [sflag:$0x1], $0x1800, $0x38;
	[tilespmem:$0xA800] =	vst v63  }
0x1a2: {  	_ =	swait.ge [sflag:s6], $0x1800  }
0x1a3: {  	[sflag:s6] =	ssyncset.done $0x0  }
0x1a4: {  	[sflag:s6] =	ssyncadd.s32 $0xFFFFE800  }
0x1a5: {  	_ =	sfence.sel $0x180000  }
0x1a6: {  	[bflag:$0x0] =	sbarrier.arrive $0xFFFF  }
0x1a7: {  	p0 =	sne.s32 s0, $0x0;
	_ =	strace $0x90000047  }
0x1a8: {  	s0 =	sadd.s32 @!p0 $0x100000, s1;
	[bflag:$0x2] =	sbarrier.arrive $0xFFFF  }
0x1a9: {  	[sflag:s0] =	ssyncadd.tile.s32 @!p0 $0x1;
	_ =	shalt  }
.Lfunc_end2:
_tile_overlayer_lowered:
.L_overlay_start_2:
0x1aa: {  	(tag) =	ssettag $0x2  }
0x1ab: {  	s0 =	rddreg [dreg:$0x0];
	s2 =	stileid.u32  }
0x1ac: {  	s1 =	rddreg [dreg:$0x1];
	p0 =	sne.s32 s2, $0x0  }
0x1ad: {  	s3 =	rddreg [dreg:$0x2];
	[bflag:$0x3] =	sbarrier.arrive $0xFFFF;
	s2 =	simm.s32 @!p0 $0x1C01  }
0x1ae: {  	[timem:s3], [sflag:s2] =	dma.local @!p0 [hbm:s0], s1  }
0x1af: {  	s0 =	simm.s32 @!p0 $0x1  }
0x1b0: {  	_ =	swait.ge @!p0 [sflag:s0], s1  }
0x1b1: {  	s1 =	ssub.s32 @!p0 $0x0, s1;
	[sflag:s0] =	ssyncset.done @!p0 $0x0  }
0x1b2: {  	[sflag:s0] =	ssyncadd.s32 @!p0 s1  }
0x1b3: {  	[bflag:$0x3] =	sbarrier.arrive $0xFFFF  }
0x1b4: {  	_ =	shalt  }

</sc_bundles>
